<compile_context>
chip_gen: v7x
topology: tpu7x:2x2x1
jax: 0.10.2.dev20260603
libtpu: 0.0.44.dev20260713+nightly
codegen_flags: <defaults>
</compile_context>

<pallas_src>
import jax
import jax.numpy as jnp
from jax import lax
from jax.experimental import pallas as pl
from jax.experimental.pallas import tpu as pltpu
from jax.experimental.pallas import tpu_sc as plsc

N = 10000
E = 320000
HDIM = 128
NP = 10000
WEXT = 144
NEG = 0.2
BN_EPS = 1e-5
G = 16
C = 10

NCORES = 2
NSUB = 16
NTILES = NCORES * NSUB
EPT = E // NTILES
K = 80
NCHUNK = EPT // K
CPG = 25
NGRP = NCHUNK // CPG
RPS = NP // NSUB
BLK = 5000
NBLK = NP // BLK



def _sc_edge_body(hext_hbm, alphas_hbm, alphad_hbm, alm_hbm, src_hbm,
                  dst_hbm, acc_hbm, alphas_v, alphad_v, alm_v, src_v, dst_v,
                  rows_v, ex_v, acc_sh, gsem):
    c = lax.axis_index("c")
    s = lax.axis_index("s")
    wid = s * NCORES + c

    pltpu.sync_copy(alphas_hbm, alphas_v)
    pltpu.sync_copy(alphad_hbm, alphad_v)
    pltpu.sync_copy(alm_hbm, alm_v)

    def zrow(i, carry):
        for cv in range(WEXT // 16):
            rows_v[i, pl.ds(cv * 16, 16)] = jnp.zeros((16,), jnp.float32)
        return carry

    lax.fori_loop(0, K, zrow, 0)
    nzc = RPS // K
    rem = RPS - nzc * K
    for j in range(nzc):
        pltpu.sync_copy(rows_v, acc_sh.at[pl.ds(s * RPS + j * K, K)])
    pltpu.sync_copy(rows_v.at[pl.ds(0, rem)],
                    acc_sh.at[pl.ds(s * RPS + nzc * K, rem)])
    plsc.subcore_barrier()

    gb = alm_v[pl.ds(0, 16)] + alm_v[pl.ds(512, 16)]
    gbound = jnp.where(gb > 0, gb, NEG * gb)

    def group(gix, carry):
        pltpu.sync_copy(src_hbm.at[wid, pl.ds(gix * CPG, CPG)], src_v)
        pltpu.sync_copy(dst_hbm.at[wid, pl.ds(gix * CPG, CPG)], dst_v)

        def chunk(cix, carry1):
            pltpu.async_copy(hext_hbm.at[src_v.at[cix]], rows_v, gsem).wait()
            for v5 in range(K // 16):
                sidx = src_v[cix, pl.ds(v5 * 16, 16)]
                didx = dst_v[cix, pl.ds(v5 * 16, 16)]
                av = plsc.load_gather(alphas_v, [sidx])
                bv = plsc.load_gather(alphad_v, [didx])
                z = av + bv
                z = jnp.where(z > 0, z, NEG * z)
                ex_v[pl.ds(v5 * 16, 16)] = jnp.exp(z - gbound)
            def srow(r4, carry2):
                for u in range(4):
                    r = r4 * 4 + u
                    bex = plsc.load_gather(ex_v,
                                           [jnp.full((16,), r, jnp.int32)])
                    for cv in range(WEXT // 16):
                        rows_v[r, pl.ds(cv * 16, 16)] = (
                            rows_v[r, pl.ds(cv * 16, 16)] * bex)
                return carry2
            lax.fori_loop(0, K // 4, srow, 0)
            pltpu.sync_copy(rows_v, acc_sh.at[dst_v.at[cix]], add=True)
            return carry1

        lax.fori_loop(0, CPG, chunk, 0)
        return carry

    lax.fori_loop(0, NGRP, group, 0)
    plsc.subcore_barrier()

    pltpu.sync_copy(acc_sh.at[pl.ds(s * RPS, RPS)],
                    acc_hbm.at[c, pl.ds(s * RPS, RPS)])


def _sc_edge(hext, alphas, alphad, alm, src3, dst3):
    mesh = plsc.VectorSubcoreMesh(core_axis_name="c", subcore_axis_name="s",
                                  num_cores=NCORES, num_subcores=NSUB)
    f = pl.kernel(
        _sc_edge_body,
        out_type=jax.ShapeDtypeStruct((NCORES, NP, WEXT), jnp.float32),
        mesh=mesh,
        compiler_params=pltpu.CompilerParams(needs_layout_passes=False,
                                             use_tc_tiling_on_sc=False),
        scratch_types=[
            pltpu.VMEM((NP,), jnp.float32),
            pltpu.VMEM((NP,), jnp.float32),
            pltpu.VMEM((G * 64,), jnp.float32),
            pltpu.VMEM((CPG, K), jnp.int32),
            pltpu.VMEM((CPG, K), jnp.int32),
            pltpu.VMEM((K, WEXT), jnp.float32),
            pltpu.VMEM((128,), jnp.float32),
            pltpu.VMEM_SHARED((NP, WEXT), jnp.float32),
            pltpu.SemaphoreType.DMA,
        ],
    )
    return f(hext, alphas, alphad, alm, src3, dst3)



def _epilogue(a0, a1, p):
    u = a0[:, :HDIM] + a1[:, :HDIM]
    dn = a0[:, HDIM:HDIM + 1] + a1[:, HDIM:HDIM + 1]
    u = u / (dn + 1e-30)
    u = u + p[0:1, :]
    u = (u - p[3:4, :]) * lax.rsqrt(p[4:5, :] + BN_EPS) * p[1:2, :] + p[2:3, :]
    return jnp.maximum(u, 0.0)


def _hext_alpha(i, t, w, avec, hext_ref, al_ref, alm_ref):
    h = jnp.dot(t, w, preferred_element_type=jnp.float32)
    hext_ref[...] = jnp.concatenate(
        [h, jnp.ones((h.shape[0], 1), jnp.float32),
         jnp.zeros((h.shape[0], WEXT - HDIM - 1), jnp.float32)], axis=-1)
    al = lax.dot_general(avec, h, (((1,), (1,)), ((), ())),
                         preferred_element_type=jnp.float32)
    al_ref[...] = al[None]

    @pl.when(i == 0)
    def _():
        alm_ref[...] = jnp.full((8, HDIM), -3e38, jnp.float32)

    bmax = jnp.max(al, axis=1, keepdims=True)
    bmax8 = jnp.concatenate(
        [jnp.broadcast_to(bmax[0:1], (4, HDIM)),
         jnp.broadcast_to(bmax[1:2], (4, HDIM))], axis=0)
    alm_ref[...] = jnp.maximum(alm_ref[...], bmax8)


def _tc_first_body(x_ref, w_ref, avec_ref, hext_ref, al_ref, alm_ref):
    _hext_alpha(pl.program_id(0), x_ref[...], w_ref[...], avec_ref[...],
                hext_ref, al_ref, alm_ref)


def _tc_layer_body(acc_ref, p_ref, w_ref, avec_ref, hext_ref, al_ref,
                   alm_ref):
    t = _epilogue(acc_ref[0], acc_ref[1], p_ref[...])
    _hext_alpha(pl.program_id(0), t, w_ref[...], avec_ref[...],
                hext_ref, al_ref, alm_ref)


def _tc_pool_body(acc_ref, p_ref, batch_ref, wc_ref, bc_ref, out_ref,
                  sums_ref):
    i = pl.program_id(0)

    @pl.when(i == 0)
    def _():
        sums_ref[...] = jnp.zeros_like(sums_ref)

    t = _epilogue(acc_ref[0], acc_ref[1], p_ref[...])
    text = jnp.concatenate(
        [t, jnp.ones((t.shape[0], 1), jnp.float32),
         jnp.zeros((t.shape[0], WEXT - HDIM - 1), jnp.float32)], axis=-1)
    oh = (batch_ref[0] == jnp.arange(G, dtype=jnp.int32)[:, None])
    sums_ref[...] += lax.dot_general(
        oh.astype(jnp.float32), text, (((1,), (0,)), ((), ())),
        preferred_element_type=jnp.float32)

    @pl.when(i == pl.num_programs(0) - 1)
    def _():
        sums = sums_ref[...]
        pooled = sums[:, :HDIM] / jnp.clip(sums[:, HDIM:HDIM + 1], 1.0, None)
        out_ref[...] = (jnp.dot(pooled, wc_ref[...],
                                preferred_element_type=jnp.float32)
                        + bc_ref[...])


_DENSE_OUT = [
    jax.ShapeDtypeStruct((NP, WEXT), jnp.float32),
    jax.ShapeDtypeStruct((NBLK, 2, BLK), jnp.float32),
    jax.ShapeDtypeStruct((8, HDIM), jnp.float32),
]
_DENSE_OUT_SPECS = [
    pl.BlockSpec((BLK, WEXT), lambda i: (i, 0)),
    pl.BlockSpec((1, 2, BLK), lambda i: (i, 0, 0)),
    pl.BlockSpec((8, HDIM), lambda i: (0, 0)),
]


def _tc_first(x, w, avec):
    return pl.pallas_call(
        _tc_first_body,
        grid=(NBLK,),
        in_specs=[
            pl.BlockSpec((BLK, HDIM), lambda i: (i, 0)),
            pl.BlockSpec((HDIM, HDIM), lambda i: (0, 0)),
            pl.BlockSpec((2, HDIM), lambda i: (0, 0)),
        ],
        out_specs=_DENSE_OUT_SPECS,
        out_shape=_DENSE_OUT,
    )(x, w, avec)


def _tc_layer(acc, p, w, avec):
    return pl.pallas_call(
        _tc_layer_body,
        grid=(NBLK,),
        in_specs=[
            pl.BlockSpec((2, BLK, WEXT), lambda i: (0, i, 0)),
            pl.BlockSpec((5, HDIM), lambda i: (0, 0)),
            pl.BlockSpec((HDIM, HDIM), lambda i: (0, 0)),
            pl.BlockSpec((2, HDIM), lambda i: (0, 0)),
        ],
        out_specs=_DENSE_OUT_SPECS,
        out_shape=_DENSE_OUT,
    )(acc, p, w, avec)


def _tc_pool(acc, p, batch3, wc_pad, bc_pad):
    return pl.pallas_call(
        _tc_pool_body,
        grid=(NBLK,),
        in_specs=[
            pl.BlockSpec((2, BLK, WEXT), lambda i: (0, i, 0)),
            pl.BlockSpec((5, HDIM), lambda i: (0, 0)),
            pl.BlockSpec((1, 1, BLK), lambda i: (i, 0, 0)),
            pl.BlockSpec((HDIM, HDIM), lambda i: (0, 0)),
            pl.BlockSpec((G, HDIM), lambda i: (0, 0)),
        ],
        out_specs=pl.BlockSpec((G, HDIM), lambda i: (0, 0)),
        out_shape=jax.ShapeDtypeStruct((G, HDIM), jnp.float32),
        scratch_shapes=[pltpu.VMEM((G, WEXT), jnp.float32)],
    )(acc, p, batch3, wc_pad, bc_pad)



def kernel(x, edge_index, batch_idx, W1, as1, ad1, b1, W2, as2, ad2, b2,
           W3, as3, ad3, b3, g1, be1, rm1, rv1, g2, be2, rm2, rv2,
           g3, be3, rm3, rv3, Wc, bc):
    src3 = edge_index[0].reshape(NTILES, NCHUNK, K)
    dst3 = edge_index[1].reshape(NTILES, NCHUNK, K)
    batch3 = batch_idx.reshape(NBLK, 1, BLK)

    avec1 = jnp.stack([as1, ad1])
    avec2 = jnp.stack([as2, ad2])
    avec3 = jnp.stack([as3, ad3])
    p1 = jnp.stack([b1, g1, be1, rm1, rv1])
    p2 = jnp.stack([b2, g2, be2, rm2, rv2])
    p3 = jnp.stack([b3, g3, be3, rm3, rv3])
    wc_pad = jnp.pad(Wc, ((0, 0), (0, HDIM - C)))
    bc_pad = jnp.broadcast_to(jnp.pad(bc, (0, HDIM - C))[None, :], (G, HDIM))

    def edge(hext, al, alm):
        return _sc_edge(hext, al[:, 0].reshape(NP), al[:, 1].reshape(NP),
                        alm.reshape(8 * HDIM), src3, dst3)

    hext, al, alm = _tc_first(x, W1, avec1)
    acc = edge(hext, al, alm)
    hext, al, alm = _tc_layer(acc, p1, W2, avec2)
    acc = edge(hext, al, alm)
    hext, al, alm = _tc_layer(acc, p2, W3, avec3)
    acc = edge(hext, al, alm)
    out = _tc_pool(acc, p3, batch3, wc_pad, bc_pad)
    return out[:, :C]

# --- scband reference (transcript-rebuilt; emitter-appended) ---
"""Pipeline reference for scband-sentence-gnn-51316269252660 (READ-ONLY COPY).

The authoritative reference and input builder live on the scoring server;
editing this copy changes nothing except your own understanding.
"""

import jax, jax.numpy as jnp
import numpy as np

N = 10000
E = 320000
F_IN = 128
H = 128
C = 10
G = 16
NEG_SLOPE = 0.2
BN_EPS = 1e-5


def setup_inputs(seed: int = 0) -> dict:
    key = jax.random.key(seed)
    ks = jax.random.split(key, 32)
    inp = {}
    inp["x"] = jax.random.normal(ks[0], (N, F_IN), dtype=jnp.float32)
    inp["edge_index"] = jax.random.randint(ks[1], (2, E), 0, N, dtype=jnp.int32)
    inp["batch_idx"] = jnp.sort(jax.random.randint(ks[2], (N,), 0, G, dtype=jnp.int32))
    def mkgat(i, fin, fout):
        s = 1.0 / np.sqrt(fin)
        return (
            jax.random.normal(ks[3 + 4 * i], (fin, fout), dtype=jnp.float32) * s,
            jax.random.normal(ks[4 + 4 * i], (fout,), dtype=jnp.float32) * s,
            jax.random.normal(ks[5 + 4 * i], (fout,), dtype=jnp.float32) * s,
            jnp.zeros((fout,), dtype=jnp.float32),
        )
    inp["W1"], inp["as1"], inp["ad1"], inp["b1"] = mkgat(0, F_IN, H)
    inp["W2"], inp["as2"], inp["ad2"], inp["b2"] = mkgat(1, H, H)
    inp["W3"], inp["as3"], inp["ad3"], inp["b3"] = mkgat(2, H, H)
    for j, nm in enumerate(["1", "2", "3"]):
        inp["g" + nm] = jnp.ones((H,), dtype=jnp.float32)
        inp["be" + nm] = jnp.zeros((H,), dtype=jnp.float32)
        inp["rm" + nm] = jax.random.normal(ks[16 + 2 * j], (H,), dtype=jnp.float32) * 0.01
        inp["rv" + nm] = jnp.ones((H,), dtype=jnp.float32) + jax.random.uniform(ks[17 + 2 * j], (H,), dtype=jnp.float32) * 0.01
    inp["Wc"] = jax.random.normal(ks[30], (H, C), dtype=jnp.float32) * (1.0 / np.sqrt(H))
    inp["bc"] = jnp.zeros((C,), dtype=jnp.float32)
    return inp


def gat_layer(x, src, dst, W, a_src, a_dst, b):
    h = x @ W
    alpha_src = jnp.sum(h * a_src, axis=-1)
    alpha_dst = jnp.sum(h * a_dst, axis=-1)
    e = jnp.take(alpha_src, src, axis=0) + jnp.take(alpha_dst, dst, axis=0)
    e = jnp.where(e > 0, e, NEG_SLOPE * e)
    m = jax.ops.segment_max(e, dst, num_segments=N)
    m = jnp.where(jnp.isfinite(m), m, 0.0)
    ex = jnp.exp(e - jnp.take(m, dst, axis=0))
    denom = jax.ops.segment_sum(ex, dst, num_segments=N)
    coef = ex / (jnp.take(denom, dst, axis=0) + 1e-16)
    msg = coef[:, None] * jnp.take(h, src, axis=0)
    out = jax.ops.segment_sum(msg, dst, num_segments=N)
    return out + b


def bn_eval(x, g, be, rm, rv):
    return (x - rm) * jax.lax.rsqrt(rv + BN_EPS) * g + be


def reference(x, edge_index, batch_idx, W1, as1, ad1, b1, W2, as2, ad2, b2, W3, as3, ad3, b3, g1, be1, rm1, rv1, g2, be2, rm2, rv2, g3, be3, rm3, rv3, Wc, bc):
    src = edge_index[0]
    dst = edge_index[1]
    h = gat_layer(x, src, dst, W1, as1, ad1, b1)
    h = jax.nn.relu(bn_eval(h, g1, be1, rm1, rv1))
    h = gat_layer(h, src, dst, W2, as2, ad2, b2)
    h = jax.nn.relu(bn_eval(h, g2, be2, rm2, rv2))
    h = gat_layer(h, src, dst, W3, as3, ad3, b3)
    h = jax.nn.relu(bn_eval(h, g3, be3, rm3, rv3))
    sums = jax.ops.segment_sum(h, batch_idx, num_segments=G)
    cnts = jax.ops.segment_sum(jnp.ones((N,), dtype=jnp.float32), batch_idx, num_segments=G)
    pooled = sums / jnp.clip(cnts, 1.0, None)[:, None]
    return pooled @ Wc + bc

if __name__ == "__main__":
    import jax
    _d = setup_inputs()
    print(jax.jit(kernel)(*tuple(_d.values())))

</pallas_src>

<mosaic_0001>
#map = affine_map<(d0, d1) -> (0, 0)>
#map1 = affine_map<(d0, d1) -> (0)>
#map2 = affine_map<(d0, d1) -> (0, 0, 0)>
module attributes {stable_mosaic.version = 14 : i64} {
  func.func @_sc_edge_body(%arg0: i32, %arg1: i32, %arg2: memref<10000x144xf32, #tpu.memory_space<hbm>>, %arg3: memref<10000xf32, #tpu.memory_space<hbm>>, %arg4: memref<10000xf32, #tpu.memory_space<hbm>>, %arg5: memref<1024xf32, #tpu.memory_space<hbm>>, %arg6: memref<32x125x80xi32, #tpu.memory_space<hbm>>, %arg7: memref<32x125x80xi32, #tpu.memory_space<hbm>>, %arg8: memref<2x10000x144xf32, #tpu.memory_space<hbm>>, %arg9: memref<10000xf32, #tpu.memory_space<vmem>>, %arg10: memref<10000xf32, #tpu.memory_space<vmem>>, %arg11: memref<1024xf32, #tpu.memory_space<vmem>>, %arg12: memref<25x80xi32, #tpu.memory_space<vmem>>, %arg13: memref<25x80xi32, #tpu.memory_space<vmem>>, %arg14: memref<80x144xf32, #tpu.memory_space<vmem>>, %arg15: memref<128xf32, #tpu.memory_space<vmem>>, %arg16: memref<10000x144xf32, #tpu.memory_space<vmem_shared>>, %arg17: memref<!tpu.dma_semaphore, #tpu.memory_space<semaphore_mem>>) attributes {dimension_semantics = [#tpu.dimension_semantics<core_parallel>, #tpu.dimension_semantics<subcore_parallel>], iteration_bounds = array<i64: 2, 16>, scalar_prefetch = 0 : i64, scratch_operands = 9 : i64, tpu.core_type = #tpu.core_type<sc_vector_subcore>, window_params = [{transform_indices = #map}, {transform_indices = #map1}, {transform_indices = #map1}, {transform_indices = #map1}, {transform_indices = #map2}, {transform_indices = #map2}, {transform_indices = #map2}]} {
    %mul3A = arith.constant 2 : i32
    %mul3A_0 = arith.muli %arg1, %mul3A : i32
    %add3A = arith.addi %mul3A_0, %arg0 : i32
    "tpu.region"() ({
      %run_scoped3A = tpu.sem_alloc : memref<!tpu.dma_semaphore, #tpu.memory_space<semaphore_mem>>
      tpu.enqueue_dma source(%arg3 : memref<10000xf32, #tpu.memory_space<hbm>>) target(%arg9 : memref<10000xf32, #tpu.memory_space<vmem>>) target_semaphore(%run_scoped3A : memref<!tpu.dma_semaphore, #tpu.memory_space<semaphore_mem>>)
      tpu.wait_dma2 semaphore(%run_scoped3A : memref<!tpu.dma_semaphore, #tpu.memory_space<semaphore_mem>>) src(%arg3 : memref<10000xf32, #tpu.memory_space<hbm>>) dst(%arg9 : memref<10000xf32, #tpu.memory_space<vmem>>)
      tpu.yield
    }) : () -> ()
    "tpu.region"() ({
      %run_scoped3A = tpu.sem_alloc : memref<!tpu.dma_semaphore, #tpu.memory_space<semaphore_mem>>
      tpu.enqueue_dma source(%arg4 : memref<10000xf32, #tpu.memory_space<hbm>>) target(%arg10 : memref<10000xf32, #tpu.memory_space<vmem>>) target_semaphore(%run_scoped3A : memref<!tpu.dma_semaphore, #tpu.memory_space<semaphore_mem>>)
      tpu.wait_dma2 semaphore(%run_scoped3A : memref<!tpu.dma_semaphore, #tpu.memory_space<semaphore_mem>>) src(%arg4 : memref<10000xf32, #tpu.memory_space<hbm>>) dst(%arg10 : memref<10000xf32, #tpu.memory_space<vmem>>)
      tpu.yield
    }) : () -> ()
    "tpu.region"() ({
      %run_scoped3A = tpu.sem_alloc : memref<!tpu.dma_semaphore, #tpu.memory_space<semaphore_mem>>
      tpu.enqueue_dma source(%arg5 : memref<1024xf32, #tpu.memory_space<hbm>>) target(%arg11 : memref<1024xf32, #tpu.memory_space<vmem>>) target_semaphore(%run_scoped3A : memref<!tpu.dma_semaphore, #tpu.memory_space<semaphore_mem>>)
      tpu.wait_dma2 semaphore(%run_scoped3A : memref<!tpu.dma_semaphore, #tpu.memory_space<semaphore_mem>>) src(%arg5 : memref<1024xf32, #tpu.memory_space<hbm>>) dst(%arg11 : memref<1024xf32, #tpu.memory_space<vmem>>)
      tpu.yield
    }) : () -> ()
    %scan3A = arith.constant 0 : i32
    %scan3A_1 = arith.constant 0 : i32
    %scan3A_2 = arith.constant 80 : i32
    %scan3A_3 = arith.addi %scan3A_1, %scan3A_2 : i32
    %scan3A_4 = arith.constant 1 : i32
    scf.for %scan3A_58 = %scan3A_1 to %scan3A_3 step %scan3A_4  : i32 {
      %broadcast_in_dim3A = arith.constant 0.000000e+00 : f32
      %broadcast_in_dim3A_59 = vector.broadcast %broadcast_in_dim3A : f32 to vector<16xf32>
      %swap3A = arith.index_cast %scan3A_58 : i32 to index
      %swap3A_60 = arith.constant 0 : index
      %swap3A_61 = tpu.vector_load %arg14[%swap3A, %swap3A_60] {strides = array<i32>} : memref<80x144xf32, #tpu.memory_space<vmem>>, vector<16xf32>,
      tpu.vector_store %arg14[%swap3A, %swap3A_60], %broadcast_in_dim3A_59 {strides = array<i32>} : memref<80x144xf32, #tpu.memory_space<vmem>>, vector<16xf32>,
      %broadcast_in_dim3A_62 = arith.constant 0.000000e+00 : f32
      %broadcast_in_dim3A_63 = vector.broadcast %broadcast_in_dim3A_62 : f32 to vector<16xf32>
      %swap3A_64 = arith.index_cast %scan3A_58 : i32 to index
      %swap3A_65 = arith.constant 16 : index
      %swap3A_66 = tpu.vector_load %arg14[%swap3A_64, %swap3A_65] {strides = array<i32>} : memref<80x144xf32, #tpu.memory_space<vmem>>, vector<16xf32>,
      tpu.vector_store %arg14[%swap3A_64, %swap3A_65], %broadcast_in_dim3A_63 {strides = array<i32>} : memref<80x144xf32, #tpu.memory_space<vmem>>, vector<16xf32>,
      %broadcast_in_dim3A_67 = arith.constant 0.000000e+00 : f32
      %broadcast_in_dim3A_68 = vector.broadcast %broadcast_in_dim3A_67 : f32 to vector<16xf32>
      %swap3A_69 = arith.index_cast %scan3A_58 : i32 to index
      %swap3A_70 = arith.constant 32 : index
      %swap3A_71 = tpu.vector_load %arg14[%swap3A_69, %swap3A_70] {strides = array<i32>} : memref<80x144xf32, #tpu.memory_space<vmem>>, vector<16xf32>,
      tpu.vector_store %arg14[%swap3A_69, %swap3A_70], %broadcast_in_dim3A_68 {strides = array<i32>} : memref<80x144xf32, #tpu.memory_space<vmem>>, vector<16xf32>,
      %broadcast_in_dim3A_72 = arith.constant 0.000000e+00 : f32
      %broadcast_in_dim3A_73 = vector.broadcast %broadcast_in_dim3A_72 : f32 to vector<16xf32>
      %swap3A_74 = arith.index_cast %scan3A_58 : i32 to index
      %swap3A_75 = arith.constant 48 : index
      %swap3A_76 = tpu.vector_load %arg14[%swap3A_74, %swap3A_75] {strides = array<i32>} : memref<80x144xf32, #tpu.memory_space<vmem>>, vector<16xf32>,
      tpu.vector_store %arg14[%swap3A_74, %swap3A_75], %broadcast_in_dim3A_73 {strides = array<i32>} : memref<80x144xf32, #tpu.memory_space<vmem>>, vector<16xf32>,
      %broadcast_in_dim3A_77 = arith.constant 0.000000e+00 : f32
      %broadcast_in_dim3A_78 = vector.broadcast %broadcast_in_dim3A_77 : f32 to vector<16xf32>
      %swap3A_79 = arith.index_cast %scan3A_58 : i32 to index
      %swap3A_80 = arith.constant 64 : index
      %swap3A_81 = tpu.vector_load %arg14[%swap3A_79, %swap3A_80] {strides = array<i32>} : memref<80x144xf32, #tpu.memory_space<vmem>>, vector<16xf32>,
      tpu.vector_store %arg14[%swap3A_79, %swap3A_80], %broadcast_in_dim3A_78 {strides = array<i32>} : memref<80x144xf32, #tpu.memory_space<vmem>>, vector<16xf32>,
      %broadcast_in_dim3A_82 = arith.constant 0.000000e+00 : f32
      %broadcast_in_dim3A_83 = vector.broadcast %broadcast_in_dim3A_82 : f32 to vector<16xf32>
      %swap3A_84 = arith.index_cast %scan3A_58 : i32 to index
      %swap3A_85 = arith.constant 80 : index
      %swap3A_86 = tpu.vector_load %arg14[%swap3A_84, %swap3A_85] {strides = array<i32>} : memref<80x144xf32, #tpu.memory_space<vmem>>, vector<16xf32>,
      tpu.vector_store %arg14[%swap3A_84, %swap3A_85], %broadcast_in_dim3A_83 {strides = array<i32>} : memref<80x144xf32, #tpu.memory_space<vmem>>, vector<16xf32>,
      %broadcast_in_dim3A_87 = arith.constant 0.000000e+00 : f32
      %broadcast_in_dim3A_88 = vector.broadcast %broadcast_in_dim3A_87 : f32 to vector<16xf32>
      %swap3A_89 = arith.index_cast %scan3A_58 : i32 to index
      %swap3A_90 = arith.constant 96 : index
      %swap3A_91 = tpu.vector_load %arg14[%swap3A_89, %swap3A_90] {strides = array<i32>} : memref<80x144xf32, #tpu.memory_space<vmem>>, vector<16xf32>,
      tpu.vector_store %arg14[%swap3A_89, %swap3A_90], %broadcast_in_dim3A_88 {strides = array<i32>} : memref<80x144xf32, #tpu.memory_space<vmem>>, vector<16xf32>,
      %broadcast_in_dim3A_92 = arith.constant 0.000000e+00 : f32
      %broadcast_in_dim3A_93 = vector.broadcast %broadcast_in_dim3A_92 : f32 to vector<16xf32>
      %swap3A_94 = arith.index_cast %scan3A_58 : i32 to index
      %swap3A_95 = arith.constant 112 : index
      %swap3A_96 = tpu.vector_load %arg14[%swap3A_94, %swap3A_95] {strides = array<i32>} : memref<80x144xf32, #tpu.memory_space<vmem>>, vector<16xf32>,
      tpu.vector_store %arg14[%swap3A_94, %swap3A_95], %broadcast_in_dim3A_93 {strides = array<i32>} : memref<80x144xf32, #tpu.memory_space<vmem>>, vector<16xf32>,
      %broadcast_in_dim3A_97 = arith.constant 0.000000e+00 : f32
      %broadcast_in_dim3A_98 = vector.broadcast %broadcast_in_dim3A_97 : f32 to vector<16xf32>
      %swap3A_99 = arith.index_cast %scan3A_58 : i32 to index
      %swap3A_100 = arith.constant 128 : index
      %swap3A_101 = tpu.vector_load %arg14[%swap3A_99, %swap3A_100] {strides = array<i32>} : memref<80x144xf32, #tpu.memory_space<vmem>>, vector<16xf32>,
      tpu.vector_store %arg14[%swap3A_99, %swap3A_100], %broadcast_in_dim3A_98 {strides = array<i32>} : memref<80x144xf32, #tpu.memory_space<vmem>>, vector<16xf32>,
    }
    %scan3A_5 = arith.constant 80 : i32
    %mul3A_6 = arith.constant 625 : i32
    %mul3A_7 = arith.muli %arg1, %mul3A_6 : i32
    %add3A_8 = arith.constant 0 : i32
    %add3A_9 = arith.addi %mul3A_7, %add3A_8 : i32
    "tpu.region"() ({
      %run_scoped3A = tpu.sem_alloc : memref<!tpu.dma_semaphore, #tpu.memory_space<semaphore_mem>>
      %dma_start3A = arith.constant 0 : i32
      %dma_start3A_58 = tpu.memref_slice %arg16[%add3A_9, %dma_start3A] : memref<10000x144xf32, #tpu.memory_space<vmem_shared>> -> memref<80x144xf32, #tpu.memory_space<vmem_shared>>
      %dma_start3A_59 = arith.constant 0 : i32
      %dma_start3A_60 = tpu.memref_slice %arg16[%add3A_9, %dma_start3A_59] : memref<10000x144xf32, #tpu.memory_space<vmem_shared>> -> memref<80x144xf32, #tpu.memory_space<vmem_shared>>
      tpu.enqueue_dma source(%arg14 : memref<80x144xf32, #tpu.memory_space<vmem>>) target(%dma_start3A_60 : memref<80x144xf32, #tpu.memory_space<vmem_shared>>) target_semaphore(%run_scoped3A : memref<!tpu.dma_semaphore, #tpu.memory_space<semaphore_mem>>)
      %dma_wait3A = arith.constant 0 : i32
      %dma_wait3A_61 = tpu.memref_slice %arg16[%add3A_9, %dma_wait3A] : memref<10000x144xf32, #tpu.memory_space<vmem_shared>> -> memref<80x144xf32, #tpu.memory_space<vmem_shared>>
      %dma_wait3A_62 = arith.constant 0 : i32
      %dma_wait3A_63 = tpu.memref_slice %arg16[%add3A_9, %dma_wait3A_62] : memref<10000x144xf32, #tpu.memory_space<vmem_shared>> -> memref<80x144xf32, #tpu.memory_space<vmem_shared>>
      tpu.wait_dma2 semaphore(%run_scoped3A : memref<!tpu.dma_semaphore, #tpu.memory_space<semaphore_mem>>) src(%arg14 : memref<80x144xf32, #tpu.memory_space<vmem>>) dst(%dma_wait3A_63 : memref<80x144xf32, #tpu.memory_space<vmem_shared>>)
      tpu.yield
    }) : () -> ()
    %mul3A_10 = arith.constant 625 : i32
    %mul3A_11 = arith.muli %arg1, %mul3A_10 : i32
    %add3A_12 = arith.constant 80 : i32
    %add3A_13 = arith.addi %mul3A_11, %add3A_12 : i32
    "tpu.region"() ({
      %run_scoped3A = tpu.sem_alloc : memref<!tpu.dma_semaphore, #tpu.memory_space<semaphore_mem>>
      %dma_start3A = arith.constant 0 : i32
      %dma_start3A_58 = tpu.memref_slice %arg16[%add3A_13, %dma_start3A] : memref<10000x144xf32, #tpu.memory_space<vmem_shared>> -> memref<80x144xf32, #tpu.memory_space<vmem_shared>>
      %dma_start3A_59 = arith.constant 0 : i32
      %dma_start3A_60 = tpu.memref_slice %arg16[%add3A_13, %dma_start3A_59] : memref<10000x144xf32, #tpu.memory_space<vmem_shared>> -> memref<80x144xf32, #tpu.memory_space<vmem_shared>>
      tpu.enqueue_dma source(%arg14 : memref<80x144xf32, #tpu.memory_space<vmem>>) target(%dma_start3A_60 : memref<80x144xf32, #tpu.memory_space<vmem_shared>>) target_semaphore(%run_scoped3A : memref<!tpu.dma_semaphore, #tpu.memory_space<semaphore_mem>>)
      %dma_wait3A = arith.constant 0 : i32
      %dma_wait3A_61 = tpu.memref_slice %arg16[%add3A_13, %dma_wait3A] : memref<10000x144xf32, #tpu.memory_space<vmem_shared>> -> memref<80x144xf32, #tpu.memory_space<vmem_shared>>
      %dma_wait3A_62 = arith.constant 0 : i32
      %dma_wait3A_63 = tpu.memref_slice %arg16[%add3A_13, %dma_wait3A_62] : memref<10000x144xf32, #tpu.memory_space<vmem_shared>> -> memref<80x144xf32, #tpu.memory_space<vmem_shared>>
      tpu.wait_dma2 semaphore(%run_scoped3A : memref<!tpu.dma_semaphore, #tpu.memory_space<semaphore_mem>>) src(%arg14 : memref<80x144xf32, #tpu.memory_space<vmem>>) dst(%dma_wait3A_63 : memref<80x144xf32, #tpu.memory_space<vmem_shared>>)
      tpu.yield
    }) : () -> ()
    %mul3A_14 = arith.constant 625 : i32
    %mul3A_15 = arith.muli %arg1, %mul3A_14 : i32
    %add3A_16 = arith.constant 160 : i32
    %add3A_17 = arith.addi %mul3A_15, %add3A_16 : i32
    "tpu.region"() ({
      %run_scoped3A = tpu.sem_alloc : memref<!tpu.dma_semaphore, #tpu.memory_space<semaphore_mem>>
      %dma_start3A = arith.constant 0 : i32
      %dma_start3A_58 = tpu.memref_slice %arg16[%add3A_17, %dma_start3A] : memref<10000x144xf32, #tpu.memory_space<vmem_shared>> -> memref<80x144xf32, #tpu.memory_space<vmem_shared>>
      %dma_start3A_59 = arith.constant 0 : i32
      %dma_start3A_60 = tpu.memref_slice %arg16[%add3A_17, %dma_start3A_59] : memref<10000x144xf32, #tpu.memory_space<vmem_shared>> -> memref<80x144xf32, #tpu.memory_space<vmem_shared>>
      tpu.enqueue_dma source(%arg14 : memref<80x144xf32, #tpu.memory_space<vmem>>) target(%dma_start3A_60 : memref<80x144xf32, #tpu.memory_space<vmem_shared>>) target_semaphore(%run_scoped3A : memref<!tpu.dma_semaphore, #tpu.memory_space<semaphore_mem>>)
      %dma_wait3A = arith.constant 0 : i32
      %dma_wait3A_61 = tpu.memref_slice %arg16[%add3A_17, %dma_wait3A] : memref<10000x144xf32, #tpu.memory_space<vmem_shared>> -> memref<80x144xf32, #tpu.memory_space<vmem_shared>>
      %dma_wait3A_62 = arith.constant 0 : i32
      %dma_wait3A_63 = tpu.memref_slice %arg16[%add3A_17, %dma_wait3A_62] : memref<10000x144xf32, #tpu.memory_space<vmem_shared>> -> memref<80x144xf32, #tpu.memory_space<vmem_shared>>
      tpu.wait_dma2 semaphore(%run_scoped3A : memref<!tpu.dma_semaphore, #tpu.memory_space<semaphore_mem>>) src(%arg14 : memref<80x144xf32, #tpu.memory_space<vmem>>) dst(%dma_wait3A_63 : memref<80x144xf32, #tpu.memory_space<vmem_shared>>)
      tpu.yield
    }) : () -> ()
    %mul3A_18 = arith.constant 625 : i32
    %mul3A_19 = arith.muli %arg1, %mul3A_18 : i32
    %add3A_20 = arith.constant 240 : i32
    %add3A_21 = arith.addi %mul3A_19, %add3A_20 : i32
    "tpu.region"() ({
      %run_scoped3A = tpu.sem_alloc : memref<!tpu.dma_semaphore, #tpu.memory_space<semaphore_mem>>
      %dma_start3A = arith.constant 0 : i32
      %dma_start3A_58 = tpu.memref_slice %arg16[%add3A_21, %dma_start3A] : memref<10000x144xf32, #tpu.memory_space<vmem_shared>> -> memref<80x144xf32, #tpu.memory_space<vmem_shared>>
      %dma_start3A_59 = arith.constant 0 : i32
      %dma_start3A_60 = tpu.memref_slice %arg16[%add3A_21, %dma_start3A_59] : memref<10000x144xf32, #tpu.memory_space<vmem_shared>> -> memref<80x144xf32, #tpu.memory_space<vmem_shared>>
      tpu.enqueue_dma source(%arg14 : memref<80x144xf32, #tpu.memory_space<vmem>>) target(%dma_start3A_60 : memref<80x144xf32, #tpu.memory_space<vmem_shared>>) target_semaphore(%run_scoped3A : memref<!tpu.dma_semaphore, #tpu.memory_space<semaphore_mem>>)
      %dma_wait3A = arith.constant 0 : i32
      %dma_wait3A_61 = tpu.memref_slice %arg16[%add3A_21, %dma_wait3A] : memref<10000x144xf32, #tpu.memory_space<vmem_shared>> -> memref<80x144xf32, #tpu.memory_space<vmem_shared>>
      %dma_wait3A_62 = arith.constant 0 : i32
      %dma_wait3A_63 = tpu.memref_slice %arg16[%add3A_21, %dma_wait3A_62] : memref<10000x144xf32, #tpu.memory_space<vmem_shared>> -> memref<80x144xf32, #tpu.memory_space<vmem_shared>>
      tpu.wait_dma2 semaphore(%run_scoped3A : memref<!tpu.dma_semaphore, #tpu.memory_space<semaphore_mem>>) src(%arg14 : memref<80x144xf32, #tpu.memory_space<vmem>>) dst(%dma_wait3A_63 : memref<80x144xf32, #tpu.memory_space<vmem_shared>>)
      tpu.yield
    }) : () -> ()
    %mul3A_22 = arith.constant 625 : i32
    %mul3A_23 = arith.muli %arg1, %mul3A_22 : i32
    %add3A_24 = arith.constant 320 : i32
    %add3A_25 = arith.addi %mul3A_23, %add3A_24 : i32
    "tpu.region"() ({
      %run_scoped3A = tpu.sem_alloc : memref<!tpu.dma_semaphore, #tpu.memory_space<semaphore_mem>>
      %dma_start3A = arith.constant 0 : i32
      %dma_start3A_58 = tpu.memref_slice %arg16[%add3A_25, %dma_start3A] : memref<10000x144xf32, #tpu.memory_space<vmem_shared>> -> memref<80x144xf32, #tpu.memory_space<vmem_shared>>
      %dma_start3A_59 = arith.constant 0 : i32
      %dma_start3A_60 = tpu.memref_slice %arg16[%add3A_25, %dma_start3A_59] : memref<10000x144xf32, #tpu.memory_space<vmem_shared>> -> memref<80x144xf32, #tpu.memory_space<vmem_shared>>
      tpu.enqueue_dma source(%arg14 : memref<80x144xf32, #tpu.memory_space<vmem>>) target(%dma_start3A_60 : memref<80x144xf32, #tpu.memory_space<vmem_shared>>) target_semaphore(%run_scoped3A : memref<!tpu.dma_semaphore, #tpu.memory_space<semaphore_mem>>)
      %dma_wait3A = arith.constant 0 : i32
      %dma_wait3A_61 = tpu.memref_slice %arg16[%add3A_25, %dma_wait3A] : memref<10000x144xf32, #tpu.memory_space<vmem_shared>> -> memref<80x144xf32, #tpu.memory_space<vmem_shared>>
      %dma_wait3A_62 = arith.constant 0 : i32
      %dma_wait3A_63 = tpu.memref_slice %arg16[%add3A_25, %dma_wait3A_62] : memref<10000x144xf32, #tpu.memory_space<vmem_shared>> -> memref<80x144xf32, #tpu.memory_space<vmem_shared>>
      tpu.wait_dma2 semaphore(%run_scoped3A : memref<!tpu.dma_semaphore, #tpu.memory_space<semaphore_mem>>) src(%arg14 : memref<80x144xf32, #tpu.memory_space<vmem>>) dst(%dma_wait3A_63 : memref<80x144xf32, #tpu.memory_space<vmem_shared>>)
      tpu.yield
    }) : () -> ()
    %mul3A_26 = arith.constant 625 : i32
    %mul3A_27 = arith.muli %arg1, %mul3A_26 : i32
    %add3A_28 = arith.constant 400 : i32
    %add3A_29 = arith.addi %mul3A_27, %add3A_28 : i32
    "tpu.region"() ({
      %run_scoped3A = tpu.sem_alloc : memref<!tpu.dma_semaphore, #tpu.memory_space<semaphore_mem>>
      %dma_start3A = arith.constant 0 : i32
      %dma_start3A_58 = tpu.memref_slice %arg16[%add3A_29, %dma_start3A] : memref<10000x144xf32, #tpu.memory_space<vmem_shared>> -> memref<80x144xf32, #tpu.memory_space<vmem_shared>>
      %dma_start3A_59 = arith.constant 0 : i32
      %dma_start3A_60 = tpu.memref_slice %arg16[%add3A_29, %dma_start3A_59] : memref<10000x144xf32, #tpu.memory_space<vmem_shared>> -> memref<80x144xf32, #tpu.memory_space<vmem_shared>>
      tpu.enqueue_dma source(%arg14 : memref<80x144xf32, #tpu.memory_space<vmem>>) target(%dma_start3A_60 : memref<80x144xf32, #tpu.memory_space<vmem_shared>>) target_semaphore(%run_scoped3A : memref<!tpu.dma_semaphore, #tpu.memory_space<semaphore_mem>>)
      %dma_wait3A = arith.constant 0 : i32
      %dma_wait3A_61 = tpu.memref_slice %arg16[%add3A_29, %dma_wait3A] : memref<10000x144xf32, #tpu.memory_space<vmem_shared>> -> memref<80x144xf32, #tpu.memory_space<vmem_shared>>
      %dma_wait3A_62 = arith.constant 0 : i32
      %dma_wait3A_63 = tpu.memref_slice %arg16[%add3A_29, %dma_wait3A_62] : memref<10000x144xf32, #tpu.memory_space<vmem_shared>> -> memref<80x144xf32, #tpu.memory_space<vmem_shared>>
      tpu.wait_dma2 semaphore(%run_scoped3A : memref<!tpu.dma_semaphore, #tpu.memory_space<semaphore_mem>>) src(%arg14 : memref<80x144xf32, #tpu.memory_space<vmem>>) dst(%dma_wait3A_63 : memref<80x144xf32, #tpu.memory_space<vmem_shared>>)
      tpu.yield
    }) : () -> ()
    %mul3A_30 = arith.constant 625 : i32
    %mul3A_31 = arith.muli %arg1, %mul3A_30 : i32
    %add3A_32 = arith.constant 480 : i32
    %add3A_33 = arith.addi %mul3A_31, %add3A_32 : i32
    "tpu.region"() ({
      %run_scoped3A = tpu.sem_alloc : memref<!tpu.dma_semaphore, #tpu.memory_space<semaphore_mem>>
      %dma_start3A = arith.constant 0 : i32
      %dma_start3A_58 = tpu.memref_slice %arg16[%add3A_33, %dma_start3A] : memref<10000x144xf32, #tpu.memory_space<vmem_shared>> -> memref<80x144xf32, #tpu.memory_space<vmem_shared>>
      %dma_start3A_59 = arith.constant 0 : i32
      %dma_start3A_60 = tpu.memref_slice %arg16[%add3A_33, %dma_start3A_59] : memref<10000x144xf32, #tpu.memory_space<vmem_shared>> -> memref<80x144xf32, #tpu.memory_space<vmem_shared>>
      tpu.enqueue_dma source(%arg14 : memref<80x144xf32, #tpu.memory_space<vmem>>) target(%dma_start3A_60 : memref<80x144xf32, #tpu.memory_space<vmem_shared>>) target_semaphore(%run_scoped3A : memref<!tpu.dma_semaphore, #tpu.memory_space<semaphore_mem>>)
      %dma_wait3A = arith.constant 0 : i32
      %dma_wait3A_61 = tpu.memref_slice %arg16[%add3A_33, %dma_wait3A] : memref<10000x144xf32, #tpu.memory_space<vmem_shared>> -> memref<80x144xf32, #tpu.memory_space<vmem_shared>>
      %dma_wait3A_62 = arith.constant 0 : i32
      %dma_wait3A_63 = tpu.memref_slice %arg16[%add3A_33, %dma_wait3A_62] : memref<10000x144xf32, #tpu.memory_space<vmem_shared>> -> memref<80x144xf32, #tpu.memory_space<vmem_shared>>
      tpu.wait_dma2 semaphore(%run_scoped3A : memref<!tpu.dma_semaphore, #tpu.memory_space<semaphore_mem>>) src(%arg14 : memref<80x144xf32, #tpu.memory_space<vmem>>) dst(%dma_wait3A_63 : memref<80x144xf32, #tpu.memory_space<vmem_shared>>)
      tpu.yield
    }) : () -> ()
    %mul3A_34 = arith.constant 625 : i32
    %mul3A_35 = arith.muli %arg1, %mul3A_34 : i32
    %add3A_36 = arith.constant 560 : i32
    %add3A_37 = arith.addi %mul3A_35, %add3A_36 : i32
    "tpu.region"() ({
      %run_scoped3A = tpu.sem_alloc : memref<!tpu.dma_semaphore, #tpu.memory_space<semaphore_mem>>
      %dma_start3A = arith.constant 0 : i32
      %dma_start3A_58 = arith.constant 0 : i32
      %dma_start3A_59 = tpu.memref_slice %arg14[%dma_start3A, %dma_start3A_58] : memref<80x144xf32, #tpu.memory_space<vmem>> -> memref<65x144xf32, #tpu.memory_space<vmem>>
      %dma_start3A_60 = arith.constant 0 : i32
      %dma_start3A_61 = tpu.memref_slice %arg16[%add3A_37, %dma_start3A_60] : memref<10000x144xf32, #tpu.memory_space<vmem_shared>> -> memref<65x144xf32, #tpu.memory_space<vmem_shared>>
      %dma_start3A_62 = arith.constant 0 : i32
      %dma_start3A_63 = tpu.memref_slice %arg16[%add3A_37, %dma_start3A_62] : memref<10000x144xf32, #tpu.memory_space<vmem_shared>> -> memref<65x144xf32, #tpu.memory_space<vmem_shared>>
      %dma_start3A_64 = arith.constant 0 : i32
      %dma_start3A_65 = arith.constant 0 : i32
      %dma_start3A_66 = tpu.memref_slice %arg14[%dma_start3A_64, %dma_start3A_65] : memref<80x144xf32, #tpu.memory_space<vmem>> -> memref<65x144xf32, #tpu.memory_space<vmem>>
      tpu.enqueue_dma source(%dma_start3A_66 : memref<65x144xf32, #tpu.memory_space<vmem>>) target(%dma_start3A_63 : memref<65x144xf32, #tpu.memory_space<vmem_shared>>) target_semaphore(%run_scoped3A : memref<!tpu.dma_semaphore, #tpu.memory_space<semaphore_mem>>)
      %dma_wait3A = arith.constant 0 : i32
      %dma_wait3A_67 = arith.constant 0 : i32
      %dma_wait3A_68 = tpu.memref_slice %arg14[%dma_wait3A, %dma_wait3A_67] : memref<80x144xf32, #tpu.memory_space<vmem>> -> memref<65x144xf32, #tpu.memory_space<vmem>>
      %dma_wait3A_69 = arith.constant 0 : i32
      %dma_wait3A_70 = tpu.memref_slice %arg16[%add3A_37, %dma_wait3A_69] : memref<10000x144xf32, #tpu.memory_space<vmem_shared>> -> memref<65x144xf32, #tpu.memory_space<vmem_shared>>
      %dma_wait3A_71 = arith.constant 0 : i32
      %dma_wait3A_72 = tpu.memref_slice %arg16[%add3A_37, %dma_wait3A_71] : memref<10000x144xf32, #tpu.memory_space<vmem_shared>> -> memref<65x144xf32, #tpu.memory_space<vmem_shared>>
      %dma_wait3A_73 = arith.constant 0 : i32
      %dma_wait3A_74 = arith.constant 0 : i32
      %dma_wait3A_75 = tpu.memref_slice %arg14[%dma_wait3A_73, %dma_wait3A_74] : memref<80x144xf32, #tpu.memory_space<vmem>> -> memref<65x144xf32, #tpu.memory_space<vmem>>
      tpu.wait_dma2 semaphore(%run_scoped3A : memref<!tpu.dma_semaphore, #tpu.memory_space<semaphore_mem>>) src(%dma_wait3A_75 : memref<65x144xf32, #tpu.memory_space<vmem>>) dst(%dma_wait3A_72 : memref<65x144xf32, #tpu.memory_space<vmem_shared>>)
      tpu.yield
    }) : () -> ()
    %barrier3A = arith.constant 0 : index
    tpu.barrier barrier_id(%barrier3A)
    %get3A = arith.constant 0 : index
    %get3A_38 = tpu.vector_load %arg11[%get3A] {strides = array<i32>} : memref<1024xf32, #tpu.memory_space<vmem>>, vector<16xf32>,
    %get3A_39 = arith.constant 512 : index
    %get3A_40 = tpu.vector_load %arg11[%get3A_39] {strides = array<i32>} : memref<1024xf32, #tpu.memory_space<vmem>>, vector<16xf32>,
    %add3A_41 = arith.addf %get3A_38, %get3A_40 : vector<16xf32>
    %gt3A = arith.constant 0.000000e+00 : f32
    %gt3A_42 = vector.broadcast %gt3A : f32 to vector<16xf32>
    %gt3A_43 = arith.cmpf ogt, %add3A_41, %gt3A_42 : vector<16xf32>
    %mul3A_44 = arith.constant 2.000000e-01 : f32
    %mul3A_45 = vector.broadcast %mul3A_44 : f32 to vector<16xf32>
    %mul3A_46 = arith.mulf %mul3A_45, %add3A_41 : vector<16xf32>
    %select_n3A = arith.select %gt3A_43, %add3A_41, %mul3A_46 : vector<16xi1>, vector<16xf32>
    %scan3A_47 = arith.constant 0 : i32
    %scan3A_48 = arith.constant 0 : i32
    %scan3A_49 = arith.constant 5 : i32
    %scan3A_50 = arith.addi %scan3A_48, %scan3A_49 : i32
    %scan3A_51 = arith.constant 1 : i32
    scf.for %scan3A_58 = %scan3A_48 to %scan3A_50 step %scan3A_51  : i32 {
      %mul3A_59 = arith.constant 25 : i32
      %mul3A_60 = arith.muli %scan3A_58, %mul3A_59 : i32
      "tpu.region"() ({
        %run_scoped3A = tpu.sem_alloc : memref<!tpu.dma_semaphore, #tpu.memory_space<semaphore_mem>>
        %dma_start3A = arith.constant 0 : i32
        %dma_start3A_69 = tpu.memref_slice %arg6[%add3A, %mul3A_60, %dma_start3A] : memref<32x125x80xi32, #tpu.memory_space<hbm>> -> memref<1x25x80xi32, #tpu.memory_space<hbm>>
        %dma_start3A_70 = tpu.memref_squeeze %dma_start3A_69 : memref<1x25x80xi32, #tpu.memory_space<hbm>> -> memref<25x80xi32, #tpu.memory_space<hbm>>
        %dma_start3A_71 = arith.constant 0 : i32
        %dma_start3A_72 = tpu.memref_slice %arg6[%add3A, %mul3A_60, %dma_start3A_71] : memref<32x125x80xi32, #tpu.memory_space<hbm>> -> memref<1x25x80xi32, #tpu.memory_space<hbm>>
        %dma_start3A_73 = tpu.memref_squeeze %dma_start3A_72 : memref<1x25x80xi32, #tpu.memory_space<hbm>> -> memref<25x80xi32, #tpu.memory_space<hbm>>
        tpu.enqueue_dma source(%dma_start3A_73 : memref<25x80xi32, #tpu.memory_space<hbm>>) target(%arg12 : memref<25x80xi32, #tpu.memory_space<vmem>>) target_semaphore(%run_scoped3A : memref<!tpu.dma_semaphore, #tpu.memory_space<semaphore_mem>>)
        %dma_wait3A = arith.constant 0 : i32
        %dma_wait3A_74 = tpu.memref_slice %arg6[%add3A, %mul3A_60, %dma_wait3A] : memref<32x125x80xi32, #tpu.memory_space<hbm>> -> memref<1x25x80xi32, #tpu.memory_space<hbm>>
        %dma_wait3A_75 = tpu.memref_squeeze %dma_wait3A_74 : memref<1x25x80xi32, #tpu.memory_space<hbm>> -> memref<25x80xi32, #tpu.memory_space<hbm>>
        %dma_wait3A_76 = arith.constant 0 : i32
        %dma_wait3A_77 = tpu.memref_slice %arg6[%add3A, %mul3A_60, %dma_wait3A_76] : memref<32x125x80xi32, #tpu.memory_space<hbm>> -> memref<1x25x80xi32, #tpu.memory_space<hbm>>
        %dma_wait3A_78 = tpu.memref_squeeze %dma_wait3A_77 : memref<1x25x80xi32, #tpu.memory_space<hbm>> -> memref<25x80xi32, #tpu.memory_space<hbm>>
        tpu.wait_dma2 semaphore(%run_scoped3A : memref<!tpu.dma_semaphore, #tpu.memory_space<semaphore_mem>>) src(%dma_wait3A_78 : memref<25x80xi32, #tpu.memory_space<hbm>>) dst(%arg12 : memref<25x80xi32, #tpu.memory_space<vmem>>)
        tpu.yield
      }) : () -> ()
      %mul3A_61 = arith.constant 25 : i32
      %mul3A_62 = arith.muli %scan3A_58, %mul3A_61 : i32
      "tpu.region"() ({
        %run_scoped3A = tpu.sem_alloc : memref<!tpu.dma_semaphore, #tpu.memory_space<semaphore_mem>>
        %dma_start3A = arith.constant 0 : i32
        %dma_start3A_69 = tpu.memref_slice %arg7[%add3A, %mul3A_62, %dma_start3A] : memref<32x125x80xi32, #tpu.memory_space<hbm>> -> memref<1x25x80xi32, #tpu.memory_space<hbm>>
        %dma_start3A_70 = tpu.memref_squeeze %dma_start3A_69 : memref<1x25x80xi32, #tpu.memory_space<hbm>> -> memref<25x80xi32, #tpu.memory_space<hbm>>
        %dma_start3A_71 = arith.constant 0 : i32
        %dma_start3A_72 = tpu.memref_slice %arg7[%add3A, %mul3A_62, %dma_start3A_71] : memref<32x125x80xi32, #tpu.memory_space<hbm>> -> memref<1x25x80xi32, #tpu.memory_space<hbm>>
        %dma_start3A_73 = tpu.memref_squeeze %dma_start3A_72 : memref<1x25x80xi32, #tpu.memory_space<hbm>> -> memref<25x80xi32, #tpu.memory_space<hbm>>
        tpu.enqueue_dma source(%dma_start3A_73 : memref<25x80xi32, #tpu.memory_space<hbm>>) target(%arg13 : memref<25x80xi32, #tpu.memory_space<vmem>>) target_semaphore(%run_scoped3A : memref<!tpu.dma_semaphore, #tpu.memory_space<semaphore_mem>>)
        %dma_wait3A = arith.constant 0 : i32
        %dma_wait3A_74 = tpu.memref_slice %arg7[%add3A, %mul3A_62, %dma_wait3A] : memref<32x125x80xi32, #tpu.memory_space<hbm>> -> memref<1x25x80xi32, #tpu.memory_space<hbm>>
        %dma_wait3A_75 = tpu.memref_squeeze %dma_wait3A_74 : memref<1x25x80xi32, #tpu.memory_space<hbm>> -> memref<25x80xi32, #tpu.memory_space<hbm>>
        %dma_wait3A_76 = arith.constant 0 : i32
        %dma_wait3A_77 = tpu.memref_slice %arg7[%add3A, %mul3A_62, %dma_wait3A_76] : memref<32x125x80xi32, #tpu.memory_space<hbm>> -> memref<1x25x80xi32, #tpu.memory_space<hbm>>
        %dma_wait3A_78 = tpu.memref_squeeze %dma_wait3A_77 : memref<1x25x80xi32, #tpu.memory_space<hbm>> -> memref<25x80xi32, #tpu.memory_space<hbm>>
        tpu.wait_dma2 semaphore(%run_scoped3A : memref<!tpu.dma_semaphore, #tpu.memory_space<semaphore_mem>>) src(%dma_wait3A_78 : memref<25x80xi32, #tpu.memory_space<hbm>>) dst(%arg13 : memref<25x80xi32, #tpu.memory_space<vmem>>)
        tpu.yield
      }) : () -> ()
      %scan3A_63 = arith.constant 0 : i32
      %scan3A_64 = arith.constant 0 : i32
      %scan3A_65 = arith.constant 25 : i32
      %scan3A_66 = arith.addi %scan3A_64, %scan3A_65 : i32
      %scan3A_67 = arith.constant 1 : i32
      scf.for %scan3A_69 = %scan3A_64 to %scan3A_66 step %scan3A_67  : i32 {
        %dma_start3A = arith.constant 0 : i32
        %dma_start3A_70 = tpu.memref_slice %arg12[%scan3A_69, %dma_start3A] : memref<25x80xi32, #tpu.memory_space<vmem>> -> memref<1x80xi32, #tpu.memory_space<vmem>>
        %dma_start3A_71 = tpu.memref_squeeze %dma_start3A_70 : memref<1x80xi32, #tpu.memory_space<vmem>> -> memref<80xi32, #tpu.memory_space<vmem>>
        %dma_start3A_72 = arith.constant 0 : i32
        %dma_start3A_73 = arith.constant 0 : i32
        %dma_start3A_74 = tpu.memref_slice %arg2[%dma_start3A_72, %dma_start3A_73] : memref<10000x144xf32, #tpu.memory_space<hbm>> -> memref<10000x144xf32, #tpu.memory_space<hbm>>
        tpu.enqueue_indirect_dma source(%dma_start3A_74 : memref<10000x144xf32, #tpu.memory_space<hbm>>) target(%arg14 : memref<80x144xf32, #tpu.memory_space<vmem>>) offsets(%dma_start3A_71 : memref<80xi32, #tpu.memory_space<vmem>>) semaphore(%arg17 : memref<!tpu.dma_semaphore, #tpu.memory_space<semaphore_mem>>)
        %dma_wait3A = arith.constant 0 : i32
        %dma_wait3A_75 = tpu.memref_slice %arg12[%scan3A_69, %dma_wait3A] : memref<25x80xi32, #tpu.memory_space<vmem>> -> memref<1x80xi32, #tpu.memory_space<vmem>>
        %dma_wait3A_76 = tpu.memref_squeeze %dma_wait3A_75 : memref<1x80xi32, #tpu.memory_space<vmem>> -> memref<80xi32, #tpu.memory_space<vmem>>
        %dma_wait3A_77 = arith.constant 0 : i32
        %dma_wait3A_78 = arith.constant 0 : i32
        %dma_wait3A_79 = tpu.memref_slice %arg2[%dma_wait3A_77, %dma_wait3A_78] : memref<10000x144xf32, #tpu.memory_space<hbm>> -> memref<10000x144xf32, #tpu.memory_space<hbm>>
        tpu.wait_indirect_dma semaphore(%arg17 : memref<!tpu.dma_semaphore, #tpu.memory_space<semaphore_mem>>) src(%dma_wait3A_79 : memref<10000x144xf32, #tpu.memory_space<hbm>>) dst(%arg14 : memref<80x144xf32, #tpu.memory_space<vmem>>)
        %get3A_80 = arith.index_cast %scan3A_69 : i32 to index
        %get3A_81 = arith.constant 0 : index
        %get3A_82 = tpu.vector_load %arg12[%get3A_80, %get3A_81] {strides = array<i32>} : memref<25x80xi32, #tpu.memory_space<vmem>>, vector<16xi32>,
        %get3A_83 = arith.index_cast %scan3A_69 : i32 to index
        %get3A_84 = arith.constant 0 : index
        %get3A_85 = tpu.vector_load %arg13[%get3A_83, %get3A_84] {strides = array<i32>} : memref<25x80xi32, #tpu.memory_space<vmem>>, vector<16xi32>,
        %gather3A = tpu.vector_load_idx %arg9[%get3A_82] : memref<10000xf32, #tpu.memory_space<vmem>>[vector<16xi32>], vector<16xf32>,
        %gather3A_86 = tpu.vector_load_idx %arg10[%get3A_85] : memref<10000xf32, #tpu.memory_space<vmem>>[vector<16xi32>], vector<16xf32>,
        %add3A_87 = arith.addf %gather3A, %gather3A_86 : vector<16xf32>
        %gt3A_88 = arith.constant 0.000000e+00 : f32
        %gt3A_89 = vector.broadcast %gt3A_88 : f32 to vector<16xf32>
        %gt3A_90 = arith.cmpf ogt, %add3A_87, %gt3A_89 : vector<16xf32>
        %mul3A_91 = arith.constant 2.000000e-01 : f32
        %mul3A_92 = vector.broadcast %mul3A_91 : f32 to vector<16xf32>
        %mul3A_93 = arith.mulf %mul3A_92, %add3A_87 : vector<16xf32>
        %select_n3A_94 = arith.select %gt3A_90, %add3A_87, %mul3A_93 : vector<16xi1>, vector<16xf32>
        %sub3A = arith.subf %select_n3A_94, %select_n3A : vector<16xf32>
        %exp3A = math.exp %sub3A : vector<16xf32>
        %swap3A = arith.constant 0 : index
        %swap3A_95 = tpu.vector_load %arg15[%swap3A] {strides = array<i32>} : memref<128xf32, #tpu.memory_space<vmem>>, vector<16xf32>,
        tpu.vector_store %arg15[%swap3A], %exp3A {strides = array<i32>} : memref<128xf32, #tpu.memory_space<vmem>>, vector<16xf32>,
        %get3A_96 = arith.index_cast %scan3A_69 : i32 to index
        %get3A_97 = arith.constant 16 : index
        %get3A_98 = tpu.vector_load %arg12[%get3A_96, %get3A_97] {strides = array<i32>} : memref<25x80xi32, #tpu.memory_space<vmem>>, vector<16xi32>,
        %get3A_99 = arith.index_cast %scan3A_69 : i32 to index
        %get3A_100 = arith.constant 16 : index
        %get3A_101 = tpu.vector_load %arg13[%get3A_99, %get3A_100] {strides = array<i32>} : memref<25x80xi32, #tpu.memory_space<vmem>>, vector<16xi32>,
        %gather3A_102 = tpu.vector_load_idx %arg9[%get3A_98] : memref<10000xf32, #tpu.memory_space<vmem>>[vector<16xi32>], vector<16xf32>,
        %gather3A_103 = tpu.vector_load_idx %arg10[%get3A_101] : memref<10000xf32, #tpu.memory_space<vmem>>[vector<16xi32>], vector<16xf32>,
        %add3A_104 = arith.addf %gather3A_102, %gather3A_103 : vector<16xf32>
        %gt3A_105 = arith.constant 0.000000e+00 : f32
        %gt3A_106 = vector.broadcast %gt3A_105 : f32 to vector<16xf32>
        %gt3A_107 = arith.cmpf ogt, %add3A_104, %gt3A_106 : vector<16xf32>
        %mul3A_108 = arith.constant 2.000000e-01 : f32
        %mul3A_109 = vector.broadcast %mul3A_108 : f32 to vector<16xf32>
        %mul3A_110 = arith.mulf %mul3A_109, %add3A_104 : vector<16xf32>
        %select_n3A_111 = arith.select %gt3A_107, %add3A_104, %mul3A_110 : vector<16xi1>, vector<16xf32>
        %sub3A_112 = arith.subf %select_n3A_111, %select_n3A : vector<16xf32>
        %exp3A_113 = math.exp %sub3A_112 : vector<16xf32>
        %swap3A_114 = arith.constant 16 : index
        %swap3A_115 = tpu.vector_load %arg15[%swap3A_114] {strides = array<i32>} : memref<128xf32, #tpu.memory_space<vmem>>, vector<16xf32>,
        tpu.vector_store %arg15[%swap3A_114], %exp3A_113 {strides = array<i32>} : memref<128xf32, #tpu.memory_space<vmem>>, vector<16xf32>,
        %get3A_116 = arith.index_cast %scan3A_69 : i32 to index
        %get3A_117 = arith.constant 32 : index
        %get3A_118 = tpu.vector_load %arg12[%get3A_116, %get3A_117] {strides = array<i32>} : memref<25x80xi32, #tpu.memory_space<vmem>>, vector<16xi32>,
        %get3A_119 = arith.index_cast %scan3A_69 : i32 to index
        %get3A_120 = arith.constant 32 : index
        %get3A_121 = tpu.vector_load %arg13[%get3A_119, %get3A_120] {strides = array<i32>} : memref<25x80xi32, #tpu.memory_space<vmem>>, vector<16xi32>,
        %gather3A_122 = tpu.vector_load_idx %arg9[%get3A_118] : memref<10000xf32, #tpu.memory_space<vmem>>[vector<16xi32>], vector<16xf32>,
        %gather3A_123 = tpu.vector_load_idx %arg10[%get3A_121] : memref<10000xf32, #tpu.memory_space<vmem>>[vector<16xi32>], vector<16xf32>,
        %add3A_124 = arith.addf %gather3A_122, %gather3A_123 : vector<16xf32>
        %gt3A_125 = arith.constant 0.000000e+00 : f32
        %gt3A_126 = vector.broadcast %gt3A_125 : f32 to vector<16xf32>
        %gt3A_127 = arith.cmpf ogt, %add3A_124, %gt3A_126 : vector<16xf32>
        %mul3A_128 = arith.constant 2.000000e-01 : f32
        %mul3A_129 = vector.broadcast %mul3A_128 : f32 to vector<16xf32>
        %mul3A_130 = arith.mulf %mul3A_129, %add3A_124 : vector<16xf32>
        %select_n3A_131 = arith.select %gt3A_127, %add3A_124, %mul3A_130 : vector<16xi1>, vector<16xf32>
        %sub3A_132 = arith.subf %select_n3A_131, %select_n3A : vector<16xf32>
        %exp3A_133 = math.exp %sub3A_132 : vector<16xf32>
        %swap3A_134 = arith.constant 32 : index
        %swap3A_135 = tpu.vector_load %arg15[%swap3A_134] {strides = array<i32>} : memref<128xf32, #tpu.memory_space<vmem>>, vector<16xf32>,
        tpu.vector_store %arg15[%swap3A_134], %exp3A_133 {strides = array<i32>} : memref<128xf32, #tpu.memory_space<vmem>>, vector<16xf32>,
        %get3A_136 = arith.index_cast %scan3A_69 : i32 to index
        %get3A_137 = arith.constant 48 : index
        %get3A_138 = tpu.vector_load %arg12[%get3A_136, %get3A_137] {strides = array<i32>} : memref<25x80xi32, #tpu.memory_space<vmem>>, vector<16xi32>,
        %get3A_139 = arith.index_cast %scan3A_69 : i32 to index
        %get3A_140 = arith.constant 48 : index
        %get3A_141 = tpu.vector_load %arg13[%get3A_139, %get3A_140] {strides = array<i32>} : memref<25x80xi32, #tpu.memory_space<vmem>>, vector<16xi32>,
        %gather3A_142 = tpu.vector_load_idx %arg9[%get3A_138] : memref<10000xf32, #tpu.memory_space<vmem>>[vector<16xi32>], vector<16xf32>,
        %gather3A_143 = tpu.vector_load_idx %arg10[%get3A_141] : memref<10000xf32, #tpu.memory_space<vmem>>[vector<16xi32>], vector<16xf32>,
        %add3A_144 = arith.addf %gather3A_142, %gather3A_143 : vector<16xf32>
        %gt3A_145 = arith.constant 0.000000e+00 : f32
        %gt3A_146 = vector.broadcast %gt3A_145 : f32 to vector<16xf32>
        %gt3A_147 = arith.cmpf ogt, %add3A_144, %gt3A_146 : vector<16xf32>
        %mul3A_148 = arith.constant 2.000000e-01 : f32
        %mul3A_149 = vector.broadcast %mul3A_148 : f32 to vector<16xf32>
        %mul3A_150 = arith.mulf %mul3A_149, %add3A_144 : vector<16xf32>
        %select_n3A_151 = arith.select %gt3A_147, %add3A_144, %mul3A_150 : vector<16xi1>, vector<16xf32>
        %sub3A_152 = arith.subf %select_n3A_151, %select_n3A : vector<16xf32>
        %exp3A_153 = math.exp %sub3A_152 : vector<16xf32>
        %swap3A_154 = arith.constant 48 : index
        %swap3A_155 = tpu.vector_load %arg15[%swap3A_154] {strides = array<i32>} : memref<128xf32, #tpu.memory_space<vmem>>, vector<16xf32>,
        tpu.vector_store %arg15[%swap3A_154], %exp3A_153 {strides = array<i32>} : memref<128xf32, #tpu.memory_space<vmem>>, vector<16xf32>,
        %get3A_156 = arith.index_cast %scan3A_69 : i32 to index
        %get3A_157 = arith.constant 64 : index
        %get3A_158 = tpu.vector_load %arg12[%get3A_156, %get3A_157] {strides = array<i32>} : memref<25x80xi32, #tpu.memory_space<vmem>>, vector<16xi32>,
        %get3A_159 = arith.index_cast %scan3A_69 : i32 to index
        %get3A_160 = arith.constant 64 : index
        %get3A_161 = tpu.vector_load %arg13[%get3A_159, %get3A_160] {strides = array<i32>} : memref<25x80xi32, #tpu.memory_space<vmem>>, vector<16xi32>,
        %gather3A_162 = tpu.vector_load_idx %arg9[%get3A_158] : memref<10000xf32, #tpu.memory_space<vmem>>[vector<16xi32>], vector<16xf32>,
        %gather3A_163 = tpu.vector_load_idx %arg10[%get3A_161] : memref<10000xf32, #tpu.memory_space<vmem>>[vector<16xi32>], vector<16xf32>,
        %add3A_164 = arith.addf %gather3A_162, %gather3A_163 : vector<16xf32>
        %gt3A_165 = arith.constant 0.000000e+00 : f32
        %gt3A_166 = vector.broadcast %gt3A_165 : f32 to vector<16xf32>
        %gt3A_167 = arith.cmpf ogt, %add3A_164, %gt3A_166 : vector<16xf32>
        %mul3A_168 = arith.constant 2.000000e-01 : f32
        %mul3A_169 = vector.broadcast %mul3A_168 : f32 to vector<16xf32>
        %mul3A_170 = arith.mulf %mul3A_169, %add3A_164 : vector<16xf32>
        %select_n3A_171 = arith.select %gt3A_167, %add3A_164, %mul3A_170 : vector<16xi1>, vector<16xf32>
        %sub3A_172 = arith.subf %select_n3A_171, %select_n3A : vector<16xf32>
        %exp3A_173 = math.exp %sub3A_172 : vector<16xf32>
        %swap3A_174 = arith.constant 64 : index
        %swap3A_175 = tpu.vector_load %arg15[%swap3A_174] {strides = array<i32>} : memref<128xf32, #tpu.memory_space<vmem>>, vector<16xf32>,
        tpu.vector_store %arg15[%swap3A_174], %exp3A_173 {strides = array<i32>} : memref<128xf32, #tpu.memory_space<vmem>>, vector<16xf32>,
        %scan3A_176 = arith.constant 0 : i32
        %scan3A_177 = arith.constant 0 : i32
        %scan3A_178 = arith.constant 20 : i32
        %scan3A_179 = arith.addi %scan3A_177, %scan3A_178 : i32
        %scan3A_180 = arith.constant 1 : i32
        scf.for %scan3A_182 = %scan3A_177 to %scan3A_179 step %scan3A_180  : i32 {
          %mul3A_183 = arith.constant 4 : i32
          %mul3A_184 = arith.muli %scan3A_182, %mul3A_183 : i32
          %add3A_185 = arith.constant 0 : i32
          %add3A_186 = arith.addi %mul3A_184, %add3A_185 : i32
          %broadcast_in_dim3A = vector.broadcast %add3A_186 : i32 to vector<16xi32>
          %gather3A_187 = tpu.vector_load_idx %arg15[%broadcast_in_dim3A] : memref<128xf32, #tpu.memory_space<vmem>>[vector<16xi32>], vector<16xf32>,
          %get3A_188 = arith.index_cast %add3A_186 : i32 to index
          %get3A_189 = arith.constant 0 : index
          %get3A_190 = tpu.vector_load %arg14[%get3A_188, %get3A_189] {strides = array<i32>} : memref<80x144xf32, #tpu.memory_space<vmem>>, vector<16xf32>,
          %mul3A_191 = arith.mulf %get3A_190, %gather3A_187 : vector<16xf32>
          %swap3A_192 = arith.index_cast %add3A_186 : i32 to index
          %swap3A_193 = arith.constant 0 : index
          %swap3A_194 = tpu.vector_load %arg14[%swap3A_192, %swap3A_193] {strides = array<i32>} : memref<80x144xf32, #tpu.memory_space<vmem>>, vector<16xf32>,
          tpu.vector_store %arg14[%swap3A_192, %swap3A_193], %mul3A_191 {strides = array<i32>} : memref<80x144xf32, #tpu.memory_space<vmem>>, vector<16xf32>,
          %get3A_195 = arith.index_cast %add3A_186 : i32 to index
          %get3A_196 = arith.constant 16 : index
          %get3A_197 = tpu.vector_load %arg14[%get3A_195, %get3A_196] {strides = array<i32>} : memref<80x144xf32, #tpu.memory_space<vmem>>, vector<16xf32>,
          %mul3A_198 = arith.mulf %get3A_197, %gather3A_187 : vector<16xf32>
          %swap3A_199 = arith.index_cast %add3A_186 : i32 to index
          %swap3A_200 = arith.constant 16 : index
          %swap3A_201 = tpu.vector_load %arg14[%swap3A_199, %swap3A_200] {strides = array<i32>} : memref<80x144xf32, #tpu.memory_space<vmem>>, vector<16xf32>,
          tpu.vector_store %arg14[%swap3A_199, %swap3A_200], %mul3A_198 {strides = array<i32>} : memref<80x144xf32, #tpu.memory_space<vmem>>, vector<16xf32>,
          %get3A_202 = arith.index_cast %add3A_186 : i32 to index
          %get3A_203 = arith.constant 32 : index
          %get3A_204 = tpu.vector_load %arg14[%get3A_202, %get3A_203] {strides = array<i32>} : memref<80x144xf32, #tpu.memory_space<vmem>>, vector<16xf32>,
          %mul3A_205 = arith.mulf %get3A_204, %gather3A_187 : vector<16xf32>
          %swap3A_206 = arith.index_cast %add3A_186 : i32 to index
          %swap3A_207 = arith.constant 32 : index
          %swap3A_208 = tpu.vector_load %arg14[%swap3A_206, %swap3A_207] {strides = array<i32>} : memref<80x144xf32, #tpu.memory_space<vmem>>, vector<16xf32>,
          tpu.vector_store %arg14[%swap3A_206, %swap3A_207], %mul3A_205 {strides = array<i32>} : memref<80x144xf32, #tpu.memory_space<vmem>>, vector<16xf32>,
          %get3A_209 = arith.index_cast %add3A_186 : i32 to index
          %get3A_210 = arith.constant 48 : index
          %get3A_211 = tpu.vector_load %arg14[%get3A_209, %get3A_210] {strides = array<i32>} : memref<80x144xf32, #tpu.memory_space<vmem>>, vector<16xf32>,
          %mul3A_212 = arith.mulf %get3A_211, %gather3A_187 : vector<16xf32>
          %swap3A_213 = arith.index_cast %add3A_186 : i32 to index
          %swap3A_214 = arith.constant 48 : index
          %swap3A_215 = tpu.vector_load %arg14[%swap3A_213, %swap3A_214] {strides = array<i32>} : memref<80x144xf32, #tpu.memory_space<vmem>>, vector<16xf32>,
          tpu.vector_store %arg14[%swap3A_213, %swap3A_214], %mul3A_212 {strides = array<i32>} : memref<80x144xf32, #tpu.memory_space<vmem>>, vector<16xf32>,
          %get3A_216 = arith.index_cast %add3A_186 : i32 to index
          %get3A_217 = arith.constant 64 : index
          %get3A_218 = tpu.vector_load %arg14[%get3A_216, %get3A_217] {strides = array<i32>} : memref<80x144xf32, #tpu.memory_space<vmem>>, vector<16xf32>,
          %mul3A_219 = arith.mulf %get3A_218, %gather3A_187 : vector<16xf32>
          %swap3A_220 = arith.index_cast %add3A_186 : i32 to index
          %swap3A_221 = arith.constant 64 : index
          %swap3A_222 = tpu.vector_load %arg14[%swap3A_220, %swap3A_221] {strides = array<i32>} : memref<80x144xf32, #tpu.memory_space<vmem>>, vector<16xf32>,
          tpu.vector_store %arg14[%swap3A_220, %swap3A_221], %mul3A_219 {strides = array<i32>} : memref<80x144xf32, #tpu.memory_space<vmem>>, vector<16xf32>,
          %get3A_223 = arith.index_cast %add3A_186 : i32 to index
          %get3A_224 = arith.constant 80 : index
          %get3A_225 = tpu.vector_load %arg14[%get3A_223, %get3A_224] {strides = array<i32>} : memref<80x144xf32, #tpu.memory_space<vmem>>, vector<16xf32>,
          %mul3A_226 = arith.mulf %get3A_225, %gather3A_187 : vector<16xf32>
          %swap3A_227 = arith.index_cast %add3A_186 : i32 to index
          %swap3A_228 = arith.constant 80 : index
          %swap3A_229 = tpu.vector_load %arg14[%swap3A_227, %swap3A_228] {strides = array<i32>} : memref<80x144xf32, #tpu.memory_space<vmem>>, vector<16xf32>,
          tpu.vector_store %arg14[%swap3A_227, %swap3A_228], %mul3A_226 {strides = array<i32>} : memref<80x144xf32, #tpu.memory_space<vmem>>, vector<16xf32>,
          %get3A_230 = arith.index_cast %add3A_186 : i32 to index
          %get3A_231 = arith.constant 96 : index
          %get3A_232 = tpu.vector_load %arg14[%get3A_230, %get3A_231] {strides = array<i32>} : memref<80x144xf32, #tpu.memory_space<vmem>>, vector<16xf32>,
          %mul3A_233 = arith.mulf %get3A_232, %gather3A_187 : vector<16xf32>
          %swap3A_234 = arith.index_cast %add3A_186 : i32 to index
          %swap3A_235 = arith.constant 96 : index
          %swap3A_236 = tpu.vector_load %arg14[%swap3A_234, %swap3A_235] {strides = array<i32>} : memref<80x144xf32, #tpu.memory_space<vmem>>, vector<16xf32>,
          tpu.vector_store %arg14[%swap3A_234, %swap3A_235], %mul3A_233 {strides = array<i32>} : memref<80x144xf32, #tpu.memory_space<vmem>>, vector<16xf32>,
          %get3A_237 = arith.index_cast %add3A_186 : i32 to index
          %get3A_238 = arith.constant 112 : index
          %get3A_239 = tpu.vector_load %arg14[%get3A_237, %get3A_238] {strides = array<i32>} : memref<80x144xf32, #tpu.memory_space<vmem>>, vector<16xf32>,
          %mul3A_240 = arith.mulf %get3A_239, %gather3A_187 : vector<16xf32>
          %swap3A_241 = arith.index_cast %add3A_186 : i32 to index
          %swap3A_242 = arith.constant 112 : index
          %swap3A_243 = tpu.vector_load %arg14[%swap3A_241, %swap3A_242] {strides = array<i32>} : memref<80x144xf32, #tpu.memory_space<vmem>>, vector<16xf32>,
          tpu.vector_store %arg14[%swap3A_241, %swap3A_242], %mul3A_240 {strides = array<i32>} : memref<80x144xf32, #tpu.memory_space<vmem>>, vector<16xf32>,
          %get3A_244 = arith.index_cast %add3A_186 : i32 to index
          %get3A_245 = arith.constant 128 : index
          %get3A_246 = tpu.vector_load %arg14[%get3A_244, %get3A_245] {strides = array<i32>} : memref<80x144xf32, #tpu.memory_space<vmem>>, vector<16xf32>,
          %mul3A_247 = arith.mulf %get3A_246, %gather3A_187 : vector<16xf32>
          %swap3A_248 = arith.index_cast %add3A_186 : i32 to index
          %swap3A_249 = arith.constant 128 : index
          %swap3A_250 = tpu.vector_load %arg14[%swap3A_248, %swap3A_249] {strides = array<i32>} : memref<80x144xf32, #tpu.memory_space<vmem>>, vector<16xf32>,
          tpu.vector_store %arg14[%swap3A_248, %swap3A_249], %mul3A_247 {strides = array<i32>} : memref<80x144xf32, #tpu.memory_space<vmem>>, vector<16xf32>,
          %mul3A_251 = arith.constant 4 : i32
          %mul3A_252 = arith.muli %scan3A_182, %mul3A_251 : i32
          %add3A_253 = arith.constant 1 : i32
          %add3A_254 = arith.addi %mul3A_252, %add3A_253 : i32
          %broadcast_in_dim3A_255 = vector.broadcast %add3A_254 : i32 to vector<16xi32>
          %gather3A_256 = tpu.vector_load_idx %arg15[%broadcast_in_dim3A_255] : memref<128xf32, #tpu.memory_space<vmem>>[vector<16xi32>], vector<16xf32>,
          %get3A_257 = arith.index_cast %add3A_254 : i32 to index
          %get3A_258 = arith.constant 0 : index
          %get3A_259 = tpu.vector_load %arg14[%get3A_257, %get3A_258] {strides = array<i32>} : memref<80x144xf32, #tpu.memory_space<vmem>>, vector<16xf32>,
          %mul3A_260 = arith.mulf %get3A_259, %gather3A_256 : vector<16xf32>
          %swap3A_261 = arith.index_cast %add3A_254 : i32 to index
          %swap3A_262 = arith.constant 0 : index
          %swap3A_263 = tpu.vector_load %arg14[%swap3A_261, %swap3A_262] {strides = array<i32>} : memref<80x144xf32, #tpu.memory_space<vmem>>, vector<16xf32>,
          tpu.vector_store %arg14[%swap3A_261, %swap3A_262], %mul3A_260 {strides = array<i32>} : memref<80x144xf32, #tpu.memory_space<vmem>>, vector<16xf32>,
          %get3A_264 = arith.index_cast %add3A_254 : i32 to index
          %get3A_265 = arith.constant 16 : index
          %get3A_266 = tpu.vector_load %arg14[%get3A_264, %get3A_265] {strides = array<i32>} : memref<80x144xf32, #tpu.memory_space<vmem>>, vector<16xf32>,
          %mul3A_267 = arith.mulf %get3A_266, %gather3A_256 : vector<16xf32>
          %swap3A_268 = arith.index_cast %add3A_254 : i32 to index
          %swap3A_269 = arith.constant 16 : index
          %swap3A_270 = tpu.vector_load %arg14[%swap3A_268, %swap3A_269] {strides = array<i32>} : memref<80x144xf32, #tpu.memory_space<vmem>>, vector<16xf32>,
          tpu.vector_store %arg14[%swap3A_268, %swap3A_269], %mul3A_267 {strides = array<i32>} : memref<80x144xf32, #tpu.memory_space<vmem>>, vector<16xf32>,
          %get3A_271 = arith.index_cast %add3A_254 : i32 to index
          %get3A_272 = arith.constant 32 : index
          %get3A_273 = tpu.vector_load %arg14[%get3A_271, %get3A_272] {strides = array<i32>} : memref<80x144xf32, #tpu.memory_space<vmem>>, vector<16xf32>,
          %mul3A_274 = arith.mulf %get3A_273, %gather3A_256 : vector<16xf32>
          %swap3A_275 = arith.index_cast %add3A_254 : i32 to index
          %swap3A_276 = arith.constant 32 : index
          %swap3A_277 = tpu.vector_load %arg14[%swap3A_275, %swap3A_276] {strides = array<i32>} : memref<80x144xf32, #tpu.memory_space<vmem>>, vector<16xf32>,
          tpu.vector_store %arg14[%swap3A_275, %swap3A_276], %mul3A_274 {strides = array<i32>} : memref<80x144xf32, #tpu.memory_space<vmem>>, vector<16xf32>,
          %get3A_278 = arith.index_cast %add3A_254 : i32 to index
          %get3A_279 = arith.constant 48 : index
          %get3A_280 = tpu.vector_load %arg14[%get3A_278, %get3A_279] {strides = array<i32>} : memref<80x144xf32, #tpu.memory_space<vmem>>, vector<16xf32>,
          %mul3A_281 = arith.mulf %get3A_280, %gather3A_256 : vector<16xf32>
          %swap3A_282 = arith.index_cast %add3A_254 : i32 to index
          %swap3A_283 = arith.constant 48 : index
          %swap3A_284 = tpu.vector_load %arg14[%swap3A_282, %swap3A_283] {strides = array<i32>} : memref<80x144xf32, #tpu.memory_space<vmem>>, vector<16xf32>,
          tpu.vector_store %arg14[%swap3A_282, %swap3A_283], %mul3A_281 {strides = array<i32>} : memref<80x144xf32, #tpu.memory_space<vmem>>, vector<16xf32>,
          %get3A_285 = arith.index_cast %add3A_254 : i32 to index
          %get3A_286 = arith.constant 64 : index
          %get3A_287 = tpu.vector_load %arg14[%get3A_285, %get3A_286] {strides = array<i32>} : memref<80x144xf32, #tpu.memory_space<vmem>>, vector<16xf32>,
          %mul3A_288 = arith.mulf %get3A_287, %gather3A_256 : vector<16xf32>
          %swap3A_289 = arith.index_cast %add3A_254 : i32 to index
          %swap3A_290 = arith.constant 64 : index
          %swap3A_291 = tpu.vector_load %arg14[%swap3A_289, %swap3A_290] {strides = array<i32>} : memref<80x144xf32, #tpu.memory_space<vmem>>, vector<16xf32>,
          tpu.vector_store %arg14[%swap3A_289, %swap3A_290], %mul3A_288 {strides = array<i32>} : memref<80x144xf32, #tpu.memory_space<vmem>>, vector<16xf32>,
          %get3A_292 = arith.index_cast %add3A_254 : i32 to index
          %get3A_293 = arith.constant 80 : index
          %get3A_294 = tpu.vector_load %arg14[%get3A_292, %get3A_293] {strides = array<i32>} : memref<80x144xf32, #tpu.memory_space<vmem>>, vector<16xf32>,
          %mul3A_295 = arith.mulf %get3A_294, %gather3A_256 : vector<16xf32>
          %swap3A_296 = arith.index_cast %add3A_254 : i32 to index
          %swap3A_297 = arith.constant 80 : index
          %swap3A_298 = tpu.vector_load %arg14[%swap3A_296, %swap3A_297] {strides = array<i32>} : memref<80x144xf32, #tpu.memory_space<vmem>>, vector<16xf32>,
          tpu.vector_store %arg14[%swap3A_296, %swap3A_297], %mul3A_295 {strides = array<i32>} : memref<80x144xf32, #tpu.memory_space<vmem>>, vector<16xf32>,
          %get3A_299 = arith.index_cast %add3A_254 : i32 to index
          %get3A_300 = arith.constant 96 : index
          %get3A_301 = tpu.vector_load %arg14[%get3A_299, %get3A_300] {strides = array<i32>} : memref<80x144xf32, #tpu.memory_space<vmem>>, vector<16xf32>,
          %mul3A_302 = arith.mulf %get3A_301, %gather3A_256 : vector<16xf32>
          %swap3A_303 = arith.index_cast %add3A_254 : i32 to index
          %swap3A_304 = arith.constant 96 : index
          %swap3A_305 = tpu.vector_load %arg14[%swap3A_303, %swap3A_304] {strides = array<i32>} : memref<80x144xf32, #tpu.memory_space<vmem>>, vector<16xf32>,
          tpu.vector_store %arg14[%swap3A_303, %swap3A_304], %mul3A_302 {strides = array<i32>} : memref<80x144xf32, #tpu.memory_space<vmem>>, vector<16xf32>,
          %get3A_306 = arith.index_cast %add3A_254 : i32 to index
          %get3A_307 = arith.constant 112 : index
          %get3A_308 = tpu.vector_load %arg14[%get3A_306, %get3A_307] {strides = array<i32>} : memref<80x144xf32, #tpu.memory_space<vmem>>, vector<16xf32>,
          %mul3A_309 = arith.mulf %get3A_308, %gather3A_256 : vector<16xf32>
          %swap3A_310 = arith.index_cast %add3A_254 : i32 to index
          %swap3A_311 = arith.constant 112 : index
          %swap3A_312 = tpu.vector_load %arg14[%swap3A_310, %swap3A_311] {strides = array<i32>} : memref<80x144xf32, #tpu.memory_space<vmem>>, vector<16xf32>,
          tpu.vector_store %arg14[%swap3A_310, %swap3A_311], %mul3A_309 {strides = array<i32>} : memref<80x144xf32, #tpu.memory_space<vmem>>, vector<16xf32>,
          %get3A_313 = arith.index_cast %add3A_254 : i32 to index
          %get3A_314 = arith.constant 128 : index
          %get3A_315 = tpu.vector_load %arg14[%get3A_313, %get3A_314] {strides = array<i32>} : memref<80x144xf32, #tpu.memory_space<vmem>>, vector<16xf32>,
          %mul3A_316 = arith.mulf %get3A_315, %gather3A_256 : vector<16xf32>
          %swap3A_317 = arith.index_cast %add3A_254 : i32 to index
          %swap3A_318 = arith.constant 128 : index
          %swap3A_319 = tpu.vector_load %arg14[%swap3A_317, %swap3A_318] {strides = array<i32>} : memref<80x144xf32, #tpu.memory_space<vmem>>, vector<16xf32>,
          tpu.vector_store %arg14[%swap3A_317, %swap3A_318], %mul3A_316 {strides = array<i32>} : memref<80x144xf32, #tpu.memory_space<vmem>>, vector<16xf32>,
          %mul3A_320 = arith.constant 4 : i32
          %mul3A_321 = arith.muli %scan3A_182, %mul3A_320 : i32
          %add3A_322 = arith.constant 2 : i32
          %add3A_323 = arith.addi %mul3A_321, %add3A_322 : i32
          %broadcast_in_dim3A_324 = vector.broadcast %add3A_323 : i32 to vector<16xi32>
          %gather3A_325 = tpu.vector_load_idx %arg15[%broadcast_in_dim3A_324] : memref<128xf32, #tpu.memory_space<vmem>>[vector<16xi32>], vector<16xf32>,
          %get3A_326 = arith.index_cast %add3A_323 : i32 to index
          %get3A_327 = arith.constant 0 : index
          %get3A_328 = tpu.vector_load %arg14[%get3A_326, %get3A_327] {strides = array<i32>} : memref<80x144xf32, #tpu.memory_space<vmem>>, vector<16xf32>,
          %mul3A_329 = arith.mulf %get3A_328, %gather3A_325 : vector<16xf32>
          %swap3A_330 = arith.index_cast %add3A_323 : i32 to index
          %swap3A_331 = arith.constant 0 : index
          %swap3A_332 = tpu.vector_load %arg14[%swap3A_330, %swap3A_331] {strides = array<i32>} : memref<80x144xf32, #tpu.memory_space<vmem>>, vector<16xf32>,
          tpu.vector_store %arg14[%swap3A_330, %swap3A_331], %mul3A_329 {strides = array<i32>} : memref<80x144xf32, #tpu.memory_space<vmem>>, vector<16xf32>,
          %get3A_333 = arith.index_cast %add3A_323 : i32 to index
          %get3A_334 = arith.constant 16 : index
          %get3A_335 = tpu.vector_load %arg14[%get3A_333, %get3A_334] {strides = array<i32>} : memref<80x144xf32, #tpu.memory_space<vmem>>, vector<16xf32>,
          %mul3A_336 = arith.mulf %get3A_335, %gather3A_325 : vector<16xf32>
          %swap3A_337 = arith.index_cast %add3A_323 : i32 to index
          %swap3A_338 = arith.constant 16 : index
          %swap3A_339 = tpu.vector_load %arg14[%swap3A_337, %swap3A_338] {strides = array<i32>} : memref<80x144xf32, #tpu.memory_space<vmem>>, vector<16xf32>,
          tpu.vector_store %arg14[%swap3A_337, %swap3A_338], %mul3A_336 {strides = array<i32>} : memref<80x144xf32, #tpu.memory_space<vmem>>, vector<16xf32>,
          %get3A_340 = arith.index_cast %add3A_323 : i32 to index
          %get3A_341 = arith.constant 32 : index
          %get3A_342 = tpu.vector_load %arg14[%get3A_340, %get3A_341] {strides = array<i32>} : memref<80x144xf32, #tpu.memory_space<vmem>>, vector<16xf32>,
          %mul3A_343 = arith.mulf %get3A_342, %gather3A_325 : vector<16xf32>
          %swap3A_344 = arith.index_cast %add3A_323 : i32 to index
          %swap3A_345 = arith.constant 32 : index
          %swap3A_346 = tpu.vector_load %arg14[%swap3A_344, %swap3A_345] {strides = array<i32>} : memref<80x144xf32, #tpu.memory_space<vmem>>, vector<16xf32>,
          tpu.vector_store %arg14[%swap3A_344, %swap3A_345], %mul3A_343 {strides = array<i32>} : memref<80x144xf32, #tpu.memory_space<vmem>>, vector<16xf32>,
          %get3A_347 = arith.index_cast %add3A_323 : i32 to index
          %get3A_348 = arith.constant 48 : index
          %get3A_349 = tpu.vector_load %arg14[%get3A_347, %get3A_348] {strides = array<i32>} : memref<80x144xf32, #tpu.memory_space<vmem>>, vector<16xf32>,
          %mul3A_350 = arith.mulf %get3A_349, %gather3A_325 : vector<16xf32>
          %swap3A_351 = arith.index_cast %add3A_323 : i32 to index
          %swap3A_352 = arith.constant 48 : index
          %swap3A_353 = tpu.vector_load %arg14[%swap3A_351, %swap3A_352] {strides = array<i32>} : memref<80x144xf32, #tpu.memory_space<vmem>>, vector<16xf32>,
          tpu.vector_store %arg14[%swap3A_351, %swap3A_352], %mul3A_350 {strides = array<i32>} : memref<80x144xf32, #tpu.memory_space<vmem>>, vector<16xf32>,
          %get3A_354 = arith.index_cast %add3A_323 : i32 to index
          %get3A_355 = arith.constant 64 : index
          %get3A_356 = tpu.vector_load %arg14[%get3A_354, %get3A_355] {strides = array<i32>} : memref<80x144xf32, #tpu.memory_space<vmem>>, vector<16xf32>,
          %mul3A_357 = arith.mulf %get3A_356, %gather3A_325 : vector<16xf32>
          %swap3A_358 = arith.index_cast %add3A_323 : i32 to index
          %swap3A_359 = arith.constant 64 : index
          %swap3A_360 = tpu.vector_load %arg14[%swap3A_358, %swap3A_359] {strides = array<i32>} : memref<80x144xf32, #tpu.memory_space<vmem>>, vector<16xf32>,
          tpu.vector_store %arg14[%swap3A_358, %swap3A_359], %mul3A_357 {strides = array<i32>} : memref<80x144xf32, #tpu.memory_space<vmem>>, vector<16xf32>,
          %get3A_361 = arith.index_cast %add3A_323 : i32 to index
          %get3A_362 = arith.constant 80 : index
          %get3A_363 = tpu.vector_load %arg14[%get3A_361, %get3A_362] {strides = array<i32>} : memref<80x144xf32, #tpu.memory_space<vmem>>, vector<16xf32>,
          %mul3A_364 = arith.mulf %get3A_363, %gather3A_325 : vector<16xf32>
          %swap3A_365 = arith.index_cast %add3A_323 : i32 to index
          %swap3A_366 = arith.constant 80 : index
          %swap3A_367 = tpu.vector_load %arg14[%swap3A_365, %swap3A_366] {strides = array<i32>} : memref<80x144xf32, #tpu.memory_space<vmem>>, vector<16xf32>,
          tpu.vector_store %arg14[%swap3A_365, %swap3A_366], %mul3A_364 {strides = array<i32>} : memref<80x144xf32, #tpu.memory_space<vmem>>, vector<16xf32>,
          %get3A_368 = arith.index_cast %add3A_323 : i32 to index
          %get3A_369 = arith.constant 96 : index
          %get3A_370 = tpu.vector_load %arg14[%get3A_368, %get3A_369] {strides = array<i32>} : memref<80x144xf32, #tpu.memory_space<vmem>>, vector<16xf32>,
          %mul3A_371 = arith.mulf %get3A_370, %gather3A_325 : vector<16xf32>
          %swap3A_372 = arith.index_cast %add3A_323 : i32 to index
          %swap3A_373 = arith.constant 96 : index
          %swap3A_374 = tpu.vector_load %arg14[%swap3A_372, %swap3A_373] {strides = array<i32>} : memref<80x144xf32, #tpu.memory_space<vmem>>, vector<16xf32>,
          tpu.vector_store %arg14[%swap3A_372, %swap3A_373], %mul3A_371 {strides = array<i32>} : memref<80x144xf32, #tpu.memory_space<vmem>>, vector<16xf32>,
          %get3A_375 = arith.index_cast %add3A_323 : i32 to index
          %get3A_376 = arith.constant 112 : index
          %get3A_377 = tpu.vector_load %arg14[%get3A_375, %get3A_376] {strides = array<i32>} : memref<80x144xf32, #tpu.memory_space<vmem>>, vector<16xf32>,
          %mul3A_378 = arith.mulf %get3A_377, %gather3A_325 : vector<16xf32>
          %swap3A_379 = arith.index_cast %add3A_323 : i32 to index
          %swap3A_380 = arith.constant 112 : index
          %swap3A_381 = tpu.vector_load %arg14[%swap3A_379, %swap3A_380] {strides = array<i32>} : memref<80x144xf32, #tpu.memory_space<vmem>>, vector<16xf32>,
          tpu.vector_store %arg14[%swap3A_379, %swap3A_380], %mul3A_378 {strides = array<i32>} : memref<80x144xf32, #tpu.memory_space<vmem>>, vector<16xf32>,
          %get3A_382 = arith.index_cast %add3A_323 : i32 to index
          %get3A_383 = arith.constant 128 : index
          %get3A_384 = tpu.vector_load %arg14[%get3A_382, %get3A_383] {strides = array<i32>} : memref<80x144xf32, #tpu.memory_space<vmem>>, vector<16xf32>,
          %mul3A_385 = arith.mulf %get3A_384, %gather3A_325 : vector<16xf32>
          %swap3A_386 = arith.index_cast %add3A_323 : i32 to index
          %swap3A_387 = arith.constant 128 : index
          %swap3A_388 = tpu.vector_load %arg14[%swap3A_386, %swap3A_387] {strides = array<i32>} : memref<80x144xf32, #tpu.memory_space<vmem>>, vector<16xf32>,
          tpu.vector_store %arg14[%swap3A_386, %swap3A_387], %mul3A_385 {strides = array<i32>} : memref<80x144xf32, #tpu.memory_space<vmem>>, vector<16xf32>,
          %mul3A_389 = arith.constant 4 : i32
          %mul3A_390 = arith.muli %scan3A_182, %mul3A_389 : i32
          %add3A_391 = arith.constant 3 : i32
          %add3A_392 = arith.addi %mul3A_390, %add3A_391 : i32
          %broadcast_in_dim3A_393 = vector.broadcast %add3A_392 : i32 to vector<16xi32>
          %gather3A_394 = tpu.vector_load_idx %arg15[%broadcast_in_dim3A_393] : memref<128xf32, #tpu.memory_space<vmem>>[vector<16xi32>], vector<16xf32>,
          %get3A_395 = arith.index_cast %add3A_392 : i32 to index
          %get3A_396 = arith.constant 0 : index
          %get3A_397 = tpu.vector_load %arg14[%get3A_395, %get3A_396] {strides = array<i32>} : memref<80x144xf32, #tpu.memory_space<vmem>>, vector<16xf32>,
          %mul3A_398 = arith.mulf %get3A_397, %gather3A_394 : vector<16xf32>
          %swap3A_399 = arith.index_cast %add3A_392 : i32 to index
          %swap3A_400 = arith.constant 0 : index
          %swap3A_401 = tpu.vector_load %arg14[%swap3A_399, %swap3A_400] {strides = array<i32>} : memref<80x144xf32, #tpu.memory_space<vmem>>, vector<16xf32>,
          tpu.vector_store %arg14[%swap3A_399, %swap3A_400], %mul3A_398 {strides = array<i32>} : memref<80x144xf32, #tpu.memory_space<vmem>>, vector<16xf32>,
          %get3A_402 = arith.index_cast %add3A_392 : i32 to index
          %get3A_403 = arith.constant 16 : index
          %get3A_404 = tpu.vector_load %arg14[%get3A_402, %get3A_403] {strides = array<i32>} : memref<80x144xf32, #tpu.memory_space<vmem>>, vector<16xf32>,
          %mul3A_405 = arith.mulf %get3A_404, %gather3A_394 : vector<16xf32>
          %swap3A_406 = arith.index_cast %add3A_392 : i32 to index
          %swap3A_407 = arith.constant 16 : index
          %swap3A_408 = tpu.vector_load %arg14[%swap3A_406, %swap3A_407] {strides = array<i32>} : memref<80x144xf32, #tpu.memory_space<vmem>>, vector<16xf32>,
          tpu.vector_store %arg14[%swap3A_406, %swap3A_407], %mul3A_405 {strides = array<i32>} : memref<80x144xf32, #tpu.memory_space<vmem>>, vector<16xf32>,
          %get3A_409 = arith.index_cast %add3A_392 : i32 to index
          %get3A_410 = arith.constant 32 : index
          %get3A_411 = tpu.vector_load %arg14[%get3A_409, %get3A_410] {strides = array<i32>} : memref<80x144xf32, #tpu.memory_space<vmem>>, vector<16xf32>,
          %mul3A_412 = arith.mulf %get3A_411, %gather3A_394 : vector<16xf32>
          %swap3A_413 = arith.index_cast %add3A_392 : i32 to index
          %swap3A_414 = arith.constant 32 : index
          %swap3A_415 = tpu.vector_load %arg14[%swap3A_413, %swap3A_414] {strides = array<i32>} : memref<80x144xf32, #tpu.memory_space<vmem>>, vector<16xf32>,
          tpu.vector_store %arg14[%swap3A_413, %swap3A_414], %mul3A_412 {strides = array<i32>} : memref<80x144xf32, #tpu.memory_space<vmem>>, vector<16xf32>,
          %get3A_416 = arith.index_cast %add3A_392 : i32 to index
          %get3A_417 = arith.constant 48 : index
          %get3A_418 = tpu.vector_load %arg14[%get3A_416, %get3A_417] {strides = array<i32>} : memref<80x144xf32, #tpu.memory_space<vmem>>, vector<16xf32>,
          %mul3A_419 = arith.mulf %get3A_418, %gather3A_394 : vector<16xf32>
          %swap3A_420 = arith.index_cast %add3A_392 : i32 to index
          %swap3A_421 = arith.constant 48 : index
          %swap3A_422 = tpu.vector_load %arg14[%swap3A_420, %swap3A_421] {strides = array<i32>} : memref<80x144xf32, #tpu.memory_space<vmem>>, vector<16xf32>,
          tpu.vector_store %arg14[%swap3A_420, %swap3A_421], %mul3A_419 {strides = array<i32>} : memref<80x144xf32, #tpu.memory_space<vmem>>, vector<16xf32>,
          %get3A_423 = arith.index_cast %add3A_392 : i32 to index
          %get3A_424 = arith.constant 64 : index
          %get3A_425 = tpu.vector_load %arg14[%get3A_423, %get3A_424] {strides = array<i32>} : memref<80x144xf32, #tpu.memory_space<vmem>>, vector<16xf32>,
          %mul3A_426 = arith.mulf %get3A_425, %gather3A_394 : vector<16xf32>
          %swap3A_427 = arith.index_cast %add3A_392 : i32 to index
          %swap3A_428 = arith.constant 64 : index
          %swap3A_429 = tpu.vector_load %arg14[%swap3A_427, %swap3A_428] {strides = array<i32>} : memref<80x144xf32, #tpu.memory_space<vmem>>, vector<16xf32>,
          tpu.vector_store %arg14[%swap3A_427, %swap3A_428], %mul3A_426 {strides = array<i32>} : memref<80x144xf32, #tpu.memory_space<vmem>>, vector<16xf32>,
          %get3A_430 = arith.index_cast %add3A_392 : i32 to index
          %get3A_431 = arith.constant 80 : index
          %get3A_432 = tpu.vector_load %arg14[%get3A_430, %get3A_431] {strides = array<i32>} : memref<80x144xf32, #tpu.memory_space<vmem>>, vector<16xf32>,
          %mul3A_433 = arith.mulf %get3A_432, %gather3A_394 : vector<16xf32>
          %swap3A_434 = arith.index_cast %add3A_392 : i32 to index
          %swap3A_435 = arith.constant 80 : index
          %swap3A_436 = tpu.vector_load %arg14[%swap3A_434, %swap3A_435] {strides = array<i32>} : memref<80x144xf32, #tpu.memory_space<vmem>>, vector<16xf32>,
          tpu.vector_store %arg14[%swap3A_434, %swap3A_435], %mul3A_433 {strides = array<i32>} : memref<80x144xf32, #tpu.memory_space<vmem>>, vector<16xf32>,
          %get3A_437 = arith.index_cast %add3A_392 : i32 to index
          %get3A_438 = arith.constant 96 : index
          %get3A_439 = tpu.vector_load %arg14[%get3A_437, %get3A_438] {strides = array<i32>} : memref<80x144xf32, #tpu.memory_space<vmem>>, vector<16xf32>,
          %mul3A_440 = arith.mulf %get3A_439, %gather3A_394 : vector<16xf32>
          %swap3A_441 = arith.index_cast %add3A_392 : i32 to index
          %swap3A_442 = arith.constant 96 : index
          %swap3A_443 = tpu.vector_load %arg14[%swap3A_441, %swap3A_442] {strides = array<i32>} : memref<80x144xf32, #tpu.memory_space<vmem>>, vector<16xf32>,
          tpu.vector_store %arg14[%swap3A_441, %swap3A_442], %mul3A_440 {strides = array<i32>} : memref<80x144xf32, #tpu.memory_space<vmem>>, vector<16xf32>,
          %get3A_444 = arith.index_cast %add3A_392 : i32 to index
          %get3A_445 = arith.constant 112 : index
          %get3A_446 = tpu.vector_load %arg14[%get3A_444, %get3A_445] {strides = array<i32>} : memref<80x144xf32, #tpu.memory_space<vmem>>, vector<16xf32>,
          %mul3A_447 = arith.mulf %get3A_446, %gather3A_394 : vector<16xf32>
          %swap3A_448 = arith.index_cast %add3A_392 : i32 to index
          %swap3A_449 = arith.constant 112 : index
          %swap3A_450 = tpu.vector_load %arg14[%swap3A_448, %swap3A_449] {strides = array<i32>} : memref<80x144xf32, #tpu.memory_space<vmem>>, vector<16xf32>,
          tpu.vector_store %arg14[%swap3A_448, %swap3A_449], %mul3A_447 {strides = array<i32>} : memref<80x144xf32, #tpu.memory_space<vmem>>, vector<16xf32>,
          %get3A_451 = arith.index_cast %add3A_392 : i32 to index
          %get3A_452 = arith.constant 128 : index
          %get3A_453 = tpu.vector_load %arg14[%get3A_451, %get3A_452] {strides = array<i32>} : memref<80x144xf32, #tpu.memory_space<vmem>>, vector<16xf32>,
          %mul3A_454 = arith.mulf %get3A_453, %gather3A_394 : vector<16xf32>
          %swap3A_455 = arith.index_cast %add3A_392 : i32 to index
          %swap3A_456 = arith.constant 128 : index
          %swap3A_457 = tpu.vector_load %arg14[%swap3A_455, %swap3A_456] {strides = array<i32>} : memref<80x144xf32, #tpu.memory_space<vmem>>, vector<16xf32>,
          tpu.vector_store %arg14[%swap3A_455, %swap3A_456], %mul3A_454 {strides = array<i32>} : memref<80x144xf32, #tpu.memory_space<vmem>>, vector<16xf32>,
        }
        %scan3A_181 = arith.constant 20 : i32
        "tpu.region"() ({
          %run_scoped3A = tpu.sem_alloc : memref<!tpu.dma_semaphore, #tpu.memory_space<semaphore_mem>>
          %dma_start3A_182 = arith.constant 0 : i32
          %dma_start3A_183 = tpu.memref_slice %arg13[%scan3A_69, %dma_start3A_182] : memref<25x80xi32, #tpu.memory_space<vmem>> -> memref<1x80xi32, #tpu.memory_space<vmem>>
          %dma_start3A_184 = tpu.memref_squeeze %dma_start3A_183 : memref<1x80xi32, #tpu.memory_space<vmem>> -> memref<80xi32, #tpu.memory_space<vmem>>
          %dma_start3A_185 = arith.constant 0 : i32
          %dma_start3A_186 = arith.constant 0 : i32
          %dma_start3A_187 = tpu.memref_slice %arg16[%dma_start3A_185, %dma_start3A_186] : memref<10000x144xf32, #tpu.memory_space<vmem_shared>> -> memref<10000x144xf32, #tpu.memory_space<vmem_shared>>
          tpu.enqueue_indirect_dma source(%arg14 : memref<80x144xf32, #tpu.memory_space<vmem>>) target(%dma_start3A_187 : memref<10000x144xf32, #tpu.memory_space<vmem_shared>>) offsets(%dma_start3A_184 : memref<80xi32, #tpu.memory_space<vmem>>) semaphore(%run_scoped3A : memref<!tpu.dma_semaphore, #tpu.memory_space<semaphore_mem>>) {add = true}
          %dma_wait3A_188 = arith.constant 0 : i32
          %dma_wait3A_189 = tpu.memref_slice %arg13[%scan3A_69, %dma_wait3A_188] : memref<25x80xi32, #tpu.memory_space<vmem>> -> memref<1x80xi32, #tpu.memory_space<vmem>>
          %dma_wait3A_190 = tpu.memref_squeeze %dma_wait3A_189 : memref<1x80xi32, #tpu.memory_space<vmem>> -> memref<80xi32, #tpu.memory_space<vmem>>
          %dma_wait3A_191 = arith.constant 0 : i32
          %dma_wait3A_192 = arith.constant 0 : i32
          %dma_wait3A_193 = tpu.memref_slice %arg16[%dma_wait3A_191, %dma_wait3A_192] : memref<10000x144xf32, #tpu.memory_space<vmem_shared>> -> memref<10000x144xf32, #tpu.memory_space<vmem_shared>>
          tpu.wait_indirect_dma semaphore(%run_scoped3A : memref<!tpu.dma_semaphore, #tpu.memory_space<semaphore_mem>>) src(%arg14 : memref<80x144xf32, #tpu.memory_space<vmem>>) dst(%dma_wait3A_193 : memref<10000x144xf32, #tpu.memory_space<vmem_shared>>)
          tpu.yield
        }) : () -> ()
      }
      %scan3A_68 = arith.constant 25 : i32
    }
    %scan3A_52 = arith.constant 5 : i32
    %barrier3A_53 = arith.constant 0 : index
    tpu.barrier barrier_id(%barrier3A_53)
    %mul3A_54 = arith.constant 625 : i32
    %mul3A_55 = arith.muli %arg1, %mul3A_54 : i32
    %mul3A_56 = arith.constant 625 : i32
    %mul3A_57 = arith.muli %arg1, %mul3A_56 : i32
    "tpu.region"() ({
      %run_scoped3A = tpu.sem_alloc : memref<!tpu.dma_semaphore, #tpu.memory_space<semaphore_mem>>
      %dma_start3A = arith.constant 0 : i32
      %dma_start3A_58 = tpu.memref_slice %arg8[%arg0, %mul3A_57, %dma_start3A] : memref<2x10000x144xf32, #tpu.memory_space<hbm>> -> memref<1x625x144xf32, #tpu.memory_space<hbm>>
      %dma_start3A_59 = tpu.memref_squeeze %dma_start3A_58 : memref<1x625x144xf32, #tpu.memory_space<hbm>> -> memref<625x144xf32, #tpu.memory_space<hbm>>
      %dma_start3A_60 = arith.constant 0 : i32
      %dma_start3A_61 = tpu.memref_slice %arg16[%mul3A_55, %dma_start3A_60] : memref<10000x144xf32, #tpu.memory_space<vmem_shared>> -> memref<625x144xf32, #tpu.memory_space<vmem_shared>>
      tpu.enqueue_dma source(%dma_start3A_61 : memref<625x144xf32, #tpu.memory_space<vmem_shared>>) target(%dma_start3A_59 : memref<625x144xf32, #tpu.memory_space<hbm>>) target_semaphore(%run_scoped3A : memref<!tpu.dma_semaphore, #tpu.memory_space<semaphore_mem>>)
      %dma_wait3A = arith.constant 0 : i32
      %dma_wait3A_62 = tpu.memref_slice %arg8[%arg0, %mul3A_57, %dma_wait3A] : memref<2x10000x144xf32, #tpu.memory_space<hbm>> -> memref<1x625x144xf32, #tpu.memory_space<hbm>>
      %dma_wait3A_63 = tpu.memref_squeeze %dma_wait3A_62 : memref<1x625x144xf32, #tpu.memory_space<hbm>> -> memref<625x144xf32, #tpu.memory_space<hbm>>
      %dma_wait3A_64 = arith.constant 0 : i32
      %dma_wait3A_65 = tpu.memref_slice %arg16[%mul3A_55, %dma_wait3A_64] : memref<10000x144xf32, #tpu.memory_space<vmem_shared>> -> memref<625x144xf32, #tpu.memory_space<vmem_shared>>
      tpu.wait_dma2 semaphore(%run_scoped3A : memref<!tpu.dma_semaphore, #tpu.memory_space<semaphore_mem>>) src(%dma_wait3A_65 : memref<625x144xf32, #tpu.memory_space<vmem_shared>>) dst(%dma_wait3A_63 : memref<625x144xf32, #tpu.memory_space<hbm>>)
      tpu.yield
    }) : () -> ()
    return
  }
}

#map = affine_map<(d0, d1) -> (0, 0)>
#map1 = affine_map<(d0, d1) -> (0)>
#map2 = affine_map<(d0, d1) -> (0, 0, 0)>
module attributes {stable_mosaic.version = 14 : i64} {
  func.func @_sc_edge_body(%arg0: i32, %arg1: i32, %arg2: memref<10000x144xf32, #tpu.memory_space<hbm>>, %arg3: memref<10000xf32, #tpu.memory_space<hbm>>, %arg4: memref<10000xf32, #tpu.memory_space<hbm>>, %arg5: memref<1024xf32, #tpu.memory_space<hbm>>, %arg6: memref<32x125x80xi32, #tpu.memory_space<hbm>>, %arg7: memref<32x125x80xi32, #tpu.memory_space<hbm>>, %arg8: memref<2x10000x144xf32, #tpu.memory_space<hbm>>, %arg9: memref<10000xf32, #tpu.memory_space<vmem>>, %arg10: memref<10000xf32, #tpu.memory_space<vmem>>, %arg11: memref<1024xf32, #tpu.memory_space<vmem>>, %arg12: memref<25x80xi32, #tpu.memory_space<vmem>>, %arg13: memref<25x80xi32, #tpu.memory_space<vmem>>, %arg14: memref<80x144xf32, #tpu.memory_space<vmem>>, %arg15: memref<128xf32, #tpu.memory_space<vmem>>, %arg16: memref<10000x144xf32, #tpu.memory_space<vmem_shared>>, %arg17: memref<!tpu.dma_semaphore, #tpu.memory_space<semaphore_mem>>) attributes {dimension_semantics = [#tpu.dimension_semantics<core_parallel>, #tpu.dimension_semantics<subcore_parallel>], iteration_bounds = array<i64: 2, 16>, scalar_prefetch = 0 : i64, scratch_operands = 9 : i64, tpu.core_type = #tpu.core_type<sc_vector_subcore>, window_params = [{transform_indices = #map}, {transform_indices = #map1}, {transform_indices = #map1}, {transform_indices = #map1}, {transform_indices = #map2}, {transform_indices = #map2}, {transform_indices = #map2}]} {
    %mul3A = arith.constant 2 : i32
    %mul3A_0 = arith.muli %arg1, %mul3A : i32
    %add3A = arith.addi %mul3A_0, %arg0 : i32
    "tpu.region"() ({
      %run_scoped3A = tpu.sem_alloc : memref<!tpu.dma_semaphore, #tpu.memory_space<semaphore_mem>>
      tpu.enqueue_dma source(%arg3 : memref<10000xf32, #tpu.memory_space<hbm>>) target(%arg9 : memref<10000xf32, #tpu.memory_space<vmem>>) target_semaphore(%run_scoped3A : memref<!tpu.dma_semaphore, #tpu.memory_space<semaphore_mem>>)
      tpu.wait_dma2 semaphore(%run_scoped3A : memref<!tpu.dma_semaphore, #tpu.memory_space<semaphore_mem>>) src(%arg3 : memref<10000xf32, #tpu.memory_space<hbm>>) dst(%arg9 : memref<10000xf32, #tpu.memory_space<vmem>>)
      tpu.yield
    }) : () -> ()
    "tpu.region"() ({
      %run_scoped3A = tpu.sem_alloc : memref<!tpu.dma_semaphore, #tpu.memory_space<semaphore_mem>>
      tpu.enqueue_dma source(%arg4 : memref<10000xf32, #tpu.memory_space<hbm>>) target(%arg10 : memref<10000xf32, #tpu.memory_space<vmem>>) target_semaphore(%run_scoped3A : memref<!tpu.dma_semaphore, #tpu.memory_space<semaphore_mem>>)
      tpu.wait_dma2 semaphore(%run_scoped3A : memref<!tpu.dma_semaphore, #tpu.memory_space<semaphore_mem>>) src(%arg4 : memref<10000xf32, #tpu.memory_space<hbm>>) dst(%arg10 : memref<10000xf32, #tpu.memory_space<vmem>>)
      tpu.yield
    }) : () -> ()
    "tpu.region"() ({
      %run_scoped3A = tpu.sem_alloc : memref<!tpu.dma_semaphore, #tpu.memory_space<semaphore_mem>>
      tpu.enqueue_dma source(%arg5 : memref<1024xf32, #tpu.memory_space<hbm>>) target(%arg11 : memref<1024xf32, #tpu.memory_space<vmem>>) target_semaphore(%run_scoped3A : memref<!tpu.dma_semaphore, #tpu.memory_space<semaphore_mem>>)
      tpu.wait_dma2 semaphore(%run_scoped3A : memref<!tpu.dma_semaphore, #tpu.memory_space<semaphore_mem>>) src(%arg5 : memref<1024xf32, #tpu.memory_space<hbm>>) dst(%arg11 : memref<1024xf32, #tpu.memory_space<vmem>>)
      tpu.yield
    }) : () -> ()
    %scan3A = arith.constant 0 : i32
    %scan3A_1 = arith.constant 0 : i32
    %scan3A_2 = arith.constant 80 : i32
    %scan3A_3 = arith.addi %scan3A_1, %scan3A_2 : i32
    %scan3A_4 = arith.constant 1 : i32
    scf.for %scan3A_58 = %scan3A_1 to %scan3A_3 step %scan3A_4  : i32 {
      %broadcast_in_dim3A = arith.constant 0.000000e+00 : f32
      %broadcast_in_dim3A_59 = vector.broadcast %broadcast_in_dim3A : f32 to vector<16xf32>
      %swap3A = arith.index_cast %scan3A_58 : i32 to index
      %swap3A_60 = arith.constant 0 : index
      %swap3A_61 = tpu.vector_load %arg14[%swap3A, %swap3A_60] {strides = array<i32>} : memref<80x144xf32, #tpu.memory_space<vmem>>, vector<16xf32>,
      tpu.vector_store %arg14[%swap3A, %swap3A_60], %broadcast_in_dim3A_59 {strides = array<i32>} : memref<80x144xf32, #tpu.memory_space<vmem>>, vector<16xf32>,
      %broadcast_in_dim3A_62 = arith.constant 0.000000e+00 : f32
      %broadcast_in_dim3A_63 = vector.broadcast %broadcast_in_dim3A_62 : f32 to vector<16xf32>
      %swap3A_64 = arith.index_cast %scan3A_58 : i32 to index
      %swap3A_65 = arith.constant 16 : index
      %swap3A_66 = tpu.vector_load %arg14[%swap3A_64, %swap3A_65] {strides = array<i32>} : memref<80x144xf32, #tpu.memory_space<vmem>>, vector<16xf32>,
      tpu.vector_store %arg14[%swap3A_64, %swap3A_65], %broadcast_in_dim3A_63 {strides = array<i32>} : memref<80x144xf32, #tpu.memory_space<vmem>>, vector<16xf32>,
      %broadcast_in_dim3A_67 = arith.constant 0.000000e+00 : f32
      %broadcast_in_dim3A_68 = vector.broadcast %broadcast_in_dim3A_67 : f32 to vector<16xf32>
      %swap3A_69 = arith.index_cast %scan3A_58 : i32 to index
      %swap3A_70 = arith.constant 32 : index
      %swap3A_71 = tpu.vector_load %arg14[%swap3A_69, %swap3A_70] {strides = array<i32>} : memref<80x144xf32, #tpu.memory_space<vmem>>, vector<16xf32>,
      tpu.vector_store %arg14[%swap3A_69, %swap3A_70], %broadcast_in_dim3A_68 {strides = array<i32>} : memref<80x144xf32, #tpu.memory_space<vmem>>, vector<16xf32>,
      %broadcast_in_dim3A_72 = arith.constant 0.000000e+00 : f32
      %broadcast_in_dim3A_73 = vector.broadcast %broadcast_in_dim3A_72 : f32 to vector<16xf32>
      %swap3A_74 = arith.index_cast %scan3A_58 : i32 to index
      %swap3A_75 = arith.constant 48 : index
      %swap3A_76 = tpu.vector_load %arg14[%swap3A_74, %swap3A_75] {strides = array<i32>} : memref<80x144xf32, #tpu.memory_space<vmem>>, vector<16xf32>,
      tpu.vector_store %arg14[%swap3A_74, %swap3A_75], %broadcast_in_dim3A_73 {strides = array<i32>} : memref<80x144xf32, #tpu.memory_space<vmem>>, vector<16xf32>,
      %broadcast_in_dim3A_77 = arith.constant 0.000000e+00 : f32
      %broadcast_in_dim3A_78 = vector.broadcast %broadcast_in_dim3A_77 : f32 to vector<16xf32>
      %swap3A_79 = arith.index_cast %scan3A_58 : i32 to index
      %swap3A_80 = arith.constant 64 : index
      %swap3A_81 = tpu.vector_load %arg14[%swap3A_79, %swap3A_80] {strides = array<i32>} : memref<80x144xf32, #tpu.memory_space<vmem>>, vector<16xf32>,
      tpu.vector_store %arg14[%swap3A_79, %swap3A_80], %broadcast_in_dim3A_78 {strides = array<i32>} : memref<80x144xf32, #tpu.memory_space<vmem>>, vector<16xf32>,
      %broadcast_in_dim3A_82 = arith.constant 0.000000e+00 : f32
      %broadcast_in_dim3A_83 = vector.broadcast %broadcast_in_dim3A_82 : f32 to vector<16xf32>
      %swap3A_84 = arith.index_cast %scan3A_58 : i32 to index
      %swap3A_85 = arith.constant 80 : index
      %swap3A_86 = tpu.vector_load %arg14[%swap3A_84, %swap3A_85] {strides = array<i32>} : memref<80x144xf32, #tpu.memory_space<vmem>>, vector<16xf32>,
      tpu.vector_store %arg14[%swap3A_84, %swap3A_85], %broadcast_in_dim3A_83 {strides = array<i32>} : memref<80x144xf32, #tpu.memory_space<vmem>>, vector<16xf32>,
      %broadcast_in_dim3A_87 = arith.constant 0.000000e+00 : f32
      %broadcast_in_dim3A_88 = vector.broadcast %broadcast_in_dim3A_87 : f32 to vector<16xf32>
      %swap3A_89 = arith.index_cast %scan3A_58 : i32 to index
      %swap3A_90 = arith.constant 96 : index
      %swap3A_91 = tpu.vector_load %arg14[%swap3A_89, %swap3A_90] {strides = array<i32>} : memref<80x144xf32, #tpu.memory_space<vmem>>, vector<16xf32>,
      tpu.vector_store %arg14[%swap3A_89, %swap3A_90], %broadcast_in_dim3A_88 {strides = array<i32>} : memref<80x144xf32, #tpu.memory_space<vmem>>, vector<16xf32>,
      %broadcast_in_dim3A_92 = arith.constant 0.000000e+00 : f32
      %broadcast_in_dim3A_93 = vector.broadcast %broadcast_in_dim3A_92 : f32 to vector<16xf32>
      %swap3A_94 = arith.index_cast %scan3A_58 : i32 to index
      %swap3A_95 = arith.constant 112 : index
      %swap3A_96 = tpu.vector_load %arg14[%swap3A_94, %swap3A_95] {strides = array<i32>} : memref<80x144xf32, #tpu.memory_space<vmem>>, vector<16xf32>,
      tpu.vector_store %arg14[%swap3A_94, %swap3A_95], %broadcast_in_dim3A_93 {strides = array<i32>} : memref<80x144xf32, #tpu.memory_space<vmem>>, vector<16xf32>,
      %broadcast_in_dim3A_97 = arith.constant 0.000000e+00 : f32
      %broadcast_in_dim3A_98 = vector.broadcast %broadcast_in_dim3A_97 : f32 to vector<16xf32>
      %swap3A_99 = arith.index_cast %scan3A_58 : i32 to index
      %swap3A_100 = arith.constant 128 : index
      %swap3A_101 = tpu.vector_load %arg14[%swap3A_99, %swap3A_100] {strides = array<i32>} : memref<80x144xf32, #tpu.memory_space<vmem>>, vector<16xf32>,
      tpu.vector_store %arg14[%swap3A_99, %swap3A_100], %broadcast_in_dim3A_98 {strides = array<i32>} : memref<80x144xf32, #tpu.memory_space<vmem>>, vector<16xf32>,
    }
    %scan3A_5 = arith.constant 80 : i32
    %mul3A_6 = arith.constant 625 : i32
    %mul3A_7 = arith.muli %arg1, %mul3A_6 : i32
    %add3A_8 = arith.constant 0 : i32
    %add3A_9 = arith.addi %mul3A_7, %add3A_8 : i32
    "tpu.region"() ({
      %run_scoped3A = tpu.sem_alloc : memref<!tpu.dma_semaphore, #tpu.memory_space<semaphore_mem>>
      %dma_start3A = arith.constant 0 : i32
      %dma_start3A_58 = tpu.memref_slice %arg16[%add3A_9, %dma_start3A] : memref<10000x144xf32, #tpu.memory_space<vmem_shared>> -> memref<80x144xf32, #tpu.memory_space<vmem_shared>>
      %dma_start3A_59 = arith.constant 0 : i32
      %dma_start3A_60 = tpu.memref_slice %arg16[%add3A_9, %dma_start3A_59] : memref<10000x144xf32, #tpu.memory_space<vmem_shared>> -> memref<80x144xf32, #tpu.memory_space<vmem_shared>>
      tpu.enqueue_dma source(%arg14 : memref<80x144xf32, #tpu.memory_space<vmem>>) target(%dma_start3A_60 : memref<80x144xf32, #tpu.memory_space<vmem_shared>>) target_semaphore(%run_scoped3A : memref<!tpu.dma_semaphore, #tpu.memory_space<semaphore_mem>>)
      %dma_wait3A = arith.constant 0 : i32
      %dma_wait3A_61 = tpu.memref_slice %arg16[%add3A_9, %dma_wait3A] : memref<10000x144xf32, #tpu.memory_space<vmem_shared>> -> memref<80x144xf32, #tpu.memory_space<vmem_shared>>
      %dma_wait3A_62 = arith.constant 0 : i32
      %dma_wait3A_63 = tpu.memref_slice %arg16[%add3A_9, %dma_wait3A_62] : memref<10000x144xf32, #tpu.memory_space<vmem_shared>> -> memref<80x144xf32, #tpu.memory_space<vmem_shared>>
      tpu.wait_dma2 semaphore(%run_scoped3A : memref<!tpu.dma_semaphore, #tpu.memory_space<semaphore_mem>>) src(%arg14 : memref<80x144xf32, #tpu.memory_space<vmem>>) dst(%dma_wait3A_63 : memref<80x144xf32, #tpu.memory_space<vmem_shared>>)
      tpu.yield
    }) : () -> ()
    %mul3A_10 = arith.constant 625 : i32
    %mul3A_11 = arith.muli %arg1, %mul3A_10 : i32
    %add3A_12 = arith.constant 80 : i32
    %add3A_13 = arith.addi %mul3A_11, %add3A_12 : i32
    "tpu.region"() ({
      %run_scoped3A = tpu.sem_alloc : memref<!tpu.dma_semaphore, #tpu.memory_space<semaphore_mem>>
      %dma_start3A = arith.constant 0 : i32
      %dma_start3A_58 = tpu.memref_slice %arg16[%add3A_13, %dma_start3A] : memref<10000x144xf32, #tpu.memory_space<vmem_shared>> -> memref<80x144xf32, #tpu.memory_space<vmem_shared>>
      %dma_start3A_59 = arith.constant 0 : i32
      %dma_start3A_60 = tpu.memref_slice %arg16[%add3A_13, %dma_start3A_59] : memref<10000x144xf32, #tpu.memory_space<vmem_shared>> -> memref<80x144xf32, #tpu.memory_space<vmem_shared>>
      tpu.enqueue_dma source(%arg14 : memref<80x144xf32, #tpu.memory_space<vmem>>) target(%dma_start3A_60 : memref<80x144xf32, #tpu.memory_space<vmem_shared>>) target_semaphore(%run_scoped3A : memref<!tpu.dma_semaphore, #tpu.memory_space<semaphore_mem>>)
      %dma_wait3A = arith.constant 0 : i32
      %dma_wait3A_61 = tpu.memref_slice %arg16[%add3A_13, %dma_wait3A] : memref<10000x144xf32, #tpu.memory_space<vmem_shared>> -> memref<80x144xf32, #tpu.memory_space<vmem_shared>>
      %dma_wait3A_62 = arith.constant 0 : i32
      %dma_wait3A_63 = tpu.memref_slice %arg16[%add3A_13, %dma_wait3A_62] : memref<10000x144xf32, #tpu.memory_space<vmem_shared>> -> memref<80x144xf32, #tpu.memory_space<vmem_shared>>
      tpu.wait_dma2 semaphore(%run_scoped3A : memref<!tpu.dma_semaphore, #tpu.memory_space<semaphore_mem>>) src(%arg14 : memref<80x144xf32, #tpu.memory_space<vmem>>) dst(%dma_wait3A_63 : memref<80x144xf32, #tpu.memory_space<vmem_shared>>)
      tpu.yield
    }) : () -> ()
    %mul3A_14 = arith.constant 625 : i32
    %mul3A_15 = arith.muli %arg1, %mul3A_14 : i32
    %add3A_16 = arith.constant 160 : i32
    %add3A_17 = arith.addi %mul3A_15, %add3A_16 : i32
    "tpu.region"() ({
      %run_scoped3A = tpu.sem_alloc : memref<!tpu.dma_semaphore, #tpu.memory_space<semaphore_mem>>
      %dma_start3A = arith.constant 0 : i32
      %dma_start3A_58 = tpu.memref_slice %arg16[%add3A_17, %dma_start3A] : memref<10000x144xf32, #tpu.memory_space<vmem_shared>> -> memref<80x144xf32, #tpu.memory_space<vmem_shared>>
      %dma_start3A_59 = arith.constant 0 : i32
      %dma_start3A_60 = tpu.memref_slice %arg16[%add3A_17, %dma_start3A_59] : memref<10000x144xf32, #tpu.memory_space<vmem_shared>> -> memref<80x144xf32, #tpu.memory_space<vmem_shared>>
      tpu.enqueue_dma source(%arg14 : memref<80x144xf32, #tpu.memory_space<vmem>>) target(%dma_start3A_60 : memref<80x144xf32, #tpu.memory_space<vmem_shared>>) target_semaphore(%run_scoped3A : memref<!tpu.dma_semaphore, #tpu.memory_space<semaphore_mem>>)
      %dma_wait3A = arith.constant 0 : i32
      %dma_wait3A_61 = tpu.memref_slice %arg16[%add3A_17, %dma_wait3A] : memref<10000x144xf32, #tpu.memory_space<vmem_shared>> -> memref<80x144xf32, #tpu.memory_space<vmem_shared>>
      %dma_wait3A_62 = arith.constant 0 : i32
      %dma_wait3A_63 = tpu.memref_slice %arg16[%add3A_17, %dma_wait3A_62] : memref<10000x144xf32, #tpu.memory_space<vmem_shared>> -> memref<80x144xf32, #tpu.memory_space<vmem_shared>>
      tpu.wait_dma2 semaphore(%run_scoped3A : memref<!tpu.dma_semaphore, #tpu.memory_space<semaphore_mem>>) src(%arg14 : memref<80x144xf32, #tpu.memory_space<vmem>>) dst(%dma_wait3A_63 : memref<80x144xf32, #tpu.memory_space<vmem_shared>>)
      tpu.yield
    }) : () -> ()
    %mul3A_18 = arith.constant 625 : i32
    %mul3A_19 = arith.muli %arg1, %mul3A_18 : i32
    %add3A_20 = arith.constant 240 : i32
    %add3A_21 = arith.addi %mul3A_19, %add3A_20 : i32
    "tpu.region"() ({
      %run_scoped3A = tpu.sem_alloc : memref<!tpu.dma_semaphore, #tpu.memory_space<semaphore_mem>>
      %dma_start3A = arith.constant 0 : i32
      %dma_start3A_58 = tpu.memref_slice %arg16[%add3A_21, %dma_start3A] : memref<10000x144xf32, #tpu.memory_space<vmem_shared>> -> memref<80x144xf32, #tpu.memory_space<vmem_shared>>
      %dma_start3A_59 = arith.constant 0 : i32
      %dma_start3A_60 = tpu.memref_slice %arg16[%add3A_21, %dma_start3A_59] : memref<10000x144xf32, #tpu.memory_space<vmem_shared>> -> memref<80x144xf32, #tpu.memory_space<vmem_shared>>
      tpu.enqueue_dma source(%arg14 : memref<80x144xf32, #tpu.memory_space<vmem>>) target(%dma_start3A_60 : memref<80x144xf32, #tpu.memory_space<vmem_shared>>) target_semaphore(%run_scoped3A : memref<!tpu.dma_semaphore, #tpu.memory_space<semaphore_mem>>)
      %dma_wait3A = arith.constant 0 : i32
      %dma_wait3A_61 = tpu.memref_slice %arg16[%add3A_21, %dma_wait3A] : memref<10000x144xf32, #tpu.memory_space<vmem_shared>> -> memref<80x144xf32, #tpu.memory_space<vmem_shared>>
      %dma_wait3A_62 = arith.constant 0 : i32
      %dma_wait3A_63 = tpu.memref_slice %arg16[%add3A_21, %dma_wait3A_62] : memref<10000x144xf32, #tpu.memory_space<vmem_shared>> -> memref<80x144xf32, #tpu.memory_space<vmem_shared>>
      tpu.wait_dma2 semaphore(%run_scoped3A : memref<!tpu.dma_semaphore, #tpu.memory_space<semaphore_mem>>) src(%arg14 : memref<80x144xf32, #tpu.memory_space<vmem>>) dst(%dma_wait3A_63 : memref<80x144xf32, #tpu.memory_space<vmem_shared>>)
      tpu.yield
    }) : () -> ()
    %mul3A_22 = arith.constant 625 : i32
    %mul3A_23 = arith.muli %arg1, %mul3A_22 : i32
    %add3A_24 = arith.constant 320 : i32
    %add3A_25 = arith.addi %mul3A_23, %add3A_24 : i32
    "tpu.region"() ({
      %run_scoped3A = tpu.sem_alloc : memref<!tpu.dma_semaphore, #tpu.memory_space<semaphore_mem>>
      %dma_start3A = arith.constant 0 : i32
      %dma_start3A_58 = tpu.memref_slice %arg16[%add3A_25, %dma_start3A] : memref<10000x144xf32, #tpu.memory_space<vmem_shared>> -> memref<80x144xf32, #tpu.memory_space<vmem_shared>>
      %dma_start3A_59 = arith.constant 0 : i32
      %dma_start3A_60 = tpu.memref_slice %arg16[%add3A_25, %dma_start3A_59] : memref<10000x144xf32, #tpu.memory_space<vmem_shared>> -> memref<80x144xf32, #tpu.memory_space<vmem_shared>>
      tpu.enqueue_dma source(%arg14 : memref<80x144xf32, #tpu.memory_space<vmem>>) target(%dma_start3A_60 : memref<80x144xf32, #tpu.memory_space<vmem_shared>>) target_semaphore(%run_scoped3A : memref<!tpu.dma_semaphore, #tpu.memory_space<semaphore_mem>>)
      %dma_wait3A = arith.constant 0 : i32
      %dma_wait3A_61 = tpu.memref_slice %arg16[%add3A_25, %dma_wait3A] : memref<10000x144xf32, #tpu.memory_space<vmem_shared>> -> memref<80x144xf32, #tpu.memory_space<vmem_shared>>
      %dma_wait3A_62 = arith.constant 0 : i32
      %dma_wait3A_63 = tpu.memref_slice %arg16[%add3A_25, %dma_wait3A_62] : memref<10000x144xf32, #tpu.memory_space<vmem_shared>> -> memref<80x144xf32, #tpu.memory_space<vmem_shared>>
      tpu.wait_dma2 semaphore(%run_scoped3A : memref<!tpu.dma_semaphore, #tpu.memory_space<semaphore_mem>>) src(%arg14 : memref<80x144xf32, #tpu.memory_space<vmem>>) dst(%dma_wait3A_63 : memref<80x144xf32, #tpu.memory_space<vmem_shared>>)
      tpu.yield
    }) : () -> ()
    %mul3A_26 = arith.constant 625 : i32
    %mul3A_27 = arith.muli %arg1, %mul3A_26 : i32
    %add3A_28 = arith.constant 400 : i32
    %add3A_29 = arith.addi %mul3A_27, %add3A_28 : i32
    "tpu.region"() ({
      %run_scoped3A = tpu.sem_alloc : memref<!tpu.dma_semaphore, #tpu.memory_space<semaphore_mem>>
      %dma_start3A = arith.constant 0 : i32
      %dma_start3A_58 = tpu.memref_slice %arg16[%add3A_29, %dma_start3A] : memref<10000x144xf32, #tpu.memory_space<vmem_shared>> -> memref<80x144xf32, #tpu.memory_space<vmem_shared>>
      %dma_start3A_59 = arith.constant 0 : i32
      %dma_start3A_60 = tpu.memref_slice %arg16[%add3A_29, %dma_start3A_59] : memref<10000x144xf32, #tpu.memory_space<vmem_shared>> -> memref<80x144xf32, #tpu.memory_space<vmem_shared>>
      tpu.enqueue_dma source(%arg14 : memref<80x144xf32, #tpu.memory_space<vmem>>) target(%dma_start3A_60 : memref<80x144xf32, #tpu.memory_space<vmem_shared>>) target_semaphore(%run_scoped3A : memref<!tpu.dma_semaphore, #tpu.memory_space<semaphore_mem>>)
      %dma_wait3A = arith.constant 0 : i32
      %dma_wait3A_61 = tpu.memref_slice %arg16[%add3A_29, %dma_wait3A] : memref<10000x144xf32, #tpu.memory_space<vmem_shared>> -> memref<80x144xf32, #tpu.memory_space<vmem_shared>>
      %dma_wait3A_62 = arith.constant 0 : i32
      %dma_wait3A_63 = tpu.memref_slice %arg16[%add3A_29, %dma_wait3A_62] : memref<10000x144xf32, #tpu.memory_space<vmem_shared>> -> memref<80x144xf32, #tpu.memory_space<vmem_shared>>
      tpu.wait_dma2 semaphore(%run_scoped3A : memref<!tpu.dma_semaphore, #tpu.memory_space<semaphore_mem>>) src(%arg14 : memref<80x144xf32, #tpu.memory_space<vmem>>) dst(%dma_wait3A_63 : memref<80x144xf32, #tpu.memory_space<vmem_shared>>)
      tpu.yield
    }) : () -> ()
    %mul3A_30 = arith.constant 625 : i32
    %mul3A_31 = arith.muli %arg1, %mul3A_30 : i32
    %add3A_32 = arith.constant 480 : i32
    %add3A_33 = arith.addi %mul3A_31, %add3A_32 : i32
    "tpu.region"() ({
      %run_scoped3A = tpu.sem_alloc : memref<!tpu.dma_semaphore, #tpu.memory_space<semaphore_mem>>
      %dma_start3A = arith.constant 0 : i32
      %dma_start3A_58 = tpu.memref_slice %arg16[%add3A_33, %dma_start3A] : memref<10000x144xf32, #tpu.memory_space<vmem_shared>> -> memref<80x144xf32, #tpu.memory_space<vmem_shared>>
      %dma_start3A_59 = arith.constant 0 : i32
      %dma_start3A_60 = tpu.memref_slice %arg16[%add3A_33, %dma_start3A_59] : memref<10000x144xf32, #tpu.memory_space<vmem_shared>> -> memref<80x144xf32, #tpu.memory_space<vmem_shared>>
      tpu.enqueue_dma source(%arg14 : memref<80x144xf32, #tpu.memory_space<vmem>>) target(%dma_start3A_60 : memref<80x144xf32, #tpu.memory_space<vmem_shared>>) target_semaphore(%run_scoped3A : memref<!tpu.dma_semaphore, #tpu.memory_space<semaphore_mem>>)
      %dma_wait3A = arith.constant 0 : i32
      %dma_wait3A_61 = tpu.memref_slice %arg16[%add3A_33, %dma_wait3A] : memref<10000x144xf32, #tpu.memory_space<vmem_shared>> -> memref<80x144xf32, #tpu.memory_space<vmem_shared>>
      %dma_wait3A_62 = arith.constant 0 : i32
      %dma_wait3A_63 = tpu.memref_slice %arg16[%add3A_33, %dma_wait3A_62] : memref<10000x144xf32, #tpu.memory_space<vmem_shared>> -> memref<80x144xf32, #tpu.memory_space<vmem_shared>>
      tpu.wait_dma2 semaphore(%run_scoped3A : memref<!tpu.dma_semaphore, #tpu.memory_space<semaphore_mem>>) src(%arg14 : memref<80x144xf32, #tpu.memory_space<vmem>>) dst(%dma_wait3A_63 : memref<80x144xf32, #tpu.memory_space<vmem_shared>>)
      tpu.yield
    }) : () -> ()
    %mul3A_34 = arith.constant 625 : i32
    %mul3A_35 = arith.muli %arg1, %mul3A_34 : i32
    %add3A_36 = arith.constant 560 : i32
    %add3A_37 = arith.addi %mul3A_35, %add3A_36 : i32
    "tpu.region"() ({
      %run_scoped3A = tpu.sem_alloc : memref<!tpu.dma_semaphore, #tpu.memory_space<semaphore_mem>>
      %dma_start3A = arith.constant 0 : i32
      %dma_start3A_58 = arith.constant 0 : i32
      %dma_start3A_59 = tpu.memref_slice %arg14[%dma_start3A, %dma_start3A_58] : memref<80x144xf32, #tpu.memory_space<vmem>> -> memref<65x144xf32, #tpu.memory_space<vmem>>
      %dma_start3A_60 = arith.constant 0 : i32
      %dma_start3A_61 = tpu.memref_slice %arg16[%add3A_37, %dma_start3A_60] : memref<10000x144xf32, #tpu.memory_space<vmem_shared>> -> memref<65x144xf32, #tpu.memory_space<vmem_shared>>
      %dma_start3A_62 = arith.constant 0 : i32
      %dma_start3A_63 = tpu.memref_slice %arg16[%add3A_37, %dma_start3A_62] : memref<10000x144xf32, #tpu.memory_space<vmem_shared>> -> memref<65x144xf32, #tpu.memory_space<vmem_shared>>
      %dma_start3A_64 = arith.constant 0 : i32
      %dma_start3A_65 = arith.constant 0 : i32
      %dma_start3A_66 = tpu.memref_slice %arg14[%dma_start3A_64, %dma_start3A_65] : memref<80x144xf32, #tpu.memory_space<vmem>> -> memref<65x144xf32, #tpu.memory_space<vmem>>
      tpu.enqueue_dma source(%dma_start3A_66 : memref<65x144xf32, #tpu.memory_space<vmem>>) target(%dma_start3A_63 : memref<65x144xf32, #tpu.memory_space<vmem_shared>>) target_semaphore(%run_scoped3A : memref<!tpu.dma_semaphore, #tpu.memory_space<semaphore_mem>>)
      %dma_wait3A = arith.constant 0 : i32
      %dma_wait3A_67 = arith.constant 0 : i32
      %dma_wait3A_68 = tpu.memref_slice %arg14[%dma_wait3A, %dma_wait3A_67] : memref<80x144xf32, #tpu.memory_space<vmem>> -> memref<65x144xf32, #tpu.memory_space<vmem>>
      %dma_wait3A_69 = arith.constant 0 : i32
      %dma_wait3A_70 = tpu.memref_slice %arg16[%add3A_37, %dma_wait3A_69] : memref<10000x144xf32, #tpu.memory_space<vmem_shared>> -> memref<65x144xf32, #tpu.memory_space<vmem_shared>>
      %dma_wait3A_71 = arith.constant 0 : i32
      %dma_wait3A_72 = tpu.memref_slice %arg16[%add3A_37, %dma_wait3A_71] : memref<10000x144xf32, #tpu.memory_space<vmem_shared>> -> memref<65x144xf32, #tpu.memory_space<vmem_shared>>
      %dma_wait3A_73 = arith.constant 0 : i32
      %dma_wait3A_74 = arith.constant 0 : i32
      %dma_wait3A_75 = tpu.memref_slice %arg14[%dma_wait3A_73, %dma_wait3A_74] : memref<80x144xf32, #tpu.memory_space<vmem>> -> memref<65x144xf32, #tpu.memory_space<vmem>>
      tpu.wait_dma2 semaphore(%run_scoped3A : memref<!tpu.dma_semaphore, #tpu.memory_space<semaphore_mem>>) src(%dma_wait3A_75 : memref<65x144xf32, #tpu.memory_space<vmem>>) dst(%dma_wait3A_72 : memref<65x144xf32, #tpu.memory_space<vmem_shared>>)
      tpu.yield
    }) : () -> ()
    %barrier3A = arith.constant 0 : index
    tpu.barrier barrier_id(%barrier3A)
    %get3A = arith.constant 0 : index
    %get3A_38 = tpu.vector_load %arg11[%get3A] {strides = array<i32>} : memref<1024xf32, #tpu.memory_space<vmem>>, vector<16xf32>,
    %get3A_39 = arith.constant 512 : index
    %get3A_40 = tpu.vector_load %arg11[%get3A_39] {strides = array<i32>} : memref<1024xf32, #tpu.memory_space<vmem>>, vector<16xf32>,
    %add3A_41 = arith.addf %get3A_38, %get3A_40 : vector<16xf32>
    %gt3A = arith.constant 0.000000e+00 : f32
    %gt3A_42 = vector.broadcast %gt3A : f32 to vector<16xf32>
    %gt3A_43 = arith.cmpf ogt, %add3A_41, %gt3A_42 : vector<16xf32>
    %mul3A_44 = arith.constant 2.000000e-01 : f32
    %mul3A_45 = vector.broadcast %mul3A_44 : f32 to vector<16xf32>
    %mul3A_46 = arith.mulf %mul3A_45, %add3A_41 : vector<16xf32>
    %select_n3A = arith.select %gt3A_43, %add3A_41, %mul3A_46 : vector<16xi1>, vector<16xf32>
    %scan3A_47 = arith.constant 0 : i32
    %scan3A_48 = arith.constant 0 : i32
    %scan3A_49 = arith.constant 5 : i32
    %scan3A_50 = arith.addi %scan3A_48, %scan3A_49 : i32
    %scan3A_51 = arith.constant 1 : i32
    scf.for %scan3A_58 = %scan3A_48 to %scan3A_50 step %scan3A_51  : i32 {
      %mul3A_59 = arith.constant 25 : i32
      %mul3A_60 = arith.muli %scan3A_58, %mul3A_59 : i32
      "tpu.region"() ({
        %run_scoped3A = tpu.sem_alloc : memref<!tpu.dma_semaphore, #tpu.memory_space<semaphore_mem>>
        %dma_start3A = arith.constant 0 : i32
        %dma_start3A_69 = tpu.memref_slice %arg6[%add3A, %mul3A_60, %dma_start3A] : memref<32x125x80xi32, #tpu.memory_space<hbm>> -> memref<1x25x80xi32, #tpu.memory_space<hbm>>
        %dma_start3A_70 = tpu.memref_squeeze %dma_start3A_69 : memref<1x25x80xi32, #tpu.memory_space<hbm>> -> memref<25x80xi32, #tpu.memory_space<hbm>>
        %dma_start3A_71 = arith.constant 0 : i32
        %dma_start3A_72 = tpu.memref_slice %arg6[%add3A, %mul3A_60, %dma_start3A_71] : memref<32x125x80xi32, #tpu.memory_space<hbm>> -> memref<1x25x80xi32, #tpu.memory_space<hbm>>
        %dma_start3A_73 = tpu.memref_squeeze %dma_start3A_72 : memref<1x25x80xi32, #tpu.memory_space<hbm>> -> memref<25x80xi32, #tpu.memory_space<hbm>>
        tpu.enqueue_dma source(%dma_start3A_73 : memref<25x80xi32, #tpu.memory_space<hbm>>) target(%arg12 : memref<25x80xi32, #tpu.memory_space<vmem>>) target_semaphore(%run_scoped3A : memref<!tpu.dma_semaphore, #tpu.memory_space<semaphore_mem>>)
        %dma_wait3A = arith.constant 0 : i32
        %dma_wait3A_74 = tpu.memref_slice %arg6[%add3A, %mul3A_60, %dma_wait3A] : memref<32x125x80xi32, #tpu.memory_space<hbm>> -> memref<1x25x80xi32, #tpu.memory_space<hbm>>
        %dma_wait3A_75 = tpu.memref_squeeze %dma_wait3A_74 : memref<1x25x80xi32, #tpu.memory_space<hbm>> -> memref<25x80xi32, #tpu.memory_space<hbm>>
        %dma_wait3A_76 = arith.constant 0 : i32
        %dma_wait3A_77 = tpu.memref_slice %arg6[%add3A, %mul3A_60, %dma_wait3A_76] : memref<32x125x80xi32, #tpu.memory_space<hbm>> -> memref<1x25x80xi32, #tpu.memory_space<hbm>>
        %dma_wait3A_78 = tpu.memref_squeeze %dma_wait3A_77 : memref<1x25x80xi32, #tpu.memory_space<hbm>> -> memref<25x80xi32, #tpu.memory_space<hbm>>
        tpu.wait_dma2 semaphore(%run_scoped3A : memref<!tpu.dma_semaphore, #tpu.memory_space<semaphore_mem>>) src(%dma_wait3A_78 : memref<25x80xi32, #tpu.memory_space<hbm>>) dst(%arg12 : memref<25x80xi32, #tpu.memory_space<vmem>>)
        tpu.yield
      }) : () -> ()
      %mul3A_61 = arith.constant 25 : i32
      %mul3A_62 = arith.muli %scan3A_58, %mul3A_61 : i32
      "tpu.region"() ({
        %run_scoped3A = tpu.sem_alloc : memref<!tpu.dma_semaphore, #tpu.memory_space<semaphore_mem>>
        %dma_start3A = arith.constant 0 : i32
        %dma_start3A_69 = tpu.memref_slice %arg7[%add3A, %mul3A_62, %dma_start3A] : memref<32x125x80xi32, #tpu.memory_space<hbm>> -> memref<1x25x80xi32, #tpu.memory_space<hbm>>
        %dma_start3A_70 = tpu.memref_squeeze %dma_start3A_69 : memref<1x25x80xi32, #tpu.memory_space<hbm>> -> memref<25x80xi32, #tpu.memory_space<hbm>>
        %dma_start3A_71 = arith.constant 0 : i32
        %dma_start3A_72 = tpu.memref_slice %arg7[%add3A, %mul3A_62, %dma_start3A_71] : memref<32x125x80xi32, #tpu.memory_space<hbm>> -> memref<1x25x80xi32, #tpu.memory_space<hbm>>
        %dma_start3A_73 = tpu.memref_squeeze %dma_start3A_72 : memref<1x25x80xi32, #tpu.memory_space<hbm>> -> memref<25x80xi32, #tpu.memory_space<hbm>>
        tpu.enqueue_dma source(%dma_start3A_73 : memref<25x80xi32, #tpu.memory_space<hbm>>) target(%arg13 : memref<25x80xi32, #tpu.memory_space<vmem>>) target_semaphore(%run_scoped3A : memref<!tpu.dma_semaphore, #tpu.memory_space<semaphore_mem>>)
        %dma_wait3A = arith.constant 0 : i32
        %dma_wait3A_74 = tpu.memref_slice %arg7[%add3A, %mul3A_62, %dma_wait3A] : memref<32x125x80xi32, #tpu.memory_space<hbm>> -> memref<1x25x80xi32, #tpu.memory_space<hbm>>
        %dma_wait3A_75 = tpu.memref_squeeze %dma_wait3A_74 : memref<1x25x80xi32, #tpu.memory_space<hbm>> -> memref<25x80xi32, #tpu.memory_space<hbm>>
        %dma_wait3A_76 = arith.constant 0 : i32
        %dma_wait3A_77 = tpu.memref_slice %arg7[%add3A, %mul3A_62, %dma_wait3A_76] : memref<32x125x80xi32, #tpu.memory_space<hbm>> -> memref<1x25x80xi32, #tpu.memory_space<hbm>>
        %dma_wait3A_78 = tpu.memref_squeeze %dma_wait3A_77 : memref<1x25x80xi32, #tpu.memory_space<hbm>> -> memref<25x80xi32, #tpu.memory_space<hbm>>
        tpu.wait_dma2 semaphore(%run_scoped3A : memref<!tpu.dma_semaphore, #tpu.memory_space<semaphore_mem>>) src(%dma_wait3A_78 : memref<25x80xi32, #tpu.memory_space<hbm>>) dst(%arg13 : memref<25x80xi32, #tpu.memory_space<vmem>>)
        tpu.yield
      }) : () -> ()
      %scan3A_63 = arith.constant 0 : i32
      %scan3A_64 = arith.constant 0 : i32
      %scan3A_65 = arith.constant 25 : i32
      %scan3A_66 = arith.addi %scan3A_64, %scan3A_65 : i32
      %scan3A_67 = arith.constant 1 : i32
      scf.for %scan3A_69 = %scan3A_64 to %scan3A_66 step %scan3A_67  : i32 {
        %dma_start3A = arith.constant 0 : i32
        %dma_start3A_70 = tpu.memref_slice %arg12[%scan3A_69, %dma_start3A] : memref<25x80xi32, #tpu.memory_space<vmem>> -> memref<1x80xi32, #tpu.memory_space<vmem>>
        %dma_start3A_71 = tpu.memref_squeeze %dma_start3A_70 : memref<1x80xi32, #tpu.memory_space<vmem>> -> memref<80xi32, #tpu.memory_space<vmem>>
        %dma_start3A_72 = arith.constant 0 : i32
        %dma_start3A_73 = arith.constant 0 : i32
        %dma_start3A_74 = tpu.memref_slice %arg2[%dma_start3A_72, %dma_start3A_73] : memref<10000x144xf32, #tpu.memory_space<hbm>> -> memref<10000x144xf32, #tpu.memory_space<hbm>>
        tpu.enqueue_indirect_dma source(%dma_start3A_74 : memref<10000x144xf32, #tpu.memory_space<hbm>>) target(%arg14 : memref<80x144xf32, #tpu.memory_space<vmem>>) offsets(%dma_start3A_71 : memref<80xi32, #tpu.memory_space<vmem>>) semaphore(%arg17 : memref<!tpu.dma_semaphore, #tpu.memory_space<semaphore_mem>>)
        %dma_wait3A = arith.constant 0 : i32
        %dma_wait3A_75 = tpu.memref_slice %arg12[%scan3A_69, %dma_wait3A] : memref<25x80xi32, #tpu.memory_space<vmem>> -> memref<1x80xi32, #tpu.memory_space<vmem>>
        %dma_wait3A_76 = tpu.memref_squeeze %dma_wait3A_75 : memref<1x80xi32, #tpu.memory_space<vmem>> -> memref<80xi32, #tpu.memory_space<vmem>>
        %dma_wait3A_77 = arith.constant 0 : i32
        %dma_wait3A_78 = arith.constant 0 : i32
        %dma_wait3A_79 = tpu.memref_slice %arg2[%dma_wait3A_77, %dma_wait3A_78] : memref<10000x144xf32, #tpu.memory_space<hbm>> -> memref<10000x144xf32, #tpu.memory_space<hbm>>
        tpu.wait_indirect_dma semaphore(%arg17 : memref<!tpu.dma_semaphore, #tpu.memory_space<semaphore_mem>>) src(%dma_wait3A_79 : memref<10000x144xf32, #tpu.memory_space<hbm>>) dst(%arg14 : memref<80x144xf32, #tpu.memory_space<vmem>>)
        %get3A_80 = arith.index_cast %scan3A_69 : i32 to index
        %get3A_81 = arith.constant 0 : index
        %get3A_82 = tpu.vector_load %arg12[%get3A_80, %get3A_81] {strides = array<i32>} : memref<25x80xi32, #tpu.memory_space<vmem>>, vector<16xi32>,
        %get3A_83 = arith.index_cast %scan3A_69 : i32 to index
        %get3A_84 = arith.constant 0 : index
        %get3A_85 = tpu.vector_load %arg13[%get3A_83, %get3A_84] {strides = array<i32>} : memref<25x80xi32, #tpu.memory_space<vmem>>, vector<16xi32>,
        %gather3A = tpu.vector_load_idx %arg9[%get3A_82] : memref<10000xf32, #tpu.memory_space<vmem>>[vector<16xi32>], vector<16xf32>,
        %gather3A_86 = tpu.vector_load_idx %arg10[%get3A_85] : memref<10000xf32, #tpu.memory_space<vmem>>[vector<16xi32>], vector<16xf32>,
        %add3A_87 = arith.addf %gather3A, %gather3A_86 : vector<16xf32>
        %gt3A_88 = arith.constant 0.000000e+00 : f32
        %gt3A_89 = vector.broadcast %gt3A_88 : f32 to vector<16xf32>
        %gt3A_90 = arith.cmpf ogt, %add3A_87, %gt3A_89 : vector<16xf32>
        %mul3A_91 = arith.constant 2.000000e-01 : f32
        %mul3A_92 = vector.broadcast %mul3A_91 : f32 to vector<16xf32>
        %mul3A_93 = arith.mulf %mul3A_92, %add3A_87 : vector<16xf32>
        %select_n3A_94 = arith.select %gt3A_90, %add3A_87, %mul3A_93 : vector<16xi1>, vector<16xf32>
        %sub3A = arith.subf %select_n3A_94, %select_n3A : vector<16xf32>
        %exp3A = math.exp %sub3A : vector<16xf32>
        %swap3A = arith.constant 0 : index
        %swap3A_95 = tpu.vector_load %arg15[%swap3A] {strides = array<i32>} : memref<128xf32, #tpu.memory_space<vmem>>, vector<16xf32>,
        tpu.vector_store %arg15[%swap3A], %exp3A {strides = array<i32>} : memref<128xf32, #tpu.memory_space<vmem>>, vector<16xf32>,
        %get3A_96 = arith.index_cast %scan3A_69 : i32 to index
        %get3A_97 = arith.constant 16 : index
        %get3A_98 = tpu.vector_load %arg12[%get3A_96, %get3A_97] {strides = array<i32>} : memref<25x80xi32, #tpu.memory_space<vmem>>, vector<16xi32>,
        %get3A_99 = arith.index_cast %scan3A_69 : i32 to index
        %get3A_100 = arith.constant 16 : index
        %get3A_101 = tpu.vector_load %arg13[%get3A_99, %get3A_100] {strides = array<i32>} : memref<25x80xi32, #tpu.memory_space<vmem>>, vector<16xi32>,
        %gather3A_102 = tpu.vector_load_idx %arg9[%get3A_98] : memref<10000xf32, #tpu.memory_space<vmem>>[vector<16xi32>], vector<16xf32>,
        %gather3A_103 = tpu.vector_load_idx %arg10[%get3A_101] : memref<10000xf32, #tpu.memory_space<vmem>>[vector<16xi32>], vector<16xf32>,
        %add3A_104 = arith.addf %gather3A_102, %gather3A_103 : vector<16xf32>
        %gt3A_105 = arith.constant 0.000000e+00 : f32
        %gt3A_106 = vector.broadcast %gt3A_105 : f32 to vector<16xf32>
        %gt3A_107 = arith.cmpf ogt, %add3A_104, %gt3A_106 : vector<16xf32>
        %mul3A_108 = arith.constant 2.000000e-01 : f32
        %mul3A_109 = vector.broadcast %mul3A_108 : f32 to vector<16xf32>
        %mul3A_110 = arith.mulf %mul3A_109, %add3A_104 : vector<16xf32>
        %select_n3A_111 = arith.select %gt3A_107, %add3A_104, %mul3A_110 : vector<16xi1>, vector<16xf32>
        %sub3A_112 = arith.subf %select_n3A_111, %select_n3A : vector<16xf32>
        %exp3A_113 = math.exp %sub3A_112 : vector<16xf32>
        %swap3A_114 = arith.constant 16 : index
        %swap3A_115 = tpu.vector_load %arg15[%swap3A_114] {strides = array<i32>} : memref<128xf32, #tpu.memory_space<vmem>>, vector<16xf32>,
        tpu.vector_store %arg15[%swap3A_114], %exp3A_113 {strides = array<i32>} : memref<128xf32, #tpu.memory_space<vmem>>, vector<16xf32>,
        %get3A_116 = arith.index_cast %scan3A_69 : i32 to index
        %get3A_117 = arith.constant 32 : index
        %get3A_118 = tpu.vector_load %arg12[%get3A_116, %get3A_117] {strides = array<i32>} : memref<25x80xi32, #tpu.memory_space<vmem>>, vector<16xi32>,
        %get3A_119 = arith.index_cast %scan3A_69 : i32 to index
        %get3A_120 = arith.constant 32 : index
        %get3A_121 = tpu.vector_load %arg13[%get3A_119, %get3A_120] {strides = array<i32>} : memref<25x80xi32, #tpu.memory_space<vmem>>, vector<16xi32>,
        %gather3A_122 = tpu.vector_load_idx %arg9[%get3A_118] : memref<10000xf32, #tpu.memory_space<vmem>>[vector<16xi32>], vector<16xf32>,
        %gather3A_123 = tpu.vector_load_idx %arg10[%get3A_121] : memref<10000xf32, #tpu.memory_space<vmem>>[vector<16xi32>], vector<16xf32>,
        %add3A_124 = arith.addf %gather3A_122, %gather3A_123 : vector<16xf32>
        %gt3A_125 = arith.constant 0.000000e+00 : f32
        %gt3A_126 = vector.broadcast %gt3A_125 : f32 to vector<16xf32>
        %gt3A_127 = arith.cmpf ogt, %add3A_124, %gt3A_126 : vector<16xf32>
        %mul3A_128 = arith.constant 2.000000e-01 : f32
        %mul3A_129 = vector.broadcast %mul3A_128 : f32 to vector<16xf32>
        %mul3A_130 = arith.mulf %mul3A_129, %add3A_124 : vector<16xf32>
        %select_n3A_131 = arith.select %gt3A_127, %add3A_124, %mul3A_130 : vector<16xi1>, vector<16xf32>
        %sub3A_132 = arith.subf %select_n3A_131, %select_n3A : vector<16xf32>
        %exp3A_133 = math.exp %sub3A_132 : vector<16xf32>
        %swap3A_134 = arith.constant 32 : index
        %swap3A_135 = tpu.vector_load %arg15[%swap3A_134] {strides = array<i32>} : memref<128xf32, #tpu.memory_space<vmem>>, vector<16xf32>,
        tpu.vector_store %arg15[%swap3A_134], %exp3A_133 {strides = array<i32>} : memref<128xf32, #tpu.memory_space<vmem>>, vector<16xf32>,
        %get3A_136 = arith.index_cast %scan3A_69 : i32 to index
        %get3A_137 = arith.constant 48 : index
        %get3A_138 = tpu.vector_load %arg12[%get3A_136, %get3A_137] {strides = array<i32>} : memref<25x80xi32, #tpu.memory_space<vmem>>, vector<16xi32>,
        %get3A_139 = arith.index_cast %scan3A_69 : i32 to index
        %get3A_140 = arith.constant 48 : index
        %get3A_141 = tpu.vector_load %arg13[%get3A_139, %get3A_140] {strides = array<i32>} : memref<25x80xi32, #tpu.memory_space<vmem>>, vector<16xi32>,
        %gather3A_142 = tpu.vector_load_idx %arg9[%get3A_138] : memref<10000xf32, #tpu.memory_space<vmem>>[vector<16xi32>], vector<16xf32>,
        %gather3A_143 = tpu.vector_load_idx %arg10[%get3A_141] : memref<10000xf32, #tpu.memory_space<vmem>>[vector<16xi32>], vector<16xf32>,
        %add3A_144 = arith.addf %gather3A_142, %gather3A_143 : vector<16xf32>
        %gt3A_145 = arith.constant 0.000000e+00 : f32
        %gt3A_146 = vector.broadcast %gt3A_145 : f32 to vector<16xf32>
        %gt3A_147 = arith.cmpf ogt, %add3A_144, %gt3A_146 : vector<16xf32>
        %mul3A_148 = arith.constant 2.000000e-01 : f32
        %mul3A_149 = vector.broadcast %mul3A_148 : f32 to vector<16xf32>
        %mul3A_150 = arith.mulf %mul3A_149, %add3A_144 : vector<16xf32>
        %select_n3A_151 = arith.select %gt3A_147, %add3A_144, %mul3A_150 : vector<16xi1>, vector<16xf32>
        %sub3A_152 = arith.subf %select_n3A_151, %select_n3A : vector<16xf32>
        %exp3A_153 = math.exp %sub3A_152 : vector<16xf32>
        %swap3A_154 = arith.constant 48 : index
        %swap3A_155 = tpu.vector_load %arg15[%swap3A_154] {strides = array<i32>} : memref<128xf32, #tpu.memory_space<vmem>>, vector<16xf32>,
        tpu.vector_store %arg15[%swap3A_154], %exp3A_153 {strides = array<i32>} : memref<128xf32, #tpu.memory_space<vmem>>, vector<16xf32>,
        %get3A_156 = arith.index_cast %scan3A_69 : i32 to index
        %get3A_157 = arith.constant 64 : index
        %get3A_158 = tpu.vector_load %arg12[%get3A_156, %get3A_157] {strides = array<i32>} : memref<25x80xi32, #tpu.memory_space<vmem>>, vector<16xi32>,
        %get3A_159 = arith.index_cast %scan3A_69 : i32 to index
        %get3A_160 = arith.constant 64 : index
        %get3A_161 = tpu.vector_load %arg13[%get3A_159, %get3A_160] {strides = array<i32>} : memref<25x80xi32, #tpu.memory_space<vmem>>, vector<16xi32>,
        %gather3A_162 = tpu.vector_load_idx %arg9[%get3A_158] : memref<10000xf32, #tpu.memory_space<vmem>>[vector<16xi32>], vector<16xf32>,
        %gather3A_163 = tpu.vector_load_idx %arg10[%get3A_161] : memref<10000xf32, #tpu.memory_space<vmem>>[vector<16xi32>], vector<16xf32>,
        %add3A_164 = arith.addf %gather3A_162, %gather3A_163 : vector<16xf32>
        %gt3A_165 = arith.constant 0.000000e+00 : f32
        %gt3A_166 = vector.broadcast %gt3A_165 : f32 to vector<16xf32>
        %gt3A_167 = arith.cmpf ogt, %add3A_164, %gt3A_166 : vector<16xf32>
        %mul3A_168 = arith.constant 2.000000e-01 : f32
        %mul3A_169 = vector.broadcast %mul3A_168 : f32 to vector<16xf32>
        %mul3A_170 = arith.mulf %mul3A_169, %add3A_164 : vector<16xf32>
        %select_n3A_171 = arith.select %gt3A_167, %add3A_164, %mul3A_170 : vector<16xi1>, vector<16xf32>
        %sub3A_172 = arith.subf %select_n3A_171, %select_n3A : vector<16xf32>
        %exp3A_173 = math.exp %sub3A_172 : vector<16xf32>
        %swap3A_174 = arith.constant 64 : index
        %swap3A_175 = tpu.vector_load %arg15[%swap3A_174] {strides = array<i32>} : memref<128xf32, #tpu.memory_space<vmem>>, vector<16xf32>,
        tpu.vector_store %arg15[%swap3A_174], %exp3A_173 {strides = array<i32>} : memref<128xf32, #tpu.memory_space<vmem>>, vector<16xf32>,
        %scan3A_176 = arith.constant 0 : i32
        %scan3A_177 = arith.constant 0 : i32
        %scan3A_178 = arith.constant 20 : i32
        %scan3A_179 = arith.addi %scan3A_177, %scan3A_178 : i32
        %scan3A_180 = arith.constant 1 : i32
        scf.for %scan3A_182 = %scan3A_177 to %scan3A_179 step %scan3A_180  : i32 {
          %mul3A_183 = arith.constant 4 : i32
          %mul3A_184 = arith.muli %scan3A_182, %mul3A_183 : i32
          %add3A_185 = arith.constant 0 : i32
          %add3A_186 = arith.addi %mul3A_184, %add3A_185 : i32
          %broadcast_in_dim3A = vector.broadcast %add3A_186 : i32 to vector<16xi32>
          %gather3A_187 = tpu.vector_load_idx %arg15[%broadcast_in_dim3A] : memref<128xf32, #tpu.memory_space<vmem>>[vector<16xi32>], vector<16xf32>,
          %get3A_188 = arith.index_cast %add3A_186 : i32 to index
          %get3A_189 = arith.constant 0 : index
          %get3A_190 = tpu.vector_load %arg14[%get3A_188, %get3A_189] {strides = array<i32>} : memref<80x144xf32, #tpu.memory_space<vmem>>, vector<16xf32>,
          %mul3A_191 = arith.mulf %get3A_190, %gather3A_187 : vector<16xf32>
          %swap3A_192 = arith.index_cast %add3A_186 : i32 to index
          %swap3A_193 = arith.constant 0 : index
          %swap3A_194 = tpu.vector_load %arg14[%swap3A_192, %swap3A_193] {strides = array<i32>} : memref<80x144xf32, #tpu.memory_space<vmem>>, vector<16xf32>,
          tpu.vector_store %arg14[%swap3A_192, %swap3A_193], %mul3A_191 {strides = array<i32>} : memref<80x144xf32, #tpu.memory_space<vmem>>, vector<16xf32>,
          %get3A_195 = arith.index_cast %add3A_186 : i32 to index
          %get3A_196 = arith.constant 16 : index
          %get3A_197 = tpu.vector_load %arg14[%get3A_195, %get3A_196] {strides = array<i32>} : memref<80x144xf32, #tpu.memory_space<vmem>>, vector<16xf32>,
          %mul3A_198 = arith.mulf %get3A_197, %gather3A_187 : vector<16xf32>
          %swap3A_199 = arith.index_cast %add3A_186 : i32 to index
          %swap3A_200 = arith.constant 16 : index
          %swap3A_201 = tpu.vector_load %arg14[%swap3A_199, %swap3A_200] {strides = array<i32>} : memref<80x144xf32, #tpu.memory_space<vmem>>, vector<16xf32>,
          tpu.vector_store %arg14[%swap3A_199, %swap3A_200], %mul3A_198 {strides = array<i32>} : memref<80x144xf32, #tpu.memory_space<vmem>>, vector<16xf32>,
          %get3A_202 = arith.index_cast %add3A_186 : i32 to index
          %get3A_203 = arith.constant 32 : index
          %get3A_204 = tpu.vector_load %arg14[%get3A_202, %get3A_203] {strides = array<i32>} : memref<80x144xf32, #tpu.memory_space<vmem>>, vector<16xf32>,
          %mul3A_205 = arith.mulf %get3A_204, %gather3A_187 : vector<16xf32>
          %swap3A_206 = arith.index_cast %add3A_186 : i32 to index
          %swap3A_207 = arith.constant 32 : index
          %swap3A_208 = tpu.vector_load %arg14[%swap3A_206, %swap3A_207] {strides = array<i32>} : memref<80x144xf32, #tpu.memory_space<vmem>>, vector<16xf32>,
          tpu.vector_store %arg14[%swap3A_206, %swap3A_207], %mul3A_205 {strides = array<i32>} : memref<80x144xf32, #tpu.memory_space<vmem>>, vector<16xf32>,
          %get3A_209 = arith.index_cast %add3A_186 : i32 to index
          %get3A_210 = arith.constant 48 : index
          %get3A_211 = tpu.vector_load %arg14[%get3A_209, %get3A_210] {strides = array<i32>} : memref<80x144xf32, #tpu.memory_space<vmem>>, vector<16xf32>,
          %mul3A_212 = arith.mulf %get3A_211, %gather3A_187 : vector<16xf32>
          %swap3A_213 = arith.index_cast %add3A_186 : i32 to index
          %swap3A_214 = arith.constant 48 : index
          %swap3A_215 = tpu.vector_load %arg14[%swap3A_213, %swap3A_214] {strides = array<i32>} : memref<80x144xf32, #tpu.memory_space<vmem>>, vector<16xf32>,
          tpu.vector_store %arg14[%swap3A_213, %swap3A_214], %mul3A_212 {strides = array<i32>} : memref<80x144xf32, #tpu.memory_space<vmem>>, vector<16xf32>,
          %get3A_216 = arith.index_cast %add3A_186 : i32 to index
          %get3A_217 = arith.constant 64 : index
          %get3A_218 = tpu.vector_load %arg14[%get3A_216, %get3A_217] {strides = array<i32>} : memref<80x144xf32, #tpu.memory_space<vmem>>, vector<16xf32>,
          %mul3A_219 = arith.mulf %get3A_218, %gather3A_187 : vector<16xf32>
          %swap3A_220 = arith.index_cast %add3A_186 : i32 to index
          %swap3A_221 = arith.constant 64 : index
          %swap3A_222 = tpu.vector_load %arg14[%swap3A_220, %swap3A_221] {strides = array<i32>} : memref<80x144xf32, #tpu.memory_space<vmem>>, vector<16xf32>,
          tpu.vector_store %arg14[%swap3A_220, %swap3A_221], %mul3A_219 {strides = array<i32>} : memref<80x144xf32, #tpu.memory_space<vmem>>, vector<16xf32>,
          %get3A_223 = arith.index_cast %add3A_186 : i32 to index
          %get3A_224 = arith.constant 80 : index
          %get3A_225 = tpu.vector_load %arg14[%get3A_223, %get3A_224] {strides = array<i32>} : memref<80x144xf32, #tpu.memory_space<vmem>>, vector<16xf32>,
          %mul3A_226 = arith.mulf %get3A_225, %gather3A_187 : vector<16xf32>
          %swap3A_227 = arith.index_cast %add3A_186 : i32 to index
          %swap3A_228 = arith.constant 80 : index
          %swap3A_229 = tpu.vector_load %arg14[%swap3A_227, %swap3A_228] {strides = array<i32>} : memref<80x144xf32, #tpu.memory_space<vmem>>, vector<16xf32>,
          tpu.vector_store %arg14[%swap3A_227, %swap3A_228], %mul3A_226 {strides = array<i32>} : memref<80x144xf32, #tpu.memory_space<vmem>>, vector<16xf32>,
          %get3A_230 = arith.index_cast %add3A_186 : i32 to index
          %get3A_231 = arith.constant 96 : index
          %get3A_232 = tpu.vector_load %arg14[%get3A_230, %get3A_231] {strides = array<i32>} : memref<80x144xf32, #tpu.memory_space<vmem>>, vector<16xf32>,
          %mul3A_233 = arith.mulf %get3A_232, %gather3A_187 : vector<16xf32>
          %swap3A_234 = arith.index_cast %add3A_186 : i32 to index
          %swap3A_235 = arith.constant 96 : index
          %swap3A_236 = tpu.vector_load %arg14[%swap3A_234, %swap3A_235] {strides = array<i32>} : memref<80x144xf32, #tpu.memory_space<vmem>>, vector<16xf32>,
          tpu.vector_store %arg14[%swap3A_234, %swap3A_235], %mul3A_233 {strides = array<i32>} : memref<80x144xf32, #tpu.memory_space<vmem>>, vector<16xf32>,
          %get3A_237 = arith.index_cast %add3A_186 : i32 to index
          %get3A_238 = arith.constant 112 : index
          %get3A_239 = tpu.vector_load %arg14[%get3A_237, %get3A_238] {strides = array<i32>} : memref<80x144xf32, #tpu.memory_space<vmem>>, vector<16xf32>,
          %mul3A_240 = arith.mulf %get3A_239, %gather3A_187 : vector<16xf32>
          %swap3A_241 = arith.index_cast %add3A_186 : i32 to index
          %swap3A_242 = arith.constant 112 : index
          %swap3A_243 = tpu.vector_load %arg14[%swap3A_241, %swap3A_242] {strides = array<i32>} : memref<80x144xf32, #tpu.memory_space<vmem>>, vector<16xf32>,
          tpu.vector_store %arg14[%swap3A_241, %swap3A_242], %mul3A_240 {strides = array<i32>} : memref<80x144xf32, #tpu.memory_space<vmem>>, vector<16xf32>,
          %get3A_244 = arith.index_cast %add3A_186 : i32 to index
          %get3A_245 = arith.constant 128 : index
          %get3A_246 = tpu.vector_load %arg14[%get3A_244, %get3A_245] {strides = array<i32>} : memref<80x144xf32, #tpu.memory_space<vmem>>, vector<16xf32>,
          %mul3A_247 = arith.mulf %get3A_246, %gather3A_187 : vector<16xf32>
          %swap3A_248 = arith.index_cast %add3A_186 : i32 to index
          %swap3A_249 = arith.constant 128 : index
          %swap3A_250 = tpu.vector_load %arg14[%swap3A_248, %swap3A_249] {strides = array<i32>} : memref<80x144xf32, #tpu.memory_space<vmem>>, vector<16xf32>,
          tpu.vector_store %arg14[%swap3A_248, %swap3A_249], %mul3A_247 {strides = array<i32>} : memref<80x144xf32, #tpu.memory_space<vmem>>, vector<16xf32>,
          %mul3A_251 = arith.constant 4 : i32
          %mul3A_252 = arith.muli %scan3A_182, %mul3A_251 : i32
          %add3A_253 = arith.constant 1 : i32
          %add3A_254 = arith.addi %mul3A_252, %add3A_253 : i32
          %broadcast_in_dim3A_255 = vector.broadcast %add3A_254 : i32 to vector<16xi32>
          %gather3A_256 = tpu.vector_load_idx %arg15[%broadcast_in_dim3A_255] : memref<128xf32, #tpu.memory_space<vmem>>[vector<16xi32>], vector<16xf32>,
          %get3A_257 = arith.index_cast %add3A_254 : i32 to index
          %get3A_258 = arith.constant 0 : index
          %get3A_259 = tpu.vector_load %arg14[%get3A_257, %get3A_258] {strides = array<i32>} : memref<80x144xf32, #tpu.memory_space<vmem>>, vector<16xf32>,
          %mul3A_260 = arith.mulf %get3A_259, %gather3A_256 : vector<16xf32>
          %swap3A_261 = arith.index_cast %add3A_254 : i32 to index
          %swap3A_262 = arith.constant 0 : index
          %swap3A_263 = tpu.vector_load %arg14[%swap3A_261, %swap3A_262] {strides = array<i32>} : memref<80x144xf32, #tpu.memory_space<vmem>>, vector<16xf32>,
          tpu.vector_store %arg14[%swap3A_261, %swap3A_262], %mul3A_260 {strides = array<i32>} : memref<80x144xf32, #tpu.memory_space<vmem>>, vector<16xf32>,
          %get3A_264 = arith.index_cast %add3A_254 : i32 to index
          %get3A_265 = arith.constant 16 : index
          %get3A_266 = tpu.vector_load %arg14[%get3A_264, %get3A_265] {strides = array<i32>} : memref<80x144xf32, #tpu.memory_space<vmem>>, vector<16xf32>,
          %mul3A_267 = arith.mulf %get3A_266, %gather3A_256 : vector<16xf32>
          %swap3A_268 = arith.index_cast %add3A_254 : i32 to index
          %swap3A_269 = arith.constant 16 : index
          %swap3A_270 = tpu.vector_load %arg14[%swap3A_268, %swap3A_269] {strides = array<i32>} : memref<80x144xf32, #tpu.memory_space<vmem>>, vector<16xf32>,
          tpu.vector_store %arg14[%swap3A_268, %swap3A_269], %mul3A_267 {strides = array<i32>} : memref<80x144xf32, #tpu.memory_space<vmem>>, vector<16xf32>,
          %get3A_271 = arith.index_cast %add3A_254 : i32 to index
          %get3A_272 = arith.constant 32 : index
          %get3A_273 = tpu.vector_load %arg14[%get3A_271, %get3A_272] {strides = array<i32>} : memref<80x144xf32, #tpu.memory_space<vmem>>, vector<16xf32>,
          %mul3A_274 = arith.mulf %get3A_273, %gather3A_256 : vector<16xf32>
          %swap3A_275 = arith.index_cast %add3A_254 : i32 to index
          %swap3A_276 = arith.constant 32 : index
          %swap3A_277 = tpu.vector_load %arg14[%swap3A_275, %swap3A_276] {strides = array<i32>} : memref<80x144xf32, #tpu.memory_space<vmem>>, vector<16xf32>,
          tpu.vector_store %arg14[%swap3A_275, %swap3A_276], %mul3A_274 {strides = array<i32>} : memref<80x144xf32, #tpu.memory_space<vmem>>, vector<16xf32>,
          %get3A_278 = arith.index_cast %add3A_254 : i32 to index
          %get3A_279 = arith.constant 48 : index
          %get3A_280 = tpu.vector_load %arg14[%get3A_278, %get3A_279] {strides = array<i32>} : memref<80x144xf32, #tpu.memory_space<vmem>>, vector<16xf32>,
          %mul3A_281 = arith.mulf %get3A_280, %gather3A_256 : vector<16xf32>
          %swap3A_282 = arith.index_cast %add3A_254 : i32 to index
          %swap3A_283 = arith.constant 48 : index
          %swap3A_284 = tpu.vector_load %arg14[%swap3A_282, %swap3A_283] {strides = array<i32>} : memref<80x144xf32, #tpu.memory_space<vmem>>, vector<16xf32>,
          tpu.vector_store %arg14[%swap3A_282, %swap3A_283], %mul3A_281 {strides = array<i32>} : memref<80x144xf32, #tpu.memory_space<vmem>>, vector<16xf32>,
          %get3A_285 = arith.index_cast %add3A_254 : i32 to index
          %get3A_286 = arith.constant 64 : index
          %get3A_287 = tpu.vector_load %arg14[%get3A_285, %get3A_286] {strides = array<i32>} : memref<80x144xf32, #tpu.memory_space<vmem>>, vector<16xf32>,
          %mul3A_288 = arith.mulf %get3A_287, %gather3A_256 : vector<16xf32>
          %swap3A_289 = arith.index_cast %add3A_254 : i32 to index
          %swap3A_290 = arith.constant 64 : index
          %swap3A_291 = tpu.vector_load %arg14[%swap3A_289, %swap3A_290] {strides = array<i32>} : memref<80x144xf32, #tpu.memory_space<vmem>>, vector<16xf32>,
          tpu.vector_store %arg14[%swap3A_289, %swap3A_290], %mul3A_288 {strides = array<i32>} : memref<80x144xf32, #tpu.memory_space<vmem>>, vector<16xf32>,
          %get3A_292 = arith.index_cast %add3A_254 : i32 to index
          %get3A_293 = arith.constant 80 : index
          %get3A_294 = tpu.vector_load %arg14[%get3A_292, %get3A_293] {strides = array<i32>} : memref<80x144xf32, #tpu.memory_space<vmem>>, vector<16xf32>,
          %mul3A_295 = arith.mulf %get3A_294, %gather3A_256 : vector<16xf32>
          %swap3A_296 = arith.index_cast %add3A_254 : i32 to index
          %swap3A_297 = arith.constant 80 : index
          %swap3A_298 = tpu.vector_load %arg14[%swap3A_296, %swap3A_297] {strides = array<i32>} : memref<80x144xf32, #tpu.memory_space<vmem>>, vector<16xf32>,
          tpu.vector_store %arg14[%swap3A_296, %swap3A_297], %mul3A_295 {strides = array<i32>} : memref<80x144xf32, #tpu.memory_space<vmem>>, vector<16xf32>,
          %get3A_299 = arith.index_cast %add3A_254 : i32 to index
          %get3A_300 = arith.constant 96 : index
          %get3A_301 = tpu.vector_load %arg14[%get3A_299, %get3A_300] {strides = array<i32>} : memref<80x144xf32, #tpu.memory_space<vmem>>, vector<16xf32>,
          %mul3A_302 = arith.mulf %get3A_301, %gather3A_256 : vector<16xf32>
          %swap3A_303 = arith.index_cast %add3A_254 : i32 to index
          %swap3A_304 = arith.constant 96 : index
          %swap3A_305 = tpu.vector_load %arg14[%swap3A_303, %swap3A_304] {strides = array<i32>} : memref<80x144xf32, #tpu.memory_space<vmem>>, vector<16xf32>,
          tpu.vector_store %arg14[%swap3A_303, %swap3A_304], %mul3A_302 {strides = array<i32>} : memref<80x144xf32, #tpu.memory_space<vmem>>, vector<16xf32>,
          %get3A_306 = arith.index_cast %add3A_254 : i32 to index
          %get3A_307 = arith.constant 112 : index
          %get3A_308 = tpu.vector_load %arg14[%get3A_306, %get3A_307] {strides = array<i32>} : memref<80x144xf32, #tpu.memory_space<vmem>>, vector<16xf32>,
          %mul3A_309 = arith.mulf %get3A_308, %gather3A_256 : vector<16xf32>
          %swap3A_310 = arith.index_cast %add3A_254 : i32 to index
          %swap3A_311 = arith.constant 112 : index
          %swap3A_312 = tpu.vector_load %arg14[%swap3A_310, %swap3A_311] {strides = array<i32>} : memref<80x144xf32, #tpu.memory_space<vmem>>, vector<16xf32>,
          tpu.vector_store %arg14[%swap3A_310, %swap3A_311], %mul3A_309 {strides = array<i32>} : memref<80x144xf32, #tpu.memory_space<vmem>>, vector<16xf32>,
          %get3A_313 = arith.index_cast %add3A_254 : i32 to index
          %get3A_314 = arith.constant 128 : index
          %get3A_315 = tpu.vector_load %arg14[%get3A_313, %get3A_314] {strides = array<i32>} : memref<80x144xf32, #tpu.memory_space<vmem>>, vector<16xf32>,
          %mul3A_316 = arith.mulf %get3A_315, %gather3A_256 : vector<16xf32>
          %swap3A_317 = arith.index_cast %add3A_254 : i32 to index
          %swap3A_318 = arith.constant 128 : index
          %swap3A_319 = tpu.vector_load %arg14[%swap3A_317, %swap3A_318] {strides = array<i32>} : memref<80x144xf32, #tpu.memory_space<vmem>>, vector<16xf32>,
          tpu.vector_store %arg14[%swap3A_317, %swap3A_318], %mul3A_316 {strides = array<i32>} : memref<80x144xf32, #tpu.memory_space<vmem>>, vector<16xf32>,
          %mul3A_320 = arith.constant 4 : i32
          %mul3A_321 = arith.muli %scan3A_182, %mul3A_320 : i32
          %add3A_322 = arith.constant 2 : i32
          %add3A_323 = arith.addi %mul3A_321, %add3A_322 : i32
          %broadcast_in_dim3A_324 = vector.broadcast %add3A_323 : i32 to vector<16xi32>
          %gather3A_325 = tpu.vector_load_idx %arg15[%broadcast_in_dim3A_324] : memref<128xf32, #tpu.memory_space<vmem>>[vector<16xi32>], vector<16xf32>,
          %get3A_326 = arith.index_cast %add3A_323 : i32 to index
          %get3A_327 = arith.constant 0 : index
          %get3A_328 = tpu.vector_load %arg14[%get3A_326, %get3A_327] {strides = array<i32>} : memref<80x144xf32, #tpu.memory_space<vmem>>, vector<16xf32>,
          %mul3A_329 = arith.mulf %get3A_328, %gather3A_325 : vector<16xf32>
          %swap3A_330 = arith.index_cast %add3A_323 : i32 to index
          %swap3A_331 = arith.constant 0 : index
          %swap3A_332 = tpu.vector_load %arg14[%swap3A_330, %swap3A_331] {strides = array<i32>} : memref<80x144xf32, #tpu.memory_space<vmem>>, vector<16xf32>,
          tpu.vector_store %arg14[%swap3A_330, %swap3A_331], %mul3A_329 {strides = array<i32>} : memref<80x144xf32, #tpu.memory_space<vmem>>, vector<16xf32>,
          %get3A_333 = arith.index_cast %add3A_323 : i32 to index
          %get3A_334 = arith.constant 16 : index
          %get3A_335 = tpu.vector_load %arg14[%get3A_333, %get3A_334] {strides = array<i32>} : memref<80x144xf32, #tpu.memory_space<vmem>>, vector<16xf32>,
          %mul3A_336 = arith.mulf %get3A_335, %gather3A_325 : vector<16xf32>
          %swap3A_337 = arith.index_cast %add3A_323 : i32 to index
          %swap3A_338 = arith.constant 16 : index
          %swap3A_339 = tpu.vector_load %arg14[%swap3A_337, %swap3A_338] {strides = array<i32>} : memref<80x144xf32, #tpu.memory_space<vmem>>, vector<16xf32>,
          tpu.vector_store %arg14[%swap3A_337, %swap3A_338], %mul3A_336 {strides = array<i32>} : memref<80x144xf32, #tpu.memory_space<vmem>>, vector<16xf32>,
          %get3A_340 = arith.index_cast %add3A_323 : i32 to index
          %get3A_341 = arith.constant 32 : index
          %get3A_342 = tpu.vector_load %arg14[%get3A_340, %get3A_341] {strides = array<i32>} : memref<80x144xf32, #tpu.memory_space<vmem>>, vector<16xf32>,
          %mul3A_343 = arith.mulf %get3A_342, %gather3A_325 : vector<16xf32>
          %swap3A_344 = arith.index_cast %add3A_323 : i32 to index
          %swap3A_345 = arith.constant 32 : index
          %swap3A_346 = tpu.vector_load %arg14[%swap3A_344, %swap3A_345] {strides = array<i32>} : memref<80x144xf32, #tpu.memory_space<vmem>>, vector<16xf32>,
          tpu.vector_store %arg14[%swap3A_344, %swap3A_345], %mul3A_343 {strides = array<i32>} : memref<80x144xf32, #tpu.memory_space<vmem>>, vector<16xf32>,
          %get3A_347 = arith.index_cast %add3A_323 : i32 to index
          %get3A_348 = arith.constant 48 : index
          %get3A_349 = tpu.vector_load %arg14[%get3A_347, %get3A_348] {strides = array<i32>} : memref<80x144xf32, #tpu.memory_space<vmem>>, vector<16xf32>,
          %mul3A_350 = arith.mulf %get3A_349, %gather3A_325 : vector<16xf32>
          %swap3A_351 = arith.index_cast %add3A_323 : i32 to index
          %swap3A_352 = arith.constant 48 : index
          %swap3A_353 = tpu.vector_load %arg14[%swap3A_351, %swap3A_352] {strides = array<i32>} : memref<80x144xf32, #tpu.memory_space<vmem>>, vector<16xf32>,
          tpu.vector_store %arg14[%swap3A_351, %swap3A_352], %mul3A_350 {strides = array<i32>} : memref<80x144xf32, #tpu.memory_space<vmem>>, vector<16xf32>,
          %get3A_354 = arith.index_cast %add3A_323 : i32 to index
          %get3A_355 = arith.constant 64 : index
          %get3A_356 = tpu.vector_load %arg14[%get3A_354, %get3A_355] {strides = array<i32>} : memref<80x144xf32, #tpu.memory_space<vmem>>, vector<16xf32>,
          %mul3A_357 = arith.mulf %get3A_356, %gather3A_325 : vector<16xf32>
          %swap3A_358 = arith.index_cast %add3A_323 : i32 to index
          %swap3A_359 = arith.constant 64 : index
          %swap3A_360 = tpu.vector_load %arg14[%swap3A_358, %swap3A_359] {strides = array<i32>} : memref<80x144xf32, #tpu.memory_space<vmem>>, vector<16xf32>,
          tpu.vector_store %arg14[%swap3A_358, %swap3A_359], %mul3A_357 {strides = array<i32>} : memref<80x144xf32, #tpu.memory_space<vmem>>, vector<16xf32>,
          %get3A_361 = arith.index_cast %add3A_323 : i32 to index
          %get3A_362 = arith.constant 80 : index
          %get3A_363 = tpu.vector_load %arg14[%get3A_361, %get3A_362] {strides = array<i32>} : memref<80x144xf32, #tpu.memory_space<vmem>>, vector<16xf32>,
          %mul3A_364 = arith.mulf %get3A_363, %gather3A_325 : vector<16xf32>
          %swap3A_365 = arith.index_cast %add3A_323 : i32 to index
          %swap3A_366 = arith.constant 80 : index
          %swap3A_367 = tpu.vector_load %arg14[%swap3A_365, %swap3A_366] {strides = array<i32>} : memref<80x144xf32, #tpu.memory_space<vmem>>, vector<16xf32>,
          tpu.vector_store %arg14[%swap3A_365, %swap3A_366], %mul3A_364 {strides = array<i32>} : memref<80x144xf32, #tpu.memory_space<vmem>>, vector<16xf32>,
          %get3A_368 = arith.index_cast %add3A_323 : i32 to index
          %get3A_369 = arith.constant 96 : index
          %get3A_370 = tpu.vector_load %arg14[%get3A_368, %get3A_369] {strides = array<i32>} : memref<80x144xf32, #tpu.memory_space<vmem>>, vector<16xf32>,
          %mul3A_371 = arith.mulf %get3A_370, %gather3A_325 : vector<16xf32>
          %swap3A_372 = arith.index_cast %add3A_323 : i32 to index
          %swap3A_373 = arith.constant 96 : index
          %swap3A_374 = tpu.vector_load %arg14[%swap3A_372, %swap3A_373] {strides = array<i32>} : memref<80x144xf32, #tpu.memory_space<vmem>>, vector<16xf32>,
          tpu.vector_store %arg14[%swap3A_372, %swap3A_373], %mul3A_371 {strides = array<i32>} : memref<80x144xf32, #tpu.memory_space<vmem>>, vector<16xf32>,
          %get3A_375 = arith.index_cast %add3A_323 : i32 to index
          %get3A_376 = arith.constant 112 : index
          %get3A_377 = tpu.vector_load %arg14[%get3A_375, %get3A_376] {strides = array<i32>} : memref<80x144xf32, #tpu.memory_space<vmem>>, vector<16xf32>,
          %mul3A_378 = arith.mulf %get3A_377, %gather3A_325 : vector<16xf32>
          %swap3A_379 = arith.index_cast %add3A_323 : i32 to index
          %swap3A_380 = arith.constant 112 : index
          %swap3A_381 = tpu.vector_load %arg14[%swap3A_379, %swap3A_380] {strides = array<i32>} : memref<80x144xf32, #tpu.memory_space<vmem>>, vector<16xf32>,
          tpu.vector_store %arg14[%swap3A_379, %swap3A_380], %mul3A_378 {strides = array<i32>} : memref<80x144xf32, #tpu.memory_space<vmem>>, vector<16xf32>,
          %get3A_382 = arith.index_cast %add3A_323 : i32 to index
          %get3A_383 = arith.constant 128 : index
          %get3A_384 = tpu.vector_load %arg14[%get3A_382, %get3A_383] {strides = array<i32>} : memref<80x144xf32, #tpu.memory_space<vmem>>, vector<16xf32>,
          %mul3A_385 = arith.mulf %get3A_384, %gather3A_325 : vector<16xf32>
          %swap3A_386 = arith.index_cast %add3A_323 : i32 to index
          %swap3A_387 = arith.constant 128 : index
          %swap3A_388 = tpu.vector_load %arg14[%swap3A_386, %swap3A_387] {strides = array<i32>} : memref<80x144xf32, #tpu.memory_space<vmem>>, vector<16xf32>,
          tpu.vector_store %arg14[%swap3A_386, %swap3A_387], %mul3A_385 {strides = array<i32>} : memref<80x144xf32, #tpu.memory_space<vmem>>, vector<16xf32>,
          %mul3A_389 = arith.constant 4 : i32
          %mul3A_390 = arith.muli %scan3A_182, %mul3A_389 : i32
          %add3A_391 = arith.constant 3 : i32
          %add3A_392 = arith.addi %mul3A_390, %add3A_391 : i32
          %broadcast_in_dim3A_393 = vector.broadcast %add3A_392 : i32 to vector<16xi32>
          %gather3A_394 = tpu.vector_load_idx %arg15[%broadcast_in_dim3A_393] : memref<128xf32, #tpu.memory_space<vmem>>[vector<16xi32>], vector<16xf32>,
          %get3A_395 = arith.index_cast %add3A_392 : i32 to index
          %get3A_396 = arith.constant 0 : index
          %get3A_397 = tpu.vector_load %arg14[%get3A_395, %get3A_396] {strides = array<i32>} : memref<80x144xf32, #tpu.memory_space<vmem>>, vector<16xf32>,
          %mul3A_398 = arith.mulf %get3A_397, %gather3A_394 : vector<16xf32>
          %swap3A_399 = arith.index_cast %add3A_392 : i32 to index
          %swap3A_400 = arith.constant 0 : index
          %swap3A_401 = tpu.vector_load %arg14[%swap3A_399, %swap3A_400] {strides = array<i32>} : memref<80x144xf32, #tpu.memory_space<vmem>>, vector<16xf32>,
          tpu.vector_store %arg14[%swap3A_399, %swap3A_400], %mul3A_398 {strides = array<i32>} : memref<80x144xf32, #tpu.memory_space<vmem>>, vector<16xf32>,
          %get3A_402 = arith.index_cast %add3A_392 : i32 to index
          %get3A_403 = arith.constant 16 : index
          %get3A_404 = tpu.vector_load %arg14[%get3A_402, %get3A_403] {strides = array<i32>} : memref<80x144xf32, #tpu.memory_space<vmem>>, vector<16xf32>,
          %mul3A_405 = arith.mulf %get3A_404, %gather3A_394 : vector<16xf32>
          %swap3A_406 = arith.index_cast %add3A_392 : i32 to index
          %swap3A_407 = arith.constant 16 : index
          %swap3A_408 = tpu.vector_load %arg14[%swap3A_406, %swap3A_407] {strides = array<i32>} : memref<80x144xf32, #tpu.memory_space<vmem>>, vector<16xf32>,
          tpu.vector_store %arg14[%swap3A_406, %swap3A_407], %mul3A_405 {strides = array<i32>} : memref<80x144xf32, #tpu.memory_space<vmem>>, vector<16xf32>,
          %get3A_409 = arith.index_cast %add3A_392 : i32 to index
          %get3A_410 = arith.constant 32 : index
          %get3A_411 = tpu.vector_load %arg14[%get3A_409, %get3A_410] {strides = array<i32>} : memref<80x144xf32, #tpu.memory_space<vmem>>, vector<16xf32>,
          %mul3A_412 = arith.mulf %get3A_411, %gather3A_394 : vector<16xf32>
          %swap3A_413 = arith.index_cast %add3A_392 : i32 to index
          %swap3A_414 = arith.constant 32 : index
          %swap3A_415 = tpu.vector_load %arg14[%swap3A_413, %swap3A_414] {strides = array<i32>} : memref<80x144xf32, #tpu.memory_space<vmem>>, vector<16xf32>,
          tpu.vector_store %arg14[%swap3A_413, %swap3A_414], %mul3A_412 {strides = array<i32>} : memref<80x144xf32, #tpu.memory_space<vmem>>, vector<16xf32>,
          %get3A_416 = arith.index_cast %add3A_392 : i32 to index
          %get3A_417 = arith.constant 48 : index
          %get3A_418 = tpu.vector_load %arg14[%get3A_416, %get3A_417] {strides = array<i32>} : memref<80x144xf32, #tpu.memory_space<vmem>>, vector<16xf32>,
          %mul3A_419 = arith.mulf %get3A_418, %gather3A_394 : vector<16xf32>
          %swap3A_420 = arith.index_cast %add3A_392 : i32 to index
          %swap3A_421 = arith.constant 48 : index
          %swap3A_422 = tpu.vector_load %arg14[%swap3A_420, %swap3A_421] {strides = array<i32>} : memref<80x144xf32, #tpu.memory_space<vmem>>, vector<16xf32>,
          tpu.vector_store %arg14[%swap3A_420, %swap3A_421], %mul3A_419 {strides = array<i32>} : memref<80x144xf32, #tpu.memory_space<vmem>>, vector<16xf32>,
          %get3A_423 = arith.index_cast %add3A_392 : i32 to index
          %get3A_424 = arith.constant 64 : index
          %get3A_425 = tpu.vector_load %arg14[%get3A_423, %get3A_424] {strides = array<i32>} : memref<80x144xf32, #tpu.memory_space<vmem>>, vector<16xf32>,
          %mul3A_426 = arith.mulf %get3A_425, %gather3A_394 : vector<16xf32>
          %swap3A_427 = arith.index_cast %add3A_392 : i32 to index
          %swap3A_428 = arith.constant 64 : index
          %swap3A_429 = tpu.vector_load %arg14[%swap3A_427, %swap3A_428] {strides = array<i32>} : memref<80x144xf32, #tpu.memory_space<vmem>>, vector<16xf32>,
          tpu.vector_store %arg14[%swap3A_427, %swap3A_428], %mul3A_426 {strides = array<i32>} : memref<80x144xf32, #tpu.memory_space<vmem>>, vector<16xf32>,
          %get3A_430 = arith.index_cast %add3A_392 : i32 to index
          %get3A_431 = arith.constant 80 : index
          %get3A_432 = tpu.vector_load %arg14[%get3A_430, %get3A_431] {strides = array<i32>} : memref<80x144xf32, #tpu.memory_space<vmem>>, vector<16xf32>,
          %mul3A_433 = arith.mulf %get3A_432, %gather3A_394 : vector<16xf32>
          %swap3A_434 = arith.index_cast %add3A_392 : i32 to index
          %swap3A_435 = arith.constant 80 : index
          %swap3A_436 = tpu.vector_load %arg14[%swap3A_434, %swap3A_435] {strides = array<i32>} : memref<80x144xf32, #tpu.memory_space<vmem>>, vector<16xf32>,
          tpu.vector_store %arg14[%swap3A_434, %swap3A_435], %mul3A_433 {strides = array<i32>} : memref<80x144xf32, #tpu.memory_space<vmem>>, vector<16xf32>,
          %get3A_437 = arith.index_cast %add3A_392 : i32 to index
          %get3A_438 = arith.constant 96 : index
          %get3A_439 = tpu.vector_load %arg14[%get3A_437, %get3A_438] {strides = array<i32>} : memref<80x144xf32, #tpu.memory_space<vmem>>, vector<16xf32>,
          %mul3A_440 = arith.mulf %get3A_439, %gather3A_394 : vector<16xf32>
          %swap3A_441 = arith.index_cast %add3A_392 : i32 to index
          %swap3A_442 = arith.constant 96 : index
          %swap3A_443 = tpu.vector_load %arg14[%swap3A_441, %swap3A_442] {strides = array<i32>} : memref<80x144xf32, #tpu.memory_space<vmem>>, vector<16xf32>,
          tpu.vector_store %arg14[%swap3A_441, %swap3A_442], %mul3A_440 {strides = array<i32>} : memref<80x144xf32, #tpu.memory_space<vmem>>, vector<16xf32>,
          %get3A_444 = arith.index_cast %add3A_392 : i32 to index
          %get3A_445 = arith.constant 112 : index
          %get3A_446 = tpu.vector_load %arg14[%get3A_444, %get3A_445] {strides = array<i32>} : memref<80x144xf32, #tpu.memory_space<vmem>>, vector<16xf32>,
          %mul3A_447 = arith.mulf %get3A_446, %gather3A_394 : vector<16xf32>
          %swap3A_448 = arith.index_cast %add3A_392 : i32 to index
          %swap3A_449 = arith.constant 112 : index
          %swap3A_450 = tpu.vector_load %arg14[%swap3A_448, %swap3A_449] {strides = array<i32>} : memref<80x144xf32, #tpu.memory_space<vmem>>, vector<16xf32>,
          tpu.vector_store %arg14[%swap3A_448, %swap3A_449], %mul3A_447 {strides = array<i32>} : memref<80x144xf32, #tpu.memory_space<vmem>>, vector<16xf32>,
          %get3A_451 = arith.index_cast %add3A_392 : i32 to index
          %get3A_452 = arith.constant 128 : index
          %get3A_453 = tpu.vector_load %arg14[%get3A_451, %get3A_452] {strides = array<i32>} : memref<80x144xf32, #tpu.memory_space<vmem>>, vector<16xf32>,
          %mul3A_454 = arith.mulf %get3A_453, %gather3A_394 : vector<16xf32>
          %swap3A_455 = arith.index_cast %add3A_392 : i32 to index
          %swap3A_456 = arith.constant 128 : index
          %swap3A_457 = tpu.vector_load %arg14[%swap3A_455, %swap3A_456] {strides = array<i32>} : memref<80x144xf32, #tpu.memory_space<vmem>>, vector<16xf32>,
          tpu.vector_store %arg14[%swap3A_455, %swap3A_456], %mul3A_454 {strides = array<i32>} : memref<80x144xf32, #tpu.memory_space<vmem>>, vector<16xf32>,
        }
        %scan3A_181 = arith.constant 20 : i32
        "tpu.region"() ({
          %run_scoped3A = tpu.sem_alloc : memref<!tpu.dma_semaphore, #tpu.memory_space<semaphore_mem>>
          %dma_start3A_182 = arith.constant 0 : i32
          %dma_start3A_183 = tpu.memref_slice %arg13[%scan3A_69, %dma_start3A_182] : memref<25x80xi32, #tpu.memory_space<vmem>> -> memref<1x80xi32, #tpu.memory_space<vmem>>
          %dma_start3A_184 = tpu.memref_squeeze %dma_start3A_183 : memref<1x80xi32, #tpu.memory_space<vmem>> -> memref<80xi32, #tpu.memory_space<vmem>>
          %dma_start3A_185 = arith.constant 0 : i32
          %dma_start3A_186 = arith.constant 0 : i32
          %dma_start3A_187 = tpu.memref_slice %arg16[%dma_start3A_185, %dma_start3A_186] : memref<10000x144xf32, #tpu.memory_space<vmem_shared>> -> memref<10000x144xf32, #tpu.memory_space<vmem_shared>>
          tpu.enqueue_indirect_dma source(%arg14 : memref<80x144xf32, #tpu.memory_space<vmem>>) target(%dma_start3A_187 : memref<10000x144xf32, #tpu.memory_space<vmem_shared>>) offsets(%dma_start3A_184 : memref<80xi32, #tpu.memory_space<vmem>>) semaphore(%run_scoped3A : memref<!tpu.dma_semaphore, #tpu.memory_space<semaphore_mem>>) {add = true}
          %dma_wait3A_188 = arith.constant 0 : i32
          %dma_wait3A_189 = tpu.memref_slice %arg13[%scan3A_69, %dma_wait3A_188] : memref<25x80xi32, #tpu.memory_space<vmem>> -> memref<1x80xi32, #tpu.memory_space<vmem>>
          %dma_wait3A_190 = tpu.memref_squeeze %dma_wait3A_189 : memref<1x80xi32, #tpu.memory_space<vmem>> -> memref<80xi32, #tpu.memory_space<vmem>>
          %dma_wait3A_191 = arith.constant 0 : i32
          %dma_wait3A_192 = arith.constant 0 : i32
          %dma_wait3A_193 = tpu.memref_slice %arg16[%dma_wait3A_191, %dma_wait3A_192] : memref<10000x144xf32, #tpu.memory_space<vmem_shared>> -> memref<10000x144xf32, #tpu.memory_space<vmem_shared>>
          tpu.wait_indirect_dma semaphore(%run_scoped3A : memref<!tpu.dma_semaphore, #tpu.memory_space<semaphore_mem>>) src(%arg14 : memref<80x144xf32, #tpu.memory_space<vmem>>) dst(%dma_wait3A_193 : memref<10000x144xf32, #tpu.memory_space<vmem_shared>>)
          tpu.yield
        }) : () -> ()
      }
      %scan3A_68 = arith.constant 25 : i32
    }
    %scan3A_52 = arith.constant 5 : i32
    %barrier3A_53 = arith.constant 0 : index
    tpu.barrier barrier_id(%barrier3A_53)
    %mul3A_54 = arith.constant 625 : i32
    %mul3A_55 = arith.muli %arg1, %mul3A_54 : i32
    %mul3A_56 = arith.constant 625 : i32
    %mul3A_57 = arith.muli %arg1, %mul3A_56 : i32
    "tpu.region"() ({
      %run_scoped3A = tpu.sem_alloc : memref<!tpu.dma_semaphore, #tpu.memory_space<semaphore_mem>>
      %dma_start3A = arith.constant 0 : i32
      %dma_start3A_58 = tpu.memref_slice %arg8[%arg0, %mul3A_57, %dma_start3A] : memref<2x10000x144xf32, #tpu.memory_space<hbm>> -> memref<1x625x144xf32, #tpu.memory_space<hbm>>
      %dma_start3A_59 = tpu.memref_squeeze %dma_start3A_58 : memref<1x625x144xf32, #tpu.memory_space<hbm>> -> memref<625x144xf32, #tpu.memory_space<hbm>>
      %dma_start3A_60 = arith.constant 0 : i32
      %dma_start3A_61 = tpu.memref_slice %arg16[%mul3A_55, %dma_start3A_60] : memref<10000x144xf32, #tpu.memory_space<vmem_shared>> -> memref<625x144xf32, #tpu.memory_space<vmem_shared>>
      tpu.enqueue_dma source(%dma_start3A_61 : memref<625x144xf32, #tpu.memory_space<vmem_shared>>) target(%dma_start3A_59 : memref<625x144xf32, #tpu.memory_space<hbm>>) target_semaphore(%run_scoped3A : memref<!tpu.dma_semaphore, #tpu.memory_space<semaphore_mem>>)
      %dma_wait3A = arith.constant 0 : i32
      %dma_wait3A_62 = tpu.memref_slice %arg8[%arg0, %mul3A_57, %dma_wait3A] : memref<2x10000x144xf32, #tpu.memory_space<hbm>> -> memref<1x625x144xf32, #tpu.memory_space<hbm>>
      %dma_wait3A_63 = tpu.memref_squeeze %dma_wait3A_62 : memref<1x625x144xf32, #tpu.memory_space<hbm>> -> memref<625x144xf32, #tpu.memory_space<hbm>>
      %dma_wait3A_64 = arith.constant 0 : i32
      %dma_wait3A_65 = tpu.memref_slice %arg16[%mul3A_55, %dma_wait3A_64] : memref<10000x144xf32, #tpu.memory_space<vmem_shared>> -> memref<625x144xf32, #tpu.memory_space<vmem_shared>>
      tpu.wait_dma2 semaphore(%run_scoped3A : memref<!tpu.dma_semaphore, #tpu.memory_space<semaphore_mem>>) src(%dma_wait3A_65 : memref<625x144xf32, #tpu.memory_space<vmem_shared>>) dst(%dma_wait3A_63 : memref<625x144xf32, #tpu.memory_space<hbm>>)
      tpu.yield
    }) : () -> ()
    return
  }
}

#map = affine_map<(d0, d1) -> (0, 0)>
#map1 = affine_map<(d0, d1) -> (0)>
#map2 = affine_map<(d0, d1) -> (0, 0, 0)>
module attributes {stable_mosaic.version = 14 : i64} {
  func.func @_sc_edge_body(%arg0: i32, %arg1: i32, %arg2: memref<10000x144xf32, #tpu.memory_space<hbm>>, %arg3: memref<10000xf32, #tpu.memory_space<hbm>>, %arg4: memref<10000xf32, #tpu.memory_space<hbm>>, %arg5: memref<1024xf32, #tpu.memory_space<hbm>>, %arg6: memref<32x125x80xi32, #tpu.memory_space<hbm>>, %arg7: memref<32x125x80xi32, #tpu.memory_space<hbm>>, %arg8: memref<2x10000x144xf32, #tpu.memory_space<hbm>>, %arg9: memref<10000xf32, #tpu.memory_space<vmem>>, %arg10: memref<10000xf32, #tpu.memory_space<vmem>>, %arg11: memref<1024xf32, #tpu.memory_space<vmem>>, %arg12: memref<25x80xi32, #tpu.memory_space<vmem>>, %arg13: memref<25x80xi32, #tpu.memory_space<vmem>>, %arg14: memref<80x144xf32, #tpu.memory_space<vmem>>, %arg15: memref<128xf32, #tpu.memory_space<vmem>>, %arg16: memref<10000x144xf32, #tpu.memory_space<vmem_shared>>, %arg17: memref<!tpu.dma_semaphore, #tpu.memory_space<semaphore_mem>>) attributes {dimension_semantics = [#tpu.dimension_semantics<core_parallel>, #tpu.dimension_semantics<subcore_parallel>], iteration_bounds = array<i64: 2, 16>, scalar_prefetch = 0 : i64, scratch_operands = 9 : i64, tpu.core_type = #tpu.core_type<sc_vector_subcore>, window_params = [{transform_indices = #map}, {transform_indices = #map1}, {transform_indices = #map1}, {transform_indices = #map1}, {transform_indices = #map2}, {transform_indices = #map2}, {transform_indices = #map2}]} {
    %mul3A = arith.constant 2 : i32
    %mul3A_0 = arith.muli %arg1, %mul3A : i32
    %add3A = arith.addi %mul3A_0, %arg0 : i32
    "tpu.region"() ({
      %run_scoped3A = tpu.sem_alloc : memref<!tpu.dma_semaphore, #tpu.memory_space<semaphore_mem>>
      tpu.enqueue_dma source(%arg3 : memref<10000xf32, #tpu.memory_space<hbm>>) target(%arg9 : memref<10000xf32, #tpu.memory_space<vmem>>) target_semaphore(%run_scoped3A : memref<!tpu.dma_semaphore, #tpu.memory_space<semaphore_mem>>)
      tpu.wait_dma2 semaphore(%run_scoped3A : memref<!tpu.dma_semaphore, #tpu.memory_space<semaphore_mem>>) src(%arg3 : memref<10000xf32, #tpu.memory_space<hbm>>) dst(%arg9 : memref<10000xf32, #tpu.memory_space<vmem>>)
      tpu.yield
    }) : () -> ()
    "tpu.region"() ({
      %run_scoped3A = tpu.sem_alloc : memref<!tpu.dma_semaphore, #tpu.memory_space<semaphore_mem>>
      tpu.enqueue_dma source(%arg4 : memref<10000xf32, #tpu.memory_space<hbm>>) target(%arg10 : memref<10000xf32, #tpu.memory_space<vmem>>) target_semaphore(%run_scoped3A : memref<!tpu.dma_semaphore, #tpu.memory_space<semaphore_mem>>)
      tpu.wait_dma2 semaphore(%run_scoped3A : memref<!tpu.dma_semaphore, #tpu.memory_space<semaphore_mem>>) src(%arg4 : memref<10000xf32, #tpu.memory_space<hbm>>) dst(%arg10 : memref<10000xf32, #tpu.memory_space<vmem>>)
      tpu.yield
    }) : () -> ()
    "tpu.region"() ({
      %run_scoped3A = tpu.sem_alloc : memref<!tpu.dma_semaphore, #tpu.memory_space<semaphore_mem>>
      tpu.enqueue_dma source(%arg5 : memref<1024xf32, #tpu.memory_space<hbm>>) target(%arg11 : memref<1024xf32, #tpu.memory_space<vmem>>) target_semaphore(%run_scoped3A : memref<!tpu.dma_semaphore, #tpu.memory_space<semaphore_mem>>)
      tpu.wait_dma2 semaphore(%run_scoped3A : memref<!tpu.dma_semaphore, #tpu.memory_space<semaphore_mem>>) src(%arg5 : memref<1024xf32, #tpu.memory_space<hbm>>) dst(%arg11 : memref<1024xf32, #tpu.memory_space<vmem>>)
      tpu.yield
    }) : () -> ()
    %scan3A = arith.constant 0 : i32
    %scan3A_1 = arith.constant 0 : i32
    %scan3A_2 = arith.constant 80 : i32
    %scan3A_3 = arith.addi %scan3A_1, %scan3A_2 : i32
    %scan3A_4 = arith.constant 1 : i32
    scf.for %scan3A_58 = %scan3A_1 to %scan3A_3 step %scan3A_4  : i32 {
      %broadcast_in_dim3A = arith.constant 0.000000e+00 : f32
      %broadcast_in_dim3A_59 = vector.broadcast %broadcast_in_dim3A : f32 to vector<16xf32>
      %swap3A = arith.index_cast %scan3A_58 : i32 to index
      %swap3A_60 = arith.constant 0 : index
      %swap3A_61 = tpu.vector_load %arg14[%swap3A, %swap3A_60] {strides = array<i32>} : memref<80x144xf32, #tpu.memory_space<vmem>>, vector<16xf32>,
      tpu.vector_store %arg14[%swap3A, %swap3A_60], %broadcast_in_dim3A_59 {strides = array<i32>} : memref<80x144xf32, #tpu.memory_space<vmem>>, vector<16xf32>,
      %broadcast_in_dim3A_62 = arith.constant 0.000000e+00 : f32
      %broadcast_in_dim3A_63 = vector.broadcast %broadcast_in_dim3A_62 : f32 to vector<16xf32>
      %swap3A_64 = arith.index_cast %scan3A_58 : i32 to index
      %swap3A_65 = arith.constant 16 : index
      %swap3A_66 = tpu.vector_load %arg14[%swap3A_64, %swap3A_65] {strides = array<i32>} : memref<80x144xf32, #tpu.memory_space<vmem>>, vector<16xf32>,
      tpu.vector_store %arg14[%swap3A_64, %swap3A_65], %broadcast_in_dim3A_63 {strides = array<i32>} : memref<80x144xf32, #tpu.memory_space<vmem>>, vector<16xf32>,
      %broadcast_in_dim3A_67 = arith.constant 0.000000e+00 : f32
      %broadcast_in_dim3A_68 = vector.broadcast %broadcast_in_dim3A_67 : f32 to vector<16xf32>
      %swap3A_69 = arith.index_cast %scan3A_58 : i32 to index
      %swap3A_70 = arith.constant 32 : index
      %swap3A_71 = tpu.vector_load %arg14[%swap3A_69, %swap3A_70] {strides = array<i32>} : memref<80x144xf32, #tpu.memory_space<vmem>>, vector<16xf32>,
      tpu.vector_store %arg14[%swap3A_69, %swap3A_70], %broadcast_in_dim3A_68 {strides = array<i32>} : memref<80x144xf32, #tpu.memory_space<vmem>>, vector<16xf32>,
      %broadcast_in_dim3A_72 = arith.constant 0.000000e+00 : f32
      %broadcast_in_dim3A_73 = vector.broadcast %broadcast_in_dim3A_72 : f32 to vector<16xf32>
      %swap3A_74 = arith.index_cast %scan3A_58 : i32 to index
      %swap3A_75 = arith.constant 48 : index
      %swap3A_76 = tpu.vector_load %arg14[%swap3A_74, %swap3A_75] {strides = array<i32>} : memref<80x144xf32, #tpu.memory_space<vmem>>, vector<16xf32>,
      tpu.vector_store %arg14[%swap3A_74, %swap3A_75], %broadcast_in_dim3A_73 {strides = array<i32>} : memref<80x144xf32, #tpu.memory_space<vmem>>, vector<16xf32>,
      %broadcast_in_dim3A_77 = arith.constant 0.000000e+00 : f32
      %broadcast_in_dim3A_78 = vector.broadcast %broadcast_in_dim3A_77 : f32 to vector<16xf32>
      %swap3A_79 = arith.index_cast %scan3A_58 : i32 to index
      %swap3A_80 = arith.constant 64 : index
      %swap3A_81 = tpu.vector_load %arg14[%swap3A_79, %swap3A_80] {strides = array<i32>} : memref<80x144xf32, #tpu.memory_space<vmem>>, vector<16xf32>,
      tpu.vector_store %arg14[%swap3A_79, %swap3A_80], %broadcast_in_dim3A_78 {strides = array<i32>} : memref<80x144xf32, #tpu.memory_space<vmem>>, vector<16xf32>,
      %broadcast_in_dim3A_82 = arith.constant 0.000000e+00 : f32
      %broadcast_in_dim3A_83 = vector.broadcast %broadcast_in_dim3A_82 : f32 to vector<16xf32>
      %swap3A_84 = arith.index_cast %scan3A_58 : i32 to index
      %swap3A_85 = arith.constant 80 : index
      %swap3A_86 = tpu.vector_load %arg14[%swap3A_84, %swap3A_85] {strides = array<i32>} : memref<80x144xf32, #tpu.memory_space<vmem>>, vector<16xf32>,
      tpu.vector_store %arg14[%swap3A_84, %swap3A_85], %broadcast_in_dim3A_83 {strides = array<i32>} : memref<80x144xf32, #tpu.memory_space<vmem>>, vector<16xf32>,
      %broadcast_in_dim3A_87 = arith.constant 0.000000e+00 : f32
      %broadcast_in_dim3A_88 = vector.broadcast %broadcast_in_dim3A_87 : f32 to vector<16xf32>
      %swap3A_89 = arith.index_cast %scan3A_58 : i32 to index
      %swap3A_90 = arith.constant 96 : index
      %swap3A_91 = tpu.vector_load %arg14[%swap3A_89, %swap3A_90] {strides = array<i32>} : memref<80x144xf32, #tpu.memory_space<vmem>>, vector<16xf32>,
      tpu.vector_store %arg14[%swap3A_89, %swap3A_90], %broadcast_in_dim3A_88 {strides = array<i32>} : memref<80x144xf32, #tpu.memory_space<vmem>>, vector<16xf32>,
      %broadcast_in_dim3A_92 = arith.constant 0.000000e+00 : f32
      %broadcast_in_dim3A_93 = vector.broadcast %broadcast_in_dim3A_92 : f32 to vector<16xf32>
      %swap3A_94 = arith.index_cast %scan3A_58 : i32 to index
      %swap3A_95 = arith.constant 112 : index
      %swap3A_96 = tpu.vector_load %arg14[%swap3A_94, %swap3A_95] {strides = array<i32>} : memref<80x144xf32, #tpu.memory_space<vmem>>, vector<16xf32>,
      tpu.vector_store %arg14[%swap3A_94, %swap3A_95], %broadcast_in_dim3A_93 {strides = array<i32>} : memref<80x144xf32, #tpu.memory_space<vmem>>, vector<16xf32>,
      %broadcast_in_dim3A_97 = arith.constant 0.000000e+00 : f32
      %broadcast_in_dim3A_98 = vector.broadcast %broadcast_in_dim3A_97 : f32 to vector<16xf32>
      %swap3A_99 = arith.index_cast %scan3A_58 : i32 to index
      %swap3A_100 = arith.constant 128 : index
      %swap3A_101 = tpu.vector_load %arg14[%swap3A_99, %swap3A_100] {strides = array<i32>} : memref<80x144xf32, #tpu.memory_space<vmem>>, vector<16xf32>,
      tpu.vector_store %arg14[%swap3A_99, %swap3A_100], %broadcast_in_dim3A_98 {strides = array<i32>} : memref<80x144xf32, #tpu.memory_space<vmem>>, vector<16xf32>,
    }
    %scan3A_5 = arith.constant 80 : i32
    %mul3A_6 = arith.constant 625 : i32
    %mul3A_7 = arith.muli %arg1, %mul3A_6 : i32
    %add3A_8 = arith.constant 0 : i32
    %add3A_9 = arith.addi %mul3A_7, %add3A_8 : i32
    "tpu.region"() ({
      %run_scoped3A = tpu.sem_alloc : memref<!tpu.dma_semaphore, #tpu.memory_space<semaphore_mem>>
      %dma_start3A = arith.constant 0 : i32
      %dma_start3A_58 = tpu.memref_slice %arg16[%add3A_9, %dma_start3A] : memref<10000x144xf32, #tpu.memory_space<vmem_shared>> -> memref<80x144xf32, #tpu.memory_space<vmem_shared>>
      %dma_start3A_59 = arith.constant 0 : i32
      %dma_start3A_60 = tpu.memref_slice %arg16[%add3A_9, %dma_start3A_59] : memref<10000x144xf32, #tpu.memory_space<vmem_shared>> -> memref<80x144xf32, #tpu.memory_space<vmem_shared>>
      tpu.enqueue_dma source(%arg14 : memref<80x144xf32, #tpu.memory_space<vmem>>) target(%dma_start3A_60 : memref<80x144xf32, #tpu.memory_space<vmem_shared>>) target_semaphore(%run_scoped3A : memref<!tpu.dma_semaphore, #tpu.memory_space<semaphore_mem>>)
      %dma_wait3A = arith.constant 0 : i32
      %dma_wait3A_61 = tpu.memref_slice %arg16[%add3A_9, %dma_wait3A] : memref<10000x144xf32, #tpu.memory_space<vmem_shared>> -> memref<80x144xf32, #tpu.memory_space<vmem_shared>>
      %dma_wait3A_62 = arith.constant 0 : i32
      %dma_wait3A_63 = tpu.memref_slice %arg16[%add3A_9, %dma_wait3A_62] : memref<10000x144xf32, #tpu.memory_space<vmem_shared>> -> memref<80x144xf32, #tpu.memory_space<vmem_shared>>
      tpu.wait_dma2 semaphore(%run_scoped3A : memref<!tpu.dma_semaphore, #tpu.memory_space<semaphore_mem>>) src(%arg14 : memref<80x144xf32, #tpu.memory_space<vmem>>) dst(%dma_wait3A_63 : memref<80x144xf32, #tpu.memory_space<vmem_shared>>)
      tpu.yield
    }) : () -> ()
    %mul3A_10 = arith.constant 625 : i32
    %mul3A_11 = arith.muli %arg1, %mul3A_10 : i32
    %add3A_12 = arith.constant 80 : i32
    %add3A_13 = arith.addi %mul3A_11, %add3A_12 : i32
    "tpu.region"() ({
      %run_scoped3A = tpu.sem_alloc : memref<!tpu.dma_semaphore, #tpu.memory_space<semaphore_mem>>
      %dma_start3A = arith.constant 0 : i32
      %dma_start3A_58 = tpu.memref_slice %arg16[%add3A_13, %dma_start3A] : memref<10000x144xf32, #tpu.memory_space<vmem_shared>> -> memref<80x144xf32, #tpu.memory_space<vmem_shared>>
      %dma_start3A_59 = arith.constant 0 : i32
      %dma_start3A_60 = tpu.memref_slice %arg16[%add3A_13, %dma_start3A_59] : memref<10000x144xf32, #tpu.memory_space<vmem_shared>> -> memref<80x144xf32, #tpu.memory_space<vmem_shared>>
      tpu.enqueue_dma source(%arg14 : memref<80x144xf32, #tpu.memory_space<vmem>>) target(%dma_start3A_60 : memref<80x144xf32, #tpu.memory_space<vmem_shared>>) target_semaphore(%run_scoped3A : memref<!tpu.dma_semaphore, #tpu.memory_space<semaphore_mem>>)
      %dma_wait3A = arith.constant 0 : i32
      %dma_wait3A_61 = tpu.memref_slice %arg16[%add3A_13, %dma_wait3A] : memref<10000x144xf32, #tpu.memory_space<vmem_shared>> -> memref<80x144xf32, #tpu.memory_space<vmem_shared>>
      %dma_wait3A_62 = arith.constant 0 : i32
      %dma_wait3A_63 = tpu.memref_slice %arg16[%add3A_13, %dma_wait3A_62] : memref<10000x144xf32, #tpu.memory_space<vmem_shared>> -> memref<80x144xf32, #tpu.memory_space<vmem_shared>>
      tpu.wait_dma2 semaphore(%run_scoped3A : memref<!tpu.dma_semaphore, #tpu.memory_space<semaphore_mem>>) src(%arg14 : memref<80x144xf32, #tpu.memory_space<vmem>>) dst(%dma_wait3A_63 : memref<80x144xf32, #tpu.memory_space<vmem_shared>>)
      tpu.yield
    }) : () -> ()
    %mul3A_14 = arith.constant 625 : i32
    %mul3A_15 = arith.muli %arg1, %mul3A_14 : i32
    %add3A_16 = arith.constant 160 : i32
    %add3A_17 = arith.addi %mul3A_15, %add3A_16 : i32
    "tpu.region"() ({
      %run_scoped3A = tpu.sem_alloc : memref<!tpu.dma_semaphore, #tpu.memory_space<semaphore_mem>>
      %dma_start3A = arith.constant 0 : i32
      %dma_start3A_58 = tpu.memref_slice %arg16[%add3A_17, %dma_start3A] : memref<10000x144xf32, #tpu.memory_space<vmem_shared>> -> memref<80x144xf32, #tpu.memory_space<vmem_shared>>
      %dma_start3A_59 = arith.constant 0 : i32
      %dma_start3A_60 = tpu.memref_slice %arg16[%add3A_17, %dma_start3A_59] : memref<10000x144xf32, #tpu.memory_space<vmem_shared>> -> memref<80x144xf32, #tpu.memory_space<vmem_shared>>
      tpu.enqueue_dma source(%arg14 : memref<80x144xf32, #tpu.memory_space<vmem>>) target(%dma_start3A_60 : memref<80x144xf32, #tpu.memory_space<vmem_shared>>) target_semaphore(%run_scoped3A : memref<!tpu.dma_semaphore, #tpu.memory_space<semaphore_mem>>)
      %dma_wait3A = arith.constant 0 : i32
      %dma_wait3A_61 = tpu.memref_slice %arg16[%add3A_17, %dma_wait3A] : memref<10000x144xf32, #tpu.memory_space<vmem_shared>> -> memref<80x144xf32, #tpu.memory_space<vmem_shared>>
      %dma_wait3A_62 = arith.constant 0 : i32
      %dma_wait3A_63 = tpu.memref_slice %arg16[%add3A_17, %dma_wait3A_62] : memref<10000x144xf32, #tpu.memory_space<vmem_shared>> -> memref<80x144xf32, #tpu.memory_space<vmem_shared>>
      tpu.wait_dma2 semaphore(%run_scoped3A : memref<!tpu.dma_semaphore, #tpu.memory_space<semaphore_mem>>) src(%arg14 : memref<80x144xf32, #tpu.memory_space<vmem>>) dst(%dma_wait3A_63 : memref<80x144xf32, #tpu.memory_space<vmem_shared>>)
      tpu.yield
    }) : () -> ()
    %mul3A_18 = arith.constant 625 : i32
    %mul3A_19 = arith.muli %arg1, %mul3A_18 : i32
    %add3A_20 = arith.constant 240 : i32
    %add3A_21 = arith.addi %mul3A_19, %add3A_20 : i32
    "tpu.region"() ({
      %run_scoped3A = tpu.sem_alloc : memref<!tpu.dma_semaphore, #tpu.memory_space<semaphore_mem>>
      %dma_start3A = arith.constant 0 : i32
      %dma_start3A_58 = tpu.memref_slice %arg16[%add3A_21, %dma_start3A] : memref<10000x144xf32, #tpu.memory_space<vmem_shared>> -> memref<80x144xf32, #tpu.memory_space<vmem_shared>>
      %dma_start3A_59 = arith.constant 0 : i32
      %dma_start3A_60 = tpu.memref_slice %arg16[%add3A_21, %dma_start3A_59] : memref<10000x144xf32, #tpu.memory_space<vmem_shared>> -> memref<80x144xf32, #tpu.memory_space<vmem_shared>>
      tpu.enqueue_dma source(%arg14 : memref<80x144xf32, #tpu.memory_space<vmem>>) target(%dma_start3A_60 : memref<80x144xf32, #tpu.memory_space<vmem_shared>>) target_semaphore(%run_scoped3A : memref<!tpu.dma_semaphore, #tpu.memory_space<semaphore_mem>>)
      %dma_wait3A = arith.constant 0 : i32
      %dma_wait3A_61 = tpu.memref_slice %arg16[%add3A_21, %dma_wait3A] : memref<10000x144xf32, #tpu.memory_space<vmem_shared>> -> memref<80x144xf32, #tpu.memory_space<vmem_shared>>
      %dma_wait3A_62 = arith.constant 0 : i32
      %dma_wait3A_63 = tpu.memref_slice %arg16[%add3A_21, %dma_wait3A_62] : memref<10000x144xf32, #tpu.memory_space<vmem_shared>> -> memref<80x144xf32, #tpu.memory_space<vmem_shared>>
      tpu.wait_dma2 semaphore(%run_scoped3A : memref<!tpu.dma_semaphore, #tpu.memory_space<semaphore_mem>>) src(%arg14 : memref<80x144xf32, #tpu.memory_space<vmem>>) dst(%dma_wait3A_63 : memref<80x144xf32, #tpu.memory_space<vmem_shared>>)
      tpu.yield
    }) : () -> ()
    %mul3A_22 = arith.constant 625 : i32
    %mul3A_23 = arith.muli %arg1, %mul3A_22 : i32
    %add3A_24 = arith.constant 320 : i32
    %add3A_25 = arith.addi %mul3A_23, %add3A_24 : i32
    "tpu.region"() ({
      %run_scoped3A = tpu.sem_alloc : memref<!tpu.dma_semaphore, #tpu.memory_space<semaphore_mem>>
      %dma_start3A = arith.constant 0 : i32
      %dma_start3A_58 = tpu.memref_slice %arg16[%add3A_25, %dma_start3A] : memref<10000x144xf32, #tpu.memory_space<vmem_shared>> -> memref<80x144xf32, #tpu.memory_space<vmem_shared>>
      %dma_start3A_59 = arith.constant 0 : i32
      %dma_start3A_60 = tpu.memref_slice %arg16[%add3A_25, %dma_start3A_59] : memref<10000x144xf32, #tpu.memory_space<vmem_shared>> -> memref<80x144xf32, #tpu.memory_space<vmem_shared>>
      tpu.enqueue_dma source(%arg14 : memref<80x144xf32, #tpu.memory_space<vmem>>) target(%dma_start3A_60 : memref<80x144xf32, #tpu.memory_space<vmem_shared>>) target_semaphore(%run_scoped3A : memref<!tpu.dma_semaphore, #tpu.memory_space<semaphore_mem>>)
      %dma_wait3A = arith.constant 0 : i32
      %dma_wait3A_61 = tpu.memref_slice %arg16[%add3A_25, %dma_wait3A] : memref<10000x144xf32, #tpu.memory_space<vmem_shared>> -> memref<80x144xf32, #tpu.memory_space<vmem_shared>>
      %dma_wait3A_62 = arith.constant 0 : i32
      %dma_wait3A_63 = tpu.memref_slice %arg16[%add3A_25, %dma_wait3A_62] : memref<10000x144xf32, #tpu.memory_space<vmem_shared>> -> memref<80x144xf32, #tpu.memory_space<vmem_shared>>
      tpu.wait_dma2 semaphore(%run_scoped3A : memref<!tpu.dma_semaphore, #tpu.memory_space<semaphore_mem>>) src(%arg14 : memref<80x144xf32, #tpu.memory_space<vmem>>) dst(%dma_wait3A_63 : memref<80x144xf32, #tpu.memory_space<vmem_shared>>)
      tpu.yield
    }) : () -> ()
    %mul3A_26 = arith.constant 625 : i32
    %mul3A_27 = arith.muli %arg1, %mul3A_26 : i32
    %add3A_28 = arith.constant 400 : i32
    %add3A_29 = arith.addi %mul3A_27, %add3A_28 : i32
    "tpu.region"() ({
      %run_scoped3A = tpu.sem_alloc : memref<!tpu.dma_semaphore, #tpu.memory_space<semaphore_mem>>
      %dma_start3A = arith.constant 0 : i32
      %dma_start3A_58 = tpu.memref_slice %arg16[%add3A_29, %dma_start3A] : memref<10000x144xf32, #tpu.memory_space<vmem_shared>> -> memref<80x144xf32, #tpu.memory_space<vmem_shared>>
      %dma_start3A_59 = arith.constant 0 : i32
      %dma_start3A_60 = tpu.memref_slice %arg16[%add3A_29, %dma_start3A_59] : memref<10000x144xf32, #tpu.memory_space<vmem_shared>> -> memref<80x144xf32, #tpu.memory_space<vmem_shared>>
      tpu.enqueue_dma source(%arg14 : memref<80x144xf32, #tpu.memory_space<vmem>>) target(%dma_start3A_60 : memref<80x144xf32, #tpu.memory_space<vmem_shared>>) target_semaphore(%run_scoped3A : memref<!tpu.dma_semaphore, #tpu.memory_space<semaphore_mem>>)
      %dma_wait3A = arith.constant 0 : i32
      %dma_wait3A_61 = tpu.memref_slice %arg16[%add3A_29, %dma_wait3A] : memref<10000x144xf32, #tpu.memory_space<vmem_shared>> -> memref<80x144xf32, #tpu.memory_space<vmem_shared>>
      %dma_wait3A_62 = arith.constant 0 : i32
      %dma_wait3A_63 = tpu.memref_slice %arg16[%add3A_29, %dma_wait3A_62] : memref<10000x144xf32, #tpu.memory_space<vmem_shared>> -> memref<80x144xf32, #tpu.memory_space<vmem_shared>>
      tpu.wait_dma2 semaphore(%run_scoped3A : memref<!tpu.dma_semaphore, #tpu.memory_space<semaphore_mem>>) src(%arg14 : memref<80x144xf32, #tpu.memory_space<vmem>>) dst(%dma_wait3A_63 : memref<80x144xf32, #tpu.memory_space<vmem_shared>>)
      tpu.yield
    }) : () -> ()
    %mul3A_30 = arith.constant 625 : i32
    %mul3A_31 = arith.muli %arg1, %mul3A_30 : i32
    %add3A_32 = arith.constant 480 : i32
    %add3A_33 = arith.addi %mul3A_31, %add3A_32 : i32
    "tpu.region"() ({
      %run_scoped3A = tpu.sem_alloc : memref<!tpu.dma_semaphore, #tpu.memory_space<semaphore_mem>>
      %dma_start3A = arith.constant 0 : i32
      %dma_start3A_58 = tpu.memref_slice %arg16[%add3A_33, %dma_start3A] : memref<10000x144xf32, #tpu.memory_space<vmem_shared>> -> memref<80x144xf32, #tpu.memory_space<vmem_shared>>
      %dma_start3A_59 = arith.constant 0 : i32
      %dma_start3A_60 = tpu.memref_slice %arg16[%add3A_33, %dma_start3A_59] : memref<10000x144xf32, #tpu.memory_space<vmem_shared>> -> memref<80x144xf32, #tpu.memory_space<vmem_shared>>
      tpu.enqueue_dma source(%arg14 : memref<80x144xf32, #tpu.memory_space<vmem>>) target(%dma_start3A_60 : memref<80x144xf32, #tpu.memory_space<vmem_shared>>) target_semaphore(%run_scoped3A : memref<!tpu.dma_semaphore, #tpu.memory_space<semaphore_mem>>)
      %dma_wait3A = arith.constant 0 : i32
      %dma_wait3A_61 = tpu.memref_slice %arg16[%add3A_33, %dma_wait3A] : memref<10000x144xf32, #tpu.memory_space<vmem_shared>> -> memref<80x144xf32, #tpu.memory_space<vmem_shared>>
      %dma_wait3A_62 = arith.constant 0 : i32
      %dma_wait3A_63 = tpu.memref_slice %arg16[%add3A_33, %dma_wait3A_62] : memref<10000x144xf32, #tpu.memory_space<vmem_shared>> -> memref<80x144xf32, #tpu.memory_space<vmem_shared>>
      tpu.wait_dma2 semaphore(%run_scoped3A : memref<!tpu.dma_semaphore, #tpu.memory_space<semaphore_mem>>) src(%arg14 : memref<80x144xf32, #tpu.memory_space<vmem>>) dst(%dma_wait3A_63 : memref<80x144xf32, #tpu.memory_space<vmem_shared>>)
      tpu.yield
    }) : () -> ()
    %mul3A_34 = arith.constant 625 : i32
    %mul3A_35 = arith.muli %arg1, %mul3A_34 : i32
    %add3A_36 = arith.constant 560 : i32
    %add3A_37 = arith.addi %mul3A_35, %add3A_36 : i32
    "tpu.region"() ({
      %run_scoped3A = tpu.sem_alloc : memref<!tpu.dma_semaphore, #tpu.memory_space<semaphore_mem>>
      %dma_start3A = arith.constant 0 : i32
      %dma_start3A_58 = arith.constant 0 : i32
      %dma_start3A_59 = tpu.memref_slice %arg14[%dma_start3A, %dma_start3A_58] : memref<80x144xf32, #tpu.memory_space<vmem>> -> memref<65x144xf32, #tpu.memory_space<vmem>>
      %dma_start3A_60 = arith.constant 0 : i32
      %dma_start3A_61 = tpu.memref_slice %arg16[%add3A_37, %dma_start3A_60] : memref<10000x144xf32, #tpu.memory_space<vmem_shared>> -> memref<65x144xf32, #tpu.memory_space<vmem_shared>>
      %dma_start3A_62 = arith.constant 0 : i32
      %dma_start3A_63 = tpu.memref_slice %arg16[%add3A_37, %dma_start3A_62] : memref<10000x144xf32, #tpu.memory_space<vmem_shared>> -> memref<65x144xf32, #tpu.memory_space<vmem_shared>>
      %dma_start3A_64 = arith.constant 0 : i32
      %dma_start3A_65 = arith.constant 0 : i32
      %dma_start3A_66 = tpu.memref_slice %arg14[%dma_start3A_64, %dma_start3A_65] : memref<80x144xf32, #tpu.memory_space<vmem>> -> memref<65x144xf32, #tpu.memory_space<vmem>>
      tpu.enqueue_dma source(%dma_start3A_66 : memref<65x144xf32, #tpu.memory_space<vmem>>) target(%dma_start3A_63 : memref<65x144xf32, #tpu.memory_space<vmem_shared>>) target_semaphore(%run_scoped3A : memref<!tpu.dma_semaphore, #tpu.memory_space<semaphore_mem>>)
      %dma_wait3A = arith.constant 0 : i32
      %dma_wait3A_67 = arith.constant 0 : i32
      %dma_wait3A_68 = tpu.memref_slice %arg14[%dma_wait3A, %dma_wait3A_67] : memref<80x144xf32, #tpu.memory_space<vmem>> -> memref<65x144xf32, #tpu.memory_space<vmem>>
      %dma_wait3A_69 = arith.constant 0 : i32
      %dma_wait3A_70 = tpu.memref_slice %arg16[%add3A_37, %dma_wait3A_69] : memref<10000x144xf32, #tpu.memory_space<vmem_shared>> -> memref<65x144xf32, #tpu.memory_space<vmem_shared>>
      %dma_wait3A_71 = arith.constant 0 : i32
      %dma_wait3A_72 = tpu.memref_slice %arg16[%add3A_37, %dma_wait3A_71] : memref<10000x144xf32, #tpu.memory_space<vmem_shared>> -> memref<65x144xf32, #tpu.memory_space<vmem_shared>>
      %dma_wait3A_73 = arith.constant 0 : i32
      %dma_wait3A_74 = arith.constant 0 : i32
      %dma_wait3A_75 = tpu.memref_slice %arg14[%dma_wait3A_73, %dma_wait3A_74] : memref<80x144xf32, #tpu.memory_space<vmem>> -> memref<65x144xf32, #tpu.memory_space<vmem>>
      tpu.wait_dma2 semaphore(%run_scoped3A : memref<!tpu.dma_semaphore, #tpu.memory_space<semaphore_mem>>) src(%dma_wait3A_75 : memref<65x144xf32, #tpu.memory_space<vmem>>) dst(%dma_wait3A_72 : memref<65x144xf32, #tpu.memory_space<vmem_shared>>)
      tpu.yield
    }) : () -> ()
    %barrier3A = arith.constant 0 : index
    tpu.barrier barrier_id(%barrier3A)
    %get3A = arith.constant 0 : index
    %get3A_38 = tpu.vector_load %arg11[%get3A] {strides = array<i32>} : memref<1024xf32, #tpu.memory_space<vmem>>, vector<16xf32>,
    %get3A_39 = arith.constant 512 : index
    %get3A_40 = tpu.vector_load %arg11[%get3A_39] {strides = array<i32>} : memref<1024xf32, #tpu.memory_space<vmem>>, vector<16xf32>,
    %add3A_41 = arith.addf %get3A_38, %get3A_40 : vector<16xf32>
    %gt3A = arith.constant 0.000000e+00 : f32
    %gt3A_42 = vector.broadcast %gt3A : f32 to vector<16xf32>
    %gt3A_43 = arith.cmpf ogt, %add3A_41, %gt3A_42 : vector<16xf32>
    %mul3A_44 = arith.constant 2.000000e-01 : f32
    %mul3A_45 = vector.broadcast %mul3A_44 : f32 to vector<16xf32>
    %mul3A_46 = arith.mulf %mul3A_45, %add3A_41 : vector<16xf32>
    %select_n3A = arith.select %gt3A_43, %add3A_41, %mul3A_46 : vector<16xi1>, vector<16xf32>
    %scan3A_47 = arith.constant 0 : i32
    %scan3A_48 = arith.constant 0 : i32
    %scan3A_49 = arith.constant 5 : i32
    %scan3A_50 = arith.addi %scan3A_48, %scan3A_49 : i32
    %scan3A_51 = arith.constant 1 : i32
    scf.for %scan3A_58 = %scan3A_48 to %scan3A_50 step %scan3A_51  : i32 {
      %mul3A_59 = arith.constant 25 : i32
      %mul3A_60 = arith.muli %scan3A_58, %mul3A_59 : i32
      "tpu.region"() ({
        %run_scoped3A = tpu.sem_alloc : memref<!tpu.dma_semaphore, #tpu.memory_space<semaphore_mem>>
        %dma_start3A = arith.constant 0 : i32
        %dma_start3A_69 = tpu.memref_slice %arg6[%add3A, %mul3A_60, %dma_start3A] : memref<32x125x80xi32, #tpu.memory_space<hbm>> -> memref<1x25x80xi32, #tpu.memory_space<hbm>>
        %dma_start3A_70 = tpu.memref_squeeze %dma_start3A_69 : memref<1x25x80xi32, #tpu.memory_space<hbm>> -> memref<25x80xi32, #tpu.memory_space<hbm>>
        %dma_start3A_71 = arith.constant 0 : i32
        %dma_start3A_72 = tpu.memref_slice %arg6[%add3A, %mul3A_60, %dma_start3A_71] : memref<32x125x80xi32, #tpu.memory_space<hbm>> -> memref<1x25x80xi32, #tpu.memory_space<hbm>>
        %dma_start3A_73 = tpu.memref_squeeze %dma_start3A_72 : memref<1x25x80xi32, #tpu.memory_space<hbm>> -> memref<25x80xi32, #tpu.memory_space<hbm>>
        tpu.enqueue_dma source(%dma_start3A_73 : memref<25x80xi32, #tpu.memory_space<hbm>>) target(%arg12 : memref<25x80xi32, #tpu.memory_space<vmem>>) target_semaphore(%run_scoped3A : memref<!tpu.dma_semaphore, #tpu.memory_space<semaphore_mem>>)
        %dma_wait3A = arith.constant 0 : i32
        %dma_wait3A_74 = tpu.memref_slice %arg6[%add3A, %mul3A_60, %dma_wait3A] : memref<32x125x80xi32, #tpu.memory_space<hbm>> -> memref<1x25x80xi32, #tpu.memory_space<hbm>>
        %dma_wait3A_75 = tpu.memref_squeeze %dma_wait3A_74 : memref<1x25x80xi32, #tpu.memory_space<hbm>> -> memref<25x80xi32, #tpu.memory_space<hbm>>
        %dma_wait3A_76 = arith.constant 0 : i32
        %dma_wait3A_77 = tpu.memref_slice %arg6[%add3A, %mul3A_60, %dma_wait3A_76] : memref<32x125x80xi32, #tpu.memory_space<hbm>> -> memref<1x25x80xi32, #tpu.memory_space<hbm>>
        %dma_wait3A_78 = tpu.memref_squeeze %dma_wait3A_77 : memref<1x25x80xi32, #tpu.memory_space<hbm>> -> memref<25x80xi32, #tpu.memory_space<hbm>>
        tpu.wait_dma2 semaphore(%run_scoped3A : memref<!tpu.dma_semaphore, #tpu.memory_space<semaphore_mem>>) src(%dma_wait3A_78 : memref<25x80xi32, #tpu.memory_space<hbm>>) dst(%arg12 : memref<25x80xi32, #tpu.memory_space<vmem>>)
        tpu.yield
      }) : () -> ()
      %mul3A_61 = arith.constant 25 : i32
      %mul3A_62 = arith.muli %scan3A_58, %mul3A_61 : i32
      "tpu.region"() ({
        %run_scoped3A = tpu.sem_alloc : memref<!tpu.dma_semaphore, #tpu.memory_space<semaphore_mem>>
        %dma_start3A = arith.constant 0 : i32
        %dma_start3A_69 = tpu.memref_slice %arg7[%add3A, %mul3A_62, %dma_start3A] : memref<32x125x80xi32, #tpu.memory_space<hbm>> -> memref<1x25x80xi32, #tpu.memory_space<hbm>>
        %dma_start3A_70 = tpu.memref_squeeze %dma_start3A_69 : memref<1x25x80xi32, #tpu.memory_space<hbm>> -> memref<25x80xi32, #tpu.memory_space<hbm>>
        %dma_start3A_71 = arith.constant 0 : i32
        %dma_start3A_72 = tpu.memref_slice %arg7[%add3A, %mul3A_62, %dma_start3A_71] : memref<32x125x80xi32, #tpu.memory_space<hbm>> -> memref<1x25x80xi32, #tpu.memory_space<hbm>>
        %dma_start3A_73 = tpu.memref_squeeze %dma_start3A_72 : memref<1x25x80xi32, #tpu.memory_space<hbm>> -> memref<25x80xi32, #tpu.memory_space<hbm>>
        tpu.enqueue_dma source(%dma_start3A_73 : memref<25x80xi32, #tpu.memory_space<hbm>>) target(%arg13 : memref<25x80xi32, #tpu.memory_space<vmem>>) target_semaphore(%run_scoped3A : memref<!tpu.dma_semaphore, #tpu.memory_space<semaphore_mem>>)
        %dma_wait3A = arith.constant 0 : i32
        %dma_wait3A_74 = tpu.memref_slice %arg7[%add3A, %mul3A_62, %dma_wait3A] : memref<32x125x80xi32, #tpu.memory_space<hbm>> -> memref<1x25x80xi32, #tpu.memory_space<hbm>>
        %dma_wait3A_75 = tpu.memref_squeeze %dma_wait3A_74 : memref<1x25x80xi32, #tpu.memory_space<hbm>> -> memref<25x80xi32, #tpu.memory_space<hbm>>
        %dma_wait3A_76 = arith.constant 0 : i32
        %dma_wait3A_77 = tpu.memref_slice %arg7[%add3A, %mul3A_62, %dma_wait3A_76] : memref<32x125x80xi32, #tpu.memory_space<hbm>> -> memref<1x25x80xi32, #tpu.memory_space<hbm>>
        %dma_wait3A_78 = tpu.memref_squeeze %dma_wait3A_77 : memref<1x25x80xi32, #tpu.memory_space<hbm>> -> memref<25x80xi32, #tpu.memory_space<hbm>>
        tpu.wait_dma2 semaphore(%run_scoped3A : memref<!tpu.dma_semaphore, #tpu.memory_space<semaphore_mem>>) src(%dma_wait3A_78 : memref<25x80xi32, #tpu.memory_space<hbm>>) dst(%arg13 : memref<25x80xi32, #tpu.memory_space<vmem>>)
        tpu.yield
      }) : () -> ()
      %scan3A_63 = arith.constant 0 : i32
      %scan3A_64 = arith.constant 0 : i32
      %scan3A_65 = arith.constant 25 : i32
      %scan3A_66 = arith.addi %scan3A_64, %scan3A_65 : i32
      %scan3A_67 = arith.constant 1 : i32
      scf.for %scan3A_69 = %scan3A_64 to %scan3A_66 step %scan3A_67  : i32 {
        %dma_start3A = arith.constant 0 : i32
        %dma_start3A_70 = tpu.memref_slice %arg12[%scan3A_69, %dma_start3A] : memref<25x80xi32, #tpu.memory_space<vmem>> -> memref<1x80xi32, #tpu.memory_space<vmem>>
        %dma_start3A_71 = tpu.memref_squeeze %dma_start3A_70 : memref<1x80xi32, #tpu.memory_space<vmem>> -> memref<80xi32, #tpu.memory_space<vmem>>
        %dma_start3A_72 = arith.constant 0 : i32
        %dma_start3A_73 = arith.constant 0 : i32
        %dma_start3A_74 = tpu.memref_slice %arg2[%dma_start3A_72, %dma_start3A_73] : memref<10000x144xf32, #tpu.memory_space<hbm>> -> memref<10000x144xf32, #tpu.memory_space<hbm>>
        tpu.enqueue_indirect_dma source(%dma_start3A_74 : memref<10000x144xf32, #tpu.memory_space<hbm>>) target(%arg14 : memref<80x144xf32, #tpu.memory_space<vmem>>) offsets(%dma_start3A_71 : memref<80xi32, #tpu.memory_space<vmem>>) semaphore(%arg17 : memref<!tpu.dma_semaphore, #tpu.memory_space<semaphore_mem>>)
        %dma_wait3A = arith.constant 0 : i32
        %dma_wait3A_75 = tpu.memref_slice %arg12[%scan3A_69, %dma_wait3A] : memref<25x80xi32, #tpu.memory_space<vmem>> -> memref<1x80xi32, #tpu.memory_space<vmem>>
        %dma_wait3A_76 = tpu.memref_squeeze %dma_wait3A_75 : memref<1x80xi32, #tpu.memory_space<vmem>> -> memref<80xi32, #tpu.memory_space<vmem>>
        %dma_wait3A_77 = arith.constant 0 : i32
        %dma_wait3A_78 = arith.constant 0 : i32
        %dma_wait3A_79 = tpu.memref_slice %arg2[%dma_wait3A_77, %dma_wait3A_78] : memref<10000x144xf32, #tpu.memory_space<hbm>> -> memref<10000x144xf32, #tpu.memory_space<hbm>>
        tpu.wait_indirect_dma semaphore(%arg17 : memref<!tpu.dma_semaphore, #tpu.memory_space<semaphore_mem>>) src(%dma_wait3A_79 : memref<10000x144xf32, #tpu.memory_space<hbm>>) dst(%arg14 : memref<80x144xf32, #tpu.memory_space<vmem>>)
        %get3A_80 = arith.index_cast %scan3A_69 : i32 to index
        %get3A_81 = arith.constant 0 : index
        %get3A_82 = tpu.vector_load %arg12[%get3A_80, %get3A_81] {strides = array<i32>} : memref<25x80xi32, #tpu.memory_space<vmem>>, vector<16xi32>,
        %get3A_83 = arith.index_cast %scan3A_69 : i32 to index
        %get3A_84 = arith.constant 0 : index
        %get3A_85 = tpu.vector_load %arg13[%get3A_83, %get3A_84] {strides = array<i32>} : memref<25x80xi32, #tpu.memory_space<vmem>>, vector<16xi32>,
        %gather3A = tpu.vector_load_idx %arg9[%get3A_82] : memref<10000xf32, #tpu.memory_space<vmem>>[vector<16xi32>], vector<16xf32>,
        %gather3A_86 = tpu.vector_load_idx %arg10[%get3A_85] : memref<10000xf32, #tpu.memory_space<vmem>>[vector<16xi32>], vector<16xf32>,
        %add3A_87 = arith.addf %gather3A, %gather3A_86 : vector<16xf32>
        %gt3A_88 = arith.constant 0.000000e+00 : f32
        %gt3A_89 = vector.broadcast %gt3A_88 : f32 to vector<16xf32>
        %gt3A_90 = arith.cmpf ogt, %add3A_87, %gt3A_89 : vector<16xf32>
        %mul3A_91 = arith.constant 2.000000e-01 : f32
        %mul3A_92 = vector.broadcast %mul3A_91 : f32 to vector<16xf32>
        %mul3A_93 = arith.mulf %mul3A_92, %add3A_87 : vector<16xf32>
        %select_n3A_94 = arith.select %gt3A_90, %add3A_87, %mul3A_93 : vector<16xi1>, vector<16xf32>
        %sub3A = arith.subf %select_n3A_94, %select_n3A : vector<16xf32>
        %exp3A = math.exp %sub3A : vector<16xf32>
        %swap3A = arith.constant 0 : index
        %swap3A_95 = tpu.vector_load %arg15[%swap3A] {strides = array<i32>} : memref<128xf32, #tpu.memory_space<vmem>>, vector<16xf32>,
        tpu.vector_store %arg15[%swap3A], %exp3A {strides = array<i32>} : memref<128xf32, #tpu.memory_space<vmem>>, vector<16xf32>,
        %get3A_96 = arith.index_cast %scan3A_69 : i32 to index
        %get3A_97 = arith.constant 16 : index
        %get3A_98 = tpu.vector_load %arg12[%get3A_96, %get3A_97] {strides = array<i32>} : memref<25x80xi32, #tpu.memory_space<vmem>>, vector<16xi32>,
        %get3A_99 = arith.index_cast %scan3A_69 : i32 to index
        %get3A_100 = arith.constant 16 : index
        %get3A_101 = tpu.vector_load %arg13[%get3A_99, %get3A_100] {strides = array<i32>} : memref<25x80xi32, #tpu.memory_space<vmem>>, vector<16xi32>,
        %gather3A_102 = tpu.vector_load_idx %arg9[%get3A_98] : memref<10000xf32, #tpu.memory_space<vmem>>[vector<16xi32>], vector<16xf32>,
        %gather3A_103 = tpu.vector_load_idx %arg10[%get3A_101] : memref<10000xf32, #tpu.memory_space<vmem>>[vector<16xi32>], vector<16xf32>,
        %add3A_104 = arith.addf %gather3A_102, %gather3A_103 : vector<16xf32>
        %gt3A_105 = arith.constant 0.000000e+00 : f32
        %gt3A_106 = vector.broadcast %gt3A_105 : f32 to vector<16xf32>
        %gt3A_107 = arith.cmpf ogt, %add3A_104, %gt3A_106 : vector<16xf32>
        %mul3A_108 = arith.constant 2.000000e-01 : f32
        %mul3A_109 = vector.broadcast %mul3A_108 : f32 to vector<16xf32>
        %mul3A_110 = arith.mulf %mul3A_109, %add3A_104 : vector<16xf32>
        %select_n3A_111 = arith.select %gt3A_107, %add3A_104, %mul3A_110 : vector<16xi1>, vector<16xf32>
        %sub3A_112 = arith.subf %select_n3A_111, %select_n3A : vector<16xf32>
        %exp3A_113 = math.exp %sub3A_112 : vector<16xf32>
        %swap3A_114 = arith.constant 16 : index
        %swap3A_115 = tpu.vector_load %arg15[%swap3A_114] {strides = array<i32>} : memref<128xf32, #tpu.memory_space<vmem>>, vector<16xf32>,
        tpu.vector_store %arg15[%swap3A_114], %exp3A_113 {strides = array<i32>} : memref<128xf32, #tpu.memory_space<vmem>>, vector<16xf32>,
        %get3A_116 = arith.index_cast %scan3A_69 : i32 to index
        %get3A_117 = arith.constant 32 : index
        %get3A_118 = tpu.vector_load %arg12[%get3A_116, %get3A_117] {strides = array<i32>} : memref<25x80xi32, #tpu.memory_space<vmem>>, vector<16xi32>,
        %get3A_119 = arith.index_cast %scan3A_69 : i32 to index
        %get3A_120 = arith.constant 32 : index
        %get3A_121 = tpu.vector_load %arg13[%get3A_119, %get3A_120] {strides = array<i32>} : memref<25x80xi32, #tpu.memory_space<vmem>>, vector<16xi32>,
        %gather3A_122 = tpu.vector_load_idx %arg9[%get3A_118] : memref<10000xf32, #tpu.memory_space<vmem>>[vector<16xi32>], vector<16xf32>,
        %gather3A_123 = tpu.vector_load_idx %arg10[%get3A_121] : memref<10000xf32, #tpu.memory_space<vmem>>[vector<16xi32>], vector<16xf32>,
        %add3A_124 = arith.addf %gather3A_122, %gather3A_123 : vector<16xf32>
        %gt3A_125 = arith.constant 0.000000e+00 : f32
        %gt3A_126 = vector.broadcast %gt3A_125 : f32 to vector<16xf32>
        %gt3A_127 = arith.cmpf ogt, %add3A_124, %gt3A_126 : vector<16xf32>
        %mul3A_128 = arith.constant 2.000000e-01 : f32
        %mul3A_129 = vector.broadcast %mul3A_128 : f32 to vector<16xf32>
        %mul3A_130 = arith.mulf %mul3A_129, %add3A_124 : vector<16xf32>
        %select_n3A_131 = arith.select %gt3A_127, %add3A_124, %mul3A_130 : vector<16xi1>, vector<16xf32>
        %sub3A_132 = arith.subf %select_n3A_131, %select_n3A : vector<16xf32>
        %exp3A_133 = math.exp %sub3A_132 : vector<16xf32>
        %swap3A_134 = arith.constant 32 : index
        %swap3A_135 = tpu.vector_load %arg15[%swap3A_134] {strides = array<i32>} : memref<128xf32, #tpu.memory_space<vmem>>, vector<16xf32>,
        tpu.vector_store %arg15[%swap3A_134], %exp3A_133 {strides = array<i32>} : memref<128xf32, #tpu.memory_space<vmem>>, vector<16xf32>,
        %get3A_136 = arith.index_cast %scan3A_69 : i32 to index
        %get3A_137 = arith.constant 48 : index
        %get3A_138 = tpu.vector_load %arg12[%get3A_136, %get3A_137] {strides = array<i32>} : memref<25x80xi32, #tpu.memory_space<vmem>>, vector<16xi32>,
        %get3A_139 = arith.index_cast %scan3A_69 : i32 to index
        %get3A_140 = arith.constant 48 : index
        %get3A_141 = tpu.vector_load %arg13[%get3A_139, %get3A_140] {strides = array<i32>} : memref<25x80xi32, #tpu.memory_space<vmem>>, vector<16xi32>,
        %gather3A_142 = tpu.vector_load_idx %arg9[%get3A_138] : memref<10000xf32, #tpu.memory_space<vmem>>[vector<16xi32>], vector<16xf32>,
        %gather3A_143 = tpu.vector_load_idx %arg10[%get3A_141] : memref<10000xf32, #tpu.memory_space<vmem>>[vector<16xi32>], vector<16xf32>,
        %add3A_144 = arith.addf %gather3A_142, %gather3A_143 : vector<16xf32>
        %gt3A_145 = arith.constant 0.000000e+00 : f32
        %gt3A_146 = vector.broadcast %gt3A_145 : f32 to vector<16xf32>
        %gt3A_147 = arith.cmpf ogt, %add3A_144, %gt3A_146 : vector<16xf32>
        %mul3A_148 = arith.constant 2.000000e-01 : f32
        %mul3A_149 = vector.broadcast %mul3A_148 : f32 to vector<16xf32>
        %mul3A_150 = arith.mulf %mul3A_149, %add3A_144 : vector<16xf32>
        %select_n3A_151 = arith.select %gt3A_147, %add3A_144, %mul3A_150 : vector<16xi1>, vector<16xf32>
        %sub3A_152 = arith.subf %select_n3A_151, %select_n3A : vector<16xf32>
        %exp3A_153 = math.exp %sub3A_152 : vector<16xf32>
        %swap3A_154 = arith.constant 48 : index
        %swap3A_155 = tpu.vector_load %arg15[%swap3A_154] {strides = array<i32>} : memref<128xf32, #tpu.memory_space<vmem>>, vector<16xf32>,
        tpu.vector_store %arg15[%swap3A_154], %exp3A_153 {strides = array<i32>} : memref<128xf32, #tpu.memory_space<vmem>>, vector<16xf32>,
        %get3A_156 = arith.index_cast %scan3A_69 : i32 to index
        %get3A_157 = arith.constant 64 : index
        %get3A_158 = tpu.vector_load %arg12[%get3A_156, %get3A_157] {strides = array<i32>} : memref<25x80xi32, #tpu.memory_space<vmem>>, vector<16xi32>,
        %get3A_159 = arith.index_cast %scan3A_69 : i32 to index
        %get3A_160 = arith.constant 64 : index
        %get3A_161 = tpu.vector_load %arg13[%get3A_159, %get3A_160] {strides = array<i32>} : memref<25x80xi32, #tpu.memory_space<vmem>>, vector<16xi32>,
        %gather3A_162 = tpu.vector_load_idx %arg9[%get3A_158] : memref<10000xf32, #tpu.memory_space<vmem>>[vector<16xi32>], vector<16xf32>,
        %gather3A_163 = tpu.vector_load_idx %arg10[%get3A_161] : memref<10000xf32, #tpu.memory_space<vmem>>[vector<16xi32>], vector<16xf32>,
        %add3A_164 = arith.addf %gather3A_162, %gather3A_163 : vector<16xf32>
        %gt3A_165 = arith.constant 0.000000e+00 : f32
        %gt3A_166 = vector.broadcast %gt3A_165 : f32 to vector<16xf32>
        %gt3A_167 = arith.cmpf ogt, %add3A_164, %gt3A_166 : vector<16xf32>
        %mul3A_168 = arith.constant 2.000000e-01 : f32
        %mul3A_169 = vector.broadcast %mul3A_168 : f32 to vector<16xf32>
        %mul3A_170 = arith.mulf %mul3A_169, %add3A_164 : vector<16xf32>
        %select_n3A_171 = arith.select %gt3A_167, %add3A_164, %mul3A_170 : vector<16xi1>, vector<16xf32>
        %sub3A_172 = arith.subf %select_n3A_171, %select_n3A : vector<16xf32>
        %exp3A_173 = math.exp %sub3A_172 : vector<16xf32>
        %swap3A_174 = arith.constant 64 : index
        %swap3A_175 = tpu.vector_load %arg15[%swap3A_174] {strides = array<i32>} : memref<128xf32, #tpu.memory_space<vmem>>, vector<16xf32>,
        tpu.vector_store %arg15[%swap3A_174], %exp3A_173 {strides = array<i32>} : memref<128xf32, #tpu.memory_space<vmem>>, vector<16xf32>,
        %scan3A_176 = arith.constant 0 : i32
        %scan3A_177 = arith.constant 0 : i32
        %scan3A_178 = arith.constant 20 : i32
        %scan3A_179 = arith.addi %scan3A_177, %scan3A_178 : i32
        %scan3A_180 = arith.constant 1 : i32
        scf.for %scan3A_182 = %scan3A_177 to %scan3A_179 step %scan3A_180  : i32 {
          %mul3A_183 = arith.constant 4 : i32
          %mul3A_184 = arith.muli %scan3A_182, %mul3A_183 : i32
          %add3A_185 = arith.constant 0 : i32
          %add3A_186 = arith.addi %mul3A_184, %add3A_185 : i32
          %broadcast_in_dim3A = vector.broadcast %add3A_186 : i32 to vector<16xi32>
          %gather3A_187 = tpu.vector_load_idx %arg15[%broadcast_in_dim3A] : memref<128xf32, #tpu.memory_space<vmem>>[vector<16xi32>], vector<16xf32>,
          %get3A_188 = arith.index_cast %add3A_186 : i32 to index
          %get3A_189 = arith.constant 0 : index
          %get3A_190 = tpu.vector_load %arg14[%get3A_188, %get3A_189] {strides = array<i32>} : memref<80x144xf32, #tpu.memory_space<vmem>>, vector<16xf32>,
          %mul3A_191 = arith.mulf %get3A_190, %gather3A_187 : vector<16xf32>
          %swap3A_192 = arith.index_cast %add3A_186 : i32 to index
          %swap3A_193 = arith.constant 0 : index
          %swap3A_194 = tpu.vector_load %arg14[%swap3A_192, %swap3A_193] {strides = array<i32>} : memref<80x144xf32, #tpu.memory_space<vmem>>, vector<16xf32>,
          tpu.vector_store %arg14[%swap3A_192, %swap3A_193], %mul3A_191 {strides = array<i32>} : memref<80x144xf32, #tpu.memory_space<vmem>>, vector<16xf32>,
          %get3A_195 = arith.index_cast %add3A_186 : i32 to index
          %get3A_196 = arith.constant 16 : index
          %get3A_197 = tpu.vector_load %arg14[%get3A_195, %get3A_196] {strides = array<i32>} : memref<80x144xf32, #tpu.memory_space<vmem>>, vector<16xf32>,
          %mul3A_198 = arith.mulf %get3A_197, %gather3A_187 : vector<16xf32>
          %swap3A_199 = arith.index_cast %add3A_186 : i32 to index
          %swap3A_200 = arith.constant 16 : index
          %swap3A_201 = tpu.vector_load %arg14[%swap3A_199, %swap3A_200] {strides = array<i32>} : memref<80x144xf32, #tpu.memory_space<vmem>>, vector<16xf32>,
          tpu.vector_store %arg14[%swap3A_199, %swap3A_200], %mul3A_198 {strides = array<i32>} : memref<80x144xf32, #tpu.memory_space<vmem>>, vector<16xf32>,
          %get3A_202 = arith.index_cast %add3A_186 : i32 to index
          %get3A_203 = arith.constant 32 : index
          %get3A_204 = tpu.vector_load %arg14[%get3A_202, %get3A_203] {strides = array<i32>} : memref<80x144xf32, #tpu.memory_space<vmem>>, vector<16xf32>,
          %mul3A_205 = arith.mulf %get3A_204, %gather3A_187 : vector<16xf32>
          %swap3A_206 = arith.index_cast %add3A_186 : i32 to index
          %swap3A_207 = arith.constant 32 : index
          %swap3A_208 = tpu.vector_load %arg14[%swap3A_206, %swap3A_207] {strides = array<i32>} : memref<80x144xf32, #tpu.memory_space<vmem>>, vector<16xf32>,
          tpu.vector_store %arg14[%swap3A_206, %swap3A_207], %mul3A_205 {strides = array<i32>} : memref<80x144xf32, #tpu.memory_space<vmem>>, vector<16xf32>,
          %get3A_209 = arith.index_cast %add3A_186 : i32 to index
          %get3A_210 = arith.constant 48 : index
          %get3A_211 = tpu.vector_load %arg14[%get3A_209, %get3A_210] {strides = array<i32>} : memref<80x144xf32, #tpu.memory_space<vmem>>, vector<16xf32>,
          %mul3A_212 = arith.mulf %get3A_211, %gather3A_187 : vector<16xf32>
          %swap3A_213 = arith.index_cast %add3A_186 : i32 to index
          %swap3A_214 = arith.constant 48 : index
          %swap3A_215 = tpu.vector_load %arg14[%swap3A_213, %swap3A_214] {strides = array<i32>} : memref<80x144xf32, #tpu.memory_space<vmem>>, vector<16xf32>,
          tpu.vector_store %arg14[%swap3A_213, %swap3A_214], %mul3A_212 {strides = array<i32>} : memref<80x144xf32, #tpu.memory_space<vmem>>, vector<16xf32>,
          %get3A_216 = arith.index_cast %add3A_186 : i32 to index
          %get3A_217 = arith.constant 64 : index
          %get3A_218 = tpu.vector_load %arg14[%get3A_216, %get3A_217] {strides = array<i32>} : memref<80x144xf32, #tpu.memory_space<vmem>>, vector<16xf32>,
          %mul3A_219 = arith.mulf %get3A_218, %gather3A_187 : vector<16xf32>
          %swap3A_220 = arith.index_cast %add3A_186 : i32 to index
          %swap3A_221 = arith.constant 64 : index
          %swap3A_222 = tpu.vector_load %arg14[%swap3A_220, %swap3A_221] {strides = array<i32>} : memref<80x144xf32, #tpu.memory_space<vmem>>, vector<16xf32>,
          tpu.vector_store %arg14[%swap3A_220, %swap3A_221], %mul3A_219 {strides = array<i32>} : memref<80x144xf32, #tpu.memory_space<vmem>>, vector<16xf32>,
          %get3A_223 = arith.index_cast %add3A_186 : i32 to index
          %get3A_224 = arith.constant 80 : index
          %get3A_225 = tpu.vector_load %arg14[%get3A_223, %get3A_224] {strides = array<i32>} : memref<80x144xf32, #tpu.memory_space<vmem>>, vector<16xf32>,
          %mul3A_226 = arith.mulf %get3A_225, %gather3A_187 : vector<16xf32>
          %swap3A_227 = arith.index_cast %add3A_186 : i32 to index
          %swap3A_228 = arith.constant 80 : index
          %swap3A_229 = tpu.vector_load %arg14[%swap3A_227, %swap3A_228] {strides = array<i32>} : memref<80x144xf32, #tpu.memory_space<vmem>>, vector<16xf32>,
          tpu.vector_store %arg14[%swap3A_227, %swap3A_228], %mul3A_226 {strides = array<i32>} : memref<80x144xf32, #tpu.memory_space<vmem>>, vector<16xf32>,
          %get3A_230 = arith.index_cast %add3A_186 : i32 to index
          %get3A_231 = arith.constant 96 : index
          %get3A_232 = tpu.vector_load %arg14[%get3A_230, %get3A_231] {strides = array<i32>} : memref<80x144xf32, #tpu.memory_space<vmem>>, vector<16xf32>,
          %mul3A_233 = arith.mulf %get3A_232, %gather3A_187 : vector<16xf32>
          %swap3A_234 = arith.index_cast %add3A_186 : i32 to index
          %swap3A_235 = arith.constant 96 : index
          %swap3A_236 = tpu.vector_load %arg14[%swap3A_234, %swap3A_235] {strides = array<i32>} : memref<80x144xf32, #tpu.memory_space<vmem>>, vector<16xf32>,
          tpu.vector_store %arg14[%swap3A_234, %swap3A_235], %mul3A_233 {strides = array<i32>} : memref<80x144xf32, #tpu.memory_space<vmem>>, vector<16xf32>,
          %get3A_237 = arith.index_cast %add3A_186 : i32 to index
          %get3A_238 = arith.constant 112 : index
          %get3A_239 = tpu.vector_load %arg14[%get3A_237, %get3A_238] {strides = array<i32>} : memref<80x144xf32, #tpu.memory_space<vmem>>, vector<16xf32>,
          %mul3A_240 = arith.mulf %get3A_239, %gather3A_187 : vector<16xf32>
          %swap3A_241 = arith.index_cast %add3A_186 : i32 to index
          %swap3A_242 = arith.constant 112 : index
          %swap3A_243 = tpu.vector_load %arg14[%swap3A_241, %swap3A_242] {strides = array<i32>} : memref<80x144xf32, #tpu.memory_space<vmem>>, vector<16xf32>,
          tpu.vector_store %arg14[%swap3A_241, %swap3A_242], %mul3A_240 {strides = array<i32>} : memref<80x144xf32, #tpu.memory_space<vmem>>, vector<16xf32>,
          %get3A_244 = arith.index_cast %add3A_186 : i32 to index
          %get3A_245 = arith.constant 128 : index
          %get3A_246 = tpu.vector_load %arg14[%get3A_244, %get3A_245] {strides = array<i32>} : memref<80x144xf32, #tpu.memory_space<vmem>>, vector<16xf32>,
          %mul3A_247 = arith.mulf %get3A_246, %gather3A_187 : vector<16xf32>
          %swap3A_248 = arith.index_cast %add3A_186 : i32 to index
          %swap3A_249 = arith.constant 128 : index
          %swap3A_250 = tpu.vector_load %arg14[%swap3A_248, %swap3A_249] {strides = array<i32>} : memref<80x144xf32, #tpu.memory_space<vmem>>, vector<16xf32>,
          tpu.vector_store %arg14[%swap3A_248, %swap3A_249], %mul3A_247 {strides = array<i32>} : memref<80x144xf32, #tpu.memory_space<vmem>>, vector<16xf32>,
          %mul3A_251 = arith.constant 4 : i32
          %mul3A_252 = arith.muli %scan3A_182, %mul3A_251 : i32
          %add3A_253 = arith.constant 1 : i32
          %add3A_254 = arith.addi %mul3A_252, %add3A_253 : i32
          %broadcast_in_dim3A_255 = vector.broadcast %add3A_254 : i32 to vector<16xi32>
          %gather3A_256 = tpu.vector_load_idx %arg15[%broadcast_in_dim3A_255] : memref<128xf32, #tpu.memory_space<vmem>>[vector<16xi32>], vector<16xf32>,
          %get3A_257 = arith.index_cast %add3A_254 : i32 to index
          %get3A_258 = arith.constant 0 : index
          %get3A_259 = tpu.vector_load %arg14[%get3A_257, %get3A_258] {strides = array<i32>} : memref<80x144xf32, #tpu.memory_space<vmem>>, vector<16xf32>,
          %mul3A_260 = arith.mulf %get3A_259, %gather3A_256 : vector<16xf32>
          %swap3A_261 = arith.index_cast %add3A_254 : i32 to index
          %swap3A_262 = arith.constant 0 : index
          %swap3A_263 = tpu.vector_load %arg14[%swap3A_261, %swap3A_262] {strides = array<i32>} : memref<80x144xf32, #tpu.memory_space<vmem>>, vector<16xf32>,
          tpu.vector_store %arg14[%swap3A_261, %swap3A_262], %mul3A_260 {strides = array<i32>} : memref<80x144xf32, #tpu.memory_space<vmem>>, vector<16xf32>,
          %get3A_264 = arith.index_cast %add3A_254 : i32 to index
          %get3A_265 = arith.constant 16 : index
          %get3A_266 = tpu.vector_load %arg14[%get3A_264, %get3A_265] {strides = array<i32>} : memref<80x144xf32, #tpu.memory_space<vmem>>, vector<16xf32>,
          %mul3A_267 = arith.mulf %get3A_266, %gather3A_256 : vector<16xf32>
          %swap3A_268 = arith.index_cast %add3A_254 : i32 to index
          %swap3A_269 = arith.constant 16 : index
          %swap3A_270 = tpu.vector_load %arg14[%swap3A_268, %swap3A_269] {strides = array<i32>} : memref<80x144xf32, #tpu.memory_space<vmem>>, vector<16xf32>,
          tpu.vector_store %arg14[%swap3A_268, %swap3A_269], %mul3A_267 {strides = array<i32>} : memref<80x144xf32, #tpu.memory_space<vmem>>, vector<16xf32>,
          %get3A_271 = arith.index_cast %add3A_254 : i32 to index
          %get3A_272 = arith.constant 32 : index
          %get3A_273 = tpu.vector_load %arg14[%get3A_271, %get3A_272] {strides = array<i32>} : memref<80x144xf32, #tpu.memory_space<vmem>>, vector<16xf32>,
          %mul3A_274 = arith.mulf %get3A_273, %gather3A_256 : vector<16xf32>
          %swap3A_275 = arith.index_cast %add3A_254 : i32 to index
          %swap3A_276 = arith.constant 32 : index
          %swap3A_277 = tpu.vector_load %arg14[%swap3A_275, %swap3A_276] {strides = array<i32>} : memref<80x144xf32, #tpu.memory_space<vmem>>, vector<16xf32>,
          tpu.vector_store %arg14[%swap3A_275, %swap3A_276], %mul3A_274 {strides = array<i32>} : memref<80x144xf32, #tpu.memory_space<vmem>>, vector<16xf32>,
          %get3A_278 = arith.index_cast %add3A_254 : i32 to index
          %get3A_279 = arith.constant 48 : index
          %get3A_280 = tpu.vector_load %arg14[%get3A_278, %get3A_279] {strides = array<i32>} : memref<80x144xf32, #tpu.memory_space<vmem>>, vector<16xf32>,
          %mul3A_281 = arith.mulf %get3A_280, %gather3A_256 : vector<16xf32>
          %swap3A_282 = arith.index_cast %add3A_254 : i32 to index
          %swap3A_283 = arith.constant 48 : index
          %swap3A_284 = tpu.vector_load %arg14[%swap3A_282, %swap3A_283] {strides = array<i32>} : memref<80x144xf32, #tpu.memory_space<vmem>>, vector<16xf32>,
          tpu.vector_store %arg14[%swap3A_282, %swap3A_283], %mul3A_281 {strides = array<i32>} : memref<80x144xf32, #tpu.memory_space<vmem>>, vector<16xf32>,
          %get3A_285 = arith.index_cast %add3A_254 : i32 to index
          %get3A_286 = arith.constant 64 : index
          %get3A_287 = tpu.vector_load %arg14[%get3A_285, %get3A_286] {strides = array<i32>} : memref<80x144xf32, #tpu.memory_space<vmem>>, vector<16xf32>,
          %mul3A_288 = arith.mulf %get3A_287, %gather3A_256 : vector<16xf32>
          %swap3A_289 = arith.index_cast %add3A_254 : i32 to index
          %swap3A_290 = arith.constant 64 : index
          %swap3A_291 = tpu.vector_load %arg14[%swap3A_289, %swap3A_290] {strides = array<i32>} : memref<80x144xf32, #tpu.memory_space<vmem>>, vector<16xf32>,
          tpu.vector_store %arg14[%swap3A_289, %swap3A_290], %mul3A_288 {strides = array<i32>} : memref<80x144xf32, #tpu.memory_space<vmem>>, vector<16xf32>,
          %get3A_292 = arith.index_cast %add3A_254 : i32 to index
          %get3A_293 = arith.constant 80 : index
          %get3A_294 = tpu.vector_load %arg14[%get3A_292, %get3A_293] {strides = array<i32>} : memref<80x144xf32, #tpu.memory_space<vmem>>, vector<16xf32>,
          %mul3A_295 = arith.mulf %get3A_294, %gather3A_256 : vector<16xf32>
          %swap3A_296 = arith.index_cast %add3A_254 : i32 to index
          %swap3A_297 = arith.constant 80 : index
          %swap3A_298 = tpu.vector_load %arg14[%swap3A_296, %swap3A_297] {strides = array<i32>} : memref<80x144xf32, #tpu.memory_space<vmem>>, vector<16xf32>,
          tpu.vector_store %arg14[%swap3A_296, %swap3A_297], %mul3A_295 {strides = array<i32>} : memref<80x144xf32, #tpu.memory_space<vmem>>, vector<16xf32>,
          %get3A_299 = arith.index_cast %add3A_254 : i32 to index
          %get3A_300 = arith.constant 96 : index
          %get3A_301 = tpu.vector_load %arg14[%get3A_299, %get3A_300] {strides = array<i32>} : memref<80x144xf32, #tpu.memory_space<vmem>>, vector<16xf32>,
          %mul3A_302 = arith.mulf %get3A_301, %gather3A_256 : vector<16xf32>
          %swap3A_303 = arith.index_cast %add3A_254 : i32 to index
          %swap3A_304 = arith.constant 96 : index
          %swap3A_305 = tpu.vector_load %arg14[%swap3A_303, %swap3A_304] {strides = array<i32>} : memref<80x144xf32, #tpu.memory_space<vmem>>, vector<16xf32>,
          tpu.vector_store %arg14[%swap3A_303, %swap3A_304], %mul3A_302 {strides = array<i32>} : memref<80x144xf32, #tpu.memory_space<vmem>>, vector<16xf32>,
          %get3A_306 = arith.index_cast %add3A_254 : i32 to index
          %get3A_307 = arith.constant 112 : index
          %get3A_308 = tpu.vector_load %arg14[%get3A_306, %get3A_307] {strides = array<i32>} : memref<80x144xf32, #tpu.memory_space<vmem>>, vector<16xf32>,
          %mul3A_309 = arith.mulf %get3A_308, %gather3A_256 : vector<16xf32>
          %swap3A_310 = arith.index_cast %add3A_254 : i32 to index
          %swap3A_311 = arith.constant 112 : index
          %swap3A_312 = tpu.vector_load %arg14[%swap3A_310, %swap3A_311] {strides = array<i32>} : memref<80x144xf32, #tpu.memory_space<vmem>>, vector<16xf32>,
          tpu.vector_store %arg14[%swap3A_310, %swap3A_311], %mul3A_309 {strides = array<i32>} : memref<80x144xf32, #tpu.memory_space<vmem>>, vector<16xf32>,
          %get3A_313 = arith.index_cast %add3A_254 : i32 to index
          %get3A_314 = arith.constant 128 : index
          %get3A_315 = tpu.vector_load %arg14[%get3A_313, %get3A_314] {strides = array<i32>} : memref<80x144xf32, #tpu.memory_space<vmem>>, vector<16xf32>,
          %mul3A_316 = arith.mulf %get3A_315, %gather3A_256 : vector<16xf32>
          %swap3A_317 = arith.index_cast %add3A_254 : i32 to index
          %swap3A_318 = arith.constant 128 : index
          %swap3A_319 = tpu.vector_load %arg14[%swap3A_317, %swap3A_318] {strides = array<i32>} : memref<80x144xf32, #tpu.memory_space<vmem>>, vector<16xf32>,
          tpu.vector_store %arg14[%swap3A_317, %swap3A_318], %mul3A_316 {strides = array<i32>} : memref<80x144xf32, #tpu.memory_space<vmem>>, vector<16xf32>,
          %mul3A_320 = arith.constant 4 : i32
          %mul3A_321 = arith.muli %scan3A_182, %mul3A_320 : i32
          %add3A_322 = arith.constant 2 : i32
          %add3A_323 = arith.addi %mul3A_321, %add3A_322 : i32
          %broadcast_in_dim3A_324 = vector.broadcast %add3A_323 : i32 to vector<16xi32>
          %gather3A_325 = tpu.vector_load_idx %arg15[%broadcast_in_dim3A_324] : memref<128xf32, #tpu.memory_space<vmem>>[vector<16xi32>], vector<16xf32>,
          %get3A_326 = arith.index_cast %add3A_323 : i32 to index
          %get3A_327 = arith.constant 0 : index
          %get3A_328 = tpu.vector_load %arg14[%get3A_326, %get3A_327] {strides = array<i32>} : memref<80x144xf32, #tpu.memory_space<vmem>>, vector<16xf32>,
          %mul3A_329 = arith.mulf %get3A_328, %gather3A_325 : vector<16xf32>
          %swap3A_330 = arith.index_cast %add3A_323 : i32 to index
          %swap3A_331 = arith.constant 0 : index
          %swap3A_332 = tpu.vector_load %arg14[%swap3A_330, %swap3A_331] {strides = array<i32>} : memref<80x144xf32, #tpu.memory_space<vmem>>, vector<16xf32>,
          tpu.vector_store %arg14[%swap3A_330, %swap3A_331], %mul3A_329 {strides = array<i32>} : memref<80x144xf32, #tpu.memory_space<vmem>>, vector<16xf32>,
          %get3A_333 = arith.index_cast %add3A_323 : i32 to index
          %get3A_334 = arith.constant 16 : index
          %get3A_335 = tpu.vector_load %arg14[%get3A_333, %get3A_334] {strides = array<i32>} : memref<80x144xf32, #tpu.memory_space<vmem>>, vector<16xf32>,
          %mul3A_336 = arith.mulf %get3A_335, %gather3A_325 : vector<16xf32>
          %swap3A_337 = arith.index_cast %add3A_323 : i32 to index
          %swap3A_338 = arith.constant 16 : index
          %swap3A_339 = tpu.vector_load %arg14[%swap3A_337, %swap3A_338] {strides = array<i32>} : memref<80x144xf32, #tpu.memory_space<vmem>>, vector<16xf32>,
          tpu.vector_store %arg14[%swap3A_337, %swap3A_338], %mul3A_336 {strides = array<i32>} : memref<80x144xf32, #tpu.memory_space<vmem>>, vector<16xf32>,
          %get3A_340 = arith.index_cast %add3A_323 : i32 to index
          %get3A_341 = arith.constant 32 : index
          %get3A_342 = tpu.vector_load %arg14[%get3A_340, %get3A_341] {strides = array<i32>} : memref<80x144xf32, #tpu.memory_space<vmem>>, vector<16xf32>,
          %mul3A_343 = arith.mulf %get3A_342, %gather3A_325 : vector<16xf32>
          %swap3A_344 = arith.index_cast %add3A_323 : i32 to index
          %swap3A_345 = arith.constant 32 : index
          %swap3A_346 = tpu.vector_load %arg14[%swap3A_344, %swap3A_345] {strides = array<i32>} : memref<80x144xf32, #tpu.memory_space<vmem>>, vector<16xf32>,
          tpu.vector_store %arg14[%swap3A_344, %swap3A_345], %mul3A_343 {strides = array<i32>} : memref<80x144xf32, #tpu.memory_space<vmem>>, vector<16xf32>,
          %get3A_347 = arith.index_cast %add3A_323 : i32 to index
          %get3A_348 = arith.constant 48 : index
          %get3A_349 = tpu.vector_load %arg14[%get3A_347, %get3A_348] {strides = array<i32>} : memref<80x144xf32, #tpu.memory_space<vmem>>, vector<16xf32>,
          %mul3A_350 = arith.mulf %get3A_349, %gather3A_325 : vector<16xf32>
          %swap3A_351 = arith.index_cast %add3A_323 : i32 to index
          %swap3A_352 = arith.constant 48 : index
          %swap3A_353 = tpu.vector_load %arg14[%swap3A_351, %swap3A_352] {strides = array<i32>} : memref<80x144xf32, #tpu.memory_space<vmem>>, vector<16xf32>,
          tpu.vector_store %arg14[%swap3A_351, %swap3A_352], %mul3A_350 {strides = array<i32>} : memref<80x144xf32, #tpu.memory_space<vmem>>, vector<16xf32>,
          %get3A_354 = arith.index_cast %add3A_323 : i32 to index
          %get3A_355 = arith.constant 64 : index
          %get3A_356 = tpu.vector_load %arg14[%get3A_354, %get3A_355] {strides = array<i32>} : memref<80x144xf32, #tpu.memory_space<vmem>>, vector<16xf32>,
          %mul3A_357 = arith.mulf %get3A_356, %gather3A_325 : vector<16xf32>
          %swap3A_358 = arith.index_cast %add3A_323 : i32 to index
          %swap3A_359 = arith.constant 64 : index
          %swap3A_360 = tpu.vector_load %arg14[%swap3A_358, %swap3A_359] {strides = array<i32>} : memref<80x144xf32, #tpu.memory_space<vmem>>, vector<16xf32>,
          tpu.vector_store %arg14[%swap3A_358, %swap3A_359], %mul3A_357 {strides = array<i32>} : memref<80x144xf32, #tpu.memory_space<vmem>>, vector<16xf32>,
          %get3A_361 = arith.index_cast %add3A_323 : i32 to index
          %get3A_362 = arith.constant 80 : index
          %get3A_363 = tpu.vector_load %arg14[%get3A_361, %get3A_362] {strides = array<i32>} : memref<80x144xf32, #tpu.memory_space<vmem>>, vector<16xf32>,
          %mul3A_364 = arith.mulf %get3A_363, %gather3A_325 : vector<16xf32>
          %swap3A_365 = arith.index_cast %add3A_323 : i32 to index
          %swap3A_366 = arith.constant 80 : index
          %swap3A_367 = tpu.vector_load %arg14[%swap3A_365, %swap3A_366] {strides = array<i32>} : memref<80x144xf32, #tpu.memory_space<vmem>>, vector<16xf32>,
          tpu.vector_store %arg14[%swap3A_365, %swap3A_366], %mul3A_364 {strides = array<i32>} : memref<80x144xf32, #tpu.memory_space<vmem>>, vector<16xf32>,
          %get3A_368 = arith.index_cast %add3A_323 : i32 to index
          %get3A_369 = arith.constant 96 : index
          %get3A_370 = tpu.vector_load %arg14[%get3A_368, %get3A_369] {strides = array<i32>} : memref<80x144xf32, #tpu.memory_space<vmem>>, vector<16xf32>,
          %mul3A_371 = arith.mulf %get3A_370, %gather3A_325 : vector<16xf32>
          %swap3A_372 = arith.index_cast %add3A_323 : i32 to index
          %swap3A_373 = arith.constant 96 : index
          %swap3A_374 = tpu.vector_load %arg14[%swap3A_372, %swap3A_373] {strides = array<i32>} : memref<80x144xf32, #tpu.memory_space<vmem>>, vector<16xf32>,
          tpu.vector_store %arg14[%swap3A_372, %swap3A_373], %mul3A_371 {strides = array<i32>} : memref<80x144xf32, #tpu.memory_space<vmem>>, vector<16xf32>,
          %get3A_375 = arith.index_cast %add3A_323 : i32 to index
          %get3A_376 = arith.constant 112 : index
          %get3A_377 = tpu.vector_load %arg14[%get3A_375, %get3A_376] {strides = array<i32>} : memref<80x144xf32, #tpu.memory_space<vmem>>, vector<16xf32>,
          %mul3A_378 = arith.mulf %get3A_377, %gather3A_325 : vector<16xf32>
          %swap3A_379 = arith.index_cast %add3A_323 : i32 to index
          %swap3A_380 = arith.constant 112 : index
          %swap3A_381 = tpu.vector_load %arg14[%swap3A_379, %swap3A_380] {strides = array<i32>} : memref<80x144xf32, #tpu.memory_space<vmem>>, vector<16xf32>,
          tpu.vector_store %arg14[%swap3A_379, %swap3A_380], %mul3A_378 {strides = array<i32>} : memref<80x144xf32, #tpu.memory_space<vmem>>, vector<16xf32>,
          %get3A_382 = arith.index_cast %add3A_323 : i32 to index
          %get3A_383 = arith.constant 128 : index
          %get3A_384 = tpu.vector_load %arg14[%get3A_382, %get3A_383] {strides = array<i32>} : memref<80x144xf32, #tpu.memory_space<vmem>>, vector<16xf32>,
          %mul3A_385 = arith.mulf %get3A_384, %gather3A_325 : vector<16xf32>
          %swap3A_386 = arith.index_cast %add3A_323 : i32 to index
          %swap3A_387 = arith.constant 128 : index
          %swap3A_388 = tpu.vector_load %arg14[%swap3A_386, %swap3A_387] {strides = array<i32>} : memref<80x144xf32, #tpu.memory_space<vmem>>, vector<16xf32>,
          tpu.vector_store %arg14[%swap3A_386, %swap3A_387], %mul3A_385 {strides = array<i32>} : memref<80x144xf32, #tpu.memory_space<vmem>>, vector<16xf32>,
          %mul3A_389 = arith.constant 4 : i32
          %mul3A_390 = arith.muli %scan3A_182, %mul3A_389 : i32
          %add3A_391 = arith.constant 3 : i32
          %add3A_392 = arith.addi %mul3A_390, %add3A_391 : i32
          %broadcast_in_dim3A_393 = vector.broadcast %add3A_392 : i32 to vector<16xi32>
          %gather3A_394 = tpu.vector_load_idx %arg15[%broadcast_in_dim3A_393] : memref<128xf32, #tpu.memory_space<vmem>>[vector<16xi32>], vector<16xf32>,
          %get3A_395 = arith.index_cast %add3A_392 : i32 to index
          %get3A_396 = arith.constant 0 : index
          %get3A_397 = tpu.vector_load %arg14[%get3A_395, %get3A_396] {strides = array<i32>} : memref<80x144xf32, #tpu.memory_space<vmem>>, vector<16xf32>,
          %mul3A_398 = arith.mulf %get3A_397, %gather3A_394 : vector<16xf32>
          %swap3A_399 = arith.index_cast %add3A_392 : i32 to index
          %swap3A_400 = arith.constant 0 : index
          %swap3A_401 = tpu.vector_load %arg14[%swap3A_399, %swap3A_400] {strides = array<i32>} : memref<80x144xf32, #tpu.memory_space<vmem>>, vector<16xf32>,
          tpu.vector_store %arg14[%swap3A_399, %swap3A_400], %mul3A_398 {strides = array<i32>} : memref<80x144xf32, #tpu.memory_space<vmem>>, vector<16xf32>,
          %get3A_402 = arith.index_cast %add3A_392 : i32 to index
          %get3A_403 = arith.constant 16 : index
          %get3A_404 = tpu.vector_load %arg14[%get3A_402, %get3A_403] {strides = array<i32>} : memref<80x144xf32, #tpu.memory_space<vmem>>, vector<16xf32>,
          %mul3A_405 = arith.mulf %get3A_404, %gather3A_394 : vector<16xf32>
          %swap3A_406 = arith.index_cast %add3A_392 : i32 to index
          %swap3A_407 = arith.constant 16 : index
          %swap3A_408 = tpu.vector_load %arg14[%swap3A_406, %swap3A_407] {strides = array<i32>} : memref<80x144xf32, #tpu.memory_space<vmem>>, vector<16xf32>,
          tpu.vector_store %arg14[%swap3A_406, %swap3A_407], %mul3A_405 {strides = array<i32>} : memref<80x144xf32, #tpu.memory_space<vmem>>, vector<16xf32>,
          %get3A_409 = arith.index_cast %add3A_392 : i32 to index
          %get3A_410 = arith.constant 32 : index
          %get3A_411 = tpu.vector_load %arg14[%get3A_409, %get3A_410] {strides = array<i32>} : memref<80x144xf32, #tpu.memory_space<vmem>>, vector<16xf32>,
          %mul3A_412 = arith.mulf %get3A_411, %gather3A_394 : vector<16xf32>
          %swap3A_413 = arith.index_cast %add3A_392 : i32 to index
          %swap3A_414 = arith.constant 32 : index
          %swap3A_415 = tpu.vector_load %arg14[%swap3A_413, %swap3A_414] {strides = array<i32>} : memref<80x144xf32, #tpu.memory_space<vmem>>, vector<16xf32>,
          tpu.vector_store %arg14[%swap3A_413, %swap3A_414], %mul3A_412 {strides = array<i32>} : memref<80x144xf32, #tpu.memory_space<vmem>>, vector<16xf32>,
          %get3A_416 = arith.index_cast %add3A_392 : i32 to index
          %get3A_417 = arith.constant 48 : index
          %get3A_418 = tpu.vector_load %arg14[%get3A_416, %get3A_417] {strides = array<i32>} : memref<80x144xf32, #tpu.memory_space<vmem>>, vector<16xf32>,
          %mul3A_419 = arith.mulf %get3A_418, %gather3A_394 : vector<16xf32>
          %swap3A_420 = arith.index_cast %add3A_392 : i32 to index
          %swap3A_421 = arith.constant 48 : index
          %swap3A_422 = tpu.vector_load %arg14[%swap3A_420, %swap3A_421] {strides = array<i32>} : memref<80x144xf32, #tpu.memory_space<vmem>>, vector<16xf32>,
          tpu.vector_store %arg14[%swap3A_420, %swap3A_421], %mul3A_419 {strides = array<i32>} : memref<80x144xf32, #tpu.memory_space<vmem>>, vector<16xf32>,
          %get3A_423 = arith.index_cast %add3A_392 : i32 to index
          %get3A_424 = arith.constant 64 : index
          %get3A_425 = tpu.vector_load %arg14[%get3A_423, %get3A_424] {strides = array<i32>} : memref<80x144xf32, #tpu.memory_space<vmem>>, vector<16xf32>,
          %mul3A_426 = arith.mulf %get3A_425, %gather3A_394 : vector<16xf32>
          %swap3A_427 = arith.index_cast %add3A_392 : i32 to index
          %swap3A_428 = arith.constant 64 : index
          %swap3A_429 = tpu.vector_load %arg14[%swap3A_427, %swap3A_428] {strides = array<i32>} : memref<80x144xf32, #tpu.memory_space<vmem>>, vector<16xf32>,
          tpu.vector_store %arg14[%swap3A_427, %swap3A_428], %mul3A_426 {strides = array<i32>} : memref<80x144xf32, #tpu.memory_space<vmem>>, vector<16xf32>,
          %get3A_430 = arith.index_cast %add3A_392 : i32 to index
          %get3A_431 = arith.constant 80 : index
          %get3A_432 = tpu.vector_load %arg14[%get3A_430, %get3A_431] {strides = array<i32>} : memref<80x144xf32, #tpu.memory_space<vmem>>, vector<16xf32>,
          %mul3A_433 = arith.mulf %get3A_432, %gather3A_394 : vector<16xf32>
          %swap3A_434 = arith.index_cast %add3A_392 : i32 to index
          %swap3A_435 = arith.constant 80 : index
          %swap3A_436 = tpu.vector_load %arg14[%swap3A_434, %swap3A_435] {strides = array<i32>} : memref<80x144xf32, #tpu.memory_space<vmem>>, vector<16xf32>,
          tpu.vector_store %arg14[%swap3A_434, %swap3A_435], %mul3A_433 {strides = array<i32>} : memref<80x144xf32, #tpu.memory_space<vmem>>, vector<16xf32>,
          %get3A_437 = arith.index_cast %add3A_392 : i32 to index
          %get3A_438 = arith.constant 96 : index
          %get3A_439 = tpu.vector_load %arg14[%get3A_437, %get3A_438] {strides = array<i32>} : memref<80x144xf32, #tpu.memory_space<vmem>>, vector<16xf32>,
          %mul3A_440 = arith.mulf %get3A_439, %gather3A_394 : vector<16xf32>
          %swap3A_441 = arith.index_cast %add3A_392 : i32 to index
          %swap3A_442 = arith.constant 96 : index
          %swap3A_443 = tpu.vector_load %arg14[%swap3A_441, %swap3A_442] {strides = array<i32>} : memref<80x144xf32, #tpu.memory_space<vmem>>, vector<16xf32>,
          tpu.vector_store %arg14[%swap3A_441, %swap3A_442], %mul3A_440 {strides = array<i32>} : memref<80x144xf32, #tpu.memory_space<vmem>>, vector<16xf32>,
          %get3A_444 = arith.index_cast %add3A_392 : i32 to index
          %get3A_445 = arith.constant 112 : index
          %get3A_446 = tpu.vector_load %arg14[%get3A_444, %get3A_445] {strides = array<i32>} : memref<80x144xf32, #tpu.memory_space<vmem>>, vector<16xf32>,
          %mul3A_447 = arith.mulf %get3A_446, %gather3A_394 : vector<16xf32>
          %swap3A_448 = arith.index_cast %add3A_392 : i32 to index
          %swap3A_449 = arith.constant 112 : index
          %swap3A_450 = tpu.vector_load %arg14[%swap3A_448, %swap3A_449] {strides = array<i32>} : memref<80x144xf32, #tpu.memory_space<vmem>>, vector<16xf32>,
          tpu.vector_store %arg14[%swap3A_448, %swap3A_449], %mul3A_447 {strides = array<i32>} : memref<80x144xf32, #tpu.memory_space<vmem>>, vector<16xf32>,
          %get3A_451 = arith.index_cast %add3A_392 : i32 to index
          %get3A_452 = arith.constant 128 : index
          %get3A_453 = tpu.vector_load %arg14[%get3A_451, %get3A_452] {strides = array<i32>} : memref<80x144xf32, #tpu.memory_space<vmem>>, vector<16xf32>,
          %mul3A_454 = arith.mulf %get3A_453, %gather3A_394 : vector<16xf32>
          %swap3A_455 = arith.index_cast %add3A_392 : i32 to index
          %swap3A_456 = arith.constant 128 : index
          %swap3A_457 = tpu.vector_load %arg14[%swap3A_455, %swap3A_456] {strides = array<i32>} : memref<80x144xf32, #tpu.memory_space<vmem>>, vector<16xf32>,
          tpu.vector_store %arg14[%swap3A_455, %swap3A_456], %mul3A_454 {strides = array<i32>} : memref<80x144xf32, #tpu.memory_space<vmem>>, vector<16xf32>,
        }
        %scan3A_181 = arith.constant 20 : i32
        "tpu.region"() ({
          %run_scoped3A = tpu.sem_alloc : memref<!tpu.dma_semaphore, #tpu.memory_space<semaphore_mem>>
          %dma_start3A_182 = arith.constant 0 : i32
          %dma_start3A_183 = tpu.memref_slice %arg13[%scan3A_69, %dma_start3A_182] : memref<25x80xi32, #tpu.memory_space<vmem>> -> memref<1x80xi32, #tpu.memory_space<vmem>>
          %dma_start3A_184 = tpu.memref_squeeze %dma_start3A_183 : memref<1x80xi32, #tpu.memory_space<vmem>> -> memref<80xi32, #tpu.memory_space<vmem>>
          %dma_start3A_185 = arith.constant 0 : i32
          %dma_start3A_186 = arith.constant 0 : i32
          %dma_start3A_187 = tpu.memref_slice %arg16[%dma_start3A_185, %dma_start3A_186] : memref<10000x144xf32, #tpu.memory_space<vmem_shared>> -> memref<10000x144xf32, #tpu.memory_space<vmem_shared>>
          tpu.enqueue_indirect_dma source(%arg14 : memref<80x144xf32, #tpu.memory_space<vmem>>) target(%dma_start3A_187 : memref<10000x144xf32, #tpu.memory_space<vmem_shared>>) offsets(%dma_start3A_184 : memref<80xi32, #tpu.memory_space<vmem>>) semaphore(%run_scoped3A : memref<!tpu.dma_semaphore, #tpu.memory_space<semaphore_mem>>) {add = true}
          %dma_wait3A_188 = arith.constant 0 : i32
          %dma_wait3A_189 = tpu.memref_slice %arg13[%scan3A_69, %dma_wait3A_188] : memref<25x80xi32, #tpu.memory_space<vmem>> -> memref<1x80xi32, #tpu.memory_space<vmem>>
          %dma_wait3A_190 = tpu.memref_squeeze %dma_wait3A_189 : memref<1x80xi32, #tpu.memory_space<vmem>> -> memref<80xi32, #tpu.memory_space<vmem>>
          %dma_wait3A_191 = arith.constant 0 : i32
          %dma_wait3A_192 = arith.constant 0 : i32
          %dma_wait3A_193 = tpu.memref_slice %arg16[%dma_wait3A_191, %dma_wait3A_192] : memref<10000x144xf32, #tpu.memory_space<vmem_shared>> -> memref<10000x144xf32, #tpu.memory_space<vmem_shared>>
          tpu.wait_indirect_dma semaphore(%run_scoped3A : memref<!tpu.dma_semaphore, #tpu.memory_space<semaphore_mem>>) src(%arg14 : memref<80x144xf32, #tpu.memory_space<vmem>>) dst(%dma_wait3A_193 : memref<10000x144xf32, #tpu.memory_space<vmem_shared>>)
          tpu.yield
        }) : () -> ()
      }
      %scan3A_68 = arith.constant 25 : i32
    }
    %scan3A_52 = arith.constant 5 : i32
    %barrier3A_53 = arith.constant 0 : index
    tpu.barrier barrier_id(%barrier3A_53)
    %mul3A_54 = arith.constant 625 : i32
    %mul3A_55 = arith.muli %arg1, %mul3A_54 : i32
    %mul3A_56 = arith.constant 625 : i32
    %mul3A_57 = arith.muli %arg1, %mul3A_56 : i32
    "tpu.region"() ({
      %run_scoped3A = tpu.sem_alloc : memref<!tpu.dma_semaphore, #tpu.memory_space<semaphore_mem>>
      %dma_start3A = arith.constant 0 : i32
      %dma_start3A_58 = tpu.memref_slice %arg8[%arg0, %mul3A_57, %dma_start3A] : memref<2x10000x144xf32, #tpu.memory_space<hbm>> -> memref<1x625x144xf32, #tpu.memory_space<hbm>>
      %dma_start3A_59 = tpu.memref_squeeze %dma_start3A_58 : memref<1x625x144xf32, #tpu.memory_space<hbm>> -> memref<625x144xf32, #tpu.memory_space<hbm>>
      %dma_start3A_60 = arith.constant 0 : i32
      %dma_start3A_61 = tpu.memref_slice %arg16[%mul3A_55, %dma_start3A_60] : memref<10000x144xf32, #tpu.memory_space<vmem_shared>> -> memref<625x144xf32, #tpu.memory_space<vmem_shared>>
      tpu.enqueue_dma source(%dma_start3A_61 : memref<625x144xf32, #tpu.memory_space<vmem_shared>>) target(%dma_start3A_59 : memref<625x144xf32, #tpu.memory_space<hbm>>) target_semaphore(%run_scoped3A : memref<!tpu.dma_semaphore, #tpu.memory_space<semaphore_mem>>)
      %dma_wait3A = arith.constant 0 : i32
      %dma_wait3A_62 = tpu.memref_slice %arg8[%arg0, %mul3A_57, %dma_wait3A] : memref<2x10000x144xf32, #tpu.memory_space<hbm>> -> memref<1x625x144xf32, #tpu.memory_space<hbm>>
      %dma_wait3A_63 = tpu.memref_squeeze %dma_wait3A_62 : memref<1x625x144xf32, #tpu.memory_space<hbm>> -> memref<625x144xf32, #tpu.memory_space<hbm>>
      %dma_wait3A_64 = arith.constant 0 : i32
      %dma_wait3A_65 = tpu.memref_slice %arg16[%mul3A_55, %dma_wait3A_64] : memref<10000x144xf32, #tpu.memory_space<vmem_shared>> -> memref<625x144xf32, #tpu.memory_space<vmem_shared>>
      tpu.wait_dma2 semaphore(%run_scoped3A : memref<!tpu.dma_semaphore, #tpu.memory_space<semaphore_mem>>) src(%dma_wait3A_65 : memref<625x144xf32, #tpu.memory_space<vmem_shared>>) dst(%dma_wait3A_63 : memref<625x144xf32, #tpu.memory_space<hbm>>)
      tpu.yield
    }) : () -> ()
    return
  }
}

module attributes {stable_mosaic.version = 14 : i64} {
  func.func @_tc_first_body(%arg0: i32, %arg1: memref<5000x128xf32, #tpu.memory_space<vmem>>, %arg2: memref<128x128xf32, #tpu.memory_space<vmem>>, %arg3: memref<2x128xf32, #tpu.memory_space<vmem>>, %arg4: memref<5000x144xf32, #tpu.memory_space<vmem>>, %arg5: memref<1x2x5000xf32, #tpu.memory_space<vmem>>, %arg6: memref<8x128xf32, #tpu.memory_space<vmem>>) attributes {dimension_semantics = [#tpu.dimension_semantics<arbitrary>], iteration_bounds = array<i64: 2>, scalar_prefetch = 0 : i64, scratch_operands = 0 : i64, tpu.core_type = #tpu.core_type<tc>, window_params = [{transform_indices = @transform_0, window_bounds = array<i64: 5000, 128>}, {pipeline_mode = #tpu.pipeline_mode<synchronous>, transform_indices = @transform_1, window_bounds = array<i64: 128, 128>}, {pipeline_mode = #tpu.pipeline_mode<synchronous>, transform_indices = @transform_2, window_bounds = array<i64: 2, 128>}, {transform_indices = @transform_3, window_bounds = array<i64: 5000, 144>}, {transform_indices = @transform_4, window_bounds = array<i64: 1, 2, 5000>}, {pipeline_mode = #tpu.pipeline_mode<synchronous>, transform_indices = @transform_5, window_bounds = array<i64: 8, 128>}]} {
    %get3A = arith.constant 0 : index
    %get3A_0 = arith.constant 0 : index
    %get3A_1 = vector.load %arg1[%get3A, %get3A_0] : memref<5000x128xf32, #tpu.memory_space<vmem>>, vector<5000x128xf32>
    %get3A_2 = arith.constant 0 : index
    %get3A_3 = arith.constant 0 : index
    %get3A_4 = vector.load %arg2[%get3A_2, %get3A_3] : memref<128x128xf32, #tpu.memory_space<vmem>>, vector<128x128xf32>
    %get3A_5 = arith.constant 0 : index
    %get3A_6 = arith.constant 0 : index
    %get3A_7 = vector.load %arg3[%get3A_5, %get3A_6] : memref<2x128xf32, #tpu.memory_space<vmem>>, vector<2x128xf32>
    %dot_general3A = arith.constant dense<0.000000e+00> : vector<5000x128xf32>
    %dot_general3A_8 = tpu.matmul %get3A_1, %get3A_4, %dot_general3A {dimension_numbers = #tpu.dot_dimension_numbers<[1], [0], [0], [1], [0, 0, 1, 1], [], []>, transpose_lhs_hint = false} : vector<5000x128xf32>, vector<128x128xf32>, vector<5000x128xf32> -> vector<5000x128xf32>
    %broadcast_in_dim3A = arith.constant 1.000000e+00 : f32
    %broadcast_in_dim3A_9 = vector.broadcast %broadcast_in_dim3A : f32 to vector<5000x1xf32>
    %broadcast_in_dim3A_10 = arith.constant 0.000000e+00 : f32
    %broadcast_in_dim3A_11 = vector.broadcast %broadcast_in_dim3A_10 : f32 to vector<5000x15xf32>
    %concatenate3A = tpu.concatenate %dot_general3A_8, %broadcast_in_dim3A_9, %broadcast_in_dim3A_11 in 1 : vector<5000x128xf32>, vector<5000x1xf32>, vector<5000x15xf32> -> vector<5000x144xf32>
    %swap3A = arith.constant 0 : index
    %swap3A_12 = arith.constant 0 : index
    %swap3A_13 = vector.load %arg4[%swap3A, %swap3A_12] : memref<5000x144xf32, #tpu.memory_space<vmem>>, vector<5000x144xf32>
    tpu.vector_store %arg4[%swap3A, %swap3A_12], %concatenate3A {strides = array<i32>} : memref<5000x144xf32, #tpu.memory_space<vmem>>, vector<5000x144xf32>,
    %dot_general3A_14 = arith.constant dense<0.000000e+00> : vector<2x5000xf32>
    %dot_general3A_15 = tpu.matmul %get3A_7, %dot_general3A_8, %dot_general3A_14 {dimension_numbers = #tpu.dot_dimension_numbers<[1], [1], [0], [0], [0, 0, 1, 0], [], []>, transpose_lhs_hint = false} : vector<2x128xf32>, vector<5000x128xf32>, vector<2x5000xf32> -> vector<2x5000xf32>
    %broadcast_in_dim3A_16 = vector.shape_cast %dot_general3A_15 : vector<2x5000xf32> to vector<1x2x5000xf32>
    %swap3A_17 = arith.constant 0 : index
    %swap3A_18 = arith.constant 0 : index
    %swap3A_19 = arith.constant 0 : index
    %swap3A_20 = vector.load %arg5[%swap3A_17, %swap3A_18, %swap3A_19] : memref<1x2x5000xf32, #tpu.memory_space<vmem>>, vector<1x2x5000xf32>
    tpu.vector_store %arg5[%swap3A_17, %swap3A_18, %swap3A_19], %broadcast_in_dim3A_16 {strides = array<i32>} : memref<1x2x5000xf32, #tpu.memory_space<vmem>>, vector<1x2x5000xf32>,
    %eq3A = arith.constant 0 : i32
    %eq3A_21 = arith.cmpi eq, %arg0, %eq3A : i32
    %convert_element_type3A = arith.extui %eq3A_21 : i1 to i32
    %cond3A = arith.constant 0 : i32
    %cond3A_22 = arith.cmpi ne, %convert_element_type3A, %cond3A : i32
    scf.if %cond3A_22 {
      %broadcast_in_dim3A_37 = arith.constant -3.000000e+38 : f32
      %broadcast_in_dim3A_38 = vector.broadcast %broadcast_in_dim3A_37 : f32 to vector<8x128xf32>
      %swap3A_39 = arith.constant 0 : index
      %swap3A_40 = arith.constant 0 : index
      %swap3A_41 = vector.load %arg6[%swap3A_39, %swap3A_40] : memref<8x128xf32, #tpu.memory_space<vmem>>, vector<8x128xf32>
      tpu.vector_store %arg6[%swap3A_39, %swap3A_40], %broadcast_in_dim3A_38 {strides = array<i32>} : memref<8x128xf32, #tpu.memory_space<vmem>>, vector<8x128xf32>,
    } else {
    }
    %reduce_max3A = arith.constant dense<0xFF800000> : vector<2xf32>
    %reduce_max3A_23 = vector.multi_reduction <maximumf>, %dot_general3A_15, %reduce_max3A [1] : vector<2x5000xf32> to vector<2xf32>
    %broadcast_in_dim3A_24 = vector.shape_cast %reduce_max3A_23 : vector<2xf32> to vector<2x1xf32>
    %slice3A = vector.extract_strided_slice %broadcast_in_dim3A_24 {offsets = [0, 0], sizes = [1, 1], strides = [1, 1]} : vector<2x1xf32> to vector<1x1xf32>
    %broadcast_in_dim3A_25 = vector.shape_cast %slice3A : vector<1x1xf32> to vector<1x1xf32>
    %broadcast_in_dim3A_26 = vector.broadcast %broadcast_in_dim3A_25 : vector<1x1xf32> to vector<4x128xf32>
    %slice3A_27 = vector.extract_strided_slice %broadcast_in_dim3A_24 {offsets = [1, 0], sizes = [1, 1], strides = [1, 1]} : vector<2x1xf32> to vector<1x1xf32>
    %broadcast_in_dim3A_28 = vector.shape_cast %slice3A_27 : vector<1x1xf32> to vector<1x1xf32>
    %broadcast_in_dim3A_29 = vector.broadcast %broadcast_in_dim3A_28 : vector<1x1xf32> to vector<4x128xf32>
    %concatenate3A_30 = tpu.concatenate %broadcast_in_dim3A_26, %broadcast_in_dim3A_29 in 0 : vector<4x128xf32>, vector<4x128xf32> -> vector<8x128xf32>
    %get3A_31 = arith.constant 0 : index
    %get3A_32 = arith.constant 0 : index
    %get3A_33 = vector.load %arg6[%get3A_31, %get3A_32] : memref<8x128xf32, #tpu.memory_space<vmem>>, vector<8x128xf32>
    %max3A = arith.maximumf %get3A_33, %concatenate3A_30 : vector<8x128xf32>
    %swap3A_34 = arith.constant 0 : index
    %swap3A_35 = arith.constant 0 : index
    %swap3A_36 = vector.load %arg6[%swap3A_34, %swap3A_35] : memref<8x128xf32, #tpu.memory_space<vmem>>, vector<8x128xf32>
    tpu.vector_store %arg6[%swap3A_34, %swap3A_35], %max3A {strides = array<i32>} : memref<8x128xf32, #tpu.memory_space<vmem>>, vector<8x128xf32>,
    return
  }
  func.func @transform_0(%arg0: i32) -> (i32, i32) {
    %c0_i32 = arith.constant 0 : i32
    %c0_i32_0 = arith.constant 0 : i32
    return %arg0, %c0_i32 : i32, i32
  }
  func.func @transform_1(%arg0: i32) -> (i32, i32) {
    %c0_i32 = arith.constant 0 : i32
    %c0_i32_0 = arith.constant 0 : i32
    %c0_i32_1 = arith.constant 0 : i32
    return %c0_i32, %c0_i32_0 : i32, i32
  }
  func.func @transform_2(%arg0: i32) -> (i32, i32) {
    %c0_i32 = arith.constant 0 : i32
    %c0_i32_0 = arith.constant 0 : i32
    %c0_i32_1 = arith.constant 0 : i32
    return %c0_i32, %c0_i32_0 : i32, i32
  }
  func.func @transform_3(%arg0: i32) -> (i32, i32) {
    %c0_i32 = arith.constant 0 : i32
    %c0_i32_0 = arith.constant 0 : i32
    return %arg0, %c0_i32 : i32, i32
  }
  func.func @transform_4(%arg0: i32) -> (i32, i32, i32) {
    %c0_i32 = arith.constant 0 : i32
    %c0_i32_0 = arith.constant 0 : i32
    %c0_i32_1 = arith.constant 0 : i32
    return %arg0, %c0_i32, %c0_i32_0 : i32, i32, i32
  }
  func.func @transform_5(%arg0: i32) -> (i32, i32) {
    %c0_i32 = arith.constant 0 : i32
    %c0_i32_0 = arith.constant 0 : i32
    %c0_i32_1 = arith.constant 0 : i32
    return %c0_i32, %c0_i32_0 : i32, i32
  }
}

module attributes {stable_mosaic.version = 14 : i64} {
  func.func @_tc_layer_body(%arg0: i32, %arg1: memref<2x5000x144xf32, #tpu.memory_space<vmem>>, %arg2: memref<5x128xf32, #tpu.memory_space<vmem>>, %arg3: memref<128x128xf32, #tpu.memory_space<vmem>>, %arg4: memref<2x128xf32, #tpu.memory_space<vmem>>, %arg5: memref<5000x144xf32, #tpu.memory_space<vmem>>, %arg6: memref<1x2x5000xf32, #tpu.memory_space<vmem>>, %arg7: memref<8x128xf32, #tpu.memory_space<vmem>>) attributes {dimension_semantics = [#tpu.dimension_semantics<arbitrary>], iteration_bounds = array<i64: 2>, scalar_prefetch = 0 : i64, scratch_operands = 0 : i64, tpu.core_type = #tpu.core_type<tc>, window_params = [{transform_indices = @transform_0, window_bounds = array<i64: 2, 5000, 144>}, {pipeline_mode = #tpu.pipeline_mode<synchronous>, transform_indices = @transform_1, window_bounds = array<i64: 5, 128>}, {pipeline_mode = #tpu.pipeline_mode<synchronous>, transform_indices = @transform_2, window_bounds = array<i64: 128, 128>}, {pipeline_mode = #tpu.pipeline_mode<synchronous>, transform_indices = @transform_3, window_bounds = array<i64: 2, 128>}, {transform_indices = @transform_4, window_bounds = array<i64: 5000, 144>}, {transform_indices = @transform_5, window_bounds = array<i64: 1, 2, 5000>}, {pipeline_mode = #tpu.pipeline_mode<synchronous>, transform_indices = @transform_6, window_bounds = array<i64: 8, 128>}]} {
    %get3A = arith.constant 0 : index
    %get3A_0 = arith.constant 0 : index
    %get3A_1 = arith.constant 0 : index
    %get3A_2 = vector.load %arg1[%get3A, %get3A_0, %get3A_1] : memref<2x5000x144xf32, #tpu.memory_space<vmem>>, vector<1x5000x144xf32>
    %get3A_3 = vector.shape_cast %get3A_2 : vector<1x5000x144xf32> to vector<5000x144xf32>
    %get3A_4 = arith.constant 1 : index
    %get3A_5 = arith.constant 0 : index
    %get3A_6 = arith.constant 0 : index
    %get3A_7 = vector.load %arg1[%get3A_4, %get3A_5, %get3A_6] : memref<2x5000x144xf32, #tpu.memory_space<vmem>>, vector<1x5000x144xf32>
    %get3A_8 = vector.shape_cast %get3A_7 : vector<1x5000x144xf32> to vector<5000x144xf32>
    %get3A_9 = arith.constant 0 : index
    %get3A_10 = arith.constant 0 : index
    %get3A_11 = vector.load %arg2[%get3A_9, %get3A_10] : memref<5x128xf32, #tpu.memory_space<vmem>>, vector<5x128xf32>
    %slice3A = vector.extract_strided_slice %get3A_3 {offsets = [0, 0], sizes = [5000, 128], strides = [1, 1]} : vector<5000x144xf32> to vector<5000x128xf32>
    %slice3A_12 = vector.extract_strided_slice %get3A_8 {offsets = [0, 0], sizes = [5000, 128], strides = [1, 1]} : vector<5000x144xf32> to vector<5000x128xf32>
    %add3A = arith.addf %slice3A, %slice3A_12 : vector<5000x128xf32>
    %slice3A_13 = vector.extract_strided_slice %get3A_3 {offsets = [0, 128], sizes = [5000, 1], strides = [1, 1]} : vector<5000x144xf32> to vector<5000x1xf32>
    %slice3A_14 = vector.extract_strided_slice %get3A_8 {offsets = [0, 128], sizes = [5000, 1], strides = [1, 1]} : vector<5000x144xf32> to vector<5000x1xf32>
    %add3A_15 = arith.addf %slice3A_13, %slice3A_14 : vector<5000x1xf32>
    %add3A_16 = arith.constant 1.000000e-30 : f32
    %add3A_17 = vector.broadcast %add3A_16 : f32 to vector<5000x1xf32>
    %add3A_18 = arith.addf %add3A_15, %add3A_17 : vector<5000x1xf32>
    %div3A = vector.broadcast %add3A_18 : vector<5000x1xf32> to vector<5000x128xf32>
    %div3A_19 = arith.divf %add3A, %div3A : vector<5000x128xf32>
    %slice3A_20 = vector.extract_strided_slice %get3A_11 {offsets = [0, 0], sizes = [1, 128], strides = [1, 1]} : vector<5x128xf32> to vector<1x128xf32>
    %add3A_21 = vector.broadcast %slice3A_20 : vector<1x128xf32> to vector<5000x128xf32>
    %add3A_22 = arith.addf %div3A_19, %add3A_21 : vector<5000x128xf32>
    %slice3A_23 = vector.extract_strided_slice %get3A_11 {offsets = [3, 0], sizes = [1, 128], strides = [1, 1]} : vector<5x128xf32> to vector<1x128xf32>
    %sub3A = vector.broadcast %slice3A_23 : vector<1x128xf32> to vector<5000x128xf32>
    %sub3A_24 = arith.subf %add3A_22, %sub3A : vector<5000x128xf32>
    %slice3A_25 = vector.extract_strided_slice %get3A_11 {offsets = [4, 0], sizes = [1, 128], strides = [1, 1]} : vector<5x128xf32> to vector<1x128xf32>
    %add3A_26 = arith.constant 9.99999974E-6 : f32
    %add3A_27 = vector.broadcast %add3A_26 : f32 to vector<1x128xf32>
    %add3A_28 = arith.addf %slice3A_25, %add3A_27 : vector<1x128xf32>
    %rsqrt3A = math.rsqrt %add3A_28 : vector<1x128xf32>
    %mul3A = vector.broadcast %rsqrt3A : vector<1x128xf32> to vector<5000x128xf32>
    %mul3A_29 = arith.mulf %sub3A_24, %mul3A : vector<5000x128xf32>
    %slice3A_30 = vector.extract_strided_slice %get3A_11 {offsets = [1, 0], sizes = [1, 128], strides = [1, 1]} : vector<5x128xf32> to vector<1x128xf32>
    %mul3A_31 = vector.broadcast %slice3A_30 : vector<1x128xf32> to vector<5000x128xf32>
    %mul3A_32 = arith.mulf %mul3A_29, %mul3A_31 : vector<5000x128xf32>
    %slice3A_33 = vector.extract_strided_slice %get3A_11 {offsets = [2, 0], sizes = [1, 128], strides = [1, 1]} : vector<5x128xf32> to vector<1x128xf32>
    %add3A_34 = vector.broadcast %slice3A_33 : vector<1x128xf32> to vector<5000x128xf32>
    %add3A_35 = arith.addf %mul3A_32, %add3A_34 : vector<5000x128xf32>
    %max3A = arith.constant 0.000000e+00 : f32
    %max3A_36 = vector.broadcast %max3A : f32 to vector<5000x128xf32>
    %max3A_37 = arith.maximumf %add3A_35, %max3A_36 : vector<5000x128xf32>
    %get3A_38 = arith.constant 0 : index
    %get3A_39 = arith.constant 0 : index
    %get3A_40 = vector.load %arg3[%get3A_38, %get3A_39] : memref<128x128xf32, #tpu.memory_space<vmem>>, vector<128x128xf32>
    %get3A_41 = arith.constant 0 : index
    %get3A_42 = arith.constant 0 : index
    %get3A_43 = vector.load %arg4[%get3A_41, %get3A_42] : memref<2x128xf32, #tpu.memory_space<vmem>>, vector<2x128xf32>
    %dot_general3A = arith.constant dense<0.000000e+00> : vector<5000x128xf32>
    %dot_general3A_44 = tpu.matmul %max3A_37, %get3A_40, %dot_general3A {dimension_numbers = #tpu.dot_dimension_numbers<[1], [0], [0], [1], [0, 0, 1, 1], [], []>, transpose_lhs_hint = false} : vector<5000x128xf32>, vector<128x128xf32>, vector<5000x128xf32> -> vector<5000x128xf32>
    %broadcast_in_dim3A = arith.constant 1.000000e+00 : f32
    %broadcast_in_dim3A_45 = vector.broadcast %broadcast_in_dim3A : f32 to vector<5000x1xf32>
    %broadcast_in_dim3A_46 = arith.constant 0.000000e+00 : f32
    %broadcast_in_dim3A_47 = vector.broadcast %broadcast_in_dim3A_46 : f32 to vector<5000x15xf32>
    %concatenate3A = tpu.concatenate %dot_general3A_44, %broadcast_in_dim3A_45, %broadcast_in_dim3A_47 in 1 : vector<5000x128xf32>, vector<5000x1xf32>, vector<5000x15xf32> -> vector<5000x144xf32>
    %swap3A = arith.constant 0 : index
    %swap3A_48 = arith.constant 0 : index
    %swap3A_49 = vector.load %arg5[%swap3A, %swap3A_48] : memref<5000x144xf32, #tpu.memory_space<vmem>>, vector<5000x144xf32>
    tpu.vector_store %arg5[%swap3A, %swap3A_48], %concatenate3A {strides = array<i32>} : memref<5000x144xf32, #tpu.memory_space<vmem>>, vector<5000x144xf32>,
    %dot_general3A_50 = arith.constant dense<0.000000e+00> : vector<2x5000xf32>
    %dot_general3A_51 = tpu.matmul %get3A_43, %dot_general3A_44, %dot_general3A_50 {dimension_numbers = #tpu.dot_dimension_numbers<[1], [1], [0], [0], [0, 0, 1, 0], [], []>, transpose_lhs_hint = false} : vector<2x128xf32>, vector<5000x128xf32>, vector<2x5000xf32> -> vector<2x5000xf32>
    %broadcast_in_dim3A_52 = vector.shape_cast %dot_general3A_51 : vector<2x5000xf32> to vector<1x2x5000xf32>
    %swap3A_53 = arith.constant 0 : index
    %swap3A_54 = arith.constant 0 : index
    %swap3A_55 = arith.constant 0 : index
    %swap3A_56 = vector.load %arg6[%swap3A_53, %swap3A_54, %swap3A_55] : memref<1x2x5000xf32, #tpu.memory_space<vmem>>, vector<1x2x5000xf32>
    tpu.vector_store %arg6[%swap3A_53, %swap3A_54, %swap3A_55], %broadcast_in_dim3A_52 {strides = array<i32>} : memref<1x2x5000xf32, #tpu.memory_space<vmem>>, vector<1x2x5000xf32>,
    %eq3A = arith.constant 0 : i32
    %eq3A_57 = arith.cmpi eq, %arg0, %eq3A : i32
    %convert_element_type3A = arith.extui %eq3A_57 : i1 to i32
    %cond3A = arith.constant 0 : i32
    %cond3A_58 = arith.cmpi ne, %convert_element_type3A, %cond3A : i32
    scf.if %cond3A_58 {
      %broadcast_in_dim3A_75 = arith.constant -3.000000e+38 : f32
      %broadcast_in_dim3A_76 = vector.broadcast %broadcast_in_dim3A_75 : f32 to vector<8x128xf32>
      %swap3A_77 = arith.constant 0 : index
      %swap3A_78 = arith.constant 0 : index
      %swap3A_79 = vector.load %arg7[%swap3A_77, %swap3A_78] : memref<8x128xf32, #tpu.memory_space<vmem>>, vector<8x128xf32>
      tpu.vector_store %arg7[%swap3A_77, %swap3A_78], %broadcast_in_dim3A_76 {strides = array<i32>} : memref<8x128xf32, #tpu.memory_space<vmem>>, vector<8x128xf32>,
    } else {
    }
    %reduce_max3A = arith.constant dense<0xFF800000> : vector<2xf32>
    %reduce_max3A_59 = vector.multi_reduction <maximumf>, %dot_general3A_51, %reduce_max3A [1] : vector<2x5000xf32> to vector<2xf32>
    %broadcast_in_dim3A_60 = vector.shape_cast %reduce_max3A_59 : vector<2xf32> to vector<2x1xf32>
    %slice3A_61 = vector.extract_strided_slice %broadcast_in_dim3A_60 {offsets = [0, 0], sizes = [1, 1], strides = [1, 1]} : vector<2x1xf32> to vector<1x1xf32>
    %broadcast_in_dim3A_62 = vector.shape_cast %slice3A_61 : vector<1x1xf32> to vector<1x1xf32>
    %broadcast_in_dim3A_63 = vector.broadcast %broadcast_in_dim3A_62 : vector<1x1xf32> to vector<4x128xf32>
    %slice3A_64 = vector.extract_strided_slice %broadcast_in_dim3A_60 {offsets = [1, 0], sizes = [1, 1], strides = [1, 1]} : vector<2x1xf32> to vector<1x1xf32>
    %broadcast_in_dim3A_65 = vector.shape_cast %slice3A_64 : vector<1x1xf32> to vector<1x1xf32>
    %broadcast_in_dim3A_66 = vector.broadcast %broadcast_in_dim3A_65 : vector<1x1xf32> to vector<4x128xf32>
    %concatenate3A_67 = tpu.concatenate %broadcast_in_dim3A_63, %broadcast_in_dim3A_66 in 0 : vector<4x128xf32>, vector<4x128xf32> -> vector<8x128xf32>
    %get3A_68 = arith.constant 0 : index
    %get3A_69 = arith.constant 0 : index
    %get3A_70 = vector.load %arg7[%get3A_68, %get3A_69] : memref<8x128xf32, #tpu.memory_space<vmem>>, vector<8x128xf32>
    %max3A_71 = arith.maximumf %get3A_70, %concatenate3A_67 : vector<8x128xf32>
    %swap3A_72 = arith.constant 0 : index
    %swap3A_73 = arith.constant 0 : index
    %swap3A_74 = vector.load %arg7[%swap3A_72, %swap3A_73] : memref<8x128xf32, #tpu.memory_space<vmem>>, vector<8x128xf32>
    tpu.vector_store %arg7[%swap3A_72, %swap3A_73], %max3A_71 {strides = array<i32>} : memref<8x128xf32, #tpu.memory_space<vmem>>, vector<8x128xf32>,
    return
  }
  func.func @transform_0(%arg0: i32) -> (i32, i32, i32) {
    %c0_i32 = arith.constant 0 : i32
    %c0_i32_0 = arith.constant 0 : i32
    %c0_i32_1 = arith.constant 0 : i32
    return %c0_i32, %arg0, %c0_i32_0 : i32, i32, i32
  }
  func.func @transform_1(%arg0: i32) -> (i32, i32) {
    %c0_i32 = arith.constant 0 : i32
    %c0_i32_0 = arith.constant 0 : i32
    %c0_i32_1 = arith.constant 0 : i32
    return %c0_i32, %c0_i32_0 : i32, i32
  }
  func.func @transform_2(%arg0: i32) -> (i32, i32) {
    %c0_i32 = arith.constant 0 : i32
    %c0_i32_0 = arith.constant 0 : i32
    %c0_i32_1 = arith.constant 0 : i32
    return %c0_i32, %c0_i32_0 : i32, i32
  }
  func.func @transform_3(%arg0: i32) -> (i32, i32) {
    %c0_i32 = arith.constant 0 : i32
    %c0_i32_0 = arith.constant 0 : i32
    %c0_i32_1 = arith.constant 0 : i32
    return %c0_i32, %c0_i32_0 : i32, i32
  }
  func.func @transform_4(%arg0: i32) -> (i32, i32) {
    %c0_i32 = arith.constant 0 : i32
    %c0_i32_0 = arith.constant 0 : i32
    return %arg0, %c0_i32 : i32, i32
  }
  func.func @transform_5(%arg0: i32) -> (i32, i32, i32) {
    %c0_i32 = arith.constant 0 : i32
    %c0_i32_0 = arith.constant 0 : i32
    %c0_i32_1 = arith.constant 0 : i32
    return %arg0, %c0_i32, %c0_i32_0 : i32, i32, i32
  }
  func.func @transform_6(%arg0: i32) -> (i32, i32) {
    %c0_i32 = arith.constant 0 : i32
    %c0_i32_0 = arith.constant 0 : i32
    %c0_i32_1 = arith.constant 0 : i32
    return %c0_i32, %c0_i32_0 : i32, i32
  }
}

module attributes {stable_mosaic.version = 14 : i64} {
  func.func @_tc_pool_body(%arg0: i32, %arg1: memref<2x5000x144xf32, #tpu.memory_space<vmem>>, %arg2: memref<5x128xf32, #tpu.memory_space<vmem>>, %arg3: memref<1x1x5000xi32, #tpu.memory_space<vmem>>, %arg4: memref<128x128xf32, #tpu.memory_space<vmem>>, %arg5: memref<16x128xf32, #tpu.memory_space<vmem>>, %arg6: memref<16x128xf32, #tpu.memory_space<vmem>>, %arg7: memref<16x144xf32, #tpu.memory_space<vmem>>) attributes {dimension_semantics = [#tpu.dimension_semantics<arbitrary>], iteration_bounds = array<i64: 2>, scalar_prefetch = 0 : i64, scratch_operands = 1 : i64, tpu.core_type = #tpu.core_type<tc>, window_params = [{transform_indices = @transform_0, window_bounds = array<i64: 2, 5000, 144>}, {pipeline_mode = #tpu.pipeline_mode<synchronous>, transform_indices = @transform_1, window_bounds = array<i64: 5, 128>}, {transform_indices = @transform_2, window_bounds = array<i64: 1, 1, 5000>}, {pipeline_mode = #tpu.pipeline_mode<synchronous>, transform_indices = @transform_3, window_bounds = array<i64: 128, 128>}, {pipeline_mode = #tpu.pipeline_mode<synchronous>, transform_indices = @transform_4, window_bounds = array<i64: 16, 128>}, {pipeline_mode = #tpu.pipeline_mode<synchronous>, transform_indices = @transform_5, window_bounds = array<i64: 16, 128>}]} {
    %eq3A = arith.constant 0 : i32
    %eq3A_0 = arith.cmpi eq, %arg0, %eq3A : i32
    %convert_element_type3A = arith.extui %eq3A_0 : i1 to i32
    %cond3A = arith.constant 0 : i32
    %cond3A_1 = arith.cmpi ne, %convert_element_type3A, %cond3A : i32
    scf.if %cond3A_1 {
      %broadcast_in_dim3A_67 = arith.constant 0.000000e+00 : f32
      %broadcast_in_dim3A_68 = vector.broadcast %broadcast_in_dim3A_67 : f32 to vector<16x144xf32>
      %swap3A_69 = arith.constant 0 : index
      %swap3A_70 = arith.constant 0 : index
      %swap3A_71 = vector.load %arg7[%swap3A_69, %swap3A_70] : memref<16x144xf32, #tpu.memory_space<vmem>>, vector<16x144xf32>
      tpu.vector_store %arg7[%swap3A_69, %swap3A_70], %broadcast_in_dim3A_68 {strides = array<i32>} : memref<16x144xf32, #tpu.memory_space<vmem>>, vector<16x144xf32>,
    } else {
    }
    %get3A = arith.constant 0 : index
    %get3A_2 = arith.constant 0 : index
    %get3A_3 = arith.constant 0 : index
    %get3A_4 = vector.load %arg1[%get3A, %get3A_2, %get3A_3] : memref<2x5000x144xf32, #tpu.memory_space<vmem>>, vector<1x5000x144xf32>
    %get3A_5 = vector.shape_cast %get3A_4 : vector<1x5000x144xf32> to vector<5000x144xf32>
    %get3A_6 = arith.constant 1 : index
    %get3A_7 = arith.constant 0 : index
    %get3A_8 = arith.constant 0 : index
    %get3A_9 = vector.load %arg1[%get3A_6, %get3A_7, %get3A_8] : memref<2x5000x144xf32, #tpu.memory_space<vmem>>, vector<1x5000x144xf32>
    %get3A_10 = vector.shape_cast %get3A_9 : vector<1x5000x144xf32> to vector<5000x144xf32>
    %get3A_11 = arith.constant 0 : index
    %get3A_12 = arith.constant 0 : index
    %get3A_13 = vector.load %arg2[%get3A_11, %get3A_12] : memref<5x128xf32, #tpu.memory_space<vmem>>, vector<5x128xf32>
    %slice3A = vector.extract_strided_slice %get3A_5 {offsets = [0, 0], sizes = [5000, 128], strides = [1, 1]} : vector<5000x144xf32> to vector<5000x128xf32>
    %slice3A_14 = vector.extract_strided_slice %get3A_10 {offsets = [0, 0], sizes = [5000, 128], strides = [1, 1]} : vector<5000x144xf32> to vector<5000x128xf32>
    %add3A = arith.addf %slice3A, %slice3A_14 : vector<5000x128xf32>
    %slice3A_15 = vector.extract_strided_slice %get3A_5 {offsets = [0, 128], sizes = [5000, 1], strides = [1, 1]} : vector<5000x144xf32> to vector<5000x1xf32>
    %slice3A_16 = vector.extract_strided_slice %get3A_10 {offsets = [0, 128], sizes = [5000, 1], strides = [1, 1]} : vector<5000x144xf32> to vector<5000x1xf32>
    %add3A_17 = arith.addf %slice3A_15, %slice3A_16 : vector<5000x1xf32>
    %add3A_18 = arith.constant 1.000000e-30 : f32
    %add3A_19 = vector.broadcast %add3A_18 : f32 to vector<5000x1xf32>
    %add3A_20 = arith.addf %add3A_17, %add3A_19 : vector<5000x1xf32>
    %div3A = vector.broadcast %add3A_20 : vector<5000x1xf32> to vector<5000x128xf32>
    %div3A_21 = arith.divf %add3A, %div3A : vector<5000x128xf32>
    %slice3A_22 = vector.extract_strided_slice %get3A_13 {offsets = [0, 0], sizes = [1, 128], strides = [1, 1]} : vector<5x128xf32> to vector<1x128xf32>
    %add3A_23 = vector.broadcast %slice3A_22 : vector<1x128xf32> to vector<5000x128xf32>
    %add3A_24 = arith.addf %div3A_21, %add3A_23 : vector<5000x128xf32>
    %slice3A_25 = vector.extract_strided_slice %get3A_13 {offsets = [3, 0], sizes = [1, 128], strides = [1, 1]} : vector<5x128xf32> to vector<1x128xf32>
    %sub3A = vector.broadcast %slice3A_25 : vector<1x128xf32> to vector<5000x128xf32>
    %sub3A_26 = arith.subf %add3A_24, %sub3A : vector<5000x128xf32>
    %slice3A_27 = vector.extract_strided_slice %get3A_13 {offsets = [4, 0], sizes = [1, 128], strides = [1, 1]} : vector<5x128xf32> to vector<1x128xf32>
    %add3A_28 = arith.constant 9.99999974E-6 : f32
    %add3A_29 = vector.broadcast %add3A_28 : f32 to vector<1x128xf32>
    %add3A_30 = arith.addf %slice3A_27, %add3A_29 : vector<1x128xf32>
    %rsqrt3A = math.rsqrt %add3A_30 : vector<1x128xf32>
    %mul3A = vector.broadcast %rsqrt3A : vector<1x128xf32> to vector<5000x128xf32>
    %mul3A_31 = arith.mulf %sub3A_26, %mul3A : vector<5000x128xf32>
    %slice3A_32 = vector.extract_strided_slice %get3A_13 {offsets = [1, 0], sizes = [1, 128], strides = [1, 1]} : vector<5x128xf32> to vector<1x128xf32>
    %mul3A_33 = vector.broadcast %slice3A_32 : vector<1x128xf32> to vector<5000x128xf32>
    %mul3A_34 = arith.mulf %mul3A_31, %mul3A_33 : vector<5000x128xf32>
    %slice3A_35 = vector.extract_strided_slice %get3A_13 {offsets = [2, 0], sizes = [1, 128], strides = [1, 1]} : vector<5x128xf32> to vector<1x128xf32>
    %add3A_36 = vector.broadcast %slice3A_35 : vector<1x128xf32> to vector<5000x128xf32>
    %add3A_37 = arith.addf %mul3A_34, %add3A_36 : vector<5000x128xf32>
    %max3A = arith.constant 0.000000e+00 : f32
    %max3A_38 = vector.broadcast %max3A : f32 to vector<5000x128xf32>
    %max3A_39 = arith.maximumf %add3A_37, %max3A_38 : vector<5000x128xf32>
    %broadcast_in_dim3A = arith.constant 1.000000e+00 : f32
    %broadcast_in_dim3A_40 = vector.broadcast %broadcast_in_dim3A : f32 to vector<5000x1xf32>
    %broadcast_in_dim3A_41 = arith.constant 0.000000e+00 : f32
    %broadcast_in_dim3A_42 = vector.broadcast %broadcast_in_dim3A_41 : f32 to vector<5000x15xf32>
    %concatenate3A = tpu.concatenate %max3A_39, %broadcast_in_dim3A_40, %broadcast_in_dim3A_42 in 1 : vector<5000x128xf32>, vector<5000x1xf32>, vector<5000x15xf32> -> vector<5000x144xf32>
    %get3A_43 = arith.constant 0 : index
    %get3A_44 = arith.constant 0 : index
    %get3A_45 = arith.constant 0 : index
    %get3A_46 = vector.load %arg3[%get3A_43, %get3A_44, %get3A_45] : memref<1x1x5000xi32, #tpu.memory_space<vmem>>, vector<1x1x5000xi32>
    %get3A_47 = vector.shape_cast %get3A_46 : vector<1x1x5000xi32> to vector<1x5000xi32>
    %iota3A = tpu.iota {dimensions = array<i32: 1>} : vector<1x16xi32>
    %iota3A_48 = vector.shape_cast %iota3A : vector<1x16xi32> to vector<16xi32>
    %broadcast_in_dim3A_49 = vector.shape_cast %iota3A_48 : vector<16xi32> to vector<16x1xi32>
    %eq3A_50 = vector.broadcast %get3A_47 : vector<1x5000xi32> to vector<16x5000xi32>
    %eq3A_51 = vector.broadcast %broadcast_in_dim3A_49 : vector<16x1xi32> to vector<16x5000xi32>
    %eq3A_52 = arith.cmpi eq, %eq3A_50, %eq3A_51 : vector<16x5000xi32>
    %get3A_53 = arith.constant 0 : index
    %get3A_54 = arith.constant 0 : index
    %get3A_55 = vector.load %arg7[%get3A_53, %get3A_54] : memref<16x144xf32, #tpu.memory_space<vmem>>, vector<16x144xf32>
    %convert_element_type3A_56 = arith.extui %eq3A_52 : vector<16x5000xi1> to vector<16x5000xi32>
    %convert_element_type3A_57 = arith.sitofp %convert_element_type3A_56 : vector<16x5000xi32> to vector<16x5000xf32>
    %dot_general3A = arith.constant dense<0.000000e+00> : vector<16x144xf32>
    %dot_general3A_58 = tpu.matmul %convert_element_type3A_57, %concatenate3A, %dot_general3A {dimension_numbers = #tpu.dot_dimension_numbers<[1], [0], [0], [1], [0, 0, 1, 1], [], []>, transpose_lhs_hint = false} : vector<16x5000xf32>, vector<5000x144xf32>, vector<16x144xf32> -> vector<16x144xf32>
    %add3A_59 = arith.addf %get3A_55, %dot_general3A_58 : vector<16x144xf32>
    %swap3A = arith.constant 0 : index
    %swap3A_60 = arith.constant 0 : index
    %swap3A_61 = vector.load %arg7[%swap3A, %swap3A_60] : memref<16x144xf32, #tpu.memory_space<vmem>>, vector<16x144xf32>
    tpu.vector_store %arg7[%swap3A, %swap3A_60], %add3A_59 {strides = array<i32>} : memref<16x144xf32, #tpu.memory_space<vmem>>, vector<16x144xf32>,
    %eq3A_62 = arith.constant 1 : i32
    %eq3A_63 = arith.cmpi eq, %arg0, %eq3A_62 : i32
    %convert_element_type3A_64 = arith.extui %eq3A_63 : i1 to i32
    %cond3A_65 = arith.constant 0 : i32
    %cond3A_66 = arith.cmpi ne, %convert_element_type3A_64, %cond3A_65 : i32
    scf.if %cond3A_66 {
      %get3A_67 = arith.constant 0 : index
      %get3A_68 = arith.constant 0 : index
      %get3A_69 = vector.load %arg7[%get3A_67, %get3A_68] : memref<16x144xf32, #tpu.memory_space<vmem>>, vector<16x144xf32>
      %slice3A_70 = vector.extract_strided_slice %get3A_69 {offsets = [0, 0], sizes = [16, 128], strides = [1, 1]} : vector<16x144xf32> to vector<16x128xf32>
      %slice3A_71 = vector.extract_strided_slice %get3A_69 {offsets = [0, 128], sizes = [16, 1], strides = [1, 1]} : vector<16x144xf32> to vector<16x1xf32>
      %jit3A = arith.constant 1.000000e+00 : f32
      %max3A_72 = vector.broadcast %jit3A : f32 to vector<16x1xf32>
      %max3A_73 = arith.maximumf %max3A_72, %slice3A_71 : vector<16x1xf32>
      %div3A_74 = vector.broadcast %max3A_73 : vector<16x1xf32> to vector<16x128xf32>
      %div3A_75 = arith.divf %slice3A_70, %div3A_74 : vector<16x128xf32>
      %get3A_76 = arith.constant 0 : index
      %get3A_77 = arith.constant 0 : index
      %get3A_78 = vector.load %arg4[%get3A_76, %get3A_77] : memref<128x128xf32, #tpu.memory_space<vmem>>, vector<128x128xf32>
      %dot_general3A_79 = arith.constant dense<0.000000e+00> : vector<16x128xf32>
      %dot_general3A_80 = tpu.matmul %div3A_75, %get3A_78, %dot_general3A_79 {dimension_numbers = #tpu.dot_dimension_numbers<[1], [0], [0], [1], [0, 0, 1, 1], [], []>, transpose_lhs_hint = false} : vector<16x128xf32>, vector<128x128xf32>, vector<16x128xf32> -> vector<16x128xf32>
      %get3A_81 = arith.constant 0 : index
      %get3A_82 = arith.constant 0 : index
      %get3A_83 = vector.load %arg5[%get3A_81, %get3A_82] : memref<16x128xf32, #tpu.memory_space<vmem>>, vector<16x128xf32>
      %add3A_84 = arith.addf %dot_general3A_80, %get3A_83 : vector<16x128xf32>
      %swap3A_85 = arith.constant 0 : index
      %swap3A_86 = arith.constant 0 : index
      %swap3A_87 = vector.load %arg6[%swap3A_85, %swap3A_86] : memref<16x128xf32, #tpu.memory_space<vmem>>, vector<16x128xf32>
      tpu.vector_store %arg6[%swap3A_85, %swap3A_86], %add3A_84 {strides = array<i32>} : memref<16x128xf32, #tpu.memory_space<vmem>>, vector<16x128xf32>,
    } else {
    }
    return
  }
  func.func @transform_0(%arg0: i32) -> (i32, i32, i32) {
    %c0_i32 = arith.constant 0 : i32
    %c0_i32_0 = arith.constant 0 : i32
    %c0_i32_1 = arith.constant 0 : i32
    return %c0_i32, %arg0, %c0_i32_0 : i32, i32, i32
  }
  func.func @transform_1(%arg0: i32) -> (i32, i32) {
    %c0_i32 = arith.constant 0 : i32
    %c0_i32_0 = arith.constant 0 : i32
    %c0_i32_1 = arith.constant 0 : i32
    return %c0_i32, %c0_i32_0 : i32, i32
  }
  func.func @transform_2(%arg0: i32) -> (i32, i32, i32) {
    %c0_i32 = arith.constant 0 : i32
    %c0_i32_0 = arith.constant 0 : i32
    %c0_i32_1 = arith.constant 0 : i32
    return %arg0, %c0_i32, %c0_i32_0 : i32, i32, i32
  }
  func.func @transform_3(%arg0: i32) -> (i32, i32) {
    %c0_i32 = arith.constant 0 : i32
    %c0_i32_0 = arith.constant 0 : i32
    %c0_i32_1 = arith.constant 0 : i32
    return %c0_i32, %c0_i32_0 : i32, i32
  }
  func.func @transform_4(%arg0: i32) -> (i32, i32) {
    %c0_i32 = arith.constant 0 : i32
    %c0_i32_0 = arith.constant 0 : i32
    %c0_i32_1 = arith.constant 0 : i32
    return %c0_i32, %c0_i32_0 : i32, i32
  }
  func.func @transform_5(%arg0: i32) -> (i32, i32) {
    %c0_i32 = arith.constant 0 : i32
    %c0_i32_0 = arith.constant 0 : i32
    %c0_i32_1 = arith.constant 0 : i32
    return %c0_i32, %c0_i32_0 : i32, i32
  }
}

</mosaic_0001>

<sc_bundles>
// kernel: kernel.12.cloned.1.call-start
scs
__scs_entry_jumppad:
0x0: {  	(pc) =	sbr.rel $0x88, $3  }
0x1: {  	(tag) =	ssettag $0x0;
	lr =	simm.s32 $0x1  }
0x2: {  	[smem:$0x3F84] =	sst lr;
	_ =	strace $0xD0000000  }
0x3: {  	_ = 	snop  }
0x4: {  	_ = 	snop  }
0x5: {  	_ = 	snop  }
0x6: {  	_ = 	snop  }
0x7: {  	_ = 	snop  }
__scs_overlays_trampoline_lowered:
0x8: {  	[smem:$0x3F93] =	sst s0  }
0x9: {  	[smem:$0x3F94] =	sst s1  }
0xa: {  	[smem:$0x3F95] =	sst s2  }
0xb: {  	[smem:$0x3F96] =	sst s3  }
0xc: {  	[smem:$0x3F97] =	sst s4  }
0xd: {  	[smem:$0x3F98] =	sst s5  }
0xe: {  	[smem:$0x3F99] =	sst s6  }
0xf: {  	[smem:$0x3F9A] =	sst s7  }
0x10: {  	[smem:$0x3F9B] =	sst s8  }
0x11: {  	[smem:$0x3F9C] =	sst s9;
	s0 =	simm.s32 @!p0 $0x0  }
0x12: {  	s1 =	sld [smem:$0x3F82];
	s0 =	simm.s32 @p0 $0x1  }
0x13: {  	[smem:$0x3F9D] =	sst s0;
	s0 =	simm.s32 @!p1 $0x0  }
0x14: {  	s2 =	sld [smem:$0x3F81];
	s0 =	simm.s32 @p1 $0x1  }
0x15: {  	[smem:$0x3F9E] =	sst s0;
	s0 =	simm.s32 @!p2 $0x0  }
0x16: {  	s3 =	sld [smem:$0x3FDB];
	s0 =	simm.s32 @p2 $0x1  }
0x17: {  	s4 =	simm.s32 $0x1BF5;
	[smem:$0x3FA0] =	sst s0  }
0x18: {  	s0 =	sld [smem:$0x3F83];
	_ =	swait.ge [sflag:s4], $0x0  }
0x19: {  	s7 =	sld [smem:$0x3F84]  }
0x1a: {  	s8 =	sadd.s32 $0xFFFFE003, lr  }
0x1b: {  	s9 =	sadd.s32 $0xFFFFFEF7, lr;
	s5 =	simm.s32 $0xFFFFFFFF;
	p2 =	slt.u32 s8, $0xFFFFF086  }
0x1c: {  	p1 =	slt.u32 s9, $0xF7A;
	s5 =	simm.s32 @!p2 $0x0  }
0x1d: {  	s5 =	simm.s32 @p1 $0x1;
	p0 =	seq.s32 s7, s2  }
0x1e: {  	s7 =	smul.u32 @!p0 $0xF7A, s2;
	p2 =	seq.s32 @!p0 s5, $0x0  }
0x1f: {  	s9 =	smul.u32 $0xF7A, s1;
	s8 =	simm.s32 @!p0 $0x1BF5;
	p2 =	por !p2, p0  }
0x20: {  	[sflag:s8] =	ssyncset.s32 @!p0 $0xFFFFF086;
	s6 =	sadd.s32 @!p0 s3, s7;
	s7 =	simm.s32 @!p0 $0x108  }
0x21: {  	s3 =	sadd.s32 s3, s9;
	s6 =	sadd.s32 @!p0 $0x88, s6;
	s7 =	simm.s32 @p2 $0x1082  }
0x22: {  	[simem:s7], [sflag:s8] =	dma.local @!p0 [hbm:s6], $0xF7A  }
0x23: {  	s9 =	sor.u32 $0xD0000000, s2;
	s6 =	simm.s32 $0x108;
	_ =	swait.ge @!p0 [sflag:s8], $0x0  }
0x24: {  	s3 =	sadd.s32 $0x88, s3;
	s6 =	simm.s32 @!p1 $0x1082;
	[sflag:s4] =	ssyncset.s32 $0xFFFFF086  }
0x25: {  	[simem:s6], [sflag:s4] =	dma.local [hbm:s3], $0xF7A  }
0x26: {  	[smem:$0x3F84] =	sst s1;
	(tag) =	ssettag s2;
	_ =	strace s9  }
0x27: {  	s1 =	sld [smem:$0x3F94]  }
0x28: {  	s2 =	sld [smem:$0x3F95]  }
0x29: {  	s4 =	sld [smem:$0x3F97]  }
0x2a: {  	p0 =	seq.s32 s5, $0x0;
	s5 =	sld [smem:$0x3F98]  }
0x2b: {  	s6 =	sld [smem:$0x3F99]  }
0x2c: {  	s7 =	sld [smem:$0x3F9A]  }
0x2d: {  	s3 =	simm.s32 $0x108;
	s8 =	sld [smem:$0x3F9B]  }
0x2e: {  	s3 =	simm.s32 @!p0 $0x1082;
	s9 =	sld [smem:$0x3F9C]  }
0x2f: {  	lr =	sadd.s32 s0, s3;
	s0 =	sld [smem:$0x3F93]  }
0x30: {  	s3 =	sld [smem:$0x3F96]  }
0x31: {  	[smem:$0x3F9F] =	sst s10  }
0x32: {  	s10 =	sld [smem:$0x3F9D];
	_ =	sdelay $0x3  }
0x33: {  	p0 =	seq.s32 s10, $0x1;
	s10 =	sld [smem:$0x3F9F];
	_ =	sdelay $0x3  }
0x34: {  	[smem:$0x3F9F] =	sst s10  }
0x35: {  	s10 =	sld [smem:$0x3F9E];
	_ =	sdelay $0x3  }
0x36: {  	p1 =	seq.s32 s10, $0x1;
	s10 =	sld [smem:$0x3F9F];
	_ =	sdelay $0x3  }
0x37: {  	[smem:$0x3F9F] =	sst s10  }
0x38: {  	s10 =	sld [smem:$0x3FA0]  }
0x39: {  	_ = 	snop;
	(pc) =	sbr.ind lr, $3  }
0x3a: {  	_ = 	snop  }
0x3b: {  	_ = 	snop  }
0x3c: {  	p2 =	seq.s32 s10, $0x1;
	s10 =	sld [smem:$0x3F9F]  }
0x3d: {  	_ =	shalt  }
0x3e: {  	_ =	shalt  }
0x3f: {  	_ =	shalt  }
0x40: {  	_ =	shalt  }
0x41: {  	_ =	shalt  }
0x42: {  	_ =	shalt  }
0x43: {  	_ =	shalt  }
0x44: {  	_ =	shalt  }
0x45: {  	_ =	shalt  }
0x46: {  	_ =	shalt  }
0x47: {  	_ =	shalt  }
0x48: {  	_ =	shalt  }
0x49: {  	_ =	shalt  }
0x4a: {  	_ =	shalt  }
0x4b: {  	_ =	shalt  }
0x4c: {  	_ =	shalt  }
0x4d: {  	_ =	shalt  }
0x4e: {  	_ =	shalt  }
0x4f: {  	_ =	shalt  }
0x50: {  	_ =	shalt  }
0x51: {  	_ =	shalt  }
0x52: {  	_ =	shalt  }
0x53: {  	_ =	shalt  }
0x54: {  	_ =	shalt  }
0x55: {  	_ =	shalt  }
0x56: {  	_ =	shalt  }
0x57: {  	_ =	shalt  }
0x58: {  	_ =	shalt  }
0x59: {  	_ =	shalt  }
0x5a: {  	_ =	shalt  }
0x5b: {  	_ =	shalt  }
0x5c: {  	_ =	shalt  }
0x5d: {  	_ =	shalt  }
0x5e: {  	_ =	shalt  }
0x5f: {  	_ =	shalt  }
0x60: {  	_ =	shalt  }
0x61: {  	_ =	shalt  }
0x62: {  	_ =	shalt  }
0x63: {  	_ =	shalt  }
0x64: {  	_ =	shalt  }
0x65: {  	_ =	shalt  }
0x66: {  	_ =	shalt  }
0x67: {  	_ =	shalt  }
0x68: {  	_ =	shalt  }
0x69: {  	_ =	shalt  }
0x6a: {  	_ =	shalt  }
0x6b: {  	_ =	shalt  }
0x6c: {  	_ =	shalt  }
0x6d: {  	_ =	shalt  }
0x6e: {  	_ =	shalt  }
0x6f: {  	_ =	shalt  }
0x70: {  	_ =	shalt  }
0x71: {  	_ =	shalt  }
0x72: {  	_ =	shalt  }
0x73: {  	_ =	shalt  }
0x74: {  	_ =	shalt  }
0x75: {  	_ =	shalt  }
0x76: {  	_ =	shalt  }
0x77: {  	_ =	shalt  }
0x78: {  	_ =	shalt  }
0x79: {  	_ =	shalt  }
0x7a: {  	_ =	shalt  }
0x7b: {  	_ =	shalt  }
0x7c: {  	_ =	shalt  }
0x7d: {  	_ =	shalt  }
0x7e: {  	_ =	shalt  }
0x7f: {  	_ =	shalt  }
0x80: {  	_ =	shalt  }
0x81: {  	_ =	shalt  }
0x82: {  	_ =	shalt  }
0x83: {  	_ =	shalt  }
0x84: {  	_ =	shalt  }
0x85: {  	_ =	shalt  }
0x86: {  	_ =	shalt  }
0x87: {  	_ =	shalt  }
.Lfunc_end0:
.L_simem_size_0:
called_computation.1_lowered:
.L_overlay_start_0:
0x88: {  	s2 =	sld [smem:$0x3FD9]  }
0x89: {  	s3 =	sld [smem:$0x3FFE];
	_ =	sdelay $0x1  }
0x8a: {  	s1 =	srdreg.scid  }
0x8b: {  	s0 =	sand.u32 $0x1, s1  }
0x8c: {  	s17 =	sshll.u32 s0, $0xA;
	s2 =	sadd.s32 s3, s2  }
0x8d: {  	s2 =	sadd.s32 s2, s17  }
0x8e: {  	[smem:$0x3FAB] =	sst s2  }
0x8f: {  	_ = 	snop  }
0x90: {  	s2 =	sld [smem:$0x3FD0];
	(tm) =	ssettm $0x1  }
0x91: {  	s18 =	sld [smem:$0x3FFB];
	_ =	sdelay $0x3  }
0x92: {  	_ =	strace s18  }
0x93: {  	s3 =	sld [smem:$0x3FFC];
	_ =	sdelay $0x3  }
0x94: {  	_ =	strace s3  }
0x95: {  	s3 =	sld [smem:$0x3FFD];
	_ =	sdelay $0x3  }
0x96: {  	_ =	strace s3  }
0x97: {  	_ =	strace $0x8FFFFFFF  }
0x98: {  	s19 =	sld [smem:$0x3FDB];
	_ =	sdelay $0x1  }
0x99: {  	s4 =	simm.s32 $_scs_section_size  }
0x9a: {  	s5 =	simm.s32 $_size__tile_overlayer_lowered;
	s6 =	simm.s32 $_tile_overlayer_lowered  }
0x9b: {  	s22 =	simm.s32 $0x1BFF;
	s21 =	sshll.u32 s6, $0x1;
	s3 =	sadd.s32 s4, s19  }
0x9c: {  	s7 =	simm.s32 $0x0;
	s20 =	sshll.u32 s5, $0x1;
	s5 =	sadd.s32 s21, s3  }
0x9d: {  	[timem:s7], [sflag:s22] =	dma.local [hbm:s5], s20  }
0x9e: {  	_ =	swait.ge [sflag:s22], s20  }
0x9f: {  	s4 =	ssub.s32 $0x0, s20;
	[sflag:s22] =	ssyncset.done $0x0  }
0xa0: {  	[sflag:s22] =	ssyncadd.s32 s4;
	_ =	sdelay $0x1  }
0xa1: {  	s23 =	simm.s32 $0x1B8B  }
0xa2: {  	_ =	swait.ge [sflag:s23], $0x1  }
0xa3: {  	[sflag:s23] =	ssyncset.done $0x0  }
0xa4: {  	s25 =	simm.s32 $0x1B8E;
	s24 =	sld [smem:$0x3FFE];
	[sflag:s23] =	ssyncadd.s32 $0xFFFFFFFF  }
0xa5: {  	s26 =	simm.s32 $execute0_lowered;
	[smem:$0x3FD2] =	sst s25  }
0xa6: {  	s5 =	sshll.u32 s26, $0x1;
	_ =	strace $0x80000049;
	[dreg:$0x1] =	wrdreg $0xFFFFFFFF  }
0xa7: {  	s28 =	simm.s32 $_size_execute0_lowered;
	s3 =	sadd.s32 s3, s5;
	[dreg:$0x0] =	wrdreg $0x0  }
0xa8: {  	s5 =	sshll.u32 s28, $0x1;
	[dreg:$0x2] =	wrdreg s3  }
0xa9: {  	[dreg:$0x3] =	wrdreg s5  }
0xaa: {  	[dreg:$0x4] =	wrdreg $0xC0  }
0xab: {  	_ =	task [dreg:s7], $0x5FFFF  }
0xac: {  	[dreg:$0x1] =	wrdreg $0xFFFFFFFF  }
0xad: {  	[dreg:$0x0] =	wrdreg $0x60  }
0xae: {  	[dreg:$0x2] =	wrdreg s24  }
0xaf: {  	[dreg:$0x3] =	wrdreg s2  }
0xb0: {  	[dreg:$0x4] =	wrdreg $0x8F400  }
0xb1: {  	[dreg:$0x5] =	wrdreg $0x9  }
0xb2: {  	_ =	task.clear_ibuf [dreg:s7], $0x6FFFF;
	_ =	strace $0x90000049  }
0xb3: {  	s29 =	simm.s32 $0x9;
	_ =	strace $0x8000004B  }
0xb4: {  	_ =	swait.ge [sflag:s29], $0x1  }
0xb5: {  	[sflag:s29] =	ssyncadd.s32 $0xFFFFFFFF  }
0xb6: {  	_ =	strace $0x9000004B  }
0xb7: {  	_ =	sfence  }
0xb8: {  	s30 =	sld [smem:$0x0];
	_ =	sdelay $0x2  }
0xb9: {  	s31 =	sshll.u32 s1, $0xD;
	s1 =	sshrl.u32 s1, $0x2  }
0xba: {  	s3 =	sand.u32 $0x4000, s31;
	s1 =	sadd.s32 s1, s30  }
0xbb: {  	s0 =	sor.u32 s3, s0;
	s1 =	sshll.u32 s1, $0x11  }
0xbc: {  	s0 =	sor.u32 s1, s0  }
0xbd: {  	s0 =	sadd.s32 $0x8F2B, s0  }
0xbe: {  	[sflag:s0] =	ssyncadd.remote.s32 $0x1  }
0xbf: {  	_ =	sfence.sel $0xFFFF  }
0xc0: {  	[dreg:$0x0] =	wrdreg $0xFFFFFFFF;
	(pc) =	sbr.abs _section_cstart, $3  }
0xc1: {  	[dreg:$0x1] =	wrdreg $0xFFFFFFFF  }
0xc2: {  	_ =	task.clear_ibuf [dreg:s7], $0x2FFFF;
	_ =	strace $0x9FFFFFFF  }
0xc3: {  	(tm) =	ssettm $0x7FFFFFFF  }
tec
execute0_lowered:
.L_overlay_start_1:
0x0: {  	(tag) =	ssettag $0x1  }
0x1: {  	s0 =	rddreg [dreg:$0x0]  }
0x2: {  	s3 =	rddreg [dreg:$0x2];
	s1 =	srdreg.scid  }
0x3: {  	s11 =	stileid.u32;
	s4 =	simm.s32 $0x0;
	s28 =	simm.s32 $0x50  }
0x4: {  	s29 =	simm.s32 $0x1;
	s30 =	simm.s32 $0x8EC0;
	s31 =	simm.s32 $0x0  }
0x5: {  	s1 =	sand.u32 $0x1, s1;
	s2 =	smul.u32 $0x15F90, s11;
	[smem:$0x7FF] =	sst s4  }
0x6: {  	s5 =	sadd.s32 $0x17000, s0;
	s7 =	sadd.s32 $0x2E00, s0;
	s21 =	sadd.s32 $0x2800, s0  }
0x7: {  	s8 =	sadd.s32 $0xD200, s0;
	s22 =	smul.u32 $0x57E40, s11;
	s9 =	sadd.s32 $0x3400, s0  }
0x8: {  	s11 =	sshll.u32 s11, $0x1;
	_ =	strace $0x8000004A;
	[dreg:$0x4] =	wrdreg s7  }
0x9: {  	s6 =	smul.u32 $0x15F900, s1;
	[dreg:$0x5] =	wrdreg s21;
	s23 =	ssub.s32 $0x2, s1  }
0xa: {  	s1 =	sor.u32 s1, s11;
	s21 =	simm.s32 $0x2;
	s10 =	sshrl.u32 s23, $0x1  }
0xb: {  	s7 =	sshrl.u32 s22, $0x2;
	s18 =	smul.u32 $0x2710, s1;
	s6 =	sadd.s32 s2, s6  }
0xc: {  	s22 =	simm.s32 $0x2710;
	s7 =	sadd.s32 s7, s3;
	s6 =	sshrl.u32 s6, $0x3  }
0xd: {  	s24 =	sadd.s32 $0x2D00, s7;
	s25 =	sadd.s32 $0x5A00, s7;
	s26 =	sadd.s32 $0x8700, s7  }
0xe: {  	s14 =	sadd.s32 $0xB400, s7;
	s15 =	sadd.s32 $0xE100, s7;
	s16 =	sadd.s32 $0x10E00, s7  }
0xf: {  	s17 =	sadd.s32 $0x13B00, s7;
	s0 =	sadd.s32 s6, s0;
	[dreg:$0x6] =	wrdreg s24  }
0x10: {  	s6 =	ssub.s32 s23, s10;
	s10 =	sadd.s32 s2, s3;
	[dreg:$0x7] =	wrdreg s25  }
0x11: {  	[dreg:$0x8] =	wrdreg s26;
	s24 =	simm.s32 $0x61C0;
	s25 =	simm.s32 $0x5220  }
0x12: {  	v0 =	vimm.f32 $0.0e+00;
	s26 =	simm.s32 $0x59F0;
	s19 =	sadd.s32 $0x43000, s0;
	s20 =	smax.u32 s6, $0x1  }
.LBB2_1:
0x13: {  	s0 =	rddreg [dreg:$0x4]  }
0x14: {  	[tilespmem:s4], [sflag:$0x2] =	stream.linear.gather [hbm4b:s0+s4], $0x2710, $0x38;
	[tilespmem:$0x1EED0] =	vst v63  }
0x15: {  	_ =	swait.ge [sflag:s21], $0x2710  }
0x16: {  	[sflag:s21] =	ssyncset.done $0x0  }
0x17: {  	s13 =	rddreg [dreg:$0x5];
	[sflag:s21] =	ssyncadd.s32 $0xFFFFD8F0  }
0x18: {  	[tilespmem:s22], [sflag:$0x2] =	stream.linear.gather [hbm4b:s13+s4], $0x2710, $0x38;
	[tilespmem:$0x1EED0] =	vst v63  }
0x19: {  	_ =	swait.ge [sflag:s21], $0x2710  }
0x1a: {  	[sflag:s21] =	ssyncset.done $0x0  }
0x1b: {  	[sflag:s21] =	ssyncadd.s32 $0xFFFFD8F0  }
0x1c: {  	s1 =	simm.s32 $0x4E20;
	s23 =	rddreg [dreg:$0x1]  }
0x1d: {  	[tilespmem:s1], [sflag:$0x2] =	stream.linear.gather [hbm4b:s23+s4], $0x400, $0x38;
	[tilespmem:$0x1EED0] =	vst v63  }
0x1e: {  	_ =	swait.ge [sflag:s21], $0x400  }
0x1f: {  	[sflag:s21] =	ssyncset.done $0x0  }
0x20: {  	s0 =	simm.s32 $0x0;
	s1 =	simm.s32 $0x240;
	[sflag:s21] =	ssyncadd.s32 $0xFFFFFC00  }
.LBB2_2:
0x21: {  	p0 =	sne.s32 s1, $0xB1C0;
	[tilespmem:s0+$0x6240] =	vst v0  }
0x22: {  	[tilespmem:s0+$0x61C0] =	vst v0  }
0x23: {  	[tilespmem:s0+$0x61D0] =	vst v0  }
0x24: {  	[tilespmem:s0+$0x61E0] =	vst v0  }
.Ltmp0:
0x25: {  	[tilespmem:s0+$0x61F0] =	vst v0;
	(pc) =	sbr.rel @p0 .LBB2_2-.Ltmp0, $4  }
0x26: {  	[tilespmem:s0+$0x6200] =	vst v0  }
0x27: {  	[tilespmem:s0+$0x6210] =	vst v0  }
0x28: {  	[tilespmem:s0+$0x6220] =	vst v0  }
0x29: {  	[tilespmem:s0+$0x6230] =	vst v0;
	s0 =	sshra.s32 s1, $0x2;
	s1 =	sadd.s32 $0x240, s1  }
0x2a: {  	[tilespmem:s0+$0x6240] =	vst v0  }
0x2b: {  	[tilespmem:s0+$0x61C0] =	vst v0  }
0x2c: {  	[tilespmem:s0+$0x61D0] =	vst v0  }
0x2d: {  	[tilespmem:s0+$0x61E0] =	vst v0  }
0x2e: {  	[tilespmem:s0+$0x61F0] =	vst v0  }
0x2f: {  	[tilespmem:s0+$0x6200] =	vst v0  }
0x30: {  	[tilespmem:s0+$0x6210] =	vst v0  }
0x31: {  	[tilespmem:s0+$0x6220] =	vst v0  }
0x32: {  	[tilespmem:s0+$0x6230] =	vst v0  }
0x33: {  	[spmem:s10] =	stream.linear.scatter [tilespmem:s24], [sflag:$0x2], $0x2D00, $0x38;
	[tilespmem:$0x1EED0] =	vst v63  }
0x34: {  	_ =	swait.ge [sflag:s21], $0x2D00  }
0x35: {  	[sflag:s21] =	ssyncset.done $0x0  }
0x36: {  	s12 =	rddreg [dreg:$0x6];
	[sflag:s21] =	ssyncadd.s32 $0xFFFFD300  }
0x37: {  	[spmem:s12] =	stream.linear.scatter [tilespmem:s24], [sflag:$0x2], $0x2D00, $0x38;
	[tilespmem:$0x1EED0] =	vst v63  }
0x38: {  	_ =	swait.ge [sflag:s21], $0x2D00  }
0x39: {  	[sflag:s21] =	ssyncset.done $0x0  }
0x3a: {  	s13 =	rddreg [dreg:$0x7];
	[sflag:s21] =	ssyncadd.s32 $0xFFFFD300  }
0x3b: {  	[spmem:s13] =	stream.linear.scatter [tilespmem:s24], [sflag:$0x2], $0x2D00, $0x38;
	[tilespmem:$0x1EED0] =	vst v63  }
0x3c: {  	_ =	swait.ge [sflag:s21], $0x2D00  }
0x3d: {  	[sflag:s21] =	ssyncset.done $0x0  }
0x3e: {  	s23 =	rddreg [dreg:$0x8];
	[sflag:s21] =	ssyncadd.s32 $0xFFFFD300  }
0x3f: {  	[spmem:s23] =	stream.linear.scatter [tilespmem:s24], [sflag:$0x2], $0x2D00, $0x38;
	[tilespmem:$0x1EED0] =	vst v63  }
0x40: {  	_ =	swait.ge [sflag:s21], $0x2D00  }
0x41: {  	[sflag:s21] =	ssyncset.done $0x0  }
0x42: {  	[sflag:s21] =	ssyncadd.s32 $0xFFFFD300  }
0x43: {  	[spmem:s14] =	stream.linear.scatter [tilespmem:s24], [sflag:$0x2], $0x2D00, $0x38;
	[tilespmem:$0x1EED0] =	vst v63  }
0x44: {  	_ =	swait.ge [sflag:s21], $0x2D00  }
0x45: {  	[sflag:s21] =	ssyncset.done $0x0  }
0x46: {  	[sflag:s21] =	ssyncadd.s32 $0xFFFFD300  }
0x47: {  	[spmem:s15] =	stream.linear.scatter [tilespmem:s24], [sflag:$0x2], $0x2D00, $0x38;
	[tilespmem:$0x1EED0] =	vst v63  }
0x48: {  	_ =	swait.ge [sflag:s21], $0x2D00  }
0x49: {  	[sflag:s21] =	ssyncset.done $0x0  }
0x4a: {  	[sflag:s21] =	ssyncadd.s32 $0xFFFFD300  }
0x4b: {  	[spmem:s16] =	stream.linear.scatter [tilespmem:s24], [sflag:$0x2], $0x2D00, $0x38;
	[tilespmem:$0x1EED0] =	vst v63  }
0x4c: {  	_ =	swait.ge [sflag:s21], $0x2D00  }
0x4d: {  	[sflag:s21] =	ssyncset.done $0x0  }
0x4e: {  	[sflag:s21] =	ssyncadd.s32 $0xFFFFD300  }
0x4f: {  	[spmem:s17] =	stream.linear.scatter [tilespmem:s24], [sflag:$0x2], $0x2490, $0x38;
	[tilespmem:$0x1EED0] =	vst v63  }
0x50: {  	_ =	swait.ge [sflag:s21], $0x2490  }
0x51: {  	[sflag:s21] =	ssyncset.done $0x0  }
0x52: {  	[sflag:s21] =	ssyncadd.s32 $0xFFFFDB70  }
0x53: {  	[bflag:$0x0] =	sbarrier.arrive $0xFFFF  }
0x54: {  	v1 =	vld [tilespmem:$0x4E20]  }
0x55: {  	v2 =	vld [tilespmem:$0x5020];
	_ =	sdelay $0x4  }
0x56: {  	v1 =	vadd.f32 v2, v1;
	_ =	sdelay $0x1  }
0x57: {  	v2 =	vmul.f32 $2.000000030e-01, v1  }
0x58: {  	vm0 =	vgt.f32 v1, $0.0e+00  }
0x59: {  	s0 =	simm.s32 $0x0;
	s2 =	simm.s32 $0x0;
	v1 =	vsel vm0, v1, v2  }
.LBB2_4:
0x5a: {  	s1 =	smul.u32 $0x7D0, s2;
	_ =	sdelay $0x1  }
0x5b: {  	s1 =	sadd.s32 s18, s1  }
0x5c: {  	s1 =	sshrl.u32 s1, $0x3  }
0x5d: {  	s6 =	sadd.s32 s8, s1  }
0x5e: {  	[tilespmem:s25], [sflag:$0x2] =	stream.linear.gather [hbm4b:s6+s0], $0x7D0, $0x38;
	[tilespmem:$0x1EED0] =	vst v63  }
0x5f: {  	_ =	swait.ge [sflag:s21], $0x7D0  }
0x60: {  	[sflag:s21] =	ssyncset.done $0x0  }
0x61: {  	s1 =	sadd.s32 s9, s1;
	[sflag:s21] =	ssyncadd.s32 $0xFFFFF830  }
0x62: {  	[tilespmem:s26], [sflag:$0x2] =	stream.linear.gather [hbm4b:s1+s0], $0x7D0, $0x38;
	[tilespmem:$0x1EED0] =	vst v63  }
0x63: {  	_ =	swait.ge [sflag:s21], $0x7D0  }
0x64: {  	[sflag:s21] =	ssyncset.done $0x0  }
0x65: {  	s23 =	simm.s32 $0x0;
	[sflag:s21] =	ssyncadd.s32 $0xFFFFF830  }
.LBB2_5:
0x66: {  	s6 =	smul.u32 $0x50, s23;
	_ =	sdelay $0x1  }
0x67: {  	s1 =	sadd.s32 $0x5220, s6  }
0x68: {  	[tilespmem:s24], [sflag:$0x1] =	stream.indirect.gather [hbm4b:s5+s28], $0x90, s1, s28, $0xb8;
	[tilespmem:$0x1EED0] =	vst v63  }
0x69: {  	_ =	swait.ge [sflag:s29], $0x2D00  }
0x6a: {  	[sflag:s29] =	ssyncset.done $0x0  }
0x6b: {  	[sflag:s29] =	ssyncadd.s32 $0xFFFFD300  }
0x6c: {  	v2 =	vld [tilespmem:s6+$0x5220]  }
0x6d: {  	v3 =	vld [tilespmem:s6+$0x59F0];
	_ =	sdelay $0x6  }
0x6e: {  	v2 =	vld.idx.msk [tilespmem:v2+s4+$0x0], $0xffff  }
0x6f: {  	v3 =	vld.idx.msk [tilespmem:v3+s22+$0x0], $0xffff;
	_ =	sdelay $0x4  }
0x70: {  	v2 =	vadd.f32 v3, v2;
	_ =	sdelay $0x1  }
0x71: {  	v3 =	vmul.f32 $2.000000030e-01, v2  }
0x72: {  	vm0 =	vgt.f32 v2, $0.0e+00  }
0x73: {  	v2 =	vsel vm0, v2, v3  }
0x74: {  	v2 =	vsub.f32 v2, v1;
	_ =	sdelay $0x1  }
0x75: {  	v2 =	vmul.f32 $1.442695020e+00, v2;
	_ =	sdelay $0x1  }
0x76: {  	(erf) = vpow2.f32 v2;
	_ =	sdelay $0x8  }
0x77: {  	v2 =	vpop (erf)  }
0x78: {  	[tilespmem:$0x8EC0] =	vst v2  }
0x79: {  	v2 =	vld [tilespmem:s6+$0x5230]  }
0x7a: {  	v3 =	vld [tilespmem:s6+$0x5A00];
	_ =	sdelay $0x6  }
0x7b: {  	v2 =	vld.idx.msk [tilespmem:v2+s4+$0x0], $0xffff  }
0x7c: {  	v3 =	vld.idx.msk [tilespmem:v3+s22+$0x0], $0xffff;
	_ =	sdelay $0x4  }
0x7d: {  	v2 =	vadd.f32 v3, v2;
	_ =	sdelay $0x1  }
0x7e: {  	v3 =	vmul.f32 $2.000000030e-01, v2  }
0x7f: {  	vm12 =	vgt.f32 v2, $0.0e+00  }
0x80: {  	v2 =	vsel vm12, v2, v3  }
0x81: {  	v2 =	vsub.f32 v2, v1;
	_ =	sdelay $0x1  }
0x82: {  	v2 =	vmul.f32 $1.442695020e+00, v2;
	_ =	sdelay $0x1  }
0x83: {  	(erf) = vpow2.f32 v2;
	_ =	sdelay $0x8  }
0x84: {  	v2 =	vpop (erf)  }
0x85: {  	[tilespmem:$0x8ED0] =	vst v2  }
0x86: {  	v2 =	vld [tilespmem:s6+$0x5240]  }
0x87: {  	v3 =	vld [tilespmem:s6+$0x5A10];
	_ =	sdelay $0x6  }
0x88: {  	v2 =	vld.idx.msk [tilespmem:v2+s4+$0x0], $0xffff  }
0x89: {  	v3 =	vld.idx.msk [tilespmem:v3+s22+$0x0], $0xffff;
	_ =	sdelay $0x4  }
0x8a: {  	v2 =	vadd.f32 v3, v2;
	_ =	sdelay $0x1  }
0x8b: {  	v3 =	vmul.f32 $2.000000030e-01, v2  }
0x8c: {  	vm13 =	vgt.f32 v2, $0.0e+00  }
0x8d: {  	v2 =	vsel vm13, v2, v3  }
0x8e: {  	v2 =	vsub.f32 v2, v1;
	_ =	sdelay $0x1  }
0x8f: {  	v2 =	vmul.f32 $1.442695020e+00, v2;
	_ =	sdelay $0x1  }
0x90: {  	(erf) = vpow2.f32 v2;
	_ =	sdelay $0x8  }
0x91: {  	v2 =	vpop (erf)  }
0x92: {  	[tilespmem:$0x8EE0] =	vst v2  }
0x93: {  	v2 =	vld [tilespmem:s6+$0x5250]  }
0x94: {  	v3 =	vld [tilespmem:s6+$0x5A20];
	_ =	sdelay $0x6  }
0x95: {  	v2 =	vld.idx.msk [tilespmem:v2+s4+$0x0], $0xffff  }
0x96: {  	v3 =	vld.idx.msk [tilespmem:v3+s22+$0x0], $0xffff;
	_ =	sdelay $0x4  }
0x97: {  	v2 =	vadd.f32 v3, v2;
	_ =	sdelay $0x1  }
0x98: {  	v3 =	vmul.f32 $2.000000030e-01, v2  }
0x99: {  	vm14 =	vgt.f32 v2, $0.0e+00  }
0x9a: {  	v2 =	vsel vm14, v2, v3  }
0x9b: {  	v2 =	vsub.f32 v2, v1;
	_ =	sdelay $0x1  }
0x9c: {  	v2 =	vmul.f32 $1.442695020e+00, v2;
	_ =	sdelay $0x1  }
0x9d: {  	(erf) = vpow2.f32 v2;
	_ =	sdelay $0x8  }
0x9e: {  	v2 =	vpop (erf)  }
0x9f: {  	[tilespmem:$0x8EF0] =	vst v2  }
0xa0: {  	v2 =	vld [tilespmem:s6+$0x5260]  }
0xa1: {  	v3 =	vld [tilespmem:s6+$0x5A30];
	_ =	sdelay $0x6  }
0xa2: {  	v2 =	vld.idx.msk [tilespmem:v2+s4+$0x0], $0xffff  }
0xa3: {  	v3 =	vld.idx.msk [tilespmem:v3+s22+$0x0], $0xffff;
	_ =	sdelay $0x4  }
0xa4: {  	v2 =	vadd.f32 v3, v2;
	_ =	sdelay $0x1  }
0xa5: {  	v3 =	vmul.f32 $2.000000030e-01, v2  }
0xa6: {  	vm15 =	vgt.f32 v2, $0.0e+00  }
0xa7: {  	v2 =	vsel vm15, v2, v3  }
0xa8: {  	v2 =	vsub.f32 v2, v1;
	_ =	sdelay $0x1  }
0xa9: {  	v2 =	vmul.f32 $1.442695020e+00, v2;
	_ =	sdelay $0x1  }
0xaa: {  	(erf) = vpow2.f32 v2;
	_ =	sdelay $0x1  }
0xab: {  	s12 =	simm.s32 $0x0  }
0xac: {  	v2 =	vmov s12  }
0xad: {  	v2 =	vand.u32 $0xFFFFFFFC, v2  }
0xae: {  	v2 =	vbroadcast v2, $0x0;
	_ =	sdelay $0x3  }
0xaf: {  	v3 =	vpop (erf)  }
0xb0: {  	[tilespmem:$0x8F00] =	vst v3  }
0xb1: {  	s1 =	simm.s32 $0x62E0;
	v2 =	vld.idx.msk [tilespmem:v2+s30+$0x0], $0xffff  }
0xb2: {  	v4 =	vld [tilespmem:s1+$0xFFFFFEE0]  }
0xb3: {  	v5 =	vld [tilespmem:s1+$0xFFFFFF60]  }
0xb4: {  	v6 =	vld [tilespmem:s1+$0xFFFFFF00]  }
0xb5: {  	v7 =	vld [tilespmem:s1+$0xFFFFFF10]  }
0xb6: {  	v3 =	vld [tilespmem:s1+$0xFFFFFF30]  }
0xb7: {  	v9 =	vld [tilespmem:s1+$0xFFFFFF50];
	v4 =	vmul.f32 v4, v2  }
0xb8: {  	v11 =	vld [tilespmem:s1+$0xFFFFFF20];
	v5 =	vmul.f32 v5, v2  }
0xb9: {  	s7 =	simm.s32 $0x1;
	v8 =	vld [tilespmem:s1+$0xFFFFFF40];
	v6 =	vmul.f32 v6, v2;
	[tilespmem:s1+$0xFFFFFEE0] =	vst v4  }
0xba: {  	v10 =	vld [tilespmem:s1+$0xFFFFFEF0];
	v4 =	vmul.f32 v7, v2;
	[tilespmem:s1+$0xFFFFFF60] =	vst v5;
	v5 =	vmov s7  }
0xbb: {  	v3 =	vmul.f32 v3, v2;
	[tilespmem:s1+$0xFFFFFF00] =	vst v6;
	v5 =	vand.u32 $0xFFFFFFFD, v5  }
0xbc: {  	v6 =	vmul.f32 v9, v2;
	[tilespmem:s1+$0xFFFFFF10] =	vst v4;
	v4 =	vbroadcast v5, $0x0  }
0xbd: {  	[tilespmem:s1+$0xFFFFFF30] =	vst v3;
	v3 =	vmul.f32 v11, v2  }
0xbe: {  	v5 =	vmul.f32 v8, v2;
	[tilespmem:s1+$0xFFFFFF50] =	vst v6  }
0xbf: {  	v6 =	vmul.f32 v10, v2;
	[tilespmem:s1+$0xFFFFFF20] =	vst v3  }
0xc0: {  	[tilespmem:s1+$0xFFFFFF40] =	vst v5  }
0xc1: {  	[tilespmem:s1+$0xFFFFFEF0] =	vst v6;
	v5 =	vld [tilespmem:s1+$0xFFFFFF70]  }
0xc2: {  	v4 =	vld.idx.msk [tilespmem:v4+s30+$0x0], $0xffff  }
0xc3: {  	v6 =	vld [tilespmem:s1+$0xFFFFFFE0]  }
0xc4: {  	v7 =	vld [tilespmem:s1+$0xFFFFFF90]  }
0xc5: {  	v3 =	vld [tilespmem:s1+$0xFFFFFFC0]  }
0xc6: {  	v8 =	vld [tilespmem:s1+$0xFFFFFFA0]  }
0xc7: {  	v62 =	vld [tilespmem:s1+$0xFFFFFFF0];
	v5 =	vmul.f32 v5, v4  }
0xc8: {  	v61 =	vld [tilespmem:s1+$0xFFFFFFB0];
	v6 =	vmul.f32 v6, v4  }
0xc9: {  	s13 =	simm.s32 $0x2;
	v12 =	vld [tilespmem:s1+$0xFFFFFFD0];
	v7 =	vmul.f32 v7, v4;
	[tilespmem:s1+$0xFFFFFF70] =	vst v5  }
0xca: {  	v63 =	vld [tilespmem:s1+$0xFFFFFF80];
	v3 =	vmul.f32 v3, v4;
	[tilespmem:s1+$0xFFFFFFE0] =	vst v6;
	v6 =	vmov s13  }
0xcb: {  	v5 =	vmul.f32 v8, v4;
	[tilespmem:s1+$0xFFFFFF90] =	vst v7;
	v6 =	vand.u32 $0xFFFFFFFE, v6  }
0xcc: {  	v7 =	vmul.f32 v62, v4;
	[tilespmem:s1+$0xFFFFFFC0] =	vst v3;
	v8 =	vbroadcast v6, $0x0  }
0xcd: {  	[tilespmem:s1+$0xFFFFFFA0] =	vst v5;
	v5 =	vmul.f32 v61, v4  }
0xce: {  	v2 =	vld [tilespmem:s1+$0x0];
	v6 =	vmul.f32 v12, v4;
	[tilespmem:s1+$0xFFFFFFF0] =	vst v7  }
0xcf: {  	v3 =	vld [tilespmem:s1+$0x40];
	v4 =	vmul.f32 v63, v4;
	[tilespmem:s1+$0xFFFFFFB0] =	vst v5  }
0xd0: {  	[tilespmem:s1+$0xFFFFFFD0] =	vst v6;
	v6 =	vld [tilespmem:s1+$0x30]  }
0xd1: {  	s11 =	simm.s32 $0x7;
	[tilespmem:s1+$0xFFFFFF80] =	vst v4;
	v5 =	vld [tilespmem:s1+$0x80]  }
0xd2: {  	s6 =	sadd.s32 $0x59F0, s6;
	s12 =	simm.s32 $0x62E0;
	s7 =	simm.s32 $0x3;
	v4 =	vld.idx.msk [tilespmem:v8+s30+$0x0], $0xffff  }
.LBB2_6:
0xd3: {  	p0 =	sne.s32 s11, $0x4F  }
0xd4: {  	v7 =	vld [tilespmem:s1+$0x20];
	s12 =	sadd.s32 $0x240, s12;
	s13 =	smov.u32 s11;
	s11 =	sadd.s32 $0x4, s11  }
0xd5: {  	v8 =	vld [tilespmem:s1+$0x50]  }
0xd6: {  	v9 =	vld [tilespmem:s1+$0x70]  }
0xd7: {  	v10 =	vld [tilespmem:s1+$0x60];
	_ =	sdelay $0x1  }
0xd8: {  	v2 =	vmul.f32 v2, v4;
	v3 =	vmul.f32 v3, v4  }
0xd9: {  	v6 =	vmul.f32 v6, v4;
	v7 =	vmul.f32 v7, v4;
	v11 =	vld [tilespmem:s1+$0x10]  }
0xda: {  	v8 =	vmul.f32 v8, v4;
	[tilespmem:s1+$0x0] =	vst v2;
	v9 =	vmul.f32 v9, v4  }
0xdb: {  	v5 =	vmul.f32 v5, v4;
	[tilespmem:s1+$0x30] =	vst v6;
	v6 =	vmul.f32 v10, v4  }
0xdc: {  	[tilespmem:s1+$0x20] =	vst v7  }
0xdd: {  	v2 =	vld [tilespmem:s12+$0x0];
	[tilespmem:s1+$0x40] =	vst v3  }
0xde: {  	v3 =	vld [tilespmem:s12+$0x40];
	v4 =	vmul.f32 v11, v4;
	[tilespmem:s1+$0x80] =	vst v5;
	v5 =	vmov s7;
	s7 =	smov.u32 s13  }
0xdf: {  	[tilespmem:s1+$0x50] =	vst v8;
	v7 =	vld [tilespmem:s1+$0xB0]  }
0xe0: {  	[tilespmem:s1+$0x60] =	vst v6;
	v6 =	vld [tilespmem:s1+$0x90]  }
0xe1: {  	[tilespmem:s1+$0x10] =	vst v4;
	v4 =	vld [tilespmem:s1+$0xE0]  }
0xe2: {  	[tilespmem:s1+$0x70] =	vst v9;
	v8 =	vld [tilespmem:s1+$0xC0]  }
0xe3: {  	v5 =	vld.idx.msk [tilespmem:v5+s30+$0x0], $0xffff  }
0xe4: {  	v9 =	vld [tilespmem:s1+$0xA0]  }
0xe5: {  	v10 =	vld [tilespmem:s1+$0x100]  }
0xe6: {  	v11 =	vld [tilespmem:s1+$0xD0]  }
0xe7: {  	v12 =	vld [tilespmem:s1+$0xF0]  }
0xe8: {  	v13 =	vld [tilespmem:s1+$0x110]  }
0xe9: {  	v6 =	vmul.f32 v6, v5;
	v9 =	vmul.f32 v9, v5  }
0xea: {  	v7 =	vmul.f32 v7, v5;
	v8 =	vmul.f32 v8, v5  }
0xeb: {  	s13 =	sadd.s32 $0xFFFFFFFD, s7;
	v4 =	vmul.f32 v4, v5;
	[tilespmem:s1+$0x90] =	vst v6;
	v6 =	vmul.f32 v11, v5  }
0xec: {  	v10 =	vmul.f32 v10, v5;
	v11 =	vmov s13;
	[tilespmem:s1+$0xB0] =	vst v7;
	v7 =	vmul.f32 v12, v5  }
0xed: {  	v11 =	vand.u32 $0xFFFFFFFC, v11;
	[tilespmem:s1+$0xC0] =	vst v8;
	v5 =	vmul.f32 v13, v5  }
0xee: {  	v8 =	vbroadcast v11, $0x0;
	[tilespmem:s1+$0xE0] =	vst v4  }
0xef: {  	[tilespmem:s1+$0x110] =	vst v5  }
0xf0: {  	v4 =	vld [tilespmem:s12+$0xFFFFFF30];
	[tilespmem:s1+$0xD0] =	vst v6  }
0xf1: {  	v5 =	vld [tilespmem:s12+$0xFFFFFF10];
	[tilespmem:s1+$0x100] =	vst v10  }
0xf2: {  	v6 =	vld [tilespmem:s12+$0xFFFFFF40];
	[tilespmem:s1+$0xA0] =	vst v9  }
0xf3: {  	v9 =	vld [tilespmem:s12+$0xFFFFFF60];
	[tilespmem:s1+$0xF0] =	vst v7;
	s1 =	smov.u32 s12  }
0xf4: {  	v7 =	vld.idx.msk [tilespmem:v8+s30+$0x0], $0xffff  }
0xf5: {  	v8 =	vld [tilespmem:s12+$0xFFFFFEE0]  }
0xf6: {  	v10 =	vld [tilespmem:s12+$0xFFFFFF00]  }
0xf7: {  	v11 =	vld [tilespmem:s12+$0xFFFFFEF0]  }
0xf8: {  	v12 =	vld [tilespmem:s12+$0xFFFFFF20]  }
0xf9: {  	v13 =	vld [tilespmem:s12+$0xFFFFFF50]  }
0xfa: {  	v9 =	vmul.f32 v9, v7;
	v8 =	vmul.f32 v8, v7  }
0xfb: {  	v6 =	vmul.f32 v6, v7;
	v10 =	vmul.f32 v10, v7  }
0xfc: {  	s13 =	sadd.s32 $0xFFFFFFFE, s7;
	v5 =	vmul.f32 v5, v7;
	[tilespmem:s12+$0xFFFFFEE0] =	vst v8;
	v8 =	vmul.f32 v11, v7  }
0xfd: {  	v4 =	vmul.f32 v4, v7;
	v11 =	vmul.f32 v12, v7;
	[tilespmem:s12+$0xFFFFFF60] =	vst v9;
	v9 =	vmov s13  }
0xfe: {  	[tilespmem:s12+$0xFFFFFF00] =	vst v10;
	v7 =	vmul.f32 v13, v7;
	v9 =	vand.u32 $0xFFFFFFFD, v9  }
0xff: {  	[tilespmem:s12+$0xFFFFFF10] =	vst v5;
	v5 =	vbroadcast v9, $0x0  }
0x100: {  	[tilespmem:s12+$0xFFFFFF30] =	vst v4  }
0x101: {  	[tilespmem:s12+$0xFFFFFF50] =	vst v7;
	v4 =	vld [tilespmem:s12+$0xFFFFFFC0]  }
0x102: {  	[tilespmem:s12+$0xFFFFFF40] =	vst v6;
	v6 =	vld [tilespmem:s12+$0xFFFFFFD0]  }
0x103: {  	[tilespmem:s12+$0xFFFFFF20] =	vst v11;
	v7 =	vld [tilespmem:s12+$0xFFFFFFA0]  }
0x104: {  	[tilespmem:s12+$0xFFFFFEF0] =	vst v8;
	v8 =	vld [tilespmem:s12+$0xFFFFFFE0]  }
0x105: {  	v5 =	vld.idx.msk [tilespmem:v5+s30+$0x0], $0xffff  }
0x106: {  	v9 =	vld [tilespmem:s12+$0xFFFFFF70]  }
0x107: {  	v10 =	vld [tilespmem:s12+$0xFFFFFF90]  }
0x108: {  	v11 =	vld [tilespmem:s12+$0xFFFFFFB0]  }
0x109: {  	v12 =	vld [tilespmem:s12+$0xFFFFFF80]  }
0x10a: {  	v13 =	vld [tilespmem:s12+$0xFFFFFFF0]  }
0x10b: {  	v8 =	vmul.f32 v8, v5;
	v9 =	vmul.f32 v9, v5  }
0x10c: {  	v7 =	vmul.f32 v7, v5;
	v10 =	vmul.f32 v10, v5  }
0x10d: {  	s13 =	sadd.s32 $0xFFFFFFFF, s7;
	v6 =	vmul.f32 v6, v5;
	[tilespmem:s12+$0xFFFFFF70] =	vst v9;
	v9 =	vmul.f32 v11, v5  }
0x10e: {  	v4 =	vmul.f32 v4, v5;
	v11 =	vmul.f32 v12, v5;
	[tilespmem:s12+$0xFFFFFFE0] =	vst v8;
	v8 =	vmov s13  }
0x10f: {  	[tilespmem:s12+$0xFFFFFF90] =	vst v10;
	v5 =	vmul.f32 v13, v5;
	v8 =	vand.u32 $0xFFFFFFFE, v8  }
0x110: {  	[tilespmem:s12+$0xFFFFFFA0] =	vst v7;
	v7 =	vbroadcast v8, $0x0  }
0x111: {  	[tilespmem:s12+$0xFFFFFFC0] =	vst v4  }
.Ltmp1:
0x112: {  	[tilespmem:s12+$0xFFFFFFF0] =	vst v5;
	(pc) =	sbr.rel @p0 .LBB2_6-.Ltmp1, $4  }
0x113: {  	[tilespmem:s12+$0xFFFFFFB0] =	vst v9  }
0x114: {  	[tilespmem:s12+$0xFFFFFFD0] =	vst v6;
	v6 =	vld [tilespmem:s12+$0x30]  }
0x115: {  	[tilespmem:s12+$0xFFFFFF80] =	vst v11;
	v5 =	vld [tilespmem:s12+$0x80]  }
0x116: {  	v4 =	vld.idx.msk [tilespmem:v7+s30+$0x0], $0xffff  }
0x117: {  	_ =	sdelay $0x2  }
0x118: {  	v7 =	vld [tilespmem:s1+$0x20]  }
0x119: {  	v8 =	vld [tilespmem:s1+$0x50];
	v2 =	vmul.f32 v2, v4  }
0x11a: {  	v10 =	vld [tilespmem:s1+$0x10];
	v6 =	vmul.f32 v6, v4  }
0x11b: {  	v9 =	vld [tilespmem:s1+$0x60];
	v3 =	vmul.f32 v3, v4;
	[tilespmem:s1+$0x0] =	vst v2  }
0x11c: {  	v5 =	vmul.f32 v5, v4;
	v2 =	vld [tilespmem:s1+$0x70];
	[tilespmem:s1+$0x30] =	vst v6  }
0x11d: {  	v7 =	vmul.f32 v7, v4;
	[tilespmem:s1+$0x40] =	vst v3  }
0x11e: {  	v50 =	vmul.f32 v8, v4;
	[tilespmem:s1+$0x80] =	vst v5  }
0x11f: {  	v51 =	vmov s7;
	v52 =	vmul.f32 v10, v4;
	[tilespmem:s1+$0x20] =	vst v7  }
0x120: {  	v3 =	vmul.f32 v9, v4;
	[tilespmem:s1+$0x50] =	vst v50  }
0x121: {  	[tilespmem:s1+$0x10] =	vst v52;
	v2 =	vmul.f32 v2, v4  }
0x122: {  	[tilespmem:s1+$0x60] =	vst v3  }
0x123: {  	v3 =	vld [tilespmem:s1+$0x90];
	[tilespmem:s1+$0x70] =	vst v2  }
0x124: {  	v2 =	vld.idx.msk [tilespmem:v51+s30+$0x0], $0xffff  }
0x125: {  	v53 =	vld [tilespmem:s1+$0xB0]  }
0x126: {  	v55 =	vld [tilespmem:s1+$0xC0]  }
0x127: {  	v54 =	vld [tilespmem:s1+$0xE0]  }
0x128: {  	v57 =	vld [tilespmem:s1+$0x110]  }
0x129: {  	v58 =	vld [tilespmem:s1+$0xD0];
	v3 =	vmul.f32 v3, v2  }
0x12a: {  	v59 =	vld [tilespmem:s1+$0x100];
	v4 =	vmul.f32 v53, v2  }
0x12b: {  	v56 =	vld [tilespmem:s1+$0xA0];
	v6 =	vmul.f32 v55, v2;
	[tilespmem:s1+$0x90] =	vst v3  }
0x12c: {  	v5 =	vmul.f32 v54, v2;
	v3 =	vld [tilespmem:s1+$0xF0];
	[tilespmem:s1+$0xB0] =	vst v4  }
0x12d: {  	v60 =	vmul.f32 v57, v2;
	[tilespmem:s1+$0xC0] =	vst v6  }
0x12e: {  	v61 =	vmul.f32 v58, v2;
	[tilespmem:s1+$0xE0] =	vst v5  }
0x12f: {  	v62 =	vmul.f32 v59, v2;
	[tilespmem:s1+$0x110] =	vst v60  }
0x130: {  	v63 =	vmul.f32 v56, v2;
	[tilespmem:s1+$0xD0] =	vst v61  }
0x131: {  	s23 =	sadd.s32 $0x1, s23;
	[tilespmem:s1+$0x100] =	vst v62;
	v2 =	vmul.f32 v3, v2  }
0x132: {  	p0 =	sne.s32 s23, $0x19;
	[tilespmem:s1+$0xA0] =	vst v63  }
.Ltmp2:
0x133: {  	[tilespmem:s1+$0xF0] =	vst v2;
	(pc) =	sbr.rel @p0 .LBB2_5-.Ltmp2, $4  }
0x134: {  	[spmem:s3] =	stream.indirect.scatter.add.f32 [tilespmem:s24], [sflag:$0x2], $0x90, s6, s28, $0xb8;
	[tilespmem:$0x1EED0] =	vst v63  }
0x135: {  	_ =	swait.ge [sflag:s21], $0x2D00  }
0x136: {  	[sflag:s21] =	ssyncset.done $0x0  }
0x137: {  	[sflag:s21] =	ssyncadd.s32 $0xFFFFD300  }
0x138: {  	s2 =	sadd.s32 $0x1, s2  }
0x139: {  	p0 =	sne.s32 s2, $0x5  }
.Ltmp3:
0x13a: {  	_ = 	snop;
	(pc) =	sbr.rel @p0 .LBB2_4-.Ltmp3, $1  }
0x13b: {  	_ =	sdelay $0x3  }
0x13c: {  	s0 =	stileid.u32;
	s31 =	sadd.s32 $0x1, s31  }
0x13d: {  	[bflag:$0x0] =	sbarrier.arrive $0xFFFF;
	s0 =	sshll.u32 s0, $0x6;
	p0 =	sne.s32 s31, s20  }
.Ltmp4:
0x13e: {  	s1 =	sshrl.u32 s10, $0x3;
	s0 =	sor.u32 $0x1C02, s0;
	(pc) =	sbr.rel @p0 .LBB2_1-.Ltmp4, $4  }
0x13f: {  	[hbm:s19], [sflag:s0] =	dma.local [spmem:s1], $0x2BF2  }
0x140: {  	_ =	swait.ge [sflag:s21], $0x2BF2  }
0x141: {  	[sflag:s21] =	ssyncset.done $0x0  }
0x142: {  	[sflag:s21] =	ssyncadd.s32 $0xFFFFD40E  }
0x143: {  	_ =	sfence.sel $0x180000  }
0x144: {  	[bflag:$0x0] =	sbarrier.arrive $0xFFFF  }
0x145: {  	_ =	strace $0x9000004A  }
0x146: {  	s0 =	stileid.u32;
	[bflag:$0x2] =	sbarrier.arrive $0xFFFF  }
0x147: {  	p0 =	sne.s32 s0, $0x0;
	s0 =	rddreg [dreg:$0x3]  }
0x148: {  	s0 =	sadd.s32 @!p0 $0x100000, s0  }
0x149: {  	[sflag:s0] =	ssyncadd.tile.s32 @!p0 $0x1;
	_ =	shalt  }
.Lfunc_end2:
_tile_overlayer_lowered:
.L_overlay_start_2:
0x14a: {  	(tag) =	ssettag $0x2  }
0x14b: {  	s0 =	rddreg [dreg:$0x0];
	s2 =	stileid.u32  }
0x14c: {  	s1 =	rddreg [dreg:$0x1];
	p0 =	sne.s32 s2, $0x0  }
0x14d: {  	s3 =	rddreg [dreg:$0x2];
	[bflag:$0x3] =	sbarrier.arrive $0xFFFF;
	s2 =	simm.s32 @!p0 $0x1C02  }
0x14e: {  	[timem:s3], [sflag:s2] =	dma.local @!p0 [hbm:s0], s1  }
0x14f: {  	s0 =	simm.s32 @!p0 $0x2  }
0x150: {  	_ =	swait.ge @!p0 [sflag:s0], s1  }
0x151: {  	s1 =	ssub.s32 @!p0 $0x0, s1;
	[sflag:s0] =	ssyncset.done @!p0 $0x0  }
0x152: {  	[sflag:s0] =	ssyncadd.s32 @!p0 s1  }
0x153: {  	[bflag:$0x3] =	sbarrier.arrive $0xFFFF  }
0x154: {  	_ =	shalt  }

// kernel: kernel.15.cloned.1.call-start
scs
__scs_entry_jumppad:
0x0: {  	(pc) =	sbr.rel $0x88, $3  }
0x1: {  	(tag) =	ssettag $0x0;
	lr =	simm.s32 $0x1  }
0x2: {  	[smem:$0x3F84] =	sst lr;
	_ =	strace $0xD0000000  }
0x3: {  	_ = 	snop  }
0x4: {  	_ = 	snop  }
0x5: {  	_ = 	snop  }
0x6: {  	_ = 	snop  }
0x7: {  	_ = 	snop  }
__scs_overlays_trampoline_lowered:
0x8: {  	[smem:$0x3F93] =	sst s0  }
0x9: {  	[smem:$0x3F94] =	sst s1  }
0xa: {  	[smem:$0x3F95] =	sst s2  }
0xb: {  	[smem:$0x3F96] =	sst s3  }
0xc: {  	[smem:$0x3F97] =	sst s4  }
0xd: {  	[smem:$0x3F98] =	sst s5  }
0xe: {  	[smem:$0x3F99] =	sst s6  }
0xf: {  	[smem:$0x3F9A] =	sst s7  }
0x10: {  	[smem:$0x3F9B] =	sst s8  }
0x11: {  	[smem:$0x3F9C] =	sst s9;
	s0 =	simm.s32 @!p0 $0x0  }
0x12: {  	s1 =	sld [smem:$0x3F82];
	s0 =	simm.s32 @p0 $0x1  }
0x13: {  	[smem:$0x3F9D] =	sst s0;
	s0 =	simm.s32 @!p1 $0x0  }
0x14: {  	s2 =	sld [smem:$0x3F81];
	s0 =	simm.s32 @p1 $0x1  }
0x15: {  	[smem:$0x3F9E] =	sst s0;
	s0 =	simm.s32 @!p2 $0x0  }
0x16: {  	s3 =	sld [smem:$0x3FDB];
	s0 =	simm.s32 @p2 $0x1  }
0x17: {  	s4 =	simm.s32 $0x1BF5;
	[smem:$0x3FA0] =	sst s0  }
0x18: {  	s0 =	sld [smem:$0x3F83];
	_ =	swait.ge [sflag:s4], $0x0  }
0x19: {  	s7 =	sld [smem:$0x3F84]  }
0x1a: {  	s8 =	sadd.s32 $0xFFFFE003, lr  }
0x1b: {  	s9 =	sadd.s32 $0xFFFFFEF7, lr;
	s5 =	simm.s32 $0xFFFFFFFF;
	p2 =	slt.u32 s8, $0xFFFFF086  }
0x1c: {  	p1 =	slt.u32 s9, $0xF7A;
	s5 =	simm.s32 @!p2 $0x0  }
0x1d: {  	s5 =	simm.s32 @p1 $0x1;
	p0 =	seq.s32 s7, s2  }
0x1e: {  	s7 =	smul.u32 @!p0 $0xF7A, s2;
	p2 =	seq.s32 @!p0 s5, $0x0  }
0x1f: {  	s9 =	smul.u32 $0xF7A, s1;
	s8 =	simm.s32 @!p0 $0x1BF5;
	p2 =	por !p2, p0  }
0x20: {  	[sflag:s8] =	ssyncset.s32 @!p0 $0xFFFFF086;
	s6 =	sadd.s32 @!p0 s3, s7;
	s7 =	simm.s32 @!p0 $0x108  }
0x21: {  	s3 =	sadd.s32 s3, s9;
	s6 =	sadd.s32 @!p0 $0x88, s6;
	s7 =	simm.s32 @p2 $0x1082  }
0x22: {  	[simem:s7], [sflag:s8] =	dma.local @!p0 [hbm:s6], $0xF7A  }
0x23: {  	s9 =	sor.u32 $0xD0000000, s2;
	s6 =	simm.s32 $0x108;
	_ =	swait.ge @!p0 [sflag:s8], $0x0  }
0x24: {  	s3 =	sadd.s32 $0x88, s3;
	s6 =	simm.s32 @!p1 $0x1082;
	[sflag:s4] =	ssyncset.s32 $0xFFFFF086  }
0x25: {  	[simem:s6], [sflag:s4] =	dma.local [hbm:s3], $0xF7A  }
0x26: {  	[smem:$0x3F84] =	sst s1;
	(tag) =	ssettag s2;
	_ =	strace s9  }
0x27: {  	s1 =	sld [smem:$0x3F94]  }
0x28: {  	s2 =	sld [smem:$0x3F95]  }
0x29: {  	s4 =	sld [smem:$0x3F97]  }
0x2a: {  	p0 =	seq.s32 s5, $0x0;
	s5 =	sld [smem:$0x3F98]  }
0x2b: {  	s6 =	sld [smem:$0x3F99]  }
0x2c: {  	s7 =	sld [smem:$0x3F9A]  }
0x2d: {  	s3 =	simm.s32 $0x108;
	s8 =	sld [smem:$0x3F9B]  }
0x2e: {  	s3 =	simm.s32 @!p0 $0x1082;
	s9 =	sld [smem:$0x3F9C]  }
0x2f: {  	lr =	sadd.s32 s0, s3;
	s0 =	sld [smem:$0x3F93]  }
0x30: {  	s3 =	sld [smem:$0x3F96]  }
0x31: {  	[smem:$0x3F9F] =	sst s10  }
0x32: {  	s10 =	sld [smem:$0x3F9D];
	_ =	sdelay $0x3  }
0x33: {  	p0 =	seq.s32 s10, $0x1;
	s10 =	sld [smem:$0x3F9F];
	_ =	sdelay $0x3  }
0x34: {  	[smem:$0x3F9F] =	sst s10  }
0x35: {  	s10 =	sld [smem:$0x3F9E];
	_ =	sdelay $0x3  }
0x36: {  	p1 =	seq.s32 s10, $0x1;
	s10 =	sld [smem:$0x3F9F];
	_ =	sdelay $0x3  }
0x37: {  	[smem:$0x3F9F] =	sst s10  }
0x38: {  	s10 =	sld [smem:$0x3FA0]  }
0x39: {  	_ = 	snop;
	(pc) =	sbr.ind lr, $3  }
0x3a: {  	_ = 	snop  }
0x3b: {  	_ = 	snop  }
0x3c: {  	p2 =	seq.s32 s10, $0x1;
	s10 =	sld [smem:$0x3F9F]  }
0x3d: {  	_ =	shalt  }
0x3e: {  	_ =	shalt  }
0x3f: {  	_ =	shalt  }
0x40: {  	_ =	shalt  }
0x41: {  	_ =	shalt  }
0x42: {  	_ =	shalt  }
0x43: {  	_ =	shalt  }
0x44: {  	_ =	shalt  }
0x45: {  	_ =	shalt  }
0x46: {  	_ =	shalt  }
0x47: {  	_ =	shalt  }
0x48: {  	_ =	shalt  }
0x49: {  	_ =	shalt  }
0x4a: {  	_ =	shalt  }
0x4b: {  	_ =	shalt  }
0x4c: {  	_ =	shalt  }
0x4d: {  	_ =	shalt  }
0x4e: {  	_ =	shalt  }
0x4f: {  	_ =	shalt  }
0x50: {  	_ =	shalt  }
0x51: {  	_ =	shalt  }
0x52: {  	_ =	shalt  }
0x53: {  	_ =	shalt  }
0x54: {  	_ =	shalt  }
0x55: {  	_ =	shalt  }
0x56: {  	_ =	shalt  }
0x57: {  	_ =	shalt  }
0x58: {  	_ =	shalt  }
0x59: {  	_ =	shalt  }
0x5a: {  	_ =	shalt  }
0x5b: {  	_ =	shalt  }
0x5c: {  	_ =	shalt  }
0x5d: {  	_ =	shalt  }
0x5e: {  	_ =	shalt  }
0x5f: {  	_ =	shalt  }
0x60: {  	_ =	shalt  }
0x61: {  	_ =	shalt  }
0x62: {  	_ =	shalt  }
0x63: {  	_ =	shalt  }
0x64: {  	_ =	shalt  }
0x65: {  	_ =	shalt  }
0x66: {  	_ =	shalt  }
0x67: {  	_ =	shalt  }
0x68: {  	_ =	shalt  }
0x69: {  	_ =	shalt  }
0x6a: {  	_ =	shalt  }
0x6b: {  	_ =	shalt  }
0x6c: {  	_ =	shalt  }
0x6d: {  	_ =	shalt  }
0x6e: {  	_ =	shalt  }
0x6f: {  	_ =	shalt  }
0x70: {  	_ =	shalt  }
0x71: {  	_ =	shalt  }
0x72: {  	_ =	shalt  }
0x73: {  	_ =	shalt  }
0x74: {  	_ =	shalt  }
0x75: {  	_ =	shalt  }
0x76: {  	_ =	shalt  }
0x77: {  	_ =	shalt  }
0x78: {  	_ =	shalt  }
0x79: {  	_ =	shalt  }
0x7a: {  	_ =	shalt  }
0x7b: {  	_ =	shalt  }
0x7c: {  	_ =	shalt  }
0x7d: {  	_ =	shalt  }
0x7e: {  	_ =	shalt  }
0x7f: {  	_ =	shalt  }
0x80: {  	_ =	shalt  }
0x81: {  	_ =	shalt  }
0x82: {  	_ =	shalt  }
0x83: {  	_ =	shalt  }
0x84: {  	_ =	shalt  }
0x85: {  	_ =	shalt  }
0x86: {  	_ =	shalt  }
0x87: {  	_ =	shalt  }
.Lfunc_end0:
.L_simem_size_0:
called_computation.2_lowered:
.L_overlay_start_0:
0x88: {  	s2 =	sld [smem:$0x3FD9]  }
0x89: {  	s3 =	sld [smem:$0x3FFE];
	_ =	sdelay $0x1  }
0x8a: {  	s1 =	srdreg.scid  }
0x8b: {  	s0 =	sand.u32 $0x1, s1  }
0x8c: {  	s17 =	sshll.u32 s0, $0xA;
	s2 =	sadd.s32 s3, s2  }
0x8d: {  	s2 =	sadd.s32 s2, s17  }
0x8e: {  	[smem:$0x3FAB] =	sst s2  }
0x8f: {  	_ = 	snop  }
0x90: {  	s2 =	sld [smem:$0x3FD0];
	(tm) =	ssettm $0x1  }
0x91: {  	s18 =	sld [smem:$0x3FFB];
	_ =	sdelay $0x3  }
0x92: {  	_ =	strace s18  }
0x93: {  	s3 =	sld [smem:$0x3FFC];
	_ =	sdelay $0x3  }
0x94: {  	_ =	strace s3  }
0x95: {  	s3 =	sld [smem:$0x3FFD];
	_ =	sdelay $0x3  }
0x96: {  	_ =	strace s3  }
0x97: {  	_ =	strace $0x8FFFFFFF  }
0x98: {  	s19 =	sld [smem:$0x3FDB];
	_ =	sdelay $0x1  }
0x99: {  	s4 =	simm.s32 $_scs_section_size  }
0x9a: {  	s5 =	simm.s32 $_size__tile_overlayer_lowered;
	s6 =	simm.s32 $_tile_overlayer_lowered  }
0x9b: {  	s22 =	simm.s32 $0x1BFF;
	s21 =	sshll.u32 s6, $0x1;
	s3 =	sadd.s32 s4, s19  }
0x9c: {  	s7 =	simm.s32 $0x0;
	s20 =	sshll.u32 s5, $0x1;
	s5 =	sadd.s32 s21, s3  }
0x9d: {  	[timem:s7], [sflag:s22] =	dma.local [hbm:s5], s20  }
0x9e: {  	_ =	swait.ge [sflag:s22], s20  }
0x9f: {  	s4 =	ssub.s32 $0x0, s20;
	[sflag:s22] =	ssyncset.done $0x0  }
0xa0: {  	[sflag:s22] =	ssyncadd.s32 s4;
	_ =	sdelay $0x1  }
0xa1: {  	s23 =	simm.s32 $0x1B8B  }
0xa2: {  	_ =	swait.ge [sflag:s23], $0x1  }
0xa3: {  	[sflag:s23] =	ssyncset.done $0x0  }
0xa4: {  	s25 =	simm.s32 $0x1B8E;
	s24 =	sld [smem:$0x3FFE];
	[sflag:s23] =	ssyncadd.s32 $0xFFFFFFFF  }
0xa5: {  	s26 =	simm.s32 $execute0_lowered;
	[smem:$0x3FD2] =	sst s25  }
0xa6: {  	s5 =	sshll.u32 s26, $0x1;
	_ =	strace $0x8000004C;
	[dreg:$0x1] =	wrdreg $0xFFFFFFFF  }
0xa7: {  	s28 =	simm.s32 $_size_execute0_lowered;
	s3 =	sadd.s32 s3, s5;
	[dreg:$0x0] =	wrdreg $0x0  }
0xa8: {  	s5 =	sshll.u32 s28, $0x1;
	[dreg:$0x2] =	wrdreg s3  }
0xa9: {  	[dreg:$0x3] =	wrdreg s5  }
0xaa: {  	[dreg:$0x4] =	wrdreg $0xC0  }
0xab: {  	_ =	task [dreg:s7], $0x5FFFF  }
0xac: {  	[dreg:$0x1] =	wrdreg $0xFFFFFFFF  }
0xad: {  	[dreg:$0x0] =	wrdreg $0x60  }
0xae: {  	[dreg:$0x2] =	wrdreg s24  }
0xaf: {  	[dreg:$0x3] =	wrdreg s2  }
0xb0: {  	[dreg:$0x4] =	wrdreg $0x8F400  }
0xb1: {  	[dreg:$0x5] =	wrdreg $0x9  }
0xb2: {  	_ =	task.clear_ibuf [dreg:s7], $0x6FFFF;
	_ =	strace $0x9000004C  }
0xb3: {  	s29 =	simm.s32 $0x9;
	_ =	strace $0x8000004E  }
0xb4: {  	_ =	swait.ge [sflag:s29], $0x1  }
0xb5: {  	[sflag:s29] =	ssyncadd.s32 $0xFFFFFFFF  }
0xb6: {  	_ =	strace $0x9000004E  }
0xb7: {  	_ =	sfence  }
0xb8: {  	s30 =	sld [smem:$0x0];
	_ =	sdelay $0x2  }
0xb9: {  	s31 =	sshll.u32 s1, $0xD;
	s1 =	sshrl.u32 s1, $0x2  }
0xba: {  	s3 =	sand.u32 $0x4000, s31;
	s1 =	sadd.s32 s1, s30  }
0xbb: {  	s0 =	sor.u32 s3, s0;
	s1 =	sshll.u32 s1, $0x11  }
0xbc: {  	s0 =	sor.u32 s1, s0  }
0xbd: {  	s0 =	sadd.s32 $0x8F2B, s0  }
0xbe: {  	[sflag:s0] =	ssyncadd.remote.s32 $0x1  }
0xbf: {  	_ =	sfence.sel $0xFFFF  }
0xc0: {  	[dreg:$0x0] =	wrdreg $0xFFFFFFFF;
	(pc) =	sbr.abs _section_cstart, $3  }
0xc1: {  	[dreg:$0x1] =	wrdreg $0xFFFFFFFF  }
0xc2: {  	_ =	task.clear_ibuf [dreg:s7], $0x2FFFF;
	_ =	strace $0x9FFFFFFF  }
0xc3: {  	(tm) =	ssettm $0x7FFFFFFF  }
tec
execute0_lowered:
.L_overlay_start_1:
0x0: {  	(tag) =	ssettag $0x1  }
0x1: {  	s0 =	rddreg [dreg:$0x0]  }
0x2: {  	s3 =	rddreg [dreg:$0x2];
	s1 =	srdreg.scid  }
0x3: {  	s11 =	stileid.u32;
	s4 =	simm.s32 $0x0;
	s28 =	simm.s32 $0x50  }
0x4: {  	s29 =	simm.s32 $0x1;
	s30 =	simm.s32 $0x8EC0;
	s31 =	simm.s32 $0x0  }
0x5: {  	s1 =	sand.u32 $0x1, s1;
	s2 =	smul.u32 $0x15F90, s11;
	[smem:$0x7FF] =	sst s4  }
0x6: {  	s5 =	sadd.s32 $0x17000, s0;
	s7 =	sadd.s32 $0x2E00, s0;
	s21 =	sadd.s32 $0x2800, s0  }
0x7: {  	s8 =	sadd.s32 $0xD200, s0;
	s22 =	smul.u32 $0x57E40, s11;
	s9 =	sadd.s32 $0x3400, s0  }
0x8: {  	s11 =	sshll.u32 s11, $0x1;
	_ =	strace $0x8000004D;
	[dreg:$0x4] =	wrdreg s7  }
0x9: {  	s6 =	smul.u32 $0x15F900, s1;
	[dreg:$0x5] =	wrdreg s21;
	s23 =	ssub.s32 $0x2, s1  }
0xa: {  	s1 =	sor.u32 s1, s11;
	s21 =	simm.s32 $0x2;
	s10 =	sshrl.u32 s23, $0x1  }
0xb: {  	s7 =	sshrl.u32 s22, $0x2;
	s18 =	smul.u32 $0x2710, s1;
	s6 =	sadd.s32 s2, s6  }
0xc: {  	s22 =	simm.s32 $0x2710;
	s7 =	sadd.s32 s7, s3;
	s6 =	sshrl.u32 s6, $0x3  }
0xd: {  	s24 =	sadd.s32 $0x2D00, s7;
	s25 =	sadd.s32 $0x5A00, s7;
	s26 =	sadd.s32 $0x8700, s7  }
0xe: {  	s14 =	sadd.s32 $0xB400, s7;
	s15 =	sadd.s32 $0xE100, s7;
	s16 =	sadd.s32 $0x10E00, s7  }
0xf: {  	s17 =	sadd.s32 $0x13B00, s7;
	s0 =	sadd.s32 s6, s0;
	[dreg:$0x6] =	wrdreg s24  }
0x10: {  	s6 =	ssub.s32 s23, s10;
	s10 =	sadd.s32 s2, s3;
	[dreg:$0x7] =	wrdreg s25  }
0x11: {  	[dreg:$0x8] =	wrdreg s26;
	s24 =	simm.s32 $0x61C0;
	s25 =	simm.s32 $0x5220  }
0x12: {  	v0 =	vimm.f32 $0.0e+00;
	s26 =	simm.s32 $0x59F0;
	s19 =	sadd.s32 $0x43000, s0;
	s20 =	smax.u32 s6, $0x1  }
.LBB2_1:
0x13: {  	s0 =	rddreg [dreg:$0x4]  }
0x14: {  	[tilespmem:s4], [sflag:$0x2] =	stream.linear.gather [hbm4b:s0+s4], $0x2710, $0x38;
	[tilespmem:$0x1EED0] =	vst v63  }
0x15: {  	_ =	swait.ge [sflag:s21], $0x2710  }
0x16: {  	[sflag:s21] =	ssyncset.done $0x0  }
0x17: {  	s13 =	rddreg [dreg:$0x5];
	[sflag:s21] =	ssyncadd.s32 $0xFFFFD8F0  }
0x18: {  	[tilespmem:s22], [sflag:$0x2] =	stream.linear.gather [hbm4b:s13+s4], $0x2710, $0x38;
	[tilespmem:$0x1EED0] =	vst v63  }
0x19: {  	_ =	swait.ge [sflag:s21], $0x2710  }
0x1a: {  	[sflag:s21] =	ssyncset.done $0x0  }
0x1b: {  	[sflag:s21] =	ssyncadd.s32 $0xFFFFD8F0  }
0x1c: {  	s1 =	simm.s32 $0x4E20;
	s23 =	rddreg [dreg:$0x1]  }
0x1d: {  	[tilespmem:s1], [sflag:$0x2] =	stream.linear.gather [hbm4b:s23+s4], $0x400, $0x38;
	[tilespmem:$0x1EED0] =	vst v63  }
0x1e: {  	_ =	swait.ge [sflag:s21], $0x400  }
0x1f: {  	[sflag:s21] =	ssyncset.done $0x0  }
0x20: {  	s0 =	simm.s32 $0x0;
	s1 =	simm.s32 $0x240;
	[sflag:s21] =	ssyncadd.s32 $0xFFFFFC00  }
.LBB2_2:
0x21: {  	p0 =	sne.s32 s1, $0xB1C0;
	[tilespmem:s0+$0x6240] =	vst v0  }
0x22: {  	[tilespmem:s0+$0x61C0] =	vst v0  }
0x23: {  	[tilespmem:s0+$0x61D0] =	vst v0  }
0x24: {  	[tilespmem:s0+$0x61E0] =	vst v0  }
.Ltmp0:
0x25: {  	[tilespmem:s0+$0x61F0] =	vst v0;
	(pc) =	sbr.rel @p0 .LBB2_2-.Ltmp0, $4  }
0x26: {  	[tilespmem:s0+$0x6200] =	vst v0  }
0x27: {  	[tilespmem:s0+$0x6210] =	vst v0  }
0x28: {  	[tilespmem:s0+$0x6220] =	vst v0  }
0x29: {  	[tilespmem:s0+$0x6230] =	vst v0;
	s0 =	sshra.s32 s1, $0x2;
	s1 =	sadd.s32 $0x240, s1  }
0x2a: {  	[tilespmem:s0+$0x6240] =	vst v0  }
0x2b: {  	[tilespmem:s0+$0x61C0] =	vst v0  }
0x2c: {  	[tilespmem:s0+$0x61D0] =	vst v0  }
0x2d: {  	[tilespmem:s0+$0x61E0] =	vst v0  }
0x2e: {  	[tilespmem:s0+$0x61F0] =	vst v0  }
0x2f: {  	[tilespmem:s0+$0x6200] =	vst v0  }
0x30: {  	[tilespmem:s0+$0x6210] =	vst v0  }
0x31: {  	[tilespmem:s0+$0x6220] =	vst v0  }
0x32: {  	[tilespmem:s0+$0x6230] =	vst v0  }
0x33: {  	[spmem:s10] =	stream.linear.scatter [tilespmem:s24], [sflag:$0x2], $0x2D00, $0x38;
	[tilespmem:$0x1EED0] =	vst v63  }
0x34: {  	_ =	swait.ge [sflag:s21], $0x2D00  }
0x35: {  	[sflag:s21] =	ssyncset.done $0x0  }
0x36: {  	s12 =	rddreg [dreg:$0x6];
	[sflag:s21] =	ssyncadd.s32 $0xFFFFD300  }
0x37: {  	[spmem:s12] =	stream.linear.scatter [tilespmem:s24], [sflag:$0x2], $0x2D00, $0x38;
	[tilespmem:$0x1EED0] =	vst v63  }
0x38: {  	_ =	swait.ge [sflag:s21], $0x2D00  }
0x39: {  	[sflag:s21] =	ssyncset.done $0x0  }
0x3a: {  	s13 =	rddreg [dreg:$0x7];
	[sflag:s21] =	ssyncadd.s32 $0xFFFFD300  }
0x3b: {  	[spmem:s13] =	stream.linear.scatter [tilespmem:s24], [sflag:$0x2], $0x2D00, $0x38;
	[tilespmem:$0x1EED0] =	vst v63  }
0x3c: {  	_ =	swait.ge [sflag:s21], $0x2D00  }
0x3d: {  	[sflag:s21] =	ssyncset.done $0x0  }
0x3e: {  	s23 =	rddreg [dreg:$0x8];
	[sflag:s21] =	ssyncadd.s32 $0xFFFFD300  }
0x3f: {  	[spmem:s23] =	stream.linear.scatter [tilespmem:s24], [sflag:$0x2], $0x2D00, $0x38;
	[tilespmem:$0x1EED0] =	vst v63  }
0x40: {  	_ =	swait.ge [sflag:s21], $0x2D00  }
0x41: {  	[sflag:s21] =	ssyncset.done $0x0  }
0x42: {  	[sflag:s21] =	ssyncadd.s32 $0xFFFFD300  }
0x43: {  	[spmem:s14] =	stream.linear.scatter [tilespmem:s24], [sflag:$0x2], $0x2D00, $0x38;
	[tilespmem:$0x1EED0] =	vst v63  }
0x44: {  	_ =	swait.ge [sflag:s21], $0x2D00  }
0x45: {  	[sflag:s21] =	ssyncset.done $0x0  }
0x46: {  	[sflag:s21] =	ssyncadd.s32 $0xFFFFD300  }
0x47: {  	[spmem:s15] =	stream.linear.scatter [tilespmem:s24], [sflag:$0x2], $0x2D00, $0x38;
	[tilespmem:$0x1EED0] =	vst v63  }
0x48: {  	_ =	swait.ge [sflag:s21], $0x2D00  }
0x49: {  	[sflag:s21] =	ssyncset.done $0x0  }
0x4a: {  	[sflag:s21] =	ssyncadd.s32 $0xFFFFD300  }
0x4b: {  	[spmem:s16] =	stream.linear.scatter [tilespmem:s24], [sflag:$0x2], $0x2D00, $0x38;
	[tilespmem:$0x1EED0] =	vst v63  }
0x4c: {  	_ =	swait.ge [sflag:s21], $0x2D00  }
0x4d: {  	[sflag:s21] =	ssyncset.done $0x0  }
0x4e: {  	[sflag:s21] =	ssyncadd.s32 $0xFFFFD300  }
0x4f: {  	[spmem:s17] =	stream.linear.scatter [tilespmem:s24], [sflag:$0x2], $0x2490, $0x38;
	[tilespmem:$0x1EED0] =	vst v63  }
0x50: {  	_ =	swait.ge [sflag:s21], $0x2490  }
0x51: {  	[sflag:s21] =	ssyncset.done $0x0  }
0x52: {  	[sflag:s21] =	ssyncadd.s32 $0xFFFFDB70  }
0x53: {  	[bflag:$0x0] =	sbarrier.arrive $0xFFFF  }
0x54: {  	v1 =	vld [tilespmem:$0x4E20]  }
0x55: {  	v2 =	vld [tilespmem:$0x5020];
	_ =	sdelay $0x4  }
0x56: {  	v1 =	vadd.f32 v2, v1;
	_ =	sdelay $0x1  }
0x57: {  	v2 =	vmul.f32 $2.000000030e-01, v1  }
0x58: {  	vm0 =	vgt.f32 v1, $0.0e+00  }
0x59: {  	s0 =	simm.s32 $0x0;
	s2 =	simm.s32 $0x0;
	v1 =	vsel vm0, v1, v2  }
.LBB2_4:
0x5a: {  	s1 =	smul.u32 $0x7D0, s2;
	_ =	sdelay $0x1  }
0x5b: {  	s1 =	sadd.s32 s18, s1  }
0x5c: {  	s1 =	sshrl.u32 s1, $0x3  }
0x5d: {  	s6 =	sadd.s32 s8, s1  }
0x5e: {  	[tilespmem:s25], [sflag:$0x2] =	stream.linear.gather [hbm4b:s6+s0], $0x7D0, $0x38;
	[tilespmem:$0x1EED0] =	vst v63  }
0x5f: {  	_ =	swait.ge [sflag:s21], $0x7D0  }
0x60: {  	[sflag:s21] =	ssyncset.done $0x0  }
0x61: {  	s1 =	sadd.s32 s9, s1;
	[sflag:s21] =	ssyncadd.s32 $0xFFFFF830  }
0x62: {  	[tilespmem:s26], [sflag:$0x2] =	stream.linear.gather [hbm4b:s1+s0], $0x7D0, $0x38;
	[tilespmem:$0x1EED0] =	vst v63  }
0x63: {  	_ =	swait.ge [sflag:s21], $0x7D0  }
0x64: {  	[sflag:s21] =	ssyncset.done $0x0  }
0x65: {  	s23 =	simm.s32 $0x0;
	[sflag:s21] =	ssyncadd.s32 $0xFFFFF830  }
.LBB2_5:
0x66: {  	s6 =	smul.u32 $0x50, s23;
	_ =	sdelay $0x1  }
0x67: {  	s1 =	sadd.s32 $0x5220, s6  }
0x68: {  	[tilespmem:s24], [sflag:$0x1] =	stream.indirect.gather [hbm4b:s5+s28], $0x90, s1, s28, $0xb8;
	[tilespmem:$0x1EED0] =	vst v63  }
0x69: {  	_ =	swait.ge [sflag:s29], $0x2D00  }
0x6a: {  	[sflag:s29] =	ssyncset.done $0x0  }
0x6b: {  	[sflag:s29] =	ssyncadd.s32 $0xFFFFD300  }
0x6c: {  	v2 =	vld [tilespmem:s6+$0x5220]  }
0x6d: {  	v3 =	vld [tilespmem:s6+$0x59F0];
	_ =	sdelay $0x6  }
0x6e: {  	v2 =	vld.idx.msk [tilespmem:v2+s4+$0x0], $0xffff  }
0x6f: {  	v3 =	vld.idx.msk [tilespmem:v3+s22+$0x0], $0xffff;
	_ =	sdelay $0x4  }
0x70: {  	v2 =	vadd.f32 v3, v2;
	_ =	sdelay $0x1  }
0x71: {  	v3 =	vmul.f32 $2.000000030e-01, v2  }
0x72: {  	vm0 =	vgt.f32 v2, $0.0e+00  }
0x73: {  	v2 =	vsel vm0, v2, v3  }
0x74: {  	v2 =	vsub.f32 v2, v1;
	_ =	sdelay $0x1  }
0x75: {  	v2 =	vmul.f32 $1.442695020e+00, v2;
	_ =	sdelay $0x1  }
0x76: {  	(erf) = vpow2.f32 v2;
	_ =	sdelay $0x8  }
0x77: {  	v2 =	vpop (erf)  }
0x78: {  	[tilespmem:$0x8EC0] =	vst v2  }
0x79: {  	v2 =	vld [tilespmem:s6+$0x5230]  }
0x7a: {  	v3 =	vld [tilespmem:s6+$0x5A00];
	_ =	sdelay $0x6  }
0x7b: {  	v2 =	vld.idx.msk [tilespmem:v2+s4+$0x0], $0xffff  }
0x7c: {  	v3 =	vld.idx.msk [tilespmem:v3+s22+$0x0], $0xffff;
	_ =	sdelay $0x4  }
0x7d: {  	v2 =	vadd.f32 v3, v2;
	_ =	sdelay $0x1  }
0x7e: {  	v3 =	vmul.f32 $2.000000030e-01, v2  }
0x7f: {  	vm12 =	vgt.f32 v2, $0.0e+00  }
0x80: {  	v2 =	vsel vm12, v2, v3  }
0x81: {  	v2 =	vsub.f32 v2, v1;
	_ =	sdelay $0x1  }
0x82: {  	v2 =	vmul.f32 $1.442695020e+00, v2;
	_ =	sdelay $0x1  }
0x83: {  	(erf) = vpow2.f32 v2;
	_ =	sdelay $0x8  }
0x84: {  	v2 =	vpop (erf)  }
0x85: {  	[tilespmem:$0x8ED0] =	vst v2  }
0x86: {  	v2 =	vld [tilespmem:s6+$0x5240]  }
0x87: {  	v3 =	vld [tilespmem:s6+$0x5A10];
	_ =	sdelay $0x6  }
0x88: {  	v2 =	vld.idx.msk [tilespmem:v2+s4+$0x0], $0xffff  }
0x89: {  	v3 =	vld.idx.msk [tilespmem:v3+s22+$0x0], $0xffff;
	_ =	sdelay $0x4  }
0x8a: {  	v2 =	vadd.f32 v3, v2;
	_ =	sdelay $0x1  }
0x8b: {  	v3 =	vmul.f32 $2.000000030e-01, v2  }
0x8c: {  	vm13 =	vgt.f32 v2, $0.0e+00  }
0x8d: {  	v2 =	vsel vm13, v2, v3  }
0x8e: {  	v2 =	vsub.f32 v2, v1;
	_ =	sdelay $0x1  }
0x8f: {  	v2 =	vmul.f32 $1.442695020e+00, v2;
	_ =	sdelay $0x1  }
0x90: {  	(erf) = vpow2.f32 v2;
	_ =	sdelay $0x8  }
0x91: {  	v2 =	vpop (erf)  }
0x92: {  	[tilespmem:$0x8EE0] =	vst v2  }
0x93: {  	v2 =	vld [tilespmem:s6+$0x5250]  }
0x94: {  	v3 =	vld [tilespmem:s6+$0x5A20];
	_ =	sdelay $0x6  }
0x95: {  	v2 =	vld.idx.msk [tilespmem:v2+s4+$0x0], $0xffff  }
0x96: {  	v3 =	vld.idx.msk [tilespmem:v3+s22+$0x0], $0xffff;
	_ =	sdelay $0x4  }
0x97: {  	v2 =	vadd.f32 v3, v2;
	_ =	sdelay $0x1  }
0x98: {  	v3 =	vmul.f32 $2.000000030e-01, v2  }
0x99: {  	vm14 =	vgt.f32 v2, $0.0e+00  }
0x9a: {  	v2 =	vsel vm14, v2, v3  }
0x9b: {  	v2 =	vsub.f32 v2, v1;
	_ =	sdelay $0x1  }
0x9c: {  	v2 =	vmul.f32 $1.442695020e+00, v2;
	_ =	sdelay $0x1  }
0x9d: {  	(erf) = vpow2.f32 v2;
	_ =	sdelay $0x8  }
0x9e: {  	v2 =	vpop (erf)  }
0x9f: {  	[tilespmem:$0x8EF0] =	vst v2  }
0xa0: {  	v2 =	vld [tilespmem:s6+$0x5260]  }
0xa1: {  	v3 =	vld [tilespmem:s6+$0x5A30];
	_ =	sdelay $0x6  }
0xa2: {  	v2 =	vld.idx.msk [tilespmem:v2+s4+$0x0], $0xffff  }
0xa3: {  	v3 =	vld.idx.msk [tilespmem:v3+s22+$0x0], $0xffff;
	_ =	sdelay $0x4  }
0xa4: {  	v2 =	vadd.f32 v3, v2;
	_ =	sdelay $0x1  }
0xa5: {  	v3 =	vmul.f32 $2.000000030e-01, v2  }
0xa6: {  	vm15 =	vgt.f32 v2, $0.0e+00  }
0xa7: {  	v2 =	vsel vm15, v2, v3  }
0xa8: {  	v2 =	vsub.f32 v2, v1;
	_ =	sdelay $0x1  }
0xa9: {  	v2 =	vmul.f32 $1.442695020e+00, v2;
	_ =	sdelay $0x1  }
0xaa: {  	(erf) = vpow2.f32 v2;
	_ =	sdelay $0x1  }
0xab: {  	s12 =	simm.s32 $0x0  }
0xac: {  	v2 =	vmov s12  }
0xad: {  	v2 =	vand.u32 $0xFFFFFFFC, v2  }
0xae: {  	v2 =	vbroadcast v2, $0x0;
	_ =	sdelay $0x3  }
0xaf: {  	v3 =	vpop (erf)  }
0xb0: {  	[tilespmem:$0x8F00] =	vst v3  }
0xb1: {  	s1 =	simm.s32 $0x62E0;
	v2 =	vld.idx.msk [tilespmem:v2+s30+$0x0], $0xffff  }
0xb2: {  	v4 =	vld [tilespmem:s1+$0xFFFFFEE0]  }
0xb3: {  	v5 =	vld [tilespmem:s1+$0xFFFFFF60]  }
0xb4: {  	v6 =	vld [tilespmem:s1+$0xFFFFFF00]  }
0xb5: {  	v7 =	vld [tilespmem:s1+$0xFFFFFF10]  }
0xb6: {  	v3 =	vld [tilespmem:s1+$0xFFFFFF30]  }
0xb7: {  	v9 =	vld [tilespmem:s1+$0xFFFFFF50];
	v4 =	vmul.f32 v4, v2  }
0xb8: {  	v11 =	vld [tilespmem:s1+$0xFFFFFF20];
	v5 =	vmul.f32 v5, v2  }
0xb9: {  	s7 =	simm.s32 $0x1;
	v8 =	vld [tilespmem:s1+$0xFFFFFF40];
	v6 =	vmul.f32 v6, v2;
	[tilespmem:s1+$0xFFFFFEE0] =	vst v4  }
0xba: {  	v10 =	vld [tilespmem:s1+$0xFFFFFEF0];
	v4 =	vmul.f32 v7, v2;
	[tilespmem:s1+$0xFFFFFF60] =	vst v5;
	v5 =	vmov s7  }
0xbb: {  	v3 =	vmul.f32 v3, v2;
	[tilespmem:s1+$0xFFFFFF00] =	vst v6;
	v5 =	vand.u32 $0xFFFFFFFD, v5  }
0xbc: {  	v6 =	vmul.f32 v9, v2;
	[tilespmem:s1+$0xFFFFFF10] =	vst v4;
	v4 =	vbroadcast v5, $0x0  }
0xbd: {  	[tilespmem:s1+$0xFFFFFF30] =	vst v3;
	v3 =	vmul.f32 v11, v2  }
0xbe: {  	v5 =	vmul.f32 v8, v2;
	[tilespmem:s1+$0xFFFFFF50] =	vst v6  }
0xbf: {  	v6 =	vmul.f32 v10, v2;
	[tilespmem:s1+$0xFFFFFF20] =	vst v3  }
0xc0: {  	[tilespmem:s1+$0xFFFFFF40] =	vst v5  }
0xc1: {  	[tilespmem:s1+$0xFFFFFEF0] =	vst v6;
	v5 =	vld [tilespmem:s1+$0xFFFFFF70]  }
0xc2: {  	v4 =	vld.idx.msk [tilespmem:v4+s30+$0x0], $0xffff  }
0xc3: {  	v6 =	vld [tilespmem:s1+$0xFFFFFFE0]  }
0xc4: {  	v7 =	vld [tilespmem:s1+$0xFFFFFF90]  }
0xc5: {  	v3 =	vld [tilespmem:s1+$0xFFFFFFC0]  }
0xc6: {  	v8 =	vld [tilespmem:s1+$0xFFFFFFA0]  }
0xc7: {  	v62 =	vld [tilespmem:s1+$0xFFFFFFF0];
	v5 =	vmul.f32 v5, v4  }
0xc8: {  	v61 =	vld [tilespmem:s1+$0xFFFFFFB0];
	v6 =	vmul.f32 v6, v4  }
0xc9: {  	s13 =	simm.s32 $0x2;
	v12 =	vld [tilespmem:s1+$0xFFFFFFD0];
	v7 =	vmul.f32 v7, v4;
	[tilespmem:s1+$0xFFFFFF70] =	vst v5  }
0xca: {  	v63 =	vld [tilespmem:s1+$0xFFFFFF80];
	v3 =	vmul.f32 v3, v4;
	[tilespmem:s1+$0xFFFFFFE0] =	vst v6;
	v6 =	vmov s13  }
0xcb: {  	v5 =	vmul.f32 v8, v4;
	[tilespmem:s1+$0xFFFFFF90] =	vst v7;
	v6 =	vand.u32 $0xFFFFFFFE, v6  }
0xcc: {  	v7 =	vmul.f32 v62, v4;
	[tilespmem:s1+$0xFFFFFFC0] =	vst v3;
	v8 =	vbroadcast v6, $0x0  }
0xcd: {  	[tilespmem:s1+$0xFFFFFFA0] =	vst v5;
	v5 =	vmul.f32 v61, v4  }
0xce: {  	v2 =	vld [tilespmem:s1+$0x0];
	v6 =	vmul.f32 v12, v4;
	[tilespmem:s1+$0xFFFFFFF0] =	vst v7  }
0xcf: {  	v3 =	vld [tilespmem:s1+$0x40];
	v4 =	vmul.f32 v63, v4;
	[tilespmem:s1+$0xFFFFFFB0] =	vst v5  }
0xd0: {  	[tilespmem:s1+$0xFFFFFFD0] =	vst v6;
	v6 =	vld [tilespmem:s1+$0x30]  }
0xd1: {  	s11 =	simm.s32 $0x7;
	[tilespmem:s1+$0xFFFFFF80] =	vst v4;
	v5 =	vld [tilespmem:s1+$0x80]  }
0xd2: {  	s6 =	sadd.s32 $0x59F0, s6;
	s12 =	simm.s32 $0x62E0;
	s7 =	simm.s32 $0x3;
	v4 =	vld.idx.msk [tilespmem:v8+s30+$0x0], $0xffff  }
.LBB2_6:
0xd3: {  	p0 =	sne.s32 s11, $0x4F  }
0xd4: {  	v7 =	vld [tilespmem:s1+$0x20];
	s12 =	sadd.s32 $0x240, s12;
	s13 =	smov.u32 s11;
	s11 =	sadd.s32 $0x4, s11  }
0xd5: {  	v8 =	vld [tilespmem:s1+$0x50]  }
0xd6: {  	v9 =	vld [tilespmem:s1+$0x70]  }
0xd7: {  	v10 =	vld [tilespmem:s1+$0x60];
	_ =	sdelay $0x1  }
0xd8: {  	v2 =	vmul.f32 v2, v4;
	v3 =	vmul.f32 v3, v4  }
0xd9: {  	v6 =	vmul.f32 v6, v4;
	v7 =	vmul.f32 v7, v4;
	v11 =	vld [tilespmem:s1+$0x10]  }
0xda: {  	v8 =	vmul.f32 v8, v4;
	[tilespmem:s1+$0x0] =	vst v2;
	v9 =	vmul.f32 v9, v4  }
0xdb: {  	v5 =	vmul.f32 v5, v4;
	[tilespmem:s1+$0x30] =	vst v6;
	v6 =	vmul.f32 v10, v4  }
0xdc: {  	[tilespmem:s1+$0x20] =	vst v7  }
0xdd: {  	v2 =	vld [tilespmem:s12+$0x0];
	[tilespmem:s1+$0x40] =	vst v3  }
0xde: {  	v3 =	vld [tilespmem:s12+$0x40];
	v4 =	vmul.f32 v11, v4;
	[tilespmem:s1+$0x80] =	vst v5;
	v5 =	vmov s7;
	s7 =	smov.u32 s13  }
0xdf: {  	[tilespmem:s1+$0x50] =	vst v8;
	v7 =	vld [tilespmem:s1+$0xB0]  }
0xe0: {  	[tilespmem:s1+$0x60] =	vst v6;
	v6 =	vld [tilespmem:s1+$0x90]  }
0xe1: {  	[tilespmem:s1+$0x10] =	vst v4;
	v4 =	vld [tilespmem:s1+$0xE0]  }
0xe2: {  	[tilespmem:s1+$0x70] =	vst v9;
	v8 =	vld [tilespmem:s1+$0xC0]  }
0xe3: {  	v5 =	vld.idx.msk [tilespmem:v5+s30+$0x0], $0xffff  }
0xe4: {  	v9 =	vld [tilespmem:s1+$0xA0]  }
0xe5: {  	v10 =	vld [tilespmem:s1+$0x100]  }
0xe6: {  	v11 =	vld [tilespmem:s1+$0xD0]  }
0xe7: {  	v12 =	vld [tilespmem:s1+$0xF0]  }
0xe8: {  	v13 =	vld [tilespmem:s1+$0x110]  }
0xe9: {  	v6 =	vmul.f32 v6, v5;
	v9 =	vmul.f32 v9, v5  }
0xea: {  	v7 =	vmul.f32 v7, v5;
	v8 =	vmul.f32 v8, v5  }
0xeb: {  	s13 =	sadd.s32 $0xFFFFFFFD, s7;
	v4 =	vmul.f32 v4, v5;
	[tilespmem:s1+$0x90] =	vst v6;
	v6 =	vmul.f32 v11, v5  }
0xec: {  	v10 =	vmul.f32 v10, v5;
	v11 =	vmov s13;
	[tilespmem:s1+$0xB0] =	vst v7;
	v7 =	vmul.f32 v12, v5  }
0xed: {  	v11 =	vand.u32 $0xFFFFFFFC, v11;
	[tilespmem:s1+$0xC0] =	vst v8;
	v5 =	vmul.f32 v13, v5  }
0xee: {  	v8 =	vbroadcast v11, $0x0;
	[tilespmem:s1+$0xE0] =	vst v4  }
0xef: {  	[tilespmem:s1+$0x110] =	vst v5  }
0xf0: {  	v4 =	vld [tilespmem:s12+$0xFFFFFF30];
	[tilespmem:s1+$0xD0] =	vst v6  }
0xf1: {  	v5 =	vld [tilespmem:s12+$0xFFFFFF10];
	[tilespmem:s1+$0x100] =	vst v10  }
0xf2: {  	v6 =	vld [tilespmem:s12+$0xFFFFFF40];
	[tilespmem:s1+$0xA0] =	vst v9  }
0xf3: {  	v9 =	vld [tilespmem:s12+$0xFFFFFF60];
	[tilespmem:s1+$0xF0] =	vst v7;
	s1 =	smov.u32 s12  }
0xf4: {  	v7 =	vld.idx.msk [tilespmem:v8+s30+$0x0], $0xffff  }
0xf5: {  	v8 =	vld [tilespmem:s12+$0xFFFFFEE0]  }
0xf6: {  	v10 =	vld [tilespmem:s12+$0xFFFFFF00]  }
0xf7: {  	v11 =	vld [tilespmem:s12+$0xFFFFFEF0]  }
0xf8: {  	v12 =	vld [tilespmem:s12+$0xFFFFFF20]  }
0xf9: {  	v13 =	vld [tilespmem:s12+$0xFFFFFF50]  }
0xfa: {  	v9 =	vmul.f32 v9, v7;
	v8 =	vmul.f32 v8, v7  }
0xfb: {  	v6 =	vmul.f32 v6, v7;
	v10 =	vmul.f32 v10, v7  }
0xfc: {  	s13 =	sadd.s32 $0xFFFFFFFE, s7;
	v5 =	vmul.f32 v5, v7;
	[tilespmem:s12+$0xFFFFFEE0] =	vst v8;
	v8 =	vmul.f32 v11, v7  }
0xfd: {  	v4 =	vmul.f32 v4, v7;
	v11 =	vmul.f32 v12, v7;
	[tilespmem:s12+$0xFFFFFF60] =	vst v9;
	v9 =	vmov s13  }
0xfe: {  	[tilespmem:s12+$0xFFFFFF00] =	vst v10;
	v7 =	vmul.f32 v13, v7;
	v9 =	vand.u32 $0xFFFFFFFD, v9  }
0xff: {  	[tilespmem:s12+$0xFFFFFF10] =	vst v5;
	v5 =	vbroadcast v9, $0x0  }
0x100: {  	[tilespmem:s12+$0xFFFFFF30] =	vst v4  }
0x101: {  	[tilespmem:s12+$0xFFFFFF50] =	vst v7;
	v4 =	vld [tilespmem:s12+$0xFFFFFFC0]  }
0x102: {  	[tilespmem:s12+$0xFFFFFF40] =	vst v6;
	v6 =	vld [tilespmem:s12+$0xFFFFFFD0]  }
0x103: {  	[tilespmem:s12+$0xFFFFFF20] =	vst v11;
	v7 =	vld [tilespmem:s12+$0xFFFFFFA0]  }
0x104: {  	[tilespmem:s12+$0xFFFFFEF0] =	vst v8;
	v8 =	vld [tilespmem:s12+$0xFFFFFFE0]  }
0x105: {  	v5 =	vld.idx.msk [tilespmem:v5+s30+$0x0], $0xffff  }
0x106: {  	v9 =	vld [tilespmem:s12+$0xFFFFFF70]  }
0x107: {  	v10 =	vld [tilespmem:s12+$0xFFFFFF90]  }
0x108: {  	v11 =	vld [tilespmem:s12+$0xFFFFFFB0]  }
0x109: {  	v12 =	vld [tilespmem:s12+$0xFFFFFF80]  }
0x10a: {  	v13 =	vld [tilespmem:s12+$0xFFFFFFF0]  }
0x10b: {  	v8 =	vmul.f32 v8, v5;
	v9 =	vmul.f32 v9, v5  }
0x10c: {  	v7 =	vmul.f32 v7, v5;
	v10 =	vmul.f32 v10, v5  }
0x10d: {  	s13 =	sadd.s32 $0xFFFFFFFF, s7;
	v6 =	vmul.f32 v6, v5;
	[tilespmem:s12+$0xFFFFFF70] =	vst v9;
	v9 =	vmul.f32 v11, v5  }
0x10e: {  	v4 =	vmul.f32 v4, v5;
	v11 =	vmul.f32 v12, v5;
	[tilespmem:s12+$0xFFFFFFE0] =	vst v8;
	v8 =	vmov s13  }
0x10f: {  	[tilespmem:s12+$0xFFFFFF90] =	vst v10;
	v5 =	vmul.f32 v13, v5;
	v8 =	vand.u32 $0xFFFFFFFE, v8  }
0x110: {  	[tilespmem:s12+$0xFFFFFFA0] =	vst v7;
	v7 =	vbroadcast v8, $0x0  }
0x111: {  	[tilespmem:s12+$0xFFFFFFC0] =	vst v4  }
.Ltmp1:
0x112: {  	[tilespmem:s12+$0xFFFFFFF0] =	vst v5;
	(pc) =	sbr.rel @p0 .LBB2_6-.Ltmp1, $4  }
0x113: {  	[tilespmem:s12+$0xFFFFFFB0] =	vst v9  }
0x114: {  	[tilespmem:s12+$0xFFFFFFD0] =	vst v6;
	v6 =	vld [tilespmem:s12+$0x30]  }
0x115: {  	[tilespmem:s12+$0xFFFFFF80] =	vst v11;
	v5 =	vld [tilespmem:s12+$0x80]  }
0x116: {  	v4 =	vld.idx.msk [tilespmem:v7+s30+$0x0], $0xffff  }
0x117: {  	_ =	sdelay $0x2  }
0x118: {  	v7 =	vld [tilespmem:s1+$0x20]  }
0x119: {  	v8 =	vld [tilespmem:s1+$0x50];
	v2 =	vmul.f32 v2, v4  }
0x11a: {  	v10 =	vld [tilespmem:s1+$0x10];
	v6 =	vmul.f32 v6, v4  }
0x11b: {  	v9 =	vld [tilespmem:s1+$0x60];
	v3 =	vmul.f32 v3, v4;
	[tilespmem:s1+$0x0] =	vst v2  }
0x11c: {  	v5 =	vmul.f32 v5, v4;
	v2 =	vld [tilespmem:s1+$0x70];
	[tilespmem:s1+$0x30] =	vst v6  }
0x11d: {  	v7 =	vmul.f32 v7, v4;
	[tilespmem:s1+$0x40] =	vst v3  }
0x11e: {  	v50 =	vmul.f32 v8, v4;
	[tilespmem:s1+$0x80] =	vst v5  }
0x11f: {  	v51 =	vmov s7;
	v52 =	vmul.f32 v10, v4;
	[tilespmem:s1+$0x20] =	vst v7  }
0x120: {  	v3 =	vmul.f32 v9, v4;
	[tilespmem:s1+$0x50] =	vst v50  }
0x121: {  	[tilespmem:s1+$0x10] =	vst v52;
	v2 =	vmul.f32 v2, v4  }
0x122: {  	[tilespmem:s1+$0x60] =	vst v3  }
0x123: {  	v3 =	vld [tilespmem:s1+$0x90];
	[tilespmem:s1+$0x70] =	vst v2  }
0x124: {  	v2 =	vld.idx.msk [tilespmem:v51+s30+$0x0], $0xffff  }
0x125: {  	v53 =	vld [tilespmem:s1+$0xB0]  }
0x126: {  	v55 =	vld [tilespmem:s1+$0xC0]  }
0x127: {  	v54 =	vld [tilespmem:s1+$0xE0]  }
0x128: {  	v57 =	vld [tilespmem:s1+$0x110]  }
0x129: {  	v58 =	vld [tilespmem:s1+$0xD0];
	v3 =	vmul.f32 v3, v2  }
0x12a: {  	v59 =	vld [tilespmem:s1+$0x100];
	v4 =	vmul.f32 v53, v2  }
0x12b: {  	v56 =	vld [tilespmem:s1+$0xA0];
	v6 =	vmul.f32 v55, v2;
	[tilespmem:s1+$0x90] =	vst v3  }
0x12c: {  	v5 =	vmul.f32 v54, v2;
	v3 =	vld [tilespmem:s1+$0xF0];
	[tilespmem:s1+$0xB0] =	vst v4  }
0x12d: {  	v60 =	vmul.f32 v57, v2;
	[tilespmem:s1+$0xC0] =	vst v6  }
0x12e: {  	v61 =	vmul.f32 v58, v2;
	[tilespmem:s1+$0xE0] =	vst v5  }
0x12f: {  	v62 =	vmul.f32 v59, v2;
	[tilespmem:s1+$0x110] =	vst v60  }
0x130: {  	v63 =	vmul.f32 v56, v2;
	[tilespmem:s1+$0xD0] =	vst v61  }
0x131: {  	s23 =	sadd.s32 $0x1, s23;
	[tilespmem:s1+$0x100] =	vst v62;
	v2 =	vmul.f32 v3, v2  }
0x132: {  	p0 =	sne.s32 s23, $0x19;
	[tilespmem:s1+$0xA0] =	vst v63  }
.Ltmp2:
0x133: {  	[tilespmem:s1+$0xF0] =	vst v2;
	(pc) =	sbr.rel @p0 .LBB2_5-.Ltmp2, $4  }
0x134: {  	[spmem:s3] =	stream.indirect.scatter.add.f32 [tilespmem:s24], [sflag:$0x2], $0x90, s6, s28, $0xb8;
	[tilespmem:$0x1EED0] =	vst v63  }
0x135: {  	_ =	swait.ge [sflag:s21], $0x2D00  }
0x136: {  	[sflag:s21] =	ssyncset.done $0x0  }
0x137: {  	[sflag:s21] =	ssyncadd.s32 $0xFFFFD300  }
0x138: {  	s2 =	sadd.s32 $0x1, s2  }
0x139: {  	p0 =	sne.s32 s2, $0x5  }
.Ltmp3:
0x13a: {  	_ = 	snop;
	(pc) =	sbr.rel @p0 .LBB2_4-.Ltmp3, $1  }
0x13b: {  	_ =	sdelay $0x3  }
0x13c: {  	s0 =	stileid.u32;
	s31 =	sadd.s32 $0x1, s31  }
0x13d: {  	[bflag:$0x0] =	sbarrier.arrive $0xFFFF;
	s0 =	sshll.u32 s0, $0x6;
	p0 =	sne.s32 s31, s20  }
.Ltmp4:
0x13e: {  	s1 =	sshrl.u32 s10, $0x3;
	s0 =	sor.u32 $0x1C02, s0;
	(pc) =	sbr.rel @p0 .LBB2_1-.Ltmp4, $4  }
0x13f: {  	[hbm:s19], [sflag:s0] =	dma.local [spmem:s1], $0x2BF2  }
0x140: {  	_ =	swait.ge [sflag:s21], $0x2BF2  }
0x141: {  	[sflag:s21] =	ssyncset.done $0x0  }
0x142: {  	[sflag:s21] =	ssyncadd.s32 $0xFFFFD40E  }
0x143: {  	_ =	sfence.sel $0x180000  }
0x144: {  	[bflag:$0x0] =	sbarrier.arrive $0xFFFF  }
0x145: {  	_ =	strace $0x9000004D  }
0x146: {  	s0 =	stileid.u32;
	[bflag:$0x2] =	sbarrier.arrive $0xFFFF  }
0x147: {  	p0 =	sne.s32 s0, $0x0;
	s0 =	rddreg [dreg:$0x3]  }
0x148: {  	s0 =	sadd.s32 @!p0 $0x100000, s0  }
0x149: {  	[sflag:s0] =	ssyncadd.tile.s32 @!p0 $0x1;
	_ =	shalt  }
.Lfunc_end2:
_tile_overlayer_lowered:
.L_overlay_start_2:
0x14a: {  	(tag) =	ssettag $0x2  }
0x14b: {  	s0 =	rddreg [dreg:$0x0];
	s2 =	stileid.u32  }
0x14c: {  	s1 =	rddreg [dreg:$0x1];
	p0 =	sne.s32 s2, $0x0  }
0x14d: {  	s3 =	rddreg [dreg:$0x2];
	[bflag:$0x3] =	sbarrier.arrive $0xFFFF;
	s2 =	simm.s32 @!p0 $0x1C02  }
0x14e: {  	[timem:s3], [sflag:s2] =	dma.local @!p0 [hbm:s0], s1  }
0x14f: {  	s0 =	simm.s32 @!p0 $0x2  }
0x150: {  	_ =	swait.ge @!p0 [sflag:s0], s1  }
0x151: {  	s1 =	ssub.s32 @!p0 $0x0, s1;
	[sflag:s0] =	ssyncset.done @!p0 $0x0  }
0x152: {  	[sflag:s0] =	ssyncadd.s32 @!p0 s1  }
0x153: {  	[bflag:$0x3] =	sbarrier.arrive $0xFFFF  }
0x154: {  	_ =	shalt  }

// kernel: kernel.9.cloned.1.call-start
scs
__scs_entry_jumppad:
0x0: {  	(pc) =	sbr.rel $0x88, $3  }
0x1: {  	(tag) =	ssettag $0x0;
	lr =	simm.s32 $0x1  }
0x2: {  	[smem:$0x3F84] =	sst lr;
	_ =	strace $0xD0000000  }
0x3: {  	_ = 	snop  }
0x4: {  	_ = 	snop  }
0x5: {  	_ = 	snop  }
0x6: {  	_ = 	snop  }
0x7: {  	_ = 	snop  }
__scs_overlays_trampoline_lowered:
0x8: {  	[smem:$0x3F93] =	sst s0  }
0x9: {  	[smem:$0x3F94] =	sst s1  }
0xa: {  	[smem:$0x3F95] =	sst s2  }
0xb: {  	[smem:$0x3F96] =	sst s3  }
0xc: {  	[smem:$0x3F97] =	sst s4  }
0xd: {  	[smem:$0x3F98] =	sst s5  }
0xe: {  	[smem:$0x3F99] =	sst s6  }
0xf: {  	[smem:$0x3F9A] =	sst s7  }
0x10: {  	[smem:$0x3F9B] =	sst s8  }
0x11: {  	[smem:$0x3F9C] =	sst s9;
	s0 =	simm.s32 @!p0 $0x0  }
0x12: {  	s1 =	sld [smem:$0x3F82];
	s0 =	simm.s32 @p0 $0x1  }
0x13: {  	[smem:$0x3F9D] =	sst s0;
	s0 =	simm.s32 @!p1 $0x0  }
0x14: {  	s2 =	sld [smem:$0x3F81];
	s0 =	simm.s32 @p1 $0x1  }
0x15: {  	[smem:$0x3F9E] =	sst s0;
	s0 =	simm.s32 @!p2 $0x0  }
0x16: {  	s3 =	sld [smem:$0x3FDB];
	s0 =	simm.s32 @p2 $0x1  }
0x17: {  	s4 =	simm.s32 $0x1BF5;
	[smem:$0x3FA0] =	sst s0  }
0x18: {  	s0 =	sld [smem:$0x3F83];
	_ =	swait.ge [sflag:s4], $0x0  }
0x19: {  	s7 =	sld [smem:$0x3F84]  }
0x1a: {  	s8 =	sadd.s32 $0xFFFFE003, lr  }
0x1b: {  	s9 =	sadd.s32 $0xFFFFFEF7, lr;
	s5 =	simm.s32 $0xFFFFFFFF;
	p2 =	slt.u32 s8, $0xFFFFF086  }
0x1c: {  	p1 =	slt.u32 s9, $0xF7A;
	s5 =	simm.s32 @!p2 $0x0  }
0x1d: {  	s5 =	simm.s32 @p1 $0x1;
	p0 =	seq.s32 s7, s2  }
0x1e: {  	s7 =	smul.u32 @!p0 $0xF7A, s2;
	p2 =	seq.s32 @!p0 s5, $0x0  }
0x1f: {  	s9 =	smul.u32 $0xF7A, s1;
	s8 =	simm.s32 @!p0 $0x1BF5;
	p2 =	por !p2, p0  }
0x20: {  	[sflag:s8] =	ssyncset.s32 @!p0 $0xFFFFF086;
	s6 =	sadd.s32 @!p0 s3, s7;
	s7 =	simm.s32 @!p0 $0x108  }
0x21: {  	s3 =	sadd.s32 s3, s9;
	s6 =	sadd.s32 @!p0 $0x88, s6;
	s7 =	simm.s32 @p2 $0x1082  }
0x22: {  	[simem:s7], [sflag:s8] =	dma.local @!p0 [hbm:s6], $0xF7A  }
0x23: {  	s9 =	sor.u32 $0xD0000000, s2;
	s6 =	simm.s32 $0x108;
	_ =	swait.ge @!p0 [sflag:s8], $0x0  }
0x24: {  	s3 =	sadd.s32 $0x88, s3;
	s6 =	simm.s32 @!p1 $0x1082;
	[sflag:s4] =	ssyncset.s32 $0xFFFFF086  }
0x25: {  	[simem:s6], [sflag:s4] =	dma.local [hbm:s3], $0xF7A  }
0x26: {  	[smem:$0x3F84] =	sst s1;
	(tag) =	ssettag s2;
	_ =	strace s9  }
0x27: {  	s1 =	sld [smem:$0x3F94]  }
0x28: {  	s2 =	sld [smem:$0x3F95]  }
0x29: {  	s4 =	sld [smem:$0x3F97]  }
0x2a: {  	p0 =	seq.s32 s5, $0x0;
	s5 =	sld [smem:$0x3F98]  }
0x2b: {  	s6 =	sld [smem:$0x3F99]  }
0x2c: {  	s7 =	sld [smem:$0x3F9A]  }
0x2d: {  	s3 =	simm.s32 $0x108;
	s8 =	sld [smem:$0x3F9B]  }
0x2e: {  	s3 =	simm.s32 @!p0 $0x1082;
	s9 =	sld [smem:$0x3F9C]  }
0x2f: {  	lr =	sadd.s32 s0, s3;
	s0 =	sld [smem:$0x3F93]  }
0x30: {  	s3 =	sld [smem:$0x3F96]  }
0x31: {  	[smem:$0x3F9F] =	sst s10  }
0x32: {  	s10 =	sld [smem:$0x3F9D];
	_ =	sdelay $0x3  }
0x33: {  	p0 =	seq.s32 s10, $0x1;
	s10 =	sld [smem:$0x3F9F];
	_ =	sdelay $0x3  }
0x34: {  	[smem:$0x3F9F] =	sst s10  }
0x35: {  	s10 =	sld [smem:$0x3F9E];
	_ =	sdelay $0x3  }
0x36: {  	p1 =	seq.s32 s10, $0x1;
	s10 =	sld [smem:$0x3F9F];
	_ =	sdelay $0x3  }
0x37: {  	[smem:$0x3F9F] =	sst s10  }
0x38: {  	s10 =	sld [smem:$0x3FA0]  }
0x39: {  	_ = 	snop;
	(pc) =	sbr.ind lr, $3  }
0x3a: {  	_ = 	snop  }
0x3b: {  	_ = 	snop  }
0x3c: {  	p2 =	seq.s32 s10, $0x1;
	s10 =	sld [smem:$0x3F9F]  }
0x3d: {  	_ =	shalt  }
0x3e: {  	_ =	shalt  }
0x3f: {  	_ =	shalt  }
0x40: {  	_ =	shalt  }
0x41: {  	_ =	shalt  }
0x42: {  	_ =	shalt  }
0x43: {  	_ =	shalt  }
0x44: {  	_ =	shalt  }
0x45: {  	_ =	shalt  }
0x46: {  	_ =	shalt  }
0x47: {  	_ =	shalt  }
0x48: {  	_ =	shalt  }
0x49: {  	_ =	shalt  }
0x4a: {  	_ =	shalt  }
0x4b: {  	_ =	shalt  }
0x4c: {  	_ =	shalt  }
0x4d: {  	_ =	shalt  }
0x4e: {  	_ =	shalt  }
0x4f: {  	_ =	shalt  }
0x50: {  	_ =	shalt  }
0x51: {  	_ =	shalt  }
0x52: {  	_ =	shalt  }
0x53: {  	_ =	shalt  }
0x54: {  	_ =	shalt  }
0x55: {  	_ =	shalt  }
0x56: {  	_ =	shalt  }
0x57: {  	_ =	shalt  }
0x58: {  	_ =	shalt  }
0x59: {  	_ =	shalt  }
0x5a: {  	_ =	shalt  }
0x5b: {  	_ =	shalt  }
0x5c: {  	_ =	shalt  }
0x5d: {  	_ =	shalt  }
0x5e: {  	_ =	shalt  }
0x5f: {  	_ =	shalt  }
0x60: {  	_ =	shalt  }
0x61: {  	_ =	shalt  }
0x62: {  	_ =	shalt  }
0x63: {  	_ =	shalt  }
0x64: {  	_ =	shalt  }
0x65: {  	_ =	shalt  }
0x66: {  	_ =	shalt  }
0x67: {  	_ =	shalt  }
0x68: {  	_ =	shalt  }
0x69: {  	_ =	shalt  }
0x6a: {  	_ =	shalt  }
0x6b: {  	_ =	shalt  }
0x6c: {  	_ =	shalt  }
0x6d: {  	_ =	shalt  }
0x6e: {  	_ =	shalt  }
0x6f: {  	_ =	shalt  }
0x70: {  	_ =	shalt  }
0x71: {  	_ =	shalt  }
0x72: {  	_ =	shalt  }
0x73: {  	_ =	shalt  }
0x74: {  	_ =	shalt  }
0x75: {  	_ =	shalt  }
0x76: {  	_ =	shalt  }
0x77: {  	_ =	shalt  }
0x78: {  	_ =	shalt  }
0x79: {  	_ =	shalt  }
0x7a: {  	_ =	shalt  }
0x7b: {  	_ =	shalt  }
0x7c: {  	_ =	shalt  }
0x7d: {  	_ =	shalt  }
0x7e: {  	_ =	shalt  }
0x7f: {  	_ =	shalt  }
0x80: {  	_ =	shalt  }
0x81: {  	_ =	shalt  }
0x82: {  	_ =	shalt  }
0x83: {  	_ =	shalt  }
0x84: {  	_ =	shalt  }
0x85: {  	_ =	shalt  }
0x86: {  	_ =	shalt  }
0x87: {  	_ =	shalt  }
.Lfunc_end0:
.L_simem_size_0:
called_computation_lowered:
.L_overlay_start_0:
0x88: {  	s2 =	sld [smem:$0x3FD9]  }
0x89: {  	s3 =	sld [smem:$0x3FFE];
	_ =	sdelay $0x1  }
0x8a: {  	s1 =	srdreg.scid  }
0x8b: {  	s0 =	sand.u32 $0x1, s1  }
0x8c: {  	s17 =	sshll.u32 s0, $0xA;
	s2 =	sadd.s32 s3, s2  }
0x8d: {  	s2 =	sadd.s32 s2, s17  }
0x8e: {  	[smem:$0x3FAB] =	sst s2  }
0x8f: {  	_ = 	snop  }
0x90: {  	s2 =	sld [smem:$0x3FD0];
	(tm) =	ssettm $0x1  }
0x91: {  	s18 =	sld [smem:$0x3FFB];
	_ =	sdelay $0x3  }
0x92: {  	_ =	strace s18  }
0x93: {  	s3 =	sld [smem:$0x3FFC];
	_ =	sdelay $0x3  }
0x94: {  	_ =	strace s3  }
0x95: {  	s3 =	sld [smem:$0x3FFD];
	_ =	sdelay $0x3  }
0x96: {  	_ =	strace s3  }
0x97: {  	_ =	strace $0x8FFFFFFF  }
0x98: {  	s19 =	sld [smem:$0x3FDB];
	_ =	sdelay $0x1  }
0x99: {  	s4 =	simm.s32 $_scs_section_size  }
0x9a: {  	s5 =	simm.s32 $_size__tile_overlayer_lowered;
	s6 =	simm.s32 $_tile_overlayer_lowered  }
0x9b: {  	s22 =	simm.s32 $0x1BFF;
	s21 =	sshll.u32 s6, $0x1;
	s3 =	sadd.s32 s4, s19  }
0x9c: {  	s7 =	simm.s32 $0x0;
	s20 =	sshll.u32 s5, $0x1;
	s5 =	sadd.s32 s21, s3  }
0x9d: {  	[timem:s7], [sflag:s22] =	dma.local [hbm:s5], s20  }
0x9e: {  	_ =	swait.ge [sflag:s22], s20  }
0x9f: {  	s4 =	ssub.s32 $0x0, s20;
	[sflag:s22] =	ssyncset.done $0x0  }
0xa0: {  	[sflag:s22] =	ssyncadd.s32 s4;
	_ =	sdelay $0x1  }
0xa1: {  	s23 =	simm.s32 $0x1B8B  }
0xa2: {  	_ =	swait.ge [sflag:s23], $0x1  }
0xa3: {  	[sflag:s23] =	ssyncset.done $0x0  }
0xa4: {  	s25 =	simm.s32 $0x1B8E;
	s24 =	sld [smem:$0x3FFE];
	[sflag:s23] =	ssyncadd.s32 $0xFFFFFFFF  }
0xa5: {  	s26 =	simm.s32 $execute0_lowered;
	[smem:$0x3FD2] =	sst s25  }
0xa6: {  	s5 =	sshll.u32 s26, $0x1;
	_ =	strace $0x80000046;
	[dreg:$0x1] =	wrdreg $0xFFFFFFFF  }
0xa7: {  	s28 =	simm.s32 $_size_execute0_lowered;
	s3 =	sadd.s32 s3, s5;
	[dreg:$0x0] =	wrdreg $0x0  }
0xa8: {  	s5 =	sshll.u32 s28, $0x1;
	[dreg:$0x2] =	wrdreg s3  }
0xa9: {  	[dreg:$0x3] =	wrdreg s5  }
0xaa: {  	[dreg:$0x4] =	wrdreg $0xC0  }
0xab: {  	_ =	task [dreg:s7], $0x5FFFF  }
0xac: {  	[dreg:$0x1] =	wrdreg $0xFFFFFFFF  }
0xad: {  	[dreg:$0x0] =	wrdreg $0x60  }
0xae: {  	[dreg:$0x2] =	wrdreg s24  }
0xaf: {  	[dreg:$0x3] =	wrdreg s2  }
0xb0: {  	[dreg:$0x4] =	wrdreg $0x8F400  }
0xb1: {  	[dreg:$0x5] =	wrdreg $0x9  }
0xb2: {  	_ =	task.clear_ibuf [dreg:s7], $0x6FFFF;
	_ =	strace $0x90000046  }
0xb3: {  	s29 =	simm.s32 $0x9;
	_ =	strace $0x80000048  }
0xb4: {  	_ =	swait.ge [sflag:s29], $0x1  }
0xb5: {  	[sflag:s29] =	ssyncadd.s32 $0xFFFFFFFF  }
0xb6: {  	_ =	strace $0x90000048  }
0xb7: {  	_ =	sfence  }
0xb8: {  	s30 =	sld [smem:$0x0];
	_ =	sdelay $0x2  }
0xb9: {  	s31 =	sshll.u32 s1, $0xD;
	s1 =	sshrl.u32 s1, $0x2  }
0xba: {  	s3 =	sand.u32 $0x4000, s31;
	s1 =	sadd.s32 s1, s30  }
0xbb: {  	s0 =	sor.u32 s3, s0;
	s1 =	sshll.u32 s1, $0x11  }
0xbc: {  	s0 =	sor.u32 s1, s0  }
0xbd: {  	s0 =	sadd.s32 $0x8F2B, s0  }
0xbe: {  	[sflag:s0] =	ssyncadd.remote.s32 $0x1  }
0xbf: {  	_ =	sfence.sel $0xFFFF  }
0xc0: {  	[dreg:$0x0] =	wrdreg $0xFFFFFFFF;
	(pc) =	sbr.abs _section_cstart, $3  }
0xc1: {  	[dreg:$0x1] =	wrdreg $0xFFFFFFFF  }
0xc2: {  	_ =	task.clear_ibuf [dreg:s7], $0x2FFFF;
	_ =	strace $0x9FFFFFFF  }
0xc3: {  	(tm) =	ssettm $0x7FFFFFFF  }
tec
execute0_lowered:
.L_overlay_start_1:
0x0: {  	(tag) =	ssettag $0x1  }
0x1: {  	s0 =	rddreg [dreg:$0x0]  }
0x2: {  	s3 =	rddreg [dreg:$0x2];
	s1 =	srdreg.scid  }
0x3: {  	s11 =	stileid.u32;
	s4 =	simm.s32 $0x0;
	s28 =	simm.s32 $0x50  }
0x4: {  	s29 =	simm.s32 $0x1;
	s30 =	simm.s32 $0x8EC0;
	s31 =	simm.s32 $0x0  }
0x5: {  	s1 =	sand.u32 $0x1, s1;
	s2 =	smul.u32 $0x15F90, s11;
	[smem:$0x7FF] =	sst s4  }
0x6: {  	s5 =	sadd.s32 $0x17000, s0;
	s7 =	sadd.s32 $0x2E00, s0;
	s21 =	sadd.s32 $0x2800, s0  }
0x7: {  	s8 =	sadd.s32 $0xD200, s0;
	s22 =	smul.u32 $0x57E40, s11;
	s9 =	sadd.s32 $0x3400, s0  }
0x8: {  	s11 =	sshll.u32 s11, $0x1;
	_ =	strace $0x80000047;
	[dreg:$0x4] =	wrdreg s7  }
0x9: {  	s6 =	smul.u32 $0x15F900, s1;
	[dreg:$0x5] =	wrdreg s21;
	s23 =	ssub.s32 $0x2, s1  }
0xa: {  	s1 =	sor.u32 s1, s11;
	s21 =	simm.s32 $0x2;
	s10 =	sshrl.u32 s23, $0x1  }
0xb: {  	s7 =	sshrl.u32 s22, $0x2;
	s18 =	smul.u32 $0x2710, s1;
	s6 =	sadd.s32 s2, s6  }
0xc: {  	s22 =	simm.s32 $0x2710;
	s7 =	sadd.s32 s7, s3;
	s6 =	sshrl.u32 s6, $0x3  }
0xd: {  	s24 =	sadd.s32 $0x2D00, s7;
	s25 =	sadd.s32 $0x5A00, s7;
	s26 =	sadd.s32 $0x8700, s7  }
0xe: {  	s14 =	sadd.s32 $0xB400, s7;
	s15 =	sadd.s32 $0xE100, s7;
	s16 =	sadd.s32 $0x10E00, s7  }
0xf: {  	s17 =	sadd.s32 $0x13B00, s7;
	s0 =	sadd.s32 s6, s0;
	[dreg:$0x6] =	wrdreg s24  }
0x10: {  	s6 =	ssub.s32 s23, s10;
	s10 =	sadd.s32 s2, s3;
	[dreg:$0x7] =	wrdreg s25  }
0x11: {  	[dreg:$0x8] =	wrdreg s26;
	s24 =	simm.s32 $0x61C0;
	s25 =	simm.s32 $0x5220  }
0x12: {  	v0 =	vimm.f32 $0.0e+00;
	s26 =	simm.s32 $0x59F0;
	s19 =	sadd.s32 $0x43000, s0;
	s20 =	smax.u32 s6, $0x1  }
.LBB2_1:
0x13: {  	s0 =	rddreg [dreg:$0x4]  }
0x14: {  	[tilespmem:s4], [sflag:$0x2] =	stream.linear.gather [hbm4b:s0+s4], $0x2710, $0x38;
	[tilespmem:$0x1EED0] =	vst v63  }
0x15: {  	_ =	swait.ge [sflag:s21], $0x2710  }
0x16: {  	[sflag:s21] =	ssyncset.done $0x0  }
0x17: {  	s13 =	rddreg [dreg:$0x5];
	[sflag:s21] =	ssyncadd.s32 $0xFFFFD8F0  }
0x18: {  	[tilespmem:s22], [sflag:$0x2] =	stream.linear.gather [hbm4b:s13+s4], $0x2710, $0x38;
	[tilespmem:$0x1EED0] =	vst v63  }
0x19: {  	_ =	swait.ge [sflag:s21], $0x2710  }
0x1a: {  	[sflag:s21] =	ssyncset.done $0x0  }
0x1b: {  	[sflag:s21] =	ssyncadd.s32 $0xFFFFD8F0  }
0x1c: {  	s1 =	simm.s32 $0x4E20;
	s23 =	rddreg [dreg:$0x1]  }
0x1d: {  	[tilespmem:s1], [sflag:$0x2] =	stream.linear.gather [hbm4b:s23+s4], $0x400, $0x38;
	[tilespmem:$0x1EED0] =	vst v63  }
0x1e: {  	_ =	swait.ge [sflag:s21], $0x400  }
0x1f: {  	[sflag:s21] =	ssyncset.done $0x0  }
0x20: {  	s0 =	simm.s32 $0x0;
	s1 =	simm.s32 $0x240;
	[sflag:s21] =	ssyncadd.s32 $0xFFFFFC00  }
.LBB2_2:
0x21: {  	p0 =	sne.s32 s1, $0xB1C0;
	[tilespmem:s0+$0x6240] =	vst v0  }
0x22: {  	[tilespmem:s0+$0x61C0] =	vst v0  }
0x23: {  	[tilespmem:s0+$0x61D0] =	vst v0  }
0x24: {  	[tilespmem:s0+$0x61E0] =	vst v0  }
.Ltmp0:
0x25: {  	[tilespmem:s0+$0x61F0] =	vst v0;
	(pc) =	sbr.rel @p0 .LBB2_2-.Ltmp0, $4  }
0x26: {  	[tilespmem:s0+$0x6200] =	vst v0  }
0x27: {  	[tilespmem:s0+$0x6210] =	vst v0  }
0x28: {  	[tilespmem:s0+$0x6220] =	vst v0  }
0x29: {  	[tilespmem:s0+$0x6230] =	vst v0;
	s0 =	sshra.s32 s1, $0x2;
	s1 =	sadd.s32 $0x240, s1  }
0x2a: {  	[tilespmem:s0+$0x6240] =	vst v0  }
0x2b: {  	[tilespmem:s0+$0x61C0] =	vst v0  }
0x2c: {  	[tilespmem:s0+$0x61D0] =	vst v0  }
0x2d: {  	[tilespmem:s0+$0x61E0] =	vst v0  }
0x2e: {  	[tilespmem:s0+$0x61F0] =	vst v0  }
0x2f: {  	[tilespmem:s0+$0x6200] =	vst v0  }
0x30: {  	[tilespmem:s0+$0x6210] =	vst v0  }
0x31: {  	[tilespmem:s0+$0x6220] =	vst v0  }
0x32: {  	[tilespmem:s0+$0x6230] =	vst v0  }
0x33: {  	[spmem:s10] =	stream.linear.scatter [tilespmem:s24], [sflag:$0x2], $0x2D00, $0x38;
	[tilespmem:$0x1EED0] =	vst v63  }
0x34: {  	_ =	swait.ge [sflag:s21], $0x2D00  }
0x35: {  	[sflag:s21] =	ssyncset.done $0x0  }
0x36: {  	s12 =	rddreg [dreg:$0x6];
	[sflag:s21] =	ssyncadd.s32 $0xFFFFD300  }
0x37: {  	[spmem:s12] =	stream.linear.scatter [tilespmem:s24], [sflag:$0x2], $0x2D00, $0x38;
	[tilespmem:$0x1EED0] =	vst v63  }
0x38: {  	_ =	swait.ge [sflag:s21], $0x2D00  }
0x39: {  	[sflag:s21] =	ssyncset.done $0x0  }
0x3a: {  	s13 =	rddreg [dreg:$0x7];
	[sflag:s21] =	ssyncadd.s32 $0xFFFFD300  }
0x3b: {  	[spmem:s13] =	stream.linear.scatter [tilespmem:s24], [sflag:$0x2], $0x2D00, $0x38;
	[tilespmem:$0x1EED0] =	vst v63  }
0x3c: {  	_ =	swait.ge [sflag:s21], $0x2D00  }
0x3d: {  	[sflag:s21] =	ssyncset.done $0x0  }
0x3e: {  	s23 =	rddreg [dreg:$0x8];
	[sflag:s21] =	ssyncadd.s32 $0xFFFFD300  }
0x3f: {  	[spmem:s23] =	stream.linear.scatter [tilespmem:s24], [sflag:$0x2], $0x2D00, $0x38;
	[tilespmem:$0x1EED0] =	vst v63  }
0x40: {  	_ =	swait.ge [sflag:s21], $0x2D00  }
0x41: {  	[sflag:s21] =	ssyncset.done $0x0  }
0x42: {  	[sflag:s21] =	ssyncadd.s32 $0xFFFFD300  }
0x43: {  	[spmem:s14] =	stream.linear.scatter [tilespmem:s24], [sflag:$0x2], $0x2D00, $0x38;
	[tilespmem:$0x1EED0] =	vst v63  }
0x44: {  	_ =	swait.ge [sflag:s21], $0x2D00  }
0x45: {  	[sflag:s21] =	ssyncset.done $0x0  }
0x46: {  	[sflag:s21] =	ssyncadd.s32 $0xFFFFD300  }
0x47: {  	[spmem:s15] =	stream.linear.scatter [tilespmem:s24], [sflag:$0x2], $0x2D00, $0x38;
	[tilespmem:$0x1EED0] =	vst v63  }
0x48: {  	_ =	swait.ge [sflag:s21], $0x2D00  }
0x49: {  	[sflag:s21] =	ssyncset.done $0x0  }
0x4a: {  	[sflag:s21] =	ssyncadd.s32 $0xFFFFD300  }
0x4b: {  	[spmem:s16] =	stream.linear.scatter [tilespmem:s24], [sflag:$0x2], $0x2D00, $0x38;
	[tilespmem:$0x1EED0] =	vst v63  }
0x4c: {  	_ =	swait.ge [sflag:s21], $0x2D00  }
0x4d: {  	[sflag:s21] =	ssyncset.done $0x0  }
0x4e: {  	[sflag:s21] =	ssyncadd.s32 $0xFFFFD300  }
0x4f: {  	[spmem:s17] =	stream.linear.scatter [tilespmem:s24], [sflag:$0x2], $0x2490, $0x38;
	[tilespmem:$0x1EED0] =	vst v63  }
0x50: {  	_ =	swait.ge [sflag:s21], $0x2490  }
0x51: {  	[sflag:s21] =	ssyncset.done $0x0  }
0x52: {  	[sflag:s21] =	ssyncadd.s32 $0xFFFFDB70  }
0x53: {  	[bflag:$0x0] =	sbarrier.arrive $0xFFFF  }
0x54: {  	v1 =	vld [tilespmem:$0x4E20]  }
0x55: {  	v2 =	vld [tilespmem:$0x5020];
	_ =	sdelay $0x4  }
0x56: {  	v1 =	vadd.f32 v2, v1;
	_ =	sdelay $0x1  }
0x57: {  	v2 =	vmul.f32 $2.000000030e-01, v1  }
0x58: {  	vm0 =	vgt.f32 v1, $0.0e+00  }
0x59: {  	s0 =	simm.s32 $0x0;
	s2 =	simm.s32 $0x0;
	v1 =	vsel vm0, v1, v2  }
.LBB2_4:
0x5a: {  	s1 =	smul.u32 $0x7D0, s2;
	_ =	sdelay $0x1  }
0x5b: {  	s1 =	sadd.s32 s18, s1  }
0x5c: {  	s1 =	sshrl.u32 s1, $0x3  }
0x5d: {  	s6 =	sadd.s32 s8, s1  }
0x5e: {  	[tilespmem:s25], [sflag:$0x2] =	stream.linear.gather [hbm4b:s6+s0], $0x7D0, $0x38;
	[tilespmem:$0x1EED0] =	vst v63  }
0x5f: {  	_ =	swait.ge [sflag:s21], $0x7D0  }
0x60: {  	[sflag:s21] =	ssyncset.done $0x0  }
0x61: {  	s1 =	sadd.s32 s9, s1;
	[sflag:s21] =	ssyncadd.s32 $0xFFFFF830  }
0x62: {  	[tilespmem:s26], [sflag:$0x2] =	stream.linear.gather [hbm4b:s1+s0], $0x7D0, $0x38;
	[tilespmem:$0x1EED0] =	vst v63  }
0x63: {  	_ =	swait.ge [sflag:s21], $0x7D0  }
0x64: {  	[sflag:s21] =	ssyncset.done $0x0  }
0x65: {  	s23 =	simm.s32 $0x0;
	[sflag:s21] =	ssyncadd.s32 $0xFFFFF830  }
.LBB2_5:
0x66: {  	s6 =	smul.u32 $0x50, s23;
	_ =	sdelay $0x1  }
0x67: {  	s1 =	sadd.s32 $0x5220, s6  }
0x68: {  	[tilespmem:s24], [sflag:$0x1] =	stream.indirect.gather [hbm4b:s5+s28], $0x90, s1, s28, $0xb8;
	[tilespmem:$0x1EED0] =	vst v63  }
0x69: {  	_ =	swait.ge [sflag:s29], $0x2D00  }
0x6a: {  	[sflag:s29] =	ssyncset.done $0x0  }
0x6b: {  	[sflag:s29] =	ssyncadd.s32 $0xFFFFD300  }
0x6c: {  	v2 =	vld [tilespmem:s6+$0x5220]  }
0x6d: {  	v3 =	vld [tilespmem:s6+$0x59F0];
	_ =	sdelay $0x6  }
0x6e: {  	v2 =	vld.idx.msk [tilespmem:v2+s4+$0x0], $0xffff  }
0x6f: {  	v3 =	vld.idx.msk [tilespmem:v3+s22+$0x0], $0xffff;
	_ =	sdelay $0x4  }
0x70: {  	v2 =	vadd.f32 v3, v2;
	_ =	sdelay $0x1  }
0x71: {  	v3 =	vmul.f32 $2.000000030e-01, v2  }
0x72: {  	vm0 =	vgt.f32 v2, $0.0e+00  }
0x73: {  	v2 =	vsel vm0, v2, v3  }
0x74: {  	v2 =	vsub.f32 v2, v1;
	_ =	sdelay $0x1  }
0x75: {  	v2 =	vmul.f32 $1.442695020e+00, v2;
	_ =	sdelay $0x1  }
0x76: {  	(erf) = vpow2.f32 v2;
	_ =	sdelay $0x8  }
0x77: {  	v2 =	vpop (erf)  }
0x78: {  	[tilespmem:$0x8EC0] =	vst v2  }
0x79: {  	v2 =	vld [tilespmem:s6+$0x5230]  }
0x7a: {  	v3 =	vld [tilespmem:s6+$0x5A00];
	_ =	sdelay $0x6  }
0x7b: {  	v2 =	vld.idx.msk [tilespmem:v2+s4+$0x0], $0xffff  }
0x7c: {  	v3 =	vld.idx.msk [tilespmem:v3+s22+$0x0], $0xffff;
	_ =	sdelay $0x4  }
0x7d: {  	v2 =	vadd.f32 v3, v2;
	_ =	sdelay $0x1  }
0x7e: {  	v3 =	vmul.f32 $2.000000030e-01, v2  }
0x7f: {  	vm12 =	vgt.f32 v2, $0.0e+00  }
0x80: {  	v2 =	vsel vm12, v2, v3  }
0x81: {  	v2 =	vsub.f32 v2, v1;
	_ =	sdelay $0x1  }
0x82: {  	v2 =	vmul.f32 $1.442695020e+00, v2;
	_ =	sdelay $0x1  }
0x83: {  	(erf) = vpow2.f32 v2;
	_ =	sdelay $0x8  }
0x84: {  	v2 =	vpop (erf)  }
0x85: {  	[tilespmem:$0x8ED0] =	vst v2  }
0x86: {  	v2 =	vld [tilespmem:s6+$0x5240]  }
0x87: {  	v3 =	vld [tilespmem:s6+$0x5A10];
	_ =	sdelay $0x6  }
0x88: {  	v2 =	vld.idx.msk [tilespmem:v2+s4+$0x0], $0xffff  }
0x89: {  	v3 =	vld.idx.msk [tilespmem:v3+s22+$0x0], $0xffff;
	_ =	sdelay $0x4  }
0x8a: {  	v2 =	vadd.f32 v3, v2;
	_ =	sdelay $0x1  }
0x8b: {  	v3 =	vmul.f32 $2.000000030e-01, v2  }
0x8c: {  	vm13 =	vgt.f32 v2, $0.0e+00  }
0x8d: {  	v2 =	vsel vm13, v2, v3  }
0x8e: {  	v2 =	vsub.f32 v2, v1;
	_ =	sdelay $0x1  }
0x8f: {  	v2 =	vmul.f32 $1.442695020e+00, v2;
	_ =	sdelay $0x1  }
0x90: {  	(erf) = vpow2.f32 v2;
	_ =	sdelay $0x8  }
0x91: {  	v2 =	vpop (erf)  }
0x92: {  	[tilespmem:$0x8EE0] =	vst v2  }
0x93: {  	v2 =	vld [tilespmem:s6+$0x5250]  }
0x94: {  	v3 =	vld [tilespmem:s6+$0x5A20];
	_ =	sdelay $0x6  }
0x95: {  	v2 =	vld.idx.msk [tilespmem:v2+s4+$0x0], $0xffff  }
0x96: {  	v3 =	vld.idx.msk [tilespmem:v3+s22+$0x0], $0xffff;
	_ =	sdelay $0x4  }
0x97: {  	v2 =	vadd.f32 v3, v2;
	_ =	sdelay $0x1  }
0x98: {  	v3 =	vmul.f32 $2.000000030e-01, v2  }
0x99: {  	vm14 =	vgt.f32 v2, $0.0e+00  }
0x9a: {  	v2 =	vsel vm14, v2, v3  }
0x9b: {  	v2 =	vsub.f32 v2, v1;
	_ =	sdelay $0x1  }
0x9c: {  	v2 =	vmul.f32 $1.442695020e+00, v2;
	_ =	sdelay $0x1  }
0x9d: {  	(erf) = vpow2.f32 v2;
	_ =	sdelay $0x8  }
0x9e: {  	v2 =	vpop (erf)  }
0x9f: {  	[tilespmem:$0x8EF0] =	vst v2  }
0xa0: {  	v2 =	vld [tilespmem:s6+$0x5260]  }
0xa1: {  	v3 =	vld [tilespmem:s6+$0x5A30];
	_ =	sdelay $0x6  }
0xa2: {  	v2 =	vld.idx.msk [tilespmem:v2+s4+$0x0], $0xffff  }
0xa3: {  	v3 =	vld.idx.msk [tilespmem:v3+s22+$0x0], $0xffff;
	_ =	sdelay $0x4  }
0xa4: {  	v2 =	vadd.f32 v3, v2;
	_ =	sdelay $0x1  }
0xa5: {  	v3 =	vmul.f32 $2.000000030e-01, v2  }
0xa6: {  	vm15 =	vgt.f32 v2, $0.0e+00  }
0xa7: {  	v2 =	vsel vm15, v2, v3  }
0xa8: {  	v2 =	vsub.f32 v2, v1;
	_ =	sdelay $0x1  }
0xa9: {  	v2 =	vmul.f32 $1.442695020e+00, v2;
	_ =	sdelay $0x1  }
0xaa: {  	(erf) = vpow2.f32 v2;
	_ =	sdelay $0x1  }
0xab: {  	s12 =	simm.s32 $0x0  }
0xac: {  	v2 =	vmov s12  }
0xad: {  	v2 =	vand.u32 $0xFFFFFFFC, v2  }
0xae: {  	v2 =	vbroadcast v2, $0x0;
	_ =	sdelay $0x3  }
0xaf: {  	v3 =	vpop (erf)  }
0xb0: {  	[tilespmem:$0x8F00] =	vst v3  }
0xb1: {  	s1 =	simm.s32 $0x62E0;
	v2 =	vld.idx.msk [tilespmem:v2+s30+$0x0], $0xffff  }
0xb2: {  	v4 =	vld [tilespmem:s1+$0xFFFFFEE0]  }
0xb3: {  	v5 =	vld [tilespmem:s1+$0xFFFFFF60]  }
0xb4: {  	v6 =	vld [tilespmem:s1+$0xFFFFFF00]  }
0xb5: {  	v7 =	vld [tilespmem:s1+$0xFFFFFF10]  }
0xb6: {  	v3 =	vld [tilespmem:s1+$0xFFFFFF30]  }
0xb7: {  	v9 =	vld [tilespmem:s1+$0xFFFFFF50];
	v4 =	vmul.f32 v4, v2  }
0xb8: {  	v11 =	vld [tilespmem:s1+$0xFFFFFF20];
	v5 =	vmul.f32 v5, v2  }
0xb9: {  	s7 =	simm.s32 $0x1;
	v8 =	vld [tilespmem:s1+$0xFFFFFF40];
	v6 =	vmul.f32 v6, v2;
	[tilespmem:s1+$0xFFFFFEE0] =	vst v4  }
0xba: {  	v10 =	vld [tilespmem:s1+$0xFFFFFEF0];
	v4 =	vmul.f32 v7, v2;
	[tilespmem:s1+$0xFFFFFF60] =	vst v5;
	v5 =	vmov s7  }
0xbb: {  	v3 =	vmul.f32 v3, v2;
	[tilespmem:s1+$0xFFFFFF00] =	vst v6;
	v5 =	vand.u32 $0xFFFFFFFD, v5  }
0xbc: {  	v6 =	vmul.f32 v9, v2;
	[tilespmem:s1+$0xFFFFFF10] =	vst v4;
	v4 =	vbroadcast v5, $0x0  }
0xbd: {  	[tilespmem:s1+$0xFFFFFF30] =	vst v3;
	v3 =	vmul.f32 v11, v2  }
0xbe: {  	v5 =	vmul.f32 v8, v2;
	[tilespmem:s1+$0xFFFFFF50] =	vst v6  }
0xbf: {  	v6 =	vmul.f32 v10, v2;
	[tilespmem:s1+$0xFFFFFF20] =	vst v3  }
0xc0: {  	[tilespmem:s1+$0xFFFFFF40] =	vst v5  }
0xc1: {  	[tilespmem:s1+$0xFFFFFEF0] =	vst v6;
	v5 =	vld [tilespmem:s1+$0xFFFFFF70]  }
0xc2: {  	v4 =	vld.idx.msk [tilespmem:v4+s30+$0x0], $0xffff  }
0xc3: {  	v6 =	vld [tilespmem:s1+$0xFFFFFFE0]  }
0xc4: {  	v7 =	vld [tilespmem:s1+$0xFFFFFF90]  }
0xc5: {  	v3 =	vld [tilespmem:s1+$0xFFFFFFC0]  }
0xc6: {  	v8 =	vld [tilespmem:s1+$0xFFFFFFA0]  }
0xc7: {  	v62 =	vld [tilespmem:s1+$0xFFFFFFF0];
	v5 =	vmul.f32 v5, v4  }
0xc8: {  	v61 =	vld [tilespmem:s1+$0xFFFFFFB0];
	v6 =	vmul.f32 v6, v4  }
0xc9: {  	s13 =	simm.s32 $0x2;
	v12 =	vld [tilespmem:s1+$0xFFFFFFD0];
	v7 =	vmul.f32 v7, v4;
	[tilespmem:s1+$0xFFFFFF70] =	vst v5  }
0xca: {  	v63 =	vld [tilespmem:s1+$0xFFFFFF80];
	v3 =	vmul.f32 v3, v4;
	[tilespmem:s1+$0xFFFFFFE0] =	vst v6;
	v6 =	vmov s13  }
0xcb: {  	v5 =	vmul.f32 v8, v4;
	[tilespmem:s1+$0xFFFFFF90] =	vst v7;
	v6 =	vand.u32 $0xFFFFFFFE, v6  }
0xcc: {  	v7 =	vmul.f32 v62, v4;
	[tilespmem:s1+$0xFFFFFFC0] =	vst v3;
	v8 =	vbroadcast v6, $0x0  }
0xcd: {  	[tilespmem:s1+$0xFFFFFFA0] =	vst v5;
	v5 =	vmul.f32 v61, v4  }
0xce: {  	v2 =	vld [tilespmem:s1+$0x0];
	v6 =	vmul.f32 v12, v4;
	[tilespmem:s1+$0xFFFFFFF0] =	vst v7  }
0xcf: {  	v3 =	vld [tilespmem:s1+$0x40];
	v4 =	vmul.f32 v63, v4;
	[tilespmem:s1+$0xFFFFFFB0] =	vst v5  }
0xd0: {  	[tilespmem:s1+$0xFFFFFFD0] =	vst v6;
	v6 =	vld [tilespmem:s1+$0x30]  }
0xd1: {  	s11 =	simm.s32 $0x7;
	[tilespmem:s1+$0xFFFFFF80] =	vst v4;
	v5 =	vld [tilespmem:s1+$0x80]  }
0xd2: {  	s6 =	sadd.s32 $0x59F0, s6;
	s12 =	simm.s32 $0x62E0;
	s7 =	simm.s32 $0x3;
	v4 =	vld.idx.msk [tilespmem:v8+s30+$0x0], $0xffff  }
.LBB2_6:
0xd3: {  	p0 =	sne.s32 s11, $0x4F  }
0xd4: {  	v7 =	vld [tilespmem:s1+$0x20];
	s12 =	sadd.s32 $0x240, s12;
	s13 =	smov.u32 s11;
	s11 =	sadd.s32 $0x4, s11  }
0xd5: {  	v8 =	vld [tilespmem:s1+$0x50]  }
0xd6: {  	v9 =	vld [tilespmem:s1+$0x70]  }
0xd7: {  	v10 =	vld [tilespmem:s1+$0x60];
	_ =	sdelay $0x1  }
0xd8: {  	v2 =	vmul.f32 v2, v4;
	v3 =	vmul.f32 v3, v4  }
0xd9: {  	v6 =	vmul.f32 v6, v4;
	v7 =	vmul.f32 v7, v4;
	v11 =	vld [tilespmem:s1+$0x10]  }
0xda: {  	v8 =	vmul.f32 v8, v4;
	[tilespmem:s1+$0x0] =	vst v2;
	v9 =	vmul.f32 v9, v4  }
0xdb: {  	v5 =	vmul.f32 v5, v4;
	[tilespmem:s1+$0x30] =	vst v6;
	v6 =	vmul.f32 v10, v4  }
0xdc: {  	[tilespmem:s1+$0x20] =	vst v7  }
0xdd: {  	v2 =	vld [tilespmem:s12+$0x0];
	[tilespmem:s1+$0x40] =	vst v3  }
0xde: {  	v3 =	vld [tilespmem:s12+$0x40];
	v4 =	vmul.f32 v11, v4;
	[tilespmem:s1+$0x80] =	vst v5;
	v5 =	vmov s7;
	s7 =	smov.u32 s13  }
0xdf: {  	[tilespmem:s1+$0x50] =	vst v8;
	v7 =	vld [tilespmem:s1+$0xB0]  }
0xe0: {  	[tilespmem:s1+$0x60] =	vst v6;
	v6 =	vld [tilespmem:s1+$0x90]  }
0xe1: {  	[tilespmem:s1+$0x10] =	vst v4;
	v4 =	vld [tilespmem:s1+$0xE0]  }
0xe2: {  	[tilespmem:s1+$0x70] =	vst v9;
	v8 =	vld [tilespmem:s1+$0xC0]  }
0xe3: {  	v5 =	vld.idx.msk [tilespmem:v5+s30+$0x0], $0xffff  }
0xe4: {  	v9 =	vld [tilespmem:s1+$0xA0]  }
0xe5: {  	v10 =	vld [tilespmem:s1+$0x100]  }
0xe6: {  	v11 =	vld [tilespmem:s1+$0xD0]  }
0xe7: {  	v12 =	vld [tilespmem:s1+$0xF0]  }
0xe8: {  	v13 =	vld [tilespmem:s1+$0x110]  }
0xe9: {  	v6 =	vmul.f32 v6, v5;
	v9 =	vmul.f32 v9, v5  }
0xea: {  	v7 =	vmul.f32 v7, v5;
	v8 =	vmul.f32 v8, v5  }
0xeb: {  	s13 =	sadd.s32 $0xFFFFFFFD, s7;
	v4 =	vmul.f32 v4, v5;
	[tilespmem:s1+$0x90] =	vst v6;
	v6 =	vmul.f32 v11, v5  }
0xec: {  	v10 =	vmul.f32 v10, v5;
	v11 =	vmov s13;
	[tilespmem:s1+$0xB0] =	vst v7;
	v7 =	vmul.f32 v12, v5  }
0xed: {  	v11 =	vand.u32 $0xFFFFFFFC, v11;
	[tilespmem:s1+$0xC0] =	vst v8;
	v5 =	vmul.f32 v13, v5  }
0xee: {  	v8 =	vbroadcast v11, $0x0;
	[tilespmem:s1+$0xE0] =	vst v4  }
0xef: {  	[tilespmem:s1+$0x110] =	vst v5  }
0xf0: {  	v4 =	vld [tilespmem:s12+$0xFFFFFF30];
	[tilespmem:s1+$0xD0] =	vst v6  }
0xf1: {  	v5 =	vld [tilespmem:s12+$0xFFFFFF10];
	[tilespmem:s1+$0x100] =	vst v10  }
0xf2: {  	v6 =	vld [tilespmem:s12+$0xFFFFFF40];
	[tilespmem:s1+$0xA0] =	vst v9  }
0xf3: {  	v9 =	vld [tilespmem:s12+$0xFFFFFF60];
	[tilespmem:s1+$0xF0] =	vst v7;
	s1 =	smov.u32 s12  }
0xf4: {  	v7 =	vld.idx.msk [tilespmem:v8+s30+$0x0], $0xffff  }
0xf5: {  	v8 =	vld [tilespmem:s12+$0xFFFFFEE0]  }
0xf6: {  	v10 =	vld [tilespmem:s12+$0xFFFFFF00]  }
0xf7: {  	v11 =	vld [tilespmem:s12+$0xFFFFFEF0]  }
0xf8: {  	v12 =	vld [tilespmem:s12+$0xFFFFFF20]  }
0xf9: {  	v13 =	vld [tilespmem:s12+$0xFFFFFF50]  }
0xfa: {  	v9 =	vmul.f32 v9, v7;
	v8 =	vmul.f32 v8, v7  }
0xfb: {  	v6 =	vmul.f32 v6, v7;
	v10 =	vmul.f32 v10, v7  }
0xfc: {  	s13 =	sadd.s32 $0xFFFFFFFE, s7;
	v5 =	vmul.f32 v5, v7;
	[tilespmem:s12+$0xFFFFFEE0] =	vst v8;
	v8 =	vmul.f32 v11, v7  }
0xfd: {  	v4 =	vmul.f32 v4, v7;
	v11 =	vmul.f32 v12, v7;
	[tilespmem:s12+$0xFFFFFF60] =	vst v9;
	v9 =	vmov s13  }
0xfe: {  	[tilespmem:s12+$0xFFFFFF00] =	vst v10;
	v7 =	vmul.f32 v13, v7;
	v9 =	vand.u32 $0xFFFFFFFD, v9  }
0xff: {  	[tilespmem:s12+$0xFFFFFF10] =	vst v5;
	v5 =	vbroadcast v9, $0x0  }
0x100: {  	[tilespmem:s12+$0xFFFFFF30] =	vst v4  }
0x101: {  	[tilespmem:s12+$0xFFFFFF50] =	vst v7;
	v4 =	vld [tilespmem:s12+$0xFFFFFFC0]  }
0x102: {  	[tilespmem:s12+$0xFFFFFF40] =	vst v6;
	v6 =	vld [tilespmem:s12+$0xFFFFFFD0]  }
0x103: {  	[tilespmem:s12+$0xFFFFFF20] =	vst v11;
	v7 =	vld [tilespmem:s12+$0xFFFFFFA0]  }
0x104: {  	[tilespmem:s12+$0xFFFFFEF0] =	vst v8;
	v8 =	vld [tilespmem:s12+$0xFFFFFFE0]  }
0x105: {  	v5 =	vld.idx.msk [tilespmem:v5+s30+$0x0], $0xffff  }
0x106: {  	v9 =	vld [tilespmem:s12+$0xFFFFFF70]  }
0x107: {  	v10 =	vld [tilespmem:s12+$0xFFFFFF90]  }
0x108: {  	v11 =	vld [tilespmem:s12+$0xFFFFFFB0]  }
0x109: {  	v12 =	vld [tilespmem:s12+$0xFFFFFF80]  }
0x10a: {  	v13 =	vld [tilespmem:s12+$0xFFFFFFF0]  }
0x10b: {  	v8 =	vmul.f32 v8, v5;
	v9 =	vmul.f32 v9, v5  }
0x10c: {  	v7 =	vmul.f32 v7, v5;
	v10 =	vmul.f32 v10, v5  }
0x10d: {  	s13 =	sadd.s32 $0xFFFFFFFF, s7;
	v6 =	vmul.f32 v6, v5;
	[tilespmem:s12+$0xFFFFFF70] =	vst v9;
	v9 =	vmul.f32 v11, v5  }
0x10e: {  	v4 =	vmul.f32 v4, v5;
	v11 =	vmul.f32 v12, v5;
	[tilespmem:s12+$0xFFFFFFE0] =	vst v8;
	v8 =	vmov s13  }
0x10f: {  	[tilespmem:s12+$0xFFFFFF90] =	vst v10;
	v5 =	vmul.f32 v13, v5;
	v8 =	vand.u32 $0xFFFFFFFE, v8  }
0x110: {  	[tilespmem:s12+$0xFFFFFFA0] =	vst v7;
	v7 =	vbroadcast v8, $0x0  }
0x111: {  	[tilespmem:s12+$0xFFFFFFC0] =	vst v4  }
.Ltmp1:
0x112: {  	[tilespmem:s12+$0xFFFFFFF0] =	vst v5;
	(pc) =	sbr.rel @p0 .LBB2_6-.Ltmp1, $4  }
0x113: {  	[tilespmem:s12+$0xFFFFFFB0] =	vst v9  }
0x114: {  	[tilespmem:s12+$0xFFFFFFD0] =	vst v6;
	v6 =	vld [tilespmem:s12+$0x30]  }
0x115: {  	[tilespmem:s12+$0xFFFFFF80] =	vst v11;
	v5 =	vld [tilespmem:s12+$0x80]  }
0x116: {  	v4 =	vld.idx.msk [tilespmem:v7+s30+$0x0], $0xffff  }
0x117: {  	_ =	sdelay $0x2  }
0x118: {  	v7 =	vld [tilespmem:s1+$0x20]  }
0x119: {  	v8 =	vld [tilespmem:s1+$0x50];
	v2 =	vmul.f32 v2, v4  }
0x11a: {  	v10 =	vld [tilespmem:s1+$0x10];
	v6 =	vmul.f32 v6, v4  }
0x11b: {  	v9 =	vld [tilespmem:s1+$0x60];
	v3 =	vmul.f32 v3, v4;
	[tilespmem:s1+$0x0] =	vst v2  }
0x11c: {  	v5 =	vmul.f32 v5, v4;
	v2 =	vld [tilespmem:s1+$0x70];
	[tilespmem:s1+$0x30] =	vst v6  }
0x11d: {  	v7 =	vmul.f32 v7, v4;
	[tilespmem:s1+$0x40] =	vst v3  }
0x11e: {  	v50 =	vmul.f32 v8, v4;
	[tilespmem:s1+$0x80] =	vst v5  }
0x11f: {  	v51 =	vmov s7;
	v52 =	vmul.f32 v10, v4;
	[tilespmem:s1+$0x20] =	vst v7  }
0x120: {  	v3 =	vmul.f32 v9, v4;
	[tilespmem:s1+$0x50] =	vst v50  }
0x121: {  	[tilespmem:s1+$0x10] =	vst v52;
	v2 =	vmul.f32 v2, v4  }
0x122: {  	[tilespmem:s1+$0x60] =	vst v3  }
0x123: {  	v3 =	vld [tilespmem:s1+$0x90];
	[tilespmem:s1+$0x70] =	vst v2  }
0x124: {  	v2 =	vld.idx.msk [tilespmem:v51+s30+$0x0], $0xffff  }
0x125: {  	v53 =	vld [tilespmem:s1+$0xB0]  }
0x126: {  	v55 =	vld [tilespmem:s1+$0xC0]  }
0x127: {  	v54 =	vld [tilespmem:s1+$0xE0]  }
0x128: {  	v57 =	vld [tilespmem:s1+$0x110]  }
0x129: {  	v58 =	vld [tilespmem:s1+$0xD0];
	v3 =	vmul.f32 v3, v2  }
0x12a: {  	v59 =	vld [tilespmem:s1+$0x100];
	v4 =	vmul.f32 v53, v2  }
0x12b: {  	v56 =	vld [tilespmem:s1+$0xA0];
	v6 =	vmul.f32 v55, v2;
	[tilespmem:s1+$0x90] =	vst v3  }
0x12c: {  	v5 =	vmul.f32 v54, v2;
	v3 =	vld [tilespmem:s1+$0xF0];
	[tilespmem:s1+$0xB0] =	vst v4  }
0x12d: {  	v60 =	vmul.f32 v57, v2;
	[tilespmem:s1+$0xC0] =	vst v6  }
0x12e: {  	v61 =	vmul.f32 v58, v2;
	[tilespmem:s1+$0xE0] =	vst v5  }
0x12f: {  	v62 =	vmul.f32 v59, v2;
	[tilespmem:s1+$0x110] =	vst v60  }
0x130: {  	v63 =	vmul.f32 v56, v2;
	[tilespmem:s1+$0xD0] =	vst v61  }
0x131: {  	s23 =	sadd.s32 $0x1, s23;
	[tilespmem:s1+$0x100] =	vst v62;
	v2 =	vmul.f32 v3, v2  }
0x132: {  	p0 =	sne.s32 s23, $0x19;
	[tilespmem:s1+$0xA0] =	vst v63  }
.Ltmp2:
0x133: {  	[tilespmem:s1+$0xF0] =	vst v2;
	(pc) =	sbr.rel @p0 .LBB2_5-.Ltmp2, $4  }
0x134: {  	[spmem:s3] =	stream.indirect.scatter.add.f32 [tilespmem:s24], [sflag:$0x2], $0x90, s6, s28, $0xb8;
	[tilespmem:$0x1EED0] =	vst v63  }
0x135: {  	_ =	swait.ge [sflag:s21], $0x2D00  }
0x136: {  	[sflag:s21] =	ssyncset.done $0x0  }
0x137: {  	[sflag:s21] =	ssyncadd.s32 $0xFFFFD300  }
0x138: {  	s2 =	sadd.s32 $0x1, s2  }
0x139: {  	p0 =	sne.s32 s2, $0x5  }
.Ltmp3:
0x13a: {  	_ = 	snop;
	(pc) =	sbr.rel @p0 .LBB2_4-.Ltmp3, $1  }
0x13b: {  	_ =	sdelay $0x3  }
0x13c: {  	s0 =	stileid.u32;
	s31 =	sadd.s32 $0x1, s31  }
0x13d: {  	[bflag:$0x0] =	sbarrier.arrive $0xFFFF;
	s0 =	sshll.u32 s0, $0x6;
	p0 =	sne.s32 s31, s20  }
.Ltmp4:
0x13e: {  	s1 =	sshrl.u32 s10, $0x3;
	s0 =	sor.u32 $0x1C02, s0;
	(pc) =	sbr.rel @p0 .LBB2_1-.Ltmp4, $4  }
0x13f: {  	[hbm:s19], [sflag:s0] =	dma.local [spmem:s1], $0x2BF2  }
0x140: {  	_ =	swait.ge [sflag:s21], $0x2BF2  }
0x141: {  	[sflag:s21] =	ssyncset.done $0x0  }
0x142: {  	[sflag:s21] =	ssyncadd.s32 $0xFFFFD40E  }
0x143: {  	_ =	sfence.sel $0x180000  }
0x144: {  	[bflag:$0x0] =	sbarrier.arrive $0xFFFF  }
0x145: {  	_ =	strace $0x90000047  }
0x146: {  	s0 =	stileid.u32;
	[bflag:$0x2] =	sbarrier.arrive $0xFFFF  }
0x147: {  	p0 =	sne.s32 s0, $0x0;
	s0 =	rddreg [dreg:$0x3]  }
0x148: {  	s0 =	sadd.s32 @!p0 $0x100000, s0  }
0x149: {  	[sflag:s0] =	ssyncadd.tile.s32 @!p0 $0x1;
	_ =	shalt  }
.Lfunc_end2:
_tile_overlayer_lowered:
.L_overlay_start_2:
0x14a: {  	(tag) =	ssettag $0x2  }
0x14b: {  	s0 =	rddreg [dreg:$0x0];
	s2 =	stileid.u32  }
0x14c: {  	s1 =	rddreg [dreg:$0x1];
	p0 =	sne.s32 s2, $0x0  }
0x14d: {  	s3 =	rddreg [dreg:$0x2];
	[bflag:$0x3] =	sbarrier.arrive $0xFFFF;
	s2 =	simm.s32 @!p0 $0x1C02  }
0x14e: {  	[timem:s3], [sflag:s2] =	dma.local @!p0 [hbm:s0], s1  }
0x14f: {  	s0 =	simm.s32 @!p0 $0x2  }
0x150: {  	_ =	swait.ge @!p0 [sflag:s0], s1  }
0x151: {  	s1 =	ssub.s32 @!p0 $0x0, s1;
	[sflag:s0] =	ssyncset.done @!p0 $0x0  }
0x152: {  	[sflag:s0] =	ssyncadd.s32 @!p0 s1  }
0x153: {  	[bflag:$0x3] =	sbarrier.arrive $0xFFFF  }
0x154: {  	_ =	shalt  }

</sc_bundles>
